<compile_context>
chip_gen: v7x
topology: tpu7x:2x2x1
jax: 0.10.2.dev20260603
libtpu: 0.0.44.dev20260713+nightly
codegen_flags: <defaults>
</compile_context>

<pallas_src>
import functools

import jax
import jax.numpy as jnp
from jax import lax
from jax.experimental import pallas as pl
from jax.experimental.pallas import tpu as pltpu
from jax.experimental.pallas import tpu_sc as plsc

N = 10000
E = 320000
D_IN = 128
HID = 256
HALF = 128
D_OUT = 16
G = 64
T = 20
L = 6

NC = 2
NS = 16
CH = 128
NCHUNK = 160
KSTAGE = 32
NSTAGE = NCHUNK // KSTAGE
NBUF = 2
E_PAD = NS * NCHUNK * CH
N_ACC = 10112
STRIPE = N_ACC // NS
RB = 1000

_mesh = plsc.VectorSubcoreMesh(core_axis_name="c", subcore_axis_name="s")



@functools.partial(
    pl.kernel,
    out_type=jax.ShapeDtypeStruct((NC, N_ACC, HALF), jnp.float32),
    mesh=_mesh,
    scratch_types=[
        pltpu.VMEM((KSTAGE, CH), jnp.int32),
        pltpu.VMEM((CH, HALF), jnp.float32),
        pltpu.VMEM_SHARED((N_ACC, HALF), jnp.float32),
        pltpu.SemaphoreType.DMA,
    ],
)
def _deg_kernel(dst3, zblk, onesh, out, dstbuf, onesv, acc, ss):
    c = lax.axis_index("c")
    sid = lax.axis_index("s")
    row = sid * STRIPE
    pltpu.sync_copy(zblk.at[pl.ds(row, STRIPE)], acc.at[pl.ds(row, STRIPE)])
    pltpu.sync_copy(onesh, onesv)
    plsc.subcore_barrier()

    def stage(st, carry):
        pltpu.sync_copy(dst3.at[sid, pl.ds(st * KSTAGE, KSTAGE)], dstbuf)
        half = KSTAGE // NC

        def body(j, carry2):
            pltpu.async_copy(onesv, acc.at[dstbuf.at[j]], ss, add=True)
            return carry2

        r = lax.fori_loop(c * half, (c + 1) * half, body, carry)

        def drain(j, carry2):
            pltpu.make_async_copy(onesv, acc.at[dstbuf.at[0]], ss).wait()
            return carry2

        return lax.fori_loop(0, half, drain, r)

    lax.fori_loop(0, NSTAGE, stage, 0)
    plsc.subcore_barrier()
    pltpu.sync_copy(acc.at[pl.ds(row, STRIPE)], out.at[c, pl.ds(row, STRIPE)])


_PRIME = 1


@functools.partial(
    pl.kernel,
    out_type=jax.ShapeDtypeStruct((NC, N_ACC, HALF), jnp.float32),
    mesh=_mesh,
    scratch_types=[
        pltpu.VMEM((KSTAGE, CH), jnp.int32),
        pltpu.VMEM((KSTAGE, CH), jnp.int32),
        pltpu.VMEM((NBUF, CH, HALF), jnp.float32),
        pltpu.VMEM_SHARED((N_ACC, HALF), jnp.float32),
        pltpu.SemaphoreType.DMA,
        pltpu.SemaphoreType.DMA,
    ],
)
def _prop_kernel(z2, src2, dst3, zblk, out, srcbuf, dstbuf, rowbuf, acc, gs, ss):
    c = lax.axis_index("c")
    sid = lax.axis_index("s")
    row = sid * STRIPE
    pltpu.sync_copy(zblk.at[pl.ds(row, STRIPE)], acc.at[pl.ds(row, STRIPE)])
    plsc.subcore_barrier()

    def _scatter_wait():
        pltpu.make_async_copy(rowbuf.at[0], acc.at[dstbuf.at[0]], ss).wait()

    def stage(st, carry):
        pltpu.sync_copy(src2.at[c, sid, pl.ds(st * KSTAGE, KSTAGE)], srcbuf)
        pltpu.sync_copy(dst3.at[sid, pl.ds(st * KSTAGE, KSTAGE)], dstbuf)
        for p in range(_PRIME):
            pltpu.async_copy(z2.at[srcbuf.at[p]], rowbuf.at[p], gs)

        def body(jj, carry2):
            b = lax.rem(jj, NBUF)
            pltpu.make_async_copy(z2.at[srcbuf.at[jj]], rowbuf.at[b], gs).wait()
            pltpu.async_copy(rowbuf.at[b], acc.at[dstbuf.at[jj]], ss, add=True)

            @pl.when(jj >= 1)
            def _():
                _scatter_wait()

            @pl.when(jj + _PRIME < KSTAGE)
            def _():
                bn = lax.rem(jj + _PRIME, NBUF)
                pltpu.async_copy(z2.at[srcbuf.at[jj + _PRIME]], rowbuf.at[bn], gs)

            return carry2

        r = lax.fori_loop(0, KSTAGE, body, carry)
        _scatter_wait()
        return r

    lax.fori_loop(0, NSTAGE, stage, 0)
    plsc.subcore_barrier()
    pltpu.sync_copy(acc.at[pl.ds(row, STRIPE)], out.at[c, pl.ds(row, STRIPE)])



def _expm_body(a_ref, at_ref, u_ref):
    S = a_ref[0] - at_ref[0]
    ii = lax.broadcasted_iota(jnp.int32, (HID, HID), 0)
    jj = lax.broadcasted_iota(jnp.int32, (HID, HID), 1)
    eye = (ii == jj).astype(jnp.float32)
    term = eye
    acc = eye
    for t in range(1, T + 1):
        term = jnp.dot(term, S, preferred_element_type=jnp.float32) / t
        acc = acc + term
    u_ref[0] = acc


def _expm_call(As, Ast):
    return pl.pallas_call(
        _expm_body,
        grid=(L,),
        in_specs=[
            pl.BlockSpec((1, HID, HID), lambda i: (i, 0, 0)),
            pl.BlockSpec((1, HID, HID), lambda i: (i, 0, 0)),
        ],
        out_specs=pl.BlockSpec((1, HID, HID), lambda i: (i, 0, 0)),
        out_shape=jax.ShapeDtypeStruct((L, HID, HID), jnp.float32),
    )(As, Ast)


def _lift_body(x_ref, w_ref, b_ref, d_ref, z_ref, dinv_ref):
    deg = d_ref[0] + d_ref[1]
    dinv = lax.rsqrt(jnp.clip(deg, 1.0, None))
    y = jnp.dot(x_ref[...], w_ref[...], preferred_element_type=jnp.float32)
    z = dinv * (y + b_ref[...])
    z_ref[0] = z[:, :HALF]
    z_ref[1] = z[:, HALF:]
    dinv_ref[...] = dinv


def _lift_call(x, W0, b0r, deg8):
    return pl.pallas_call(
        _lift_body,
        grid=(N // RB,),
        in_specs=[
            pl.BlockSpec((RB, D_IN), lambda i: (i, 0)),
            pl.BlockSpec((D_IN, HID), lambda i: (0, 0)),
            pl.BlockSpec((1, HID), lambda i: (0, 0)),
            pl.BlockSpec((NC, RB, 1), lambda i: (0, i, 0)),
        ],
        out_specs=[
            pl.BlockSpec((NC, RB, HALF), lambda i: (0, i, 0)),
            pl.BlockSpec((RB, 1), lambda i: (i, 0)),
        ],
        out_shape=[
            jax.ShapeDtypeStruct((NC, N, HALF), jnp.float32),
            jax.ShapeDtypeStruct((N, 1), jnp.float32),
        ],
    )(x, W0, b0r, deg8)


def _layer_body(s_ref, dinv_ref, u_ref, z_ref):
    dinv = dinv_ref[...]
    h = jnp.concatenate([s_ref[0], s_ref[1]], axis=1)
    h = jnp.maximum(dinv * h, 0.0)
    z = dinv * jnp.dot(h, u_ref[...], preferred_element_type=jnp.float32)
    z_ref[0] = z[:, :HALF]
    z_ref[1] = z[:, HALF:]


def _layer_call(s, dinv, U):
    return pl.pallas_call(
        _layer_body,
        grid=(N // RB,),
        in_specs=[
            pl.BlockSpec((NC, RB, HALF), lambda i: (0, i, 0)),
            pl.BlockSpec((RB, 1), lambda i: (i, 0)),
            pl.BlockSpec((HID, HID), lambda i: (0, 0)),
        ],
        out_specs=pl.BlockSpec((NC, RB, HALF), lambda i: (0, i, 0)),
        out_shape=jax.ShapeDtypeStruct((NC, N, HALF), jnp.float32),
    )(s, dinv, U)


def _pool_body(s_ref, dinv_ref, b_ref, ps_ref, cnt_ref):
    i = pl.program_id(0)

    @pl.when(i == 0)
    def _():
        ps_ref[...] = jnp.zeros_like(ps_ref)
        cnt_ref[...] = jnp.zeros_like(cnt_ref)

    h = jnp.concatenate([s_ref[0], s_ref[1]], axis=1)
    h = jnp.maximum(dinv_ref[...] * h, 0.0)
    gids = lax.broadcasted_iota(jnp.int32, (1, G), 1)
    onehot = (b_ref[...] == gids).astype(jnp.float32)
    ps_ref[...] += lax.dot_general(
        onehot, h, (((0,), (0,)), ((), ())), preferred_element_type=jnp.float32)
    ones = jnp.ones((RB, 1), jnp.float32)
    cnt_ref[...] += lax.dot_general(
        onehot, ones, (((0,), (0,)), ((), ())), preferred_element_type=jnp.float32)


def _pool_call(s, dinv, batch2):
    return pl.pallas_call(
        _pool_body,
        grid=(N // RB,),
        in_specs=[
            pl.BlockSpec((NC, RB, HALF), lambda i: (0, i, 0)),
            pl.BlockSpec((RB, 1), lambda i: (i, 0)),
            pl.BlockSpec((RB, 1), lambda i: (i, 0)),
        ],
        out_specs=[
            pl.BlockSpec((G, HID), lambda i: (0, 0)),
            pl.BlockSpec((G, 1), lambda i: (0, 0)),
        ],
        out_shape=[
            jax.ShapeDtypeStruct((G, HID), jnp.float32),
            jax.ShapeDtypeStruct((G, 1), jnp.float32),
        ],
    )(s, dinv, batch2)


def _head_body(ps_ref, cnt_ref, wh_ref, bh_ref, wo_ref, bo_ref, o_ref):
    pooled = ps_ref[...] / jnp.clip(cnt_ref[...], 1.0, None)
    hid = jnp.dot(pooled, wh_ref[...], preferred_element_type=jnp.float32)
    hid = jnp.maximum(hid + bh_ref[...], 0.0)
    o_ref[...] = jnp.dot(hid, wo_ref[...],
                         preferred_element_type=jnp.float32) + bo_ref[...]


def _head_call(ps, cnt, Wh, bhr, Wo, bor):
    return pl.pallas_call(
        _head_body,
        out_shape=jax.ShapeDtypeStruct((G, D_OUT), jnp.float32),
    )(ps, cnt, Wh, bhr, Wo, bor)



def kernel(x, edge_index, batch, W0, b0, As, Wh, bh, Wo, bo):
    src = edge_index[0]
    dst = edge_index[1]
    pad = E_PAD - E
    srcp = jnp.pad(src, (0, pad))
    dstp = jnp.pad(dst, (0, pad), constant_values=N)
    src2 = jnp.stack([srcp, srcp + N]).reshape(NC, NS, NCHUNK, CH)
    dst3 = dstp.reshape(NS, NCHUNK, CH)
    zblk = jnp.zeros((N_ACC, HALF), jnp.float32)
    onesh = jnp.ones((CH, HALF), jnp.float32)

    deg2 = _deg_kernel(dst3, zblk, onesh)
    Us = _expm_call(As, jnp.transpose(As, (0, 2, 1)))
    z, dinv = _lift_call(x, W0, b0.reshape(1, HID), deg2[:, :, :1])
    for i in range(L):
        s = _prop_kernel(z.reshape(NC * N, HALF), src2, dst3, zblk)
        z = _layer_call(s, dinv, Us[i])
    s = _prop_kernel(z.reshape(NC * N, HALF), src2, dst3, zblk)
    ps, cnt = _pool_call(s, dinv, batch.reshape(N, 1).astype(jnp.int32))
    return _head_call(ps, cnt, Wh, bh.reshape(1, HID), Wo, bo.reshape(1, D_OUT))

# --- scband reference (transcript-rebuilt; emitter-appended) ---
"""Pipeline reference for scband-unitary-gcn-42245298323962 (READ-ONLY COPY).

The authoritative reference and input builder live on the scoring server;
editing this copy changes nothing except your own understanding.
"""

import jax, jax.numpy as jnp
import numpy as np

N = 10000
E = 320000
D_IN = 128
HID = 256
D_OUT = 16
G = 64
T = 20
L = 6

def setup_inputs(seed: int = 0):
    key = jax.random.key(seed)
    ks = jax.random.split(key, 12)
    x = jax.random.normal(ks[0], (N, D_IN), dtype=jnp.float32)
    edge_index = jax.random.randint(ks[1], (2, E), 0, N, dtype=jnp.int32)
    batch = jnp.sort(jax.random.randint(ks[2], (N,), 0, G, dtype=jnp.int32))
    W0 = jax.random.normal(ks[3], (D_IN, HID), dtype=jnp.float32) / np.sqrt(D_IN)
    b0 = jnp.zeros((HID,), dtype=jnp.float32)
    As = jax.random.normal(ks[4], (L, HID, HID), dtype=jnp.float32) * 0.05
    Wh = jax.random.normal(ks[5], (HID, HID), dtype=jnp.float32) / np.sqrt(HID)
    bh = jnp.zeros((HID,), dtype=jnp.float32)
    Wo = jax.random.normal(ks[6], (HID, D_OUT), dtype=jnp.float32) / np.sqrt(HID)
    bo = jnp.zeros((D_OUT,), dtype=jnp.float32)
    return {"x": x, "edge_index": edge_index, "batch": batch, "W0": W0, "b0": b0, "As": As, "Wh": Wh, "bh": bh, "Wo": Wo, "bo": bo}

def _taylor_expm(S, T_steps=T):
    # Taylor-series approximation of matrix exponential (T terms), as used by
    # unitary/orthogonal GCN layers: exp of a skew-symmetric generator.
    U = jnp.eye(S.shape[0], dtype=S.dtype)
    term = U
    for t in range(1, T_steps + 1):
        term = (term @ S) / t
        U = U + term
    return U

def reference(x, edge_index, batch, W0, b0, As, Wh, bh, Wo, bo):
    src = edge_index[0]
    dst = edge_index[1]
    deg = jax.ops.segment_sum(jnp.ones((E,), dtype=jnp.float32), dst, num_segments=N)
    dinv = jax.lax.rsqrt(jnp.clip(deg, 1.0, None))

    def prop(h):
        # symmetric-normalized message passing: gather on src, scatter-add on dst
        msgs = h[src] * (dinv[src] * dinv[dst])[:, None]
        return jax.ops.segment_sum(msgs, dst, num_segments=N)

    # input layer: plain linear lift + propagate
    h = jax.nn.relu(prop(x @ W0 + b0))
    # 6 unitary (orthogonal) conv layers: h @ exp(A - A^T), then propagate
    for i in range(L):
        S = As[i] - As[i].T
        U = _taylor_expm(S)
        h = jax.nn.relu(prop(h @ U))
    # global mean pool over graph batch assignment
    counts = jax.ops.segment_sum(jnp.ones((N,), dtype=jnp.float32), batch, num_segments=G)
    pooled = jax.ops.segment_sum(h, batch, num_segments=G) / jnp.clip(counts, 1.0, None)[:, None]
    hid = jax.nn.relu(pooled @ Wh + bh)
    out = hid @ Wo + bo
    return jnp.squeeze(out)

if __name__ == "__main__":
    import jax
    _d = setup_inputs()
    print(jax.jit(kernel)(*tuple(_d.values())))

</pallas_src>

<mosaic_0001>
#map = affine_map<(d0, d1) -> (0, 0, 0)>
#map1 = affine_map<(d0, d1) -> (0, 0)>
module attributes {stable_mosaic.version = 14 : i64} {
  func.func @_deg_kernel(%arg0: i32, %arg1: i32, %arg2: memref<16x160x128xi32, #tpu.memory_space<hbm>>, %arg3: memref<10112x128xf32, #tpu.memory_space<hbm>>, %arg4: memref<128x128xf32, #tpu.memory_space<hbm>>, %arg5: memref<2x10112x128xf32, #tpu.memory_space<hbm>>, %arg6: memref<32x128xi32, #tpu.memory_space<vmem>>, %arg7: memref<128x128xf32, #tpu.memory_space<vmem>>, %arg8: memref<10112x128xf32, #tpu.memory_space<vmem_shared>>, %arg9: memref<!tpu.dma_semaphore, #tpu.memory_space<semaphore_mem>>) attributes {dimension_semantics = [#tpu.dimension_semantics<core_parallel>, #tpu.dimension_semantics<subcore_parallel>], iteration_bounds = array<i64: 2, 16>, scalar_prefetch = 0 : i64, scratch_operands = 4 : i64, tpu.core_type = #tpu.core_type<sc_vector_subcore>, window_params = [{transform_indices = #map}, {transform_indices = #map1}, {transform_indices = #map1}, {transform_indices = #map}]} {
    %mul3A = arith.constant 632 : i32
    %mul3A_0 = arith.muli %arg1, %mul3A : i32
    "tpu.region"() ({
      %run_scoped3A = tpu.sem_alloc : memref<!tpu.dma_semaphore, #tpu.memory_space<semaphore_mem>>
      %dma_start3A = arith.constant 0 : i32
      %dma_start3A_7 = tpu.memref_slice %arg8[%mul3A_0, %dma_start3A] : memref<10112x128xf32, #tpu.memory_space<vmem_shared>> -> memref<632x128xf32, #tpu.memory_space<vmem_shared>>
      %dma_start3A_8 = arith.constant 0 : i32
      %dma_start3A_9 = tpu.memref_slice %arg3[%mul3A_0, %dma_start3A_8] : memref<10112x128xf32, #tpu.memory_space<hbm>> -> memref<632x128xf32, #tpu.memory_space<hbm>>
      tpu.enqueue_dma source(%dma_start3A_9 : memref<632x128xf32, #tpu.memory_space<hbm>>) target(%dma_start3A_7 : memref<632x128xf32, #tpu.memory_space<vmem_shared>>) target_semaphore(%run_scoped3A : memref<!tpu.dma_semaphore, #tpu.memory_space<semaphore_mem>>)
      %dma_wait3A = arith.constant 0 : i32
      %dma_wait3A_10 = tpu.memref_slice %arg8[%mul3A_0, %dma_wait3A] : memref<10112x128xf32, #tpu.memory_space<vmem_shared>> -> memref<632x128xf32, #tpu.memory_space<vmem_shared>>
      %dma_wait3A_11 = arith.constant 0 : i32
      %dma_wait3A_12 = tpu.memref_slice %arg3[%mul3A_0, %dma_wait3A_11] : memref<10112x128xf32, #tpu.memory_space<hbm>> -> memref<632x128xf32, #tpu.memory_space<hbm>>
      tpu.wait_dma2 semaphore(%run_scoped3A : memref<!tpu.dma_semaphore, #tpu.memory_space<semaphore_mem>>) src(%dma_wait3A_12 : memref<632x128xf32, #tpu.memory_space<hbm>>) dst(%dma_wait3A_10 : memref<632x128xf32, #tpu.memory_space<vmem_shared>>)
      tpu.yield
    }) : () -> ()
    "tpu.region"() ({
      %run_scoped3A = tpu.sem_alloc : memref<!tpu.dma_semaphore, #tpu.memory_space<semaphore_mem>>
      tpu.enqueue_dma source(%arg4 : memref<128x128xf32, #tpu.memory_space<hbm>>) target(%arg7 : memref<128x128xf32, #tpu.memory_space<vmem>>) target_semaphore(%run_scoped3A : memref<!tpu.dma_semaphore, #tpu.memory_space<semaphore_mem>>)
      tpu.wait_dma2 semaphore(%run_scoped3A : memref<!tpu.dma_semaphore, #tpu.memory_space<semaphore_mem>>) src(%arg4 : memref<128x128xf32, #tpu.memory_space<hbm>>) dst(%arg7 : memref<128x128xf32, #tpu.memory_space<vmem>>)
      tpu.yield
    }) : () -> ()
    %barrier3A = arith.constant 0 : index
    tpu.barrier barrier_id(%barrier3A)
    %scan3A = arith.constant 0 : i32
    %scan3A_1 = arith.constant 0 : i32
    %scan3A_2 = arith.constant 5 : i32
    %scan3A_3 = arith.addi %scan3A_1, %scan3A_2 : i32
    %scan3A_4 = arith.constant 1 : i32
    scf.for %scan3A_7 = %scan3A_1 to %scan3A_3 step %scan3A_4  : i32 {
      %mul3A_8 = arith.constant 32 : i32
      %mul3A_9 = arith.muli %scan3A_7, %mul3A_8 : i32
      "tpu.region"() ({
        %run_scoped3A = tpu.sem_alloc : memref<!tpu.dma_semaphore, #tpu.memory_space<semaphore_mem>>
        %dma_start3A = arith.constant 0 : i32
        %dma_start3A_27 = tpu.memref_slice %arg2[%arg1, %mul3A_9, %dma_start3A] : memref<16x160x128xi32, #tpu.memory_space<hbm>> -> memref<1x32x128xi32, #tpu.memory_space<hbm>>
        %dma_start3A_28 = tpu.memref_squeeze %dma_start3A_27 : memref<1x32x128xi32, #tpu.memory_space<hbm>> -> memref<32x128xi32, #tpu.memory_space<hbm>>
        %dma_start3A_29 = arith.constant 0 : i32
        %dma_start3A_30 = tpu.memref_slice %arg2[%arg1, %mul3A_9, %dma_start3A_29] : memref<16x160x128xi32, #tpu.memory_space<hbm>> -> memref<1x32x128xi32, #tpu.memory_space<hbm>>
        %dma_start3A_31 = tpu.memref_squeeze %dma_start3A_30 : memref<1x32x128xi32, #tpu.memory_space<hbm>> -> memref<32x128xi32, #tpu.memory_space<hbm>>
        tpu.enqueue_dma source(%dma_start3A_31 : memref<32x128xi32, #tpu.memory_space<hbm>>) target(%arg6 : memref<32x128xi32, #tpu.memory_space<vmem>>) target_semaphore(%run_scoped3A : memref<!tpu.dma_semaphore, #tpu.memory_space<semaphore_mem>>)
        %dma_wait3A = arith.constant 0 : i32
        %dma_wait3A_32 = tpu.memref_slice %arg2[%arg1, %mul3A_9, %dma_wait3A] : memref<16x160x128xi32, #tpu.memory_space<hbm>> -> memref<1x32x128xi32, #tpu.memory_space<hbm>>
        %dma_wait3A_33 = tpu.memref_squeeze %dma_wait3A_32 : memref<1x32x128xi32, #tpu.memory_space<hbm>> -> memref<32x128xi32, #tpu.memory_space<hbm>>
        %dma_wait3A_34 = arith.constant 0 : i32
        %dma_wait3A_35 = tpu.memref_slice %arg2[%arg1, %mul3A_9, %dma_wait3A_34] : memref<16x160x128xi32, #tpu.memory_space<hbm>> -> memref<1x32x128xi32, #tpu.memory_space<hbm>>
        %dma_wait3A_36 = tpu.memref_squeeze %dma_wait3A_35 : memref<1x32x128xi32, #tpu.memory_space<hbm>> -> memref<32x128xi32, #tpu.memory_space<hbm>>
        tpu.wait_dma2 semaphore(%run_scoped3A : memref<!tpu.dma_semaphore, #tpu.memory_space<semaphore_mem>>) src(%dma_wait3A_36 : memref<32x128xi32, #tpu.memory_space<hbm>>) dst(%arg6 : memref<32x128xi32, #tpu.memory_space<vmem>>)
        tpu.yield
      }) : () -> ()
      %mul3A_10 = arith.constant 16 : i32
      %mul3A_11 = arith.muli %arg0, %mul3A_10 : i32
      %add3A = arith.constant 1 : i32
      %add3A_12 = arith.addi %arg0, %add3A : i32
      %mul3A_13 = arith.constant 16 : i32
      %mul3A_14 = arith.muli %add3A_12, %mul3A_13 : i32
      %while3A = arith.subi %mul3A_14, %mul3A_11 : i32
      %while3A_15 = arith.addi %mul3A_11, %while3A : i32
      %while3A_16 = arith.constant 1 : i32
      %while3A_17 = arith.divsi %while3A, %while3A_16 : i32
      %while3A_18 = arith.muli %while3A_17, %while3A_16 : i32
      %while3A_19 = arith.addi %mul3A_11, %while3A_18 : i32
      %while3A_20 = arith.constant 1 : i32
      scf.for %while3A_27 = %mul3A_11 to %while3A_19 step %while3A_20  : i32 {
        %dma_start3A = arith.constant 0 : i32
        %dma_start3A_28 = tpu.memref_slice %arg6[%while3A_27, %dma_start3A] : memref<32x128xi32, #tpu.memory_space<vmem>> -> memref<1x128xi32, #tpu.memory_space<vmem>>
        %dma_start3A_29 = tpu.memref_squeeze %dma_start3A_28 : memref<1x128xi32, #tpu.memory_space<vmem>> -> memref<128xi32, #tpu.memory_space<vmem>>
        %dma_start3A_30 = arith.constant 0 : i32
        %dma_start3A_31 = arith.constant 0 : i32
        %dma_start3A_32 = tpu.memref_slice %arg8[%dma_start3A_30, %dma_start3A_31] : memref<10112x128xf32, #tpu.memory_space<vmem_shared>> -> memref<10112x128xf32, #tpu.memory_space<vmem_shared>>
        tpu.enqueue_indirect_dma source(%arg7 : memref<128x128xf32, #tpu.memory_space<vmem>>) target(%dma_start3A_32 : memref<10112x128xf32, #tpu.memory_space<vmem_shared>>) offsets(%dma_start3A_29 : memref<128xi32, #tpu.memory_space<vmem>>) semaphore(%arg9 : memref<!tpu.dma_semaphore, #tpu.memory_space<semaphore_mem>>) {add = true}
      }
      %while3A_21 = arith.constant 1 : i32
      scf.for %while3A_27 = %while3A_19 to %while3A_15 step %while3A_21  : i32 {
        %dma_start3A = arith.constant 0 : i32
        %dma_start3A_28 = tpu.memref_slice %arg6[%while3A_27, %dma_start3A] : memref<32x128xi32, #tpu.memory_space<vmem>> -> memref<1x128xi32, #tpu.memory_space<vmem>>
        %dma_start3A_29 = tpu.memref_squeeze %dma_start3A_28 : memref<1x128xi32, #tpu.memory_space<vmem>> -> memref<128xi32, #tpu.memory_space<vmem>>
        %dma_start3A_30 = arith.constant 0 : i32
        %dma_start3A_31 = arith.constant 0 : i32
        %dma_start3A_32 = tpu.memref_slice %arg8[%dma_start3A_30, %dma_start3A_31] : memref<10112x128xf32, #tpu.memory_space<vmem_shared>> -> memref<10112x128xf32, #tpu.memory_space<vmem_shared>>
        tpu.enqueue_indirect_dma source(%arg7 : memref<128x128xf32, #tpu.memory_space<vmem>>) target(%dma_start3A_32 : memref<10112x128xf32, #tpu.memory_space<vmem_shared>>) offsets(%dma_start3A_29 : memref<128xi32, #tpu.memory_space<vmem>>) semaphore(%arg9 : memref<!tpu.dma_semaphore, #tpu.memory_space<semaphore_mem>>) {add = true}
      }
      %scan3A_22 = arith.constant 0 : i32
      %scan3A_23 = arith.constant 16 : i32
      %scan3A_24 = arith.addi %scan3A_22, %scan3A_23 : i32
      %scan3A_25 = arith.constant 1 : i32
      scf.for %scan3A_27 = %scan3A_22 to %scan3A_24 step %scan3A_25  : i32 {
        %dma_wait3A = arith.constant 0 : i32
        %dma_wait3A_28 = arith.constant 0 : i32
        %dma_wait3A_29 = tpu.memref_slice %arg6[%dma_wait3A, %dma_wait3A_28] : memref<32x128xi32, #tpu.memory_space<vmem>> -> memref<1x128xi32, #tpu.memory_space<vmem>>
        %dma_wait3A_30 = tpu.memref_squeeze %dma_wait3A_29 : memref<1x128xi32, #tpu.memory_space<vmem>> -> memref<128xi32, #tpu.memory_space<vmem>>
        %dma_wait3A_31 = arith.constant 0 : i32
        %dma_wait3A_32 = arith.constant 0 : i32
        %dma_wait3A_33 = tpu.memref_slice %arg8[%dma_wait3A_31, %dma_wait3A_32] : memref<10112x128xf32, #tpu.memory_space<vmem_shared>> -> memref<10112x128xf32, #tpu.memory_space<vmem_shared>>
        tpu.wait_indirect_dma semaphore(%arg9 : memref<!tpu.dma_semaphore, #tpu.memory_space<semaphore_mem>>) src(%arg7 : memref<128x128xf32, #tpu.memory_space<vmem>>) dst(%dma_wait3A_33 : memref<10112x128xf32, #tpu.memory_space<vmem_shared>>)
      }
      %scan3A_26 = arith.constant 16 : i32
    }
    %scan3A_5 = arith.constant 5 : i32
    %barrier3A_6 = arith.constant 0 : index
    tpu.barrier barrier_id(%barrier3A_6)
    "tpu.region"() ({
      %run_scoped3A = tpu.sem_alloc : memref<!tpu.dma_semaphore, #tpu.memory_space<semaphore_mem>>
      %dma_start3A = arith.constant 0 : i32
      %dma_start3A_7 = tpu.memref_slice %arg5[%arg0, %mul3A_0, %dma_start3A] : memref<2x10112x128xf32, #tpu.memory_space<hbm>> -> memref<1x632x128xf32, #tpu.memory_space<hbm>>
      %dma_start3A_8 = tpu.memref_squeeze %dma_start3A_7 : memref<1x632x128xf32, #tpu.memory_space<hbm>> -> memref<632x128xf32, #tpu.memory_space<hbm>>
      %dma_start3A_9 = arith.constant 0 : i32
      %dma_start3A_10 = tpu.memref_slice %arg8[%mul3A_0, %dma_start3A_9] : memref<10112x128xf32, #tpu.memory_space<vmem_shared>> -> memref<632x128xf32, #tpu.memory_space<vmem_shared>>
      tpu.enqueue_dma source(%dma_start3A_10 : memref<632x128xf32, #tpu.memory_space<vmem_shared>>) target(%dma_start3A_8 : memref<632x128xf32, #tpu.memory_space<hbm>>) target_semaphore(%run_scoped3A : memref<!tpu.dma_semaphore, #tpu.memory_space<semaphore_mem>>)
      %dma_wait3A = arith.constant 0 : i32
      %dma_wait3A_11 = tpu.memref_slice %arg5[%arg0, %mul3A_0, %dma_wait3A] : memref<2x10112x128xf32, #tpu.memory_space<hbm>> -> memref<1x632x128xf32, #tpu.memory_space<hbm>>
      %dma_wait3A_12 = tpu.memref_squeeze %dma_wait3A_11 : memref<1x632x128xf32, #tpu.memory_space<hbm>> -> memref<632x128xf32, #tpu.memory_space<hbm>>
      %dma_wait3A_13 = arith.constant 0 : i32
      %dma_wait3A_14 = tpu.memref_slice %arg8[%mul3A_0, %dma_wait3A_13] : memref<10112x128xf32, #tpu.memory_space<vmem_shared>> -> memref<632x128xf32, #tpu.memory_space<vmem_shared>>
      tpu.wait_dma2 semaphore(%run_scoped3A : memref<!tpu.dma_semaphore, #tpu.memory_space<semaphore_mem>>) src(%dma_wait3A_14 : memref<632x128xf32, #tpu.memory_space<vmem_shared>>) dst(%dma_wait3A_12 : memref<632x128xf32, #tpu.memory_space<hbm>>)
      tpu.yield
    }) : () -> ()
    return
  }
}

#map = affine_map<(d0, d1) -> (0, 0)>
#map1 = affine_map<(d0, d1) -> (0, 0, 0, 0)>
#map2 = affine_map<(d0, d1) -> (0, 0, 0)>
module attributes {stable_mosaic.version = 14 : i64} {
  func.func @_prop_kernel(%arg0: i32, %arg1: i32, %arg2: memref<20000x128xf32, #tpu.memory_space<hbm>>, %arg3: memref<2x16x160x128xi32, #tpu.memory_space<hbm>>, %arg4: memref<16x160x128xi32, #tpu.memory_space<hbm>>, %arg5: memref<10112x128xf32, #tpu.memory_space<hbm>>, %arg6: memref<2x10112x128xf32, #tpu.memory_space<hbm>>, %arg7: memref<32x128xi32, #tpu.memory_space<vmem>>, %arg8: memref<32x128xi32, #tpu.memory_space<vmem>>, %arg9: memref<2x128x128xf32, #tpu.memory_space<vmem>>, %arg10: memref<10112x128xf32, #tpu.memory_space<vmem_shared>>, %arg11: memref<!tpu.dma_semaphore, #tpu.memory_space<semaphore_mem>>, %arg12: memref<!tpu.dma_semaphore, #tpu.memory_space<semaphore_mem>>) attributes {dimension_semantics = [#tpu.dimension_semantics<core_parallel>, #tpu.dimension_semantics<subcore_parallel>], iteration_bounds = array<i64: 2, 16>, scalar_prefetch = 0 : i64, scratch_operands = 6 : i64, tpu.core_type = #tpu.core_type<sc_vector_subcore>, window_params = [{transform_indices = #map}, {transform_indices = #map1}, {transform_indices = #map2}, {transform_indices = #map}, {transform_indices = #map2}]} {
    %mul3A = arith.constant 632 : i32
    %mul3A_0 = arith.muli %arg1, %mul3A : i32
    "tpu.region"() ({
      %run_scoped3A = tpu.sem_alloc : memref<!tpu.dma_semaphore, #tpu.memory_space<semaphore_mem>>
      %dma_start3A = arith.constant 0 : i32
      %dma_start3A_7 = tpu.memref_slice %arg10[%mul3A_0, %dma_start3A] : memref<10112x128xf32, #tpu.memory_space<vmem_shared>> -> memref<632x128xf32, #tpu.memory_space<vmem_shared>>
      %dma_start3A_8 = arith.constant 0 : i32
      %dma_start3A_9 = tpu.memref_slice %arg5[%mul3A_0, %dma_start3A_8] : memref<10112x128xf32, #tpu.memory_space<hbm>> -> memref<632x128xf32, #tpu.memory_space<hbm>>
      tpu.enqueue_dma source(%dma_start3A_9 : memref<632x128xf32, #tpu.memory_space<hbm>>) target(%dma_start3A_7 : memref<632x128xf32, #tpu.memory_space<vmem_shared>>) target_semaphore(%run_scoped3A : memref<!tpu.dma_semaphore, #tpu.memory_space<semaphore_mem>>)
      %dma_wait3A = arith.constant 0 : i32
      %dma_wait3A_10 = tpu.memref_slice %arg10[%mul3A_0, %dma_wait3A] : memref<10112x128xf32, #tpu.memory_space<vmem_shared>> -> memref<632x128xf32, #tpu.memory_space<vmem_shared>>
      %dma_wait3A_11 = arith.constant 0 : i32
      %dma_wait3A_12 = tpu.memref_slice %arg5[%mul3A_0, %dma_wait3A_11] : memref<10112x128xf32, #tpu.memory_space<hbm>> -> memref<632x128xf32, #tpu.memory_space<hbm>>
      tpu.wait_dma2 semaphore(%run_scoped3A : memref<!tpu.dma_semaphore, #tpu.memory_space<semaphore_mem>>) src(%dma_wait3A_12 : memref<632x128xf32, #tpu.memory_space<hbm>>) dst(%dma_wait3A_10 : memref<632x128xf32, #tpu.memory_space<vmem_shared>>)
      tpu.yield
    }) : () -> ()
    %barrier3A = arith.constant 0 : index
    tpu.barrier barrier_id(%barrier3A)
    %scan3A = arith.constant 0 : i32
    %scan3A_1 = arith.constant 0 : i32
    %scan3A_2 = arith.constant 5 : i32
    %scan3A_3 = arith.addi %scan3A_1, %scan3A_2 : i32
    %scan3A_4 = arith.constant 1 : i32
    scf.for %scan3A_7 = %scan3A_1 to %scan3A_3 step %scan3A_4  : i32 {
      %mul3A_8 = arith.constant 32 : i32
      %mul3A_9 = arith.muli %scan3A_7, %mul3A_8 : i32
      "tpu.region"() ({
        %run_scoped3A = tpu.sem_alloc : memref<!tpu.dma_semaphore, #tpu.memory_space<semaphore_mem>>
        %dma_start3A_39 = arith.constant 0 : i32
        %dma_start3A_40 = tpu.memref_slice %arg3[%arg0, %arg1, %mul3A_9, %dma_start3A_39] : memref<2x16x160x128xi32, #tpu.memory_space<hbm>> -> memref<1x1x32x128xi32, #tpu.memory_space<hbm>>
        %dma_start3A_41 = tpu.memref_squeeze %dma_start3A_40 : memref<1x1x32x128xi32, #tpu.memory_space<hbm>> -> memref<32x128xi32, #tpu.memory_space<hbm>>
        %dma_start3A_42 = arith.constant 0 : i32
        %dma_start3A_43 = tpu.memref_slice %arg3[%arg0, %arg1, %mul3A_9, %dma_start3A_42] : memref<2x16x160x128xi32, #tpu.memory_space<hbm>> -> memref<1x1x32x128xi32, #tpu.memory_space<hbm>>
        %dma_start3A_44 = tpu.memref_squeeze %dma_start3A_43 : memref<1x1x32x128xi32, #tpu.memory_space<hbm>> -> memref<32x128xi32, #tpu.memory_space<hbm>>
        tpu.enqueue_dma source(%dma_start3A_44 : memref<32x128xi32, #tpu.memory_space<hbm>>) target(%arg7 : memref<32x128xi32, #tpu.memory_space<vmem>>) target_semaphore(%run_scoped3A : memref<!tpu.dma_semaphore, #tpu.memory_space<semaphore_mem>>)
        %dma_wait3A_45 = arith.constant 0 : i32
        %dma_wait3A_46 = tpu.memref_slice %arg3[%arg0, %arg1, %mul3A_9, %dma_wait3A_45] : memref<2x16x160x128xi32, #tpu.memory_space<hbm>> -> memref<1x1x32x128xi32, #tpu.memory_space<hbm>>
        %dma_wait3A_47 = tpu.memref_squeeze %dma_wait3A_46 : memref<1x1x32x128xi32, #tpu.memory_space<hbm>> -> memref<32x128xi32, #tpu.memory_space<hbm>>
        %dma_wait3A_48 = arith.constant 0 : i32
        %dma_wait3A_49 = tpu.memref_slice %arg3[%arg0, %arg1, %mul3A_9, %dma_wait3A_48] : memref<2x16x160x128xi32, #tpu.memory_space<hbm>> -> memref<1x1x32x128xi32, #tpu.memory_space<hbm>>
        %dma_wait3A_50 = tpu.memref_squeeze %dma_wait3A_49 : memref<1x1x32x128xi32, #tpu.memory_space<hbm>> -> memref<32x128xi32, #tpu.memory_space<hbm>>
        tpu.wait_dma2 semaphore(%run_scoped3A : memref<!tpu.dma_semaphore, #tpu.memory_space<semaphore_mem>>) src(%dma_wait3A_50 : memref<32x128xi32, #tpu.memory_space<hbm>>) dst(%arg7 : memref<32x128xi32, #tpu.memory_space<vmem>>)
        tpu.yield
      }) : () -> ()
      %mul3A_10 = arith.constant 32 : i32
      %mul3A_11 = arith.muli %scan3A_7, %mul3A_10 : i32
      "tpu.region"() ({
        %run_scoped3A = tpu.sem_alloc : memref<!tpu.dma_semaphore, #tpu.memory_space<semaphore_mem>>
        %dma_start3A_39 = arith.constant 0 : i32
        %dma_start3A_40 = tpu.memref_slice %arg4[%arg1, %mul3A_11, %dma_start3A_39] : memref<16x160x128xi32, #tpu.memory_space<hbm>> -> memref<1x32x128xi32, #tpu.memory_space<hbm>>
        %dma_start3A_41 = tpu.memref_squeeze %dma_start3A_40 : memref<1x32x128xi32, #tpu.memory_space<hbm>> -> memref<32x128xi32, #tpu.memory_space<hbm>>
        %dma_start3A_42 = arith.constant 0 : i32
        %dma_start3A_43 = tpu.memref_slice %arg4[%arg1, %mul3A_11, %dma_start3A_42] : memref<16x160x128xi32, #tpu.memory_space<hbm>> -> memref<1x32x128xi32, #tpu.memory_space<hbm>>
        %dma_start3A_44 = tpu.memref_squeeze %dma_start3A_43 : memref<1x32x128xi32, #tpu.memory_space<hbm>> -> memref<32x128xi32, #tpu.memory_space<hbm>>
        tpu.enqueue_dma source(%dma_start3A_44 : memref<32x128xi32, #tpu.memory_space<hbm>>) target(%arg8 : memref<32x128xi32, #tpu.memory_space<vmem>>) target_semaphore(%run_scoped3A : memref<!tpu.dma_semaphore, #tpu.memory_space<semaphore_mem>>)
        %dma_wait3A_45 = arith.constant 0 : i32
        %dma_wait3A_46 = tpu.memref_slice %arg4[%arg1, %mul3A_11, %dma_wait3A_45] : memref<16x160x128xi32, #tpu.memory_space<hbm>> -> memref<1x32x128xi32, #tpu.memory_space<hbm>>
        %dma_wait3A_47 = tpu.memref_squeeze %dma_wait3A_46 : memref<1x32x128xi32, #tpu.memory_space<hbm>> -> memref<32x128xi32, #tpu.memory_space<hbm>>
        %dma_wait3A_48 = arith.constant 0 : i32
        %dma_wait3A_49 = tpu.memref_slice %arg4[%arg1, %mul3A_11, %dma_wait3A_48] : memref<16x160x128xi32, #tpu.memory_space<hbm>> -> memref<1x32x128xi32, #tpu.memory_space<hbm>>
        %dma_wait3A_50 = tpu.memref_squeeze %dma_wait3A_49 : memref<1x32x128xi32, #tpu.memory_space<hbm>> -> memref<32x128xi32, #tpu.memory_space<hbm>>
        tpu.wait_dma2 semaphore(%run_scoped3A : memref<!tpu.dma_semaphore, #tpu.memory_space<semaphore_mem>>) src(%dma_wait3A_50 : memref<32x128xi32, #tpu.memory_space<hbm>>) dst(%arg8 : memref<32x128xi32, #tpu.memory_space<vmem>>)
        tpu.yield
      }) : () -> ()
      %dma_start3A = arith.constant 0 : i32
      %dma_start3A_12 = arith.constant 0 : i32
      %dma_start3A_13 = arith.constant 0 : i32
      %dma_start3A_14 = arith.constant 0 : i32
      %dma_start3A_15 = tpu.memref_slice %arg9[%dma_start3A_12, %dma_start3A_13, %dma_start3A_14] : memref<2x128x128xf32, #tpu.memory_space<vmem>> -> memref<1x128x128xf32, #tpu.memory_space<vmem>>
      %dma_start3A_16 = tpu.memref_squeeze %dma_start3A_15 : memref<1x128x128xf32, #tpu.memory_space<vmem>> -> memref<128x128xf32, #tpu.memory_space<vmem>>
      %dma_start3A_17 = arith.constant 0 : i32
      %dma_start3A_18 = tpu.memref_slice %arg7[%dma_start3A, %dma_start3A_17] : memref<32x128xi32, #tpu.memory_space<vmem>> -> memref<1x128xi32, #tpu.memory_space<vmem>>
      %dma_start3A_19 = tpu.memref_squeeze %dma_start3A_18 : memref<1x128xi32, #tpu.memory_space<vmem>> -> memref<128xi32, #tpu.memory_space<vmem>>
      %dma_start3A_20 = arith.constant 0 : i32
      %dma_start3A_21 = arith.constant 0 : i32
      %dma_start3A_22 = tpu.memref_slice %arg2[%dma_start3A_20, %dma_start3A_21] : memref<20000x128xf32, #tpu.memory_space<hbm>> -> memref<20000x128xf32, #tpu.memory_space<hbm>>
      tpu.enqueue_indirect_dma source(%dma_start3A_22 : memref<20000x128xf32, #tpu.memory_space<hbm>>) target(%dma_start3A_16 : memref<128x128xf32, #tpu.memory_space<vmem>>) offsets(%dma_start3A_19 : memref<128xi32, #tpu.memory_space<vmem>>) semaphore(%arg11 : memref<!tpu.dma_semaphore, #tpu.memory_space<semaphore_mem>>)
      %scan3A_23 = arith.constant 0 : i32
      %scan3A_24 = arith.constant 32 : i32
      %scan3A_25 = arith.addi %scan3A_23, %scan3A_24 : i32
      %scan3A_26 = arith.constant 1 : i32
      scf.for %scan3A_39 = %scan3A_23 to %scan3A_25 step %scan3A_26  : i32 {
        %rem3A = arith.constant 2 : i32
        %rem3A_40 = arith.remsi %scan3A_39, %rem3A : i32
        %dma_wait3A_41 = arith.constant 0 : i32
        %dma_wait3A_42 = arith.constant 0 : i32
        %dma_wait3A_43 = tpu.memref_slice %arg9[%rem3A_40, %dma_wait3A_41, %dma_wait3A_42] : memref<2x128x128xf32, #tpu.memory_space<vmem>> -> memref<1x128x128xf32, #tpu.memory_space<vmem>>
        %dma_wait3A_44 = tpu.memref_squeeze %dma_wait3A_43 : memref<1x128x128xf32, #tpu.memory_space<vmem>> -> memref<128x128xf32, #tpu.memory_space<vmem>>
        %dma_wait3A_45 = arith.constant 0 : i32
        %dma_wait3A_46 = tpu.memref_slice %arg7[%scan3A_39, %dma_wait3A_45] : memref<32x128xi32, #tpu.memory_space<vmem>> -> memref<1x128xi32, #tpu.memory_space<vmem>>
        %dma_wait3A_47 = tpu.memref_squeeze %dma_wait3A_46 : memref<1x128xi32, #tpu.memory_space<vmem>> -> memref<128xi32, #tpu.memory_space<vmem>>
        %dma_wait3A_48 = arith.constant 0 : i32
        %dma_wait3A_49 = arith.constant 0 : i32
        %dma_wait3A_50 = tpu.memref_slice %arg2[%dma_wait3A_48, %dma_wait3A_49] : memref<20000x128xf32, #tpu.memory_space<hbm>> -> memref<20000x128xf32, #tpu.memory_space<hbm>>
        tpu.wait_indirect_dma semaphore(%arg11 : memref<!tpu.dma_semaphore, #tpu.memory_space<semaphore_mem>>) src(%dma_wait3A_50 : memref<20000x128xf32, #tpu.memory_space<hbm>>) dst(%dma_wait3A_44 : memref<128x128xf32, #tpu.memory_space<vmem>>)
        %dma_start3A_51 = arith.constant 0 : i32
        %dma_start3A_52 = arith.constant 0 : i32
        %dma_start3A_53 = tpu.memref_slice %arg9[%rem3A_40, %dma_start3A_51, %dma_start3A_52] : memref<2x128x128xf32, #tpu.memory_space<vmem>> -> memref<1x128x128xf32, #tpu.memory_space<vmem>>
        %dma_start3A_54 = tpu.memref_squeeze %dma_start3A_53 : memref<1x128x128xf32, #tpu.memory_space<vmem>> -> memref<128x128xf32, #tpu.memory_space<vmem>>
        %dma_start3A_55 = arith.constant 0 : i32
        %dma_start3A_56 = tpu.memref_slice %arg8[%scan3A_39, %dma_start3A_55] : memref<32x128xi32, #tpu.memory_space<vmem>> -> memref<1x128xi32, #tpu.memory_space<vmem>>
        %dma_start3A_57 = tpu.memref_squeeze %dma_start3A_56 : memref<1x128xi32, #tpu.memory_space<vmem>> -> memref<128xi32, #tpu.memory_space<vmem>>
        %dma_start3A_58 = arith.constant 0 : i32
        %dma_start3A_59 = arith.constant 0 : i32
        %dma_start3A_60 = tpu.memref_slice %arg10[%dma_start3A_58, %dma_start3A_59] : memref<10112x128xf32, #tpu.memory_space<vmem_shared>> -> memref<10112x128xf32, #tpu.memory_space<vmem_shared>>
        tpu.enqueue_indirect_dma source(%dma_start3A_54 : memref<128x128xf32, #tpu.memory_space<vmem>>) target(%dma_start3A_60 : memref<10112x128xf32, #tpu.memory_space<vmem_shared>>) offsets(%dma_start3A_57 : memref<128xi32, #tpu.memory_space<vmem>>) semaphore(%arg12 : memref<!tpu.dma_semaphore, #tpu.memory_space<semaphore_mem>>) {add = true}
        %ge3A = arith.constant 1 : i32
        %ge3A_61 = arith.cmpi sge, %scan3A_39, %ge3A : i32
        %convert_element_type3A = arith.extui %ge3A_61 : i1 to i32
        %cond3A = arith.constant 0 : i32
        %cond3A_62 = arith.cmpi ne, %convert_element_type3A, %cond3A : i32
        scf.if %cond3A_62 {
          %dma_wait3A_68 = arith.constant 0 : i32
          %dma_wait3A_69 = arith.constant 0 : i32
          %dma_wait3A_70 = arith.constant 0 : i32
          %dma_wait3A_71 = arith.constant 0 : i32
          %dma_wait3A_72 = tpu.memref_slice %arg9[%dma_wait3A_68, %dma_wait3A_70, %dma_wait3A_71] : memref<2x128x128xf32, #tpu.memory_space<vmem>> -> memref<1x128x128xf32, #tpu.memory_space<vmem>>
          %dma_wait3A_73 = tpu.memref_squeeze %dma_wait3A_72 : memref<1x128x128xf32, #tpu.memory_space<vmem>> -> memref<128x128xf32, #tpu.memory_space<vmem>>
          %dma_wait3A_74 = arith.constant 0 : i32
          %dma_wait3A_75 = tpu.memref_slice %arg8[%dma_wait3A_69, %dma_wait3A_74] : memref<32x128xi32, #tpu.memory_space<vmem>> -> memref<1x128xi32, #tpu.memory_space<vmem>>
          %dma_wait3A_76 = tpu.memref_squeeze %dma_wait3A_75 : memref<1x128xi32, #tpu.memory_space<vmem>> -> memref<128xi32, #tpu.memory_space<vmem>>
          %dma_wait3A_77 = arith.constant 0 : i32
          %dma_wait3A_78 = arith.constant 0 : i32
          %dma_wait3A_79 = tpu.memref_slice %arg10[%dma_wait3A_77, %dma_wait3A_78] : memref<10112x128xf32, #tpu.memory_space<vmem_shared>> -> memref<10112x128xf32, #tpu.memory_space<vmem_shared>>
          tpu.wait_indirect_dma semaphore(%arg12 : memref<!tpu.dma_semaphore, #tpu.memory_space<semaphore_mem>>) src(%dma_wait3A_73 : memref<128x128xf32, #tpu.memory_space<vmem>>) dst(%dma_wait3A_79 : memref<10112x128xf32, #tpu.memory_space<vmem_shared>>)
        } else {
        }
        %add3A = arith.constant 1 : i32
        %add3A_63 = arith.addi %scan3A_39, %add3A : i32
        %lt3A = arith.constant 32 : i32
        %lt3A_64 = arith.cmpi slt, %add3A_63, %lt3A : i32
        %convert_element_type3A_65 = arith.extui %lt3A_64 : i1 to i32
        %cond3A_66 = arith.constant 0 : i32
        %cond3A_67 = arith.cmpi ne, %convert_element_type3A_65, %cond3A_66 : i32
        scf.if %cond3A_67 {
          %add3A_68 = arith.constant 1 : i32
          %add3A_69 = arith.addi %scan3A_39, %add3A_68 : i32
          %rem3A_70 = arith.constant 2 : i32
          %rem3A_71 = arith.remsi %add3A_69, %rem3A_70 : i32
          %add3A_72 = arith.constant 1 : i32
          %add3A_73 = arith.addi %scan3A_39, %add3A_72 : i32
          %dma_start3A_74 = arith.constant 0 : i32
          %dma_start3A_75 = arith.constant 0 : i32
          %dma_start3A_76 = tpu.memref_slice %arg9[%rem3A_71, %dma_start3A_74, %dma_start3A_75] : memref<2x128x128xf32, #tpu.memory_space<vmem>> -> memref<1x128x128xf32, #tpu.memory_space<vmem>>
          %dma_start3A_77 = tpu.memref_squeeze %dma_start3A_76 : memref<1x128x128xf32, #tpu.memory_space<vmem>> -> memref<128x128xf32, #tpu.memory_space<vmem>>
          %dma_start3A_78 = arith.constant 0 : i32
          %dma_start3A_79 = tpu.memref_slice %arg7[%add3A_73, %dma_start3A_78] : memref<32x128xi32, #tpu.memory_space<vmem>> -> memref<1x128xi32, #tpu.memory_space<vmem>>
          %dma_start3A_80 = tpu.memref_squeeze %dma_start3A_79 : memref<1x128xi32, #tpu.memory_space<vmem>> -> memref<128xi32, #tpu.memory_space<vmem>>
          %dma_start3A_81 = arith.constant 0 : i32
          %dma_start3A_82 = arith.constant 0 : i32
          %dma_start3A_83 = tpu.memref_slice %arg2[%dma_start3A_81, %dma_start3A_82] : memref<20000x128xf32, #tpu.memory_space<hbm>> -> memref<20000x128xf32, #tpu.memory_space<hbm>>
          tpu.enqueue_indirect_dma source(%dma_start3A_83 : memref<20000x128xf32, #tpu.memory_space<hbm>>) target(%dma_start3A_77 : memref<128x128xf32, #tpu.memory_space<vmem>>) offsets(%dma_start3A_80 : memref<128xi32, #tpu.memory_space<vmem>>) semaphore(%arg11 : memref<!tpu.dma_semaphore, #tpu.memory_space<semaphore_mem>>)
        } else {
        }
      }
      %scan3A_27 = arith.constant 32 : i32
      %dma_wait3A = arith.constant 0 : i32
      %dma_wait3A_28 = arith.constant 0 : i32
      %dma_wait3A_29 = arith.constant 0 : i32
      %dma_wait3A_30 = arith.constant 0 : i32
      %dma_wait3A_31 = tpu.memref_slice %arg9[%dma_wait3A, %dma_wait3A_29, %dma_wait3A_30] : memref<2x128x128xf32, #tpu.memory_space<vmem>> -> memref<1x128x128xf32, #tpu.memory_space<vmem>>
      %dma_wait3A_32 = tpu.memref_squeeze %dma_wait3A_31 : memref<1x128x128xf32, #tpu.memory_space<vmem>> -> memref<128x128xf32, #tpu.memory_space<vmem>>
      %dma_wait3A_33 = arith.constant 0 : i32
      %dma_wait3A_34 = tpu.memref_slice %arg8[%dma_wait3A_28, %dma_wait3A_33] : memref<32x128xi32, #tpu.memory_space<vmem>> -> memref<1x128xi32, #tpu.memory_space<vmem>>
      %dma_wait3A_35 = tpu.memref_squeeze %dma_wait3A_34 : memref<1x128xi32, #tpu.memory_space<vmem>> -> memref<128xi32, #tpu.memory_space<vmem>>
      %dma_wait3A_36 = arith.constant 0 : i32
      %dma_wait3A_37 = arith.constant 0 : i32
      %dma_wait3A_38 = tpu.memref_slice %arg10[%dma_wait3A_36, %dma_wait3A_37] : memref<10112x128xf32, #tpu.memory_space<vmem_shared>> -> memref<10112x128xf32, #tpu.memory_space<vmem_shared>>
      tpu.wait_indirect_dma semaphore(%arg12 : memref<!tpu.dma_semaphore, #tpu.memory_space<semaphore_mem>>) src(%dma_wait3A_32 : memref<128x128xf32, #tpu.memory_space<vmem>>) dst(%dma_wait3A_38 : memref<10112x128xf32, #tpu.memory_space<vmem_shared>>)
    }
    %scan3A_5 = arith.constant 5 : i32
    %barrier3A_6 = arith.constant 0 : index
    tpu.barrier barrier_id(%barrier3A_6)
    "tpu.region"() ({
      %run_scoped3A = tpu.sem_alloc : memref<!tpu.dma_semaphore, #tpu.memory_space<semaphore_mem>>
      %dma_start3A = arith.constant 0 : i32
      %dma_start3A_7 = tpu.memref_slice %arg6[%arg0, %mul3A_0, %dma_start3A] : memref<2x10112x128xf32, #tpu.memory_space<hbm>> -> memref<1x632x128xf32, #tpu.memory_space<hbm>>
      %dma_start3A_8 = tpu.memref_squeeze %dma_start3A_7 : memref<1x632x128xf32, #tpu.memory_space<hbm>> -> memref<632x128xf32, #tpu.memory_space<hbm>>
      %dma_start3A_9 = arith.constant 0 : i32
      %dma_start3A_10 = tpu.memref_slice %arg10[%mul3A_0, %dma_start3A_9] : memref<10112x128xf32, #tpu.memory_space<vmem_shared>> -> memref<632x128xf32, #tpu.memory_space<vmem_shared>>
      tpu.enqueue_dma source(%dma_start3A_10 : memref<632x128xf32, #tpu.memory_space<vmem_shared>>) target(%dma_start3A_8 : memref<632x128xf32, #tpu.memory_space<hbm>>) target_semaphore(%run_scoped3A : memref<!tpu.dma_semaphore, #tpu.memory_space<semaphore_mem>>)
      %dma_wait3A = arith.constant 0 : i32
      %dma_wait3A_11 = tpu.memref_slice %arg6[%arg0, %mul3A_0, %dma_wait3A] : memref<2x10112x128xf32, #tpu.memory_space<hbm>> -> memref<1x632x128xf32, #tpu.memory_space<hbm>>
      %dma_wait3A_12 = tpu.memref_squeeze %dma_wait3A_11 : memref<1x632x128xf32, #tpu.memory_space<hbm>> -> memref<632x128xf32, #tpu.memory_space<hbm>>
      %dma_wait3A_13 = arith.constant 0 : i32
      %dma_wait3A_14 = tpu.memref_slice %arg10[%mul3A_0, %dma_wait3A_13] : memref<10112x128xf32, #tpu.memory_space<vmem_shared>> -> memref<632x128xf32, #tpu.memory_space<vmem_shared>>
      tpu.wait_dma2 semaphore(%run_scoped3A : memref<!tpu.dma_semaphore, #tpu.memory_space<semaphore_mem>>) src(%dma_wait3A_14 : memref<632x128xf32, #tpu.memory_space<vmem_shared>>) dst(%dma_wait3A_12 : memref<632x128xf32, #tpu.memory_space<hbm>>)
      tpu.yield
    }) : () -> ()
    return
  }
}

#map = affine_map<(d0, d1) -> (0, 0)>
#map1 = affine_map<(d0, d1) -> (0, 0, 0, 0)>
#map2 = affine_map<(d0, d1) -> (0, 0, 0)>
module attributes {stable_mosaic.version = 14 : i64} {
  func.func @_prop_kernel(%arg0: i32, %arg1: i32, %arg2: memref<20000x128xf32, #tpu.memory_space<hbm>>, %arg3: memref<2x16x160x128xi32, #tpu.memory_space<hbm>>, %arg4: memref<16x160x128xi32, #tpu.memory_space<hbm>>, %arg5: memref<10112x128xf32, #tpu.memory_space<hbm>>, %arg6: memref<2x10112x128xf32, #tpu.memory_space<hbm>>, %arg7: memref<32x128xi32, #tpu.memory_space<vmem>>, %arg8: memref<32x128xi32, #tpu.memory_space<vmem>>, %arg9: memref<2x128x128xf32, #tpu.memory_space<vmem>>, %arg10: memref<10112x128xf32, #tpu.memory_space<vmem_shared>>, %arg11: memref<!tpu.dma_semaphore, #tpu.memory_space<semaphore_mem>>, %arg12: memref<!tpu.dma_semaphore, #tpu.memory_space<semaphore_mem>>) attributes {dimension_semantics = [#tpu.dimension_semantics<core_parallel>, #tpu.dimension_semantics<subcore_parallel>], iteration_bounds = array<i64: 2, 16>, scalar_prefetch = 0 : i64, scratch_operands = 6 : i64, tpu.core_type = #tpu.core_type<sc_vector_subcore>, window_params = [{transform_indices = #map}, {transform_indices = #map1}, {transform_indices = #map2}, {transform_indices = #map}, {transform_indices = #map2}]} {
    %mul3A = arith.constant 632 : i32
    %mul3A_0 = arith.muli %arg1, %mul3A : i32
    "tpu.region"() ({
      %run_scoped3A = tpu.sem_alloc : memref<!tpu.dma_semaphore, #tpu.memory_space<semaphore_mem>>
      %dma_start3A = arith.constant 0 : i32
      %dma_start3A_7 = tpu.memref_slice %arg10[%mul3A_0, %dma_start3A] : memref<10112x128xf32, #tpu.memory_space<vmem_shared>> -> memref<632x128xf32, #tpu.memory_space<vmem_shared>>
      %dma_start3A_8 = arith.constant 0 : i32
      %dma_start3A_9 = tpu.memref_slice %arg5[%mul3A_0, %dma_start3A_8] : memref<10112x128xf32, #tpu.memory_space<hbm>> -> memref<632x128xf32, #tpu.memory_space<hbm>>
      tpu.enqueue_dma source(%dma_start3A_9 : memref<632x128xf32, #tpu.memory_space<hbm>>) target(%dma_start3A_7 : memref<632x128xf32, #tpu.memory_space<vmem_shared>>) target_semaphore(%run_scoped3A : memref<!tpu.dma_semaphore, #tpu.memory_space<semaphore_mem>>)
      %dma_wait3A = arith.constant 0 : i32
      %dma_wait3A_10 = tpu.memref_slice %arg10[%mul3A_0, %dma_wait3A] : memref<10112x128xf32, #tpu.memory_space<vmem_shared>> -> memref<632x128xf32, #tpu.memory_space<vmem_shared>>
      %dma_wait3A_11 = arith.constant 0 : i32
      %dma_wait3A_12 = tpu.memref_slice %arg5[%mul3A_0, %dma_wait3A_11] : memref<10112x128xf32, #tpu.memory_space<hbm>> -> memref<632x128xf32, #tpu.memory_space<hbm>>
      tpu.wait_dma2 semaphore(%run_scoped3A : memref<!tpu.dma_semaphore, #tpu.memory_space<semaphore_mem>>) src(%dma_wait3A_12 : memref<632x128xf32, #tpu.memory_space<hbm>>) dst(%dma_wait3A_10 : memref<632x128xf32, #tpu.memory_space<vmem_shared>>)
      tpu.yield
    }) : () -> ()
    %barrier3A = arith.constant 0 : index
    tpu.barrier barrier_id(%barrier3A)
    %scan3A = arith.constant 0 : i32
    %scan3A_1 = arith.constant 0 : i32
    %scan3A_2 = arith.constant 5 : i32
    %scan3A_3 = arith.addi %scan3A_1, %scan3A_2 : i32
    %scan3A_4 = arith.constant 1 : i32
    scf.for %scan3A_7 = %scan3A_1 to %scan3A_3 step %scan3A_4  : i32 {
      %mul3A_8 = arith.constant 32 : i32
      %mul3A_9 = arith.muli %scan3A_7, %mul3A_8 : i32
      "tpu.region"() ({
        %run_scoped3A = tpu.sem_alloc : memref<!tpu.dma_semaphore, #tpu.memory_space<semaphore_mem>>
        %dma_start3A_39 = arith.constant 0 : i32
        %dma_start3A_40 = tpu.memref_slice %arg3[%arg0, %arg1, %mul3A_9, %dma_start3A_39] : memref<2x16x160x128xi32, #tpu.memory_space<hbm>> -> memref<1x1x32x128xi32, #tpu.memory_space<hbm>>
        %dma_start3A_41 = tpu.memref_squeeze %dma_start3A_40 : memref<1x1x32x128xi32, #tpu.memory_space<hbm>> -> memref<32x128xi32, #tpu.memory_space<hbm>>
        %dma_start3A_42 = arith.constant 0 : i32
        %dma_start3A_43 = tpu.memref_slice %arg3[%arg0, %arg1, %mul3A_9, %dma_start3A_42] : memref<2x16x160x128xi32, #tpu.memory_space<hbm>> -> memref<1x1x32x128xi32, #tpu.memory_space<hbm>>
        %dma_start3A_44 = tpu.memref_squeeze %dma_start3A_43 : memref<1x1x32x128xi32, #tpu.memory_space<hbm>> -> memref<32x128xi32, #tpu.memory_space<hbm>>
        tpu.enqueue_dma source(%dma_start3A_44 : memref<32x128xi32, #tpu.memory_space<hbm>>) target(%arg7 : memref<32x128xi32, #tpu.memory_space<vmem>>) target_semaphore(%run_scoped3A : memref<!tpu.dma_semaphore, #tpu.memory_space<semaphore_mem>>)
        %dma_wait3A_45 = arith.constant 0 : i32
        %dma_wait3A_46 = tpu.memref_slice %arg3[%arg0, %arg1, %mul3A_9, %dma_wait3A_45] : memref<2x16x160x128xi32, #tpu.memory_space<hbm>> -> memref<1x1x32x128xi32, #tpu.memory_space<hbm>>
        %dma_wait3A_47 = tpu.memref_squeeze %dma_wait3A_46 : memref<1x1x32x128xi32, #tpu.memory_space<hbm>> -> memref<32x128xi32, #tpu.memory_space<hbm>>
        %dma_wait3A_48 = arith.constant 0 : i32
        %dma_wait3A_49 = tpu.memref_slice %arg3[%arg0, %arg1, %mul3A_9, %dma_wait3A_48] : memref<2x16x160x128xi32, #tpu.memory_space<hbm>> -> memref<1x1x32x128xi32, #tpu.memory_space<hbm>>
        %dma_wait3A_50 = tpu.memref_squeeze %dma_wait3A_49 : memref<1x1x32x128xi32, #tpu.memory_space<hbm>> -> memref<32x128xi32, #tpu.memory_space<hbm>>
        tpu.wait_dma2 semaphore(%run_scoped3A : memref<!tpu.dma_semaphore, #tpu.memory_space<semaphore_mem>>) src(%dma_wait3A_50 : memref<32x128xi32, #tpu.memory_space<hbm>>) dst(%arg7 : memref<32x128xi32, #tpu.memory_space<vmem>>)
        tpu.yield
      }) : () -> ()
      %mul3A_10 = arith.constant 32 : i32
      %mul3A_11 = arith.muli %scan3A_7, %mul3A_10 : i32
      "tpu.region"() ({
        %run_scoped3A = tpu.sem_alloc : memref<!tpu.dma_semaphore, #tpu.memory_space<semaphore_mem>>
        %dma_start3A_39 = arith.constant 0 : i32
        %dma_start3A_40 = tpu.memref_slice %arg4[%arg1, %mul3A_11, %dma_start3A_39] : memref<16x160x128xi32, #tpu.memory_space<hbm>> -> memref<1x32x128xi32, #tpu.memory_space<hbm>>
        %dma_start3A_41 = tpu.memref_squeeze %dma_start3A_40 : memref<1x32x128xi32, #tpu.memory_space<hbm>> -> memref<32x128xi32, #tpu.memory_space<hbm>>
        %dma_start3A_42 = arith.constant 0 : i32
        %dma_start3A_43 = tpu.memref_slice %arg4[%arg1, %mul3A_11, %dma_start3A_42] : memref<16x160x128xi32, #tpu.memory_space<hbm>> -> memref<1x32x128xi32, #tpu.memory_space<hbm>>
        %dma_start3A_44 = tpu.memref_squeeze %dma_start3A_43 : memref<1x32x128xi32, #tpu.memory_space<hbm>> -> memref<32x128xi32, #tpu.memory_space<hbm>>
        tpu.enqueue_dma source(%dma_start3A_44 : memref<32x128xi32, #tpu.memory_space<hbm>>) target(%arg8 : memref<32x128xi32, #tpu.memory_space<vmem>>) target_semaphore(%run_scoped3A : memref<!tpu.dma_semaphore, #tpu.memory_space<semaphore_mem>>)
        %dma_wait3A_45 = arith.constant 0 : i32
        %dma_wait3A_46 = tpu.memref_slice %arg4[%arg1, %mul3A_11, %dma_wait3A_45] : memref<16x160x128xi32, #tpu.memory_space<hbm>> -> memref<1x32x128xi32, #tpu.memory_space<hbm>>
        %dma_wait3A_47 = tpu.memref_squeeze %dma_wait3A_46 : memref<1x32x128xi32, #tpu.memory_space<hbm>> -> memref<32x128xi32, #tpu.memory_space<hbm>>
        %dma_wait3A_48 = arith.constant 0 : i32
        %dma_wait3A_49 = tpu.memref_slice %arg4[%arg1, %mul3A_11, %dma_wait3A_48] : memref<16x160x128xi32, #tpu.memory_space<hbm>> -> memref<1x32x128xi32, #tpu.memory_space<hbm>>
        %dma_wait3A_50 = tpu.memref_squeeze %dma_wait3A_49 : memref<1x32x128xi32, #tpu.memory_space<hbm>> -> memref<32x128xi32, #tpu.memory_space<hbm>>
        tpu.wait_dma2 semaphore(%run_scoped3A : memref<!tpu.dma_semaphore, #tpu.memory_space<semaphore_mem>>) src(%dma_wait3A_50 : memref<32x128xi32, #tpu.memory_space<hbm>>) dst(%arg8 : memref<32x128xi32, #tpu.memory_space<vmem>>)
        tpu.yield
      }) : () -> ()
      %dma_start3A = arith.constant 0 : i32
      %dma_start3A_12 = arith.constant 0 : i32
      %dma_start3A_13 = arith.constant 0 : i32
      %dma_start3A_14 = arith.constant 0 : i32
      %dma_start3A_15 = tpu.memref_slice %arg9[%dma_start3A_12, %dma_start3A_13, %dma_start3A_14] : memref<2x128x128xf32, #tpu.memory_space<vmem>> -> memref<1x128x128xf32, #tpu.memory_space<vmem>>
      %dma_start3A_16 = tpu.memref_squeeze %dma_start3A_15 : memref<1x128x128xf32, #tpu.memory_space<vmem>> -> memref<128x128xf32, #tpu.memory_space<vmem>>
      %dma_start3A_17 = arith.constant 0 : i32
      %dma_start3A_18 = tpu.memref_slice %arg7[%dma_start3A, %dma_start3A_17] : memref<32x128xi32, #tpu.memory_space<vmem>> -> memref<1x128xi32, #tpu.memory_space<vmem>>
      %dma_start3A_19 = tpu.memref_squeeze %dma_start3A_18 : memref<1x128xi32, #tpu.memory_space<vmem>> -> memref<128xi32, #tpu.memory_space<vmem>>
      %dma_start3A_20 = arith.constant 0 : i32
      %dma_start3A_21 = arith.constant 0 : i32
      %dma_start3A_22 = tpu.memref_slice %arg2[%dma_start3A_20, %dma_start3A_21] : memref<20000x128xf32, #tpu.memory_space<hbm>> -> memref<20000x128xf32, #tpu.memory_space<hbm>>
      tpu.enqueue_indirect_dma source(%dma_start3A_22 : memref<20000x128xf32, #tpu.memory_space<hbm>>) target(%dma_start3A_16 : memref<128x128xf32, #tpu.memory_space<vmem>>) offsets(%dma_start3A_19 : memref<128xi32, #tpu.memory_space<vmem>>) semaphore(%arg11 : memref<!tpu.dma_semaphore, #tpu.memory_space<semaphore_mem>>)
      %scan3A_23 = arith.constant 0 : i32
      %scan3A_24 = arith.constant 32 : i32
      %scan3A_25 = arith.addi %scan3A_23, %scan3A_24 : i32
      %scan3A_26 = arith.constant 1 : i32
      scf.for %scan3A_39 = %scan3A_23 to %scan3A_25 step %scan3A_26  : i32 {
        %rem3A = arith.constant 2 : i32
        %rem3A_40 = arith.remsi %scan3A_39, %rem3A : i32
        %dma_wait3A_41 = arith.constant 0 : i32
        %dma_wait3A_42 = arith.constant 0 : i32
        %dma_wait3A_43 = tpu.memref_slice %arg9[%rem3A_40, %dma_wait3A_41, %dma_wait3A_42] : memref<2x128x128xf32, #tpu.memory_space<vmem>> -> memref<1x128x128xf32, #tpu.memory_space<vmem>>
        %dma_wait3A_44 = tpu.memref_squeeze %dma_wait3A_43 : memref<1x128x128xf32, #tpu.memory_space<vmem>> -> memref<128x128xf32, #tpu.memory_space<vmem>>
        %dma_wait3A_45 = arith.constant 0 : i32
        %dma_wait3A_46 = tpu.memref_slice %arg7[%scan3A_39, %dma_wait3A_45] : memref<32x128xi32, #tpu.memory_space<vmem>> -> memref<1x128xi32, #tpu.memory_space<vmem>>
        %dma_wait3A_47 = tpu.memref_squeeze %dma_wait3A_46 : memref<1x128xi32, #tpu.memory_space<vmem>> -> memref<128xi32, #tpu.memory_space<vmem>>
        %dma_wait3A_48 = arith.constant 0 : i32
        %dma_wait3A_49 = arith.constant 0 : i32
        %dma_wait3A_50 = tpu.memref_slice %arg2[%dma_wait3A_48, %dma_wait3A_49] : memref<20000x128xf32, #tpu.memory_space<hbm>> -> memref<20000x128xf32, #tpu.memory_space<hbm>>
        tpu.wait_indirect_dma semaphore(%arg11 : memref<!tpu.dma_semaphore, #tpu.memory_space<semaphore_mem>>) src(%dma_wait3A_50 : memref<20000x128xf32, #tpu.memory_space<hbm>>) dst(%dma_wait3A_44 : memref<128x128xf32, #tpu.memory_space<vmem>>)
        %dma_start3A_51 = arith.constant 0 : i32
        %dma_start3A_52 = arith.constant 0 : i32
        %dma_start3A_53 = tpu.memref_slice %arg9[%rem3A_40, %dma_start3A_51, %dma_start3A_52] : memref<2x128x128xf32, #tpu.memory_space<vmem>> -> memref<1x128x128xf32, #tpu.memory_space<vmem>>
        %dma_start3A_54 = tpu.memref_squeeze %dma_start3A_53 : memref<1x128x128xf32, #tpu.memory_space<vmem>> -> memref<128x128xf32, #tpu.memory_space<vmem>>
        %dma_start3A_55 = arith.constant 0 : i32
        %dma_start3A_56 = tpu.memref_slice %arg8[%scan3A_39, %dma_start3A_55] : memref<32x128xi32, #tpu.memory_space<vmem>> -> memref<1x128xi32, #tpu.memory_space<vmem>>
        %dma_start3A_57 = tpu.memref_squeeze %dma_start3A_56 : memref<1x128xi32, #tpu.memory_space<vmem>> -> memref<128xi32, #tpu.memory_space<vmem>>
        %dma_start3A_58 = arith.constant 0 : i32
        %dma_start3A_59 = arith.constant 0 : i32
        %dma_start3A_60 = tpu.memref_slice %arg10[%dma_start3A_58, %dma_start3A_59] : memref<10112x128xf32, #tpu.memory_space<vmem_shared>> -> memref<10112x128xf32, #tpu.memory_space<vmem_shared>>
        tpu.enqueue_indirect_dma source(%dma_start3A_54 : memref<128x128xf32, #tpu.memory_space<vmem>>) target(%dma_start3A_60 : memref<10112x128xf32, #tpu.memory_space<vmem_shared>>) offsets(%dma_start3A_57 : memref<128xi32, #tpu.memory_space<vmem>>) semaphore(%arg12 : memref<!tpu.dma_semaphore, #tpu.memory_space<semaphore_mem>>) {add = true}
        %ge3A = arith.constant 1 : i32
        %ge3A_61 = arith.cmpi sge, %scan3A_39, %ge3A : i32
        %convert_element_type3A = arith.extui %ge3A_61 : i1 to i32
        %cond3A = arith.constant 0 : i32
        %cond3A_62 = arith.cmpi ne, %convert_element_type3A, %cond3A : i32
        scf.if %cond3A_62 {
          %dma_wait3A_68 = arith.constant 0 : i32
          %dma_wait3A_69 = arith.constant 0 : i32
          %dma_wait3A_70 = arith.constant 0 : i32
          %dma_wait3A_71 = arith.constant 0 : i32
          %dma_wait3A_72 = tpu.memref_slice %arg9[%dma_wait3A_68, %dma_wait3A_70, %dma_wait3A_71] : memref<2x128x128xf32, #tpu.memory_space<vmem>> -> memref<1x128x128xf32, #tpu.memory_space<vmem>>
          %dma_wait3A_73 = tpu.memref_squeeze %dma_wait3A_72 : memref<1x128x128xf32, #tpu.memory_space<vmem>> -> memref<128x128xf32, #tpu.memory_space<vmem>>
          %dma_wait3A_74 = arith.constant 0 : i32
          %dma_wait3A_75 = tpu.memref_slice %arg8[%dma_wait3A_69, %dma_wait3A_74] : memref<32x128xi32, #tpu.memory_space<vmem>> -> memref<1x128xi32, #tpu.memory_space<vmem>>
          %dma_wait3A_76 = tpu.memref_squeeze %dma_wait3A_75 : memref<1x128xi32, #tpu.memory_space<vmem>> -> memref<128xi32, #tpu.memory_space<vmem>>
          %dma_wait3A_77 = arith.constant 0 : i32
          %dma_wait3A_78 = arith.constant 0 : i32
          %dma_wait3A_79 = tpu.memref_slice %arg10[%dma_wait3A_77, %dma_wait3A_78] : memref<10112x128xf32, #tpu.memory_space<vmem_shared>> -> memref<10112x128xf32, #tpu.memory_space<vmem_shared>>
          tpu.wait_indirect_dma semaphore(%arg12 : memref<!tpu.dma_semaphore, #tpu.memory_space<semaphore_mem>>) src(%dma_wait3A_73 : memref<128x128xf32, #tpu.memory_space<vmem>>) dst(%dma_wait3A_79 : memref<10112x128xf32, #tpu.memory_space<vmem_shared>>)
        } else {
        }
        %add3A = arith.constant 1 : i32
        %add3A_63 = arith.addi %scan3A_39, %add3A : i32
        %lt3A = arith.constant 32 : i32
        %lt3A_64 = arith.cmpi slt, %add3A_63, %lt3A : i32
        %convert_element_type3A_65 = arith.extui %lt3A_64 : i1 to i32
        %cond3A_66 = arith.constant 0 : i32
        %cond3A_67 = arith.cmpi ne, %convert_element_type3A_65, %cond3A_66 : i32
        scf.if %cond3A_67 {
          %add3A_68 = arith.constant 1 : i32
          %add3A_69 = arith.addi %scan3A_39, %add3A_68 : i32
          %rem3A_70 = arith.constant 2 : i32
          %rem3A_71 = arith.remsi %add3A_69, %rem3A_70 : i32
          %add3A_72 = arith.constant 1 : i32
          %add3A_73 = arith.addi %scan3A_39, %add3A_72 : i32
          %dma_start3A_74 = arith.constant 0 : i32
          %dma_start3A_75 = arith.constant 0 : i32
          %dma_start3A_76 = tpu.memref_slice %arg9[%rem3A_71, %dma_start3A_74, %dma_start3A_75] : memref<2x128x128xf32, #tpu.memory_space<vmem>> -> memref<1x128x128xf32, #tpu.memory_space<vmem>>
          %dma_start3A_77 = tpu.memref_squeeze %dma_start3A_76 : memref<1x128x128xf32, #tpu.memory_space<vmem>> -> memref<128x128xf32, #tpu.memory_space<vmem>>
          %dma_start3A_78 = arith.constant 0 : i32
          %dma_start3A_79 = tpu.memref_slice %arg7[%add3A_73, %dma_start3A_78] : memref<32x128xi32, #tpu.memory_space<vmem>> -> memref<1x128xi32, #tpu.memory_space<vmem>>
          %dma_start3A_80 = tpu.memref_squeeze %dma_start3A_79 : memref<1x128xi32, #tpu.memory_space<vmem>> -> memref<128xi32, #tpu.memory_space<vmem>>
          %dma_start3A_81 = arith.constant 0 : i32
          %dma_start3A_82 = arith.constant 0 : i32
          %dma_start3A_83 = tpu.memref_slice %arg2[%dma_start3A_81, %dma_start3A_82] : memref<20000x128xf32, #tpu.memory_space<hbm>> -> memref<20000x128xf32, #tpu.memory_space<hbm>>
          tpu.enqueue_indirect_dma source(%dma_start3A_83 : memref<20000x128xf32, #tpu.memory_space<hbm>>) target(%dma_start3A_77 : memref<128x128xf32, #tpu.memory_space<vmem>>) offsets(%dma_start3A_80 : memref<128xi32, #tpu.memory_space<vmem>>) semaphore(%arg11 : memref<!tpu.dma_semaphore, #tpu.memory_space<semaphore_mem>>)
        } else {
        }
      }
      %scan3A_27 = arith.constant 32 : i32
      %dma_wait3A = arith.constant 0 : i32
      %dma_wait3A_28 = arith.constant 0 : i32
      %dma_wait3A_29 = arith.constant 0 : i32
      %dma_wait3A_30 = arith.constant 0 : i32
      %dma_wait3A_31 = tpu.memref_slice %arg9[%dma_wait3A, %dma_wait3A_29, %dma_wait3A_30] : memref<2x128x128xf32, #tpu.memory_space<vmem>> -> memref<1x128x128xf32, #tpu.memory_space<vmem>>
      %dma_wait3A_32 = tpu.memref_squeeze %dma_wait3A_31 : memref<1x128x128xf32, #tpu.memory_space<vmem>> -> memref<128x128xf32, #tpu.memory_space<vmem>>
      %dma_wait3A_33 = arith.constant 0 : i32
      %dma_wait3A_34 = tpu.memref_slice %arg8[%dma_wait3A_28, %dma_wait3A_33] : memref<32x128xi32, #tpu.memory_space<vmem>> -> memref<1x128xi32, #tpu.memory_space<vmem>>
      %dma_wait3A_35 = tpu.memref_squeeze %dma_wait3A_34 : memref<1x128xi32, #tpu.memory_space<vmem>> -> memref<128xi32, #tpu.memory_space<vmem>>
      %dma_wait3A_36 = arith.constant 0 : i32
      %dma_wait3A_37 = arith.constant 0 : i32
      %dma_wait3A_38 = tpu.memref_slice %arg10[%dma_wait3A_36, %dma_wait3A_37] : memref<10112x128xf32, #tpu.memory_space<vmem_shared>> -> memref<10112x128xf32, #tpu.memory_space<vmem_shared>>
      tpu.wait_indirect_dma semaphore(%arg12 : memref<!tpu.dma_semaphore, #tpu.memory_space<semaphore_mem>>) src(%dma_wait3A_32 : memref<128x128xf32, #tpu.memory_space<vmem>>) dst(%dma_wait3A_38 : memref<10112x128xf32, #tpu.memory_space<vmem_shared>>)
    }
    %scan3A_5 = arith.constant 5 : i32
    %barrier3A_6 = arith.constant 0 : index
    tpu.barrier barrier_id(%barrier3A_6)
    "tpu.region"() ({
      %run_scoped3A = tpu.sem_alloc : memref<!tpu.dma_semaphore, #tpu.memory_space<semaphore_mem>>
      %dma_start3A = arith.constant 0 : i32
      %dma_start3A_7 = tpu.memref_slice %arg6[%arg0, %mul3A_0, %dma_start3A] : memref<2x10112x128xf32, #tpu.memory_space<hbm>> -> memref<1x632x128xf32, #tpu.memory_space<hbm>>
      %dma_start3A_8 = tpu.memref_squeeze %dma_start3A_7 : memref<1x632x128xf32, #tpu.memory_space<hbm>> -> memref<632x128xf32, #tpu.memory_space<hbm>>
      %dma_start3A_9 = arith.constant 0 : i32
      %dma_start3A_10 = tpu.memref_slice %arg10[%mul3A_0, %dma_start3A_9] : memref<10112x128xf32, #tpu.memory_space<vmem_shared>> -> memref<632x128xf32, #tpu.memory_space<vmem_shared>>
      tpu.enqueue_dma source(%dma_start3A_10 : memref<632x128xf32, #tpu.memory_space<vmem_shared>>) target(%dma_start3A_8 : memref<632x128xf32, #tpu.memory_space<hbm>>) target_semaphore(%run_scoped3A : memref<!tpu.dma_semaphore, #tpu.memory_space<semaphore_mem>>)
      %dma_wait3A = arith.constant 0 : i32
      %dma_wait3A_11 = tpu.memref_slice %arg6[%arg0, %mul3A_0, %dma_wait3A] : memref<2x10112x128xf32, #tpu.memory_space<hbm>> -> memref<1x632x128xf32, #tpu.memory_space<hbm>>
      %dma_wait3A_12 = tpu.memref_squeeze %dma_wait3A_11 : memref<1x632x128xf32, #tpu.memory_space<hbm>> -> memref<632x128xf32, #tpu.memory_space<hbm>>
      %dma_wait3A_13 = arith.constant 0 : i32
      %dma_wait3A_14 = tpu.memref_slice %arg10[%mul3A_0, %dma_wait3A_13] : memref<10112x128xf32, #tpu.memory_space<vmem_shared>> -> memref<632x128xf32, #tpu.memory_space<vmem_shared>>
      tpu.wait_dma2 semaphore(%run_scoped3A : memref<!tpu.dma_semaphore, #tpu.memory_space<semaphore_mem>>) src(%dma_wait3A_14 : memref<632x128xf32, #tpu.memory_space<vmem_shared>>) dst(%dma_wait3A_12 : memref<632x128xf32, #tpu.memory_space<hbm>>)
      tpu.yield
    }) : () -> ()
    return
  }
}

#map = affine_map<(d0, d1) -> (0, 0)>
#map1 = affine_map<(d0, d1) -> (0, 0, 0, 0)>
#map2 = affine_map<(d0, d1) -> (0, 0, 0)>
module attributes {stable_mosaic.version = 14 : i64} {
  func.func @_prop_kernel(%arg0: i32, %arg1: i32, %arg2: memref<20000x128xf32, #tpu.memory_space<hbm>>, %arg3: memref<2x16x160x128xi32, #tpu.memory_space<hbm>>, %arg4: memref<16x160x128xi32, #tpu.memory_space<hbm>>, %arg5: memref<10112x128xf32, #tpu.memory_space<hbm>>, %arg6: memref<2x10112x128xf32, #tpu.memory_space<hbm>>, %arg7: memref<32x128xi32, #tpu.memory_space<vmem>>, %arg8: memref<32x128xi32, #tpu.memory_space<vmem>>, %arg9: memref<2x128x128xf32, #tpu.memory_space<vmem>>, %arg10: memref<10112x128xf32, #tpu.memory_space<vmem_shared>>, %arg11: memref<!tpu.dma_semaphore, #tpu.memory_space<semaphore_mem>>, %arg12: memref<!tpu.dma_semaphore, #tpu.memory_space<semaphore_mem>>) attributes {dimension_semantics = [#tpu.dimension_semantics<core_parallel>, #tpu.dimension_semantics<subcore_parallel>], iteration_bounds = array<i64: 2, 16>, scalar_prefetch = 0 : i64, scratch_operands = 6 : i64, tpu.core_type = #tpu.core_type<sc_vector_subcore>, window_params = [{transform_indices = #map}, {transform_indices = #map1}, {transform_indices = #map2}, {transform_indices = #map}, {transform_indices = #map2}]} {
    %mul3A = arith.constant 632 : i32
    %mul3A_0 = arith.muli %arg1, %mul3A : i32
    "tpu.region"() ({
      %run_scoped3A = tpu.sem_alloc : memref<!tpu.dma_semaphore, #tpu.memory_space<semaphore_mem>>
      %dma_start3A = arith.constant 0 : i32
      %dma_start3A_7 = tpu.memref_slice %arg10[%mul3A_0, %dma_start3A] : memref<10112x128xf32, #tpu.memory_space<vmem_shared>> -> memref<632x128xf32, #tpu.memory_space<vmem_shared>>
      %dma_start3A_8 = arith.constant 0 : i32
      %dma_start3A_9 = tpu.memref_slice %arg5[%mul3A_0, %dma_start3A_8] : memref<10112x128xf32, #tpu.memory_space<hbm>> -> memref<632x128xf32, #tpu.memory_space<hbm>>
      tpu.enqueue_dma source(%dma_start3A_9 : memref<632x128xf32, #tpu.memory_space<hbm>>) target(%dma_start3A_7 : memref<632x128xf32, #tpu.memory_space<vmem_shared>>) target_semaphore(%run_scoped3A : memref<!tpu.dma_semaphore, #tpu.memory_space<semaphore_mem>>)
      %dma_wait3A = arith.constant 0 : i32
      %dma_wait3A_10 = tpu.memref_slice %arg10[%mul3A_0, %dma_wait3A] : memref<10112x128xf32, #tpu.memory_space<vmem_shared>> -> memref<632x128xf32, #tpu.memory_space<vmem_shared>>
      %dma_wait3A_11 = arith.constant 0 : i32
      %dma_wait3A_12 = tpu.memref_slice %arg5[%mul3A_0, %dma_wait3A_11] : memref<10112x128xf32, #tpu.memory_space<hbm>> -> memref<632x128xf32, #tpu.memory_space<hbm>>
      tpu.wait_dma2 semaphore(%run_scoped3A : memref<!tpu.dma_semaphore, #tpu.memory_space<semaphore_mem>>) src(%dma_wait3A_12 : memref<632x128xf32, #tpu.memory_space<hbm>>) dst(%dma_wait3A_10 : memref<632x128xf32, #tpu.memory_space<vmem_shared>>)
      tpu.yield
    }) : () -> ()
    %barrier3A = arith.constant 0 : index
    tpu.barrier barrier_id(%barrier3A)
    %scan3A = arith.constant 0 : i32
    %scan3A_1 = arith.constant 0 : i32
    %scan3A_2 = arith.constant 5 : i32
    %scan3A_3 = arith.addi %scan3A_1, %scan3A_2 : i32
    %scan3A_4 = arith.constant 1 : i32
    scf.for %scan3A_7 = %scan3A_1 to %scan3A_3 step %scan3A_4  : i32 {
      %mul3A_8 = arith.constant 32 : i32
      %mul3A_9 = arith.muli %scan3A_7, %mul3A_8 : i32
      "tpu.region"() ({
        %run_scoped3A = tpu.sem_alloc : memref<!tpu.dma_semaphore, #tpu.memory_space<semaphore_mem>>
        %dma_start3A_39 = arith.constant 0 : i32
        %dma_start3A_40 = tpu.memref_slice %arg3[%arg0, %arg1, %mul3A_9, %dma_start3A_39] : memref<2x16x160x128xi32, #tpu.memory_space<hbm>> -> memref<1x1x32x128xi32, #tpu.memory_space<hbm>>
        %dma_start3A_41 = tpu.memref_squeeze %dma_start3A_40 : memref<1x1x32x128xi32, #tpu.memory_space<hbm>> -> memref<32x128xi32, #tpu.memory_space<hbm>>
        %dma_start3A_42 = arith.constant 0 : i32
        %dma_start3A_43 = tpu.memref_slice %arg3[%arg0, %arg1, %mul3A_9, %dma_start3A_42] : memref<2x16x160x128xi32, #tpu.memory_space<hbm>> -> memref<1x1x32x128xi32, #tpu.memory_space<hbm>>
        %dma_start3A_44 = tpu.memref_squeeze %dma_start3A_43 : memref<1x1x32x128xi32, #tpu.memory_space<hbm>> -> memref<32x128xi32, #tpu.memory_space<hbm>>
        tpu.enqueue_dma source(%dma_start3A_44 : memref<32x128xi32, #tpu.memory_space<hbm>>) target(%arg7 : memref<32x128xi32, #tpu.memory_space<vmem>>) target_semaphore(%run_scoped3A : memref<!tpu.dma_semaphore, #tpu.memory_space<semaphore_mem>>)
        %dma_wait3A_45 = arith.constant 0 : i32
        %dma_wait3A_46 = tpu.memref_slice %arg3[%arg0, %arg1, %mul3A_9, %dma_wait3A_45] : memref<2x16x160x128xi32, #tpu.memory_space<hbm>> -> memref<1x1x32x128xi32, #tpu.memory_space<hbm>>
        %dma_wait3A_47 = tpu.memref_squeeze %dma_wait3A_46 : memref<1x1x32x128xi32, #tpu.memory_space<hbm>> -> memref<32x128xi32, #tpu.memory_space<hbm>>
        %dma_wait3A_48 = arith.constant 0 : i32
        %dma_wait3A_49 = tpu.memref_slice %arg3[%arg0, %arg1, %mul3A_9, %dma_wait3A_48] : memref<2x16x160x128xi32, #tpu.memory_space<hbm>> -> memref<1x1x32x128xi32, #tpu.memory_space<hbm>>
        %dma_wait3A_50 = tpu.memref_squeeze %dma_wait3A_49 : memref<1x1x32x128xi32, #tpu.memory_space<hbm>> -> memref<32x128xi32, #tpu.memory_space<hbm>>
        tpu.wait_dma2 semaphore(%run_scoped3A : memref<!tpu.dma_semaphore, #tpu.memory_space<semaphore_mem>>) src(%dma_wait3A_50 : memref<32x128xi32, #tpu.memory_space<hbm>>) dst(%arg7 : memref<32x128xi32, #tpu.memory_space<vmem>>)
        tpu.yield
      }) : () -> ()
      %mul3A_10 = arith.constant 32 : i32
      %mul3A_11 = arith.muli %scan3A_7, %mul3A_10 : i32
      "tpu.region"() ({
        %run_scoped3A = tpu.sem_alloc : memref<!tpu.dma_semaphore, #tpu.memory_space<semaphore_mem>>
        %dma_start3A_39 = arith.constant 0 : i32
        %dma_start3A_40 = tpu.memref_slice %arg4[%arg1, %mul3A_11, %dma_start3A_39] : memref<16x160x128xi32, #tpu.memory_space<hbm>> -> memref<1x32x128xi32, #tpu.memory_space<hbm>>
        %dma_start3A_41 = tpu.memref_squeeze %dma_start3A_40 : memref<1x32x128xi32, #tpu.memory_space<hbm>> -> memref<32x128xi32, #tpu.memory_space<hbm>>
        %dma_start3A_42 = arith.constant 0 : i32
        %dma_start3A_43 = tpu.memref_slice %arg4[%arg1, %mul3A_11, %dma_start3A_42] : memref<16x160x128xi32, #tpu.memory_space<hbm>> -> memref<1x32x128xi32, #tpu.memory_space<hbm>>
        %dma_start3A_44 = tpu.memref_squeeze %dma_start3A_43 : memref<1x32x128xi32, #tpu.memory_space<hbm>> -> memref<32x128xi32, #tpu.memory_space<hbm>>
        tpu.enqueue_dma source(%dma_start3A_44 : memref<32x128xi32, #tpu.memory_space<hbm>>) target(%arg8 : memref<32x128xi32, #tpu.memory_space<vmem>>) target_semaphore(%run_scoped3A : memref<!tpu.dma_semaphore, #tpu.memory_space<semaphore_mem>>)
        %dma_wait3A_45 = arith.constant 0 : i32
        %dma_wait3A_46 = tpu.memref_slice %arg4[%arg1, %mul3A_11, %dma_wait3A_45] : memref<16x160x128xi32, #tpu.memory_space<hbm>> -> memref<1x32x128xi32, #tpu.memory_space<hbm>>
        %dma_wait3A_47 = tpu.memref_squeeze %dma_wait3A_46 : memref<1x32x128xi32, #tpu.memory_space<hbm>> -> memref<32x128xi32, #tpu.memory_space<hbm>>
        %dma_wait3A_48 = arith.constant 0 : i32
        %dma_wait3A_49 = tpu.memref_slice %arg4[%arg1, %mul3A_11, %dma_wait3A_48] : memref<16x160x128xi32, #tpu.memory_space<hbm>> -> memref<1x32x128xi32, #tpu.memory_space<hbm>>
        %dma_wait3A_50 = tpu.memref_squeeze %dma_wait3A_49 : memref<1x32x128xi32, #tpu.memory_space<hbm>> -> memref<32x128xi32, #tpu.memory_space<hbm>>
        tpu.wait_dma2 semaphore(%run_scoped3A : memref<!tpu.dma_semaphore, #tpu.memory_space<semaphore_mem>>) src(%dma_wait3A_50 : memref<32x128xi32, #tpu.memory_space<hbm>>) dst(%arg8 : memref<32x128xi32, #tpu.memory_space<vmem>>)
        tpu.yield
      }) : () -> ()
      %dma_start3A = arith.constant 0 : i32
      %dma_start3A_12 = arith.constant 0 : i32
      %dma_start3A_13 = arith.constant 0 : i32
      %dma_start3A_14 = arith.constant 0 : i32
      %dma_start3A_15 = tpu.memref_slice %arg9[%dma_start3A_12, %dma_start3A_13, %dma_start3A_14] : memref<2x128x128xf32, #tpu.memory_space<vmem>> -> memref<1x128x128xf32, #tpu.memory_space<vmem>>
      %dma_start3A_16 = tpu.memref_squeeze %dma_start3A_15 : memref<1x128x128xf32, #tpu.memory_space<vmem>> -> memref<128x128xf32, #tpu.memory_space<vmem>>
      %dma_start3A_17 = arith.constant 0 : i32
      %dma_start3A_18 = tpu.memref_slice %arg7[%dma_start3A, %dma_start3A_17] : memref<32x128xi32, #tpu.memory_space<vmem>> -> memref<1x128xi32, #tpu.memory_space<vmem>>
      %dma_start3A_19 = tpu.memref_squeeze %dma_start3A_18 : memref<1x128xi32, #tpu.memory_space<vmem>> -> memref<128xi32, #tpu.memory_space<vmem>>
      %dma_start3A_20 = arith.constant 0 : i32
      %dma_start3A_21 = arith.constant 0 : i32
      %dma_start3A_22 = tpu.memref_slice %arg2[%dma_start3A_20, %dma_start3A_21] : memref<20000x128xf32, #tpu.memory_space<hbm>> -> memref<20000x128xf32, #tpu.memory_space<hbm>>
      tpu.enqueue_indirect_dma source(%dma_start3A_22 : memref<20000x128xf32, #tpu.memory_space<hbm>>) target(%dma_start3A_16 : memref<128x128xf32, #tpu.memory_space<vmem>>) offsets(%dma_start3A_19 : memref<128xi32, #tpu.memory_space<vmem>>) semaphore(%arg11 : memref<!tpu.dma_semaphore, #tpu.memory_space<semaphore_mem>>)
      %scan3A_23 = arith.constant 0 : i32
      %scan3A_24 = arith.constant 32 : i32
      %scan3A_25 = arith.addi %scan3A_23, %scan3A_24 : i32
      %scan3A_26 = arith.constant 1 : i32
      scf.for %scan3A_39 = %scan3A_23 to %scan3A_25 step %scan3A_26  : i32 {
        %rem3A = arith.constant 2 : i32
        %rem3A_40 = arith.remsi %scan3A_39, %rem3A : i32
        %dma_wait3A_41 = arith.constant 0 : i32
        %dma_wait3A_42 = arith.constant 0 : i32
        %dma_wait3A_43 = tpu.memref_slice %arg9[%rem3A_40, %dma_wait3A_41, %dma_wait3A_42] : memref<2x128x128xf32, #tpu.memory_space<vmem>> -> memref<1x128x128xf32, #tpu.memory_space<vmem>>
        %dma_wait3A_44 = tpu.memref_squeeze %dma_wait3A_43 : memref<1x128x128xf32, #tpu.memory_space<vmem>> -> memref<128x128xf32, #tpu.memory_space<vmem>>
        %dma_wait3A_45 = arith.constant 0 : i32
        %dma_wait3A_46 = tpu.memref_slice %arg7[%scan3A_39, %dma_wait3A_45] : memref<32x128xi32, #tpu.memory_space<vmem>> -> memref<1x128xi32, #tpu.memory_space<vmem>>
        %dma_wait3A_47 = tpu.memref_squeeze %dma_wait3A_46 : memref<1x128xi32, #tpu.memory_space<vmem>> -> memref<128xi32, #tpu.memory_space<vmem>>
        %dma_wait3A_48 = arith.constant 0 : i32
        %dma_wait3A_49 = arith.constant 0 : i32
        %dma_wait3A_50 = tpu.memref_slice %arg2[%dma_wait3A_48, %dma_wait3A_49] : memref<20000x128xf32, #tpu.memory_space<hbm>> -> memref<20000x128xf32, #tpu.memory_space<hbm>>
        tpu.wait_indirect_dma semaphore(%arg11 : memref<!tpu.dma_semaphore, #tpu.memory_space<semaphore_mem>>) src(%dma_wait3A_50 : memref<20000x128xf32, #tpu.memory_space<hbm>>) dst(%dma_wait3A_44 : memref<128x128xf32, #tpu.memory_space<vmem>>)
        %dma_start3A_51 = arith.constant 0 : i32
        %dma_start3A_52 = arith.constant 0 : i32
        %dma_start3A_53 = tpu.memref_slice %arg9[%rem3A_40, %dma_start3A_51, %dma_start3A_52] : memref<2x128x128xf32, #tpu.memory_space<vmem>> -> memref<1x128x128xf32, #tpu.memory_space<vmem>>
        %dma_start3A_54 = tpu.memref_squeeze %dma_start3A_53 : memref<1x128x128xf32, #tpu.memory_space<vmem>> -> memref<128x128xf32, #tpu.memory_space<vmem>>
        %dma_start3A_55 = arith.constant 0 : i32
        %dma_start3A_56 = tpu.memref_slice %arg8[%scan3A_39, %dma_start3A_55] : memref<32x128xi32, #tpu.memory_space<vmem>> -> memref<1x128xi32, #tpu.memory_space<vmem>>
        %dma_start3A_57 = tpu.memref_squeeze %dma_start3A_56 : memref<1x128xi32, #tpu.memory_space<vmem>> -> memref<128xi32, #tpu.memory_space<vmem>>
        %dma_start3A_58 = arith.constant 0 : i32
        %dma_start3A_59 = arith.constant 0 : i32
        %dma_start3A_60 = tpu.memref_slice %arg10[%dma_start3A_58, %dma_start3A_59] : memref<10112x128xf32, #tpu.memory_space<vmem_shared>> -> memref<10112x128xf32, #tpu.memory_space<vmem_shared>>
        tpu.enqueue_indirect_dma source(%dma_start3A_54 : memref<128x128xf32, #tpu.memory_space<vmem>>) target(%dma_start3A_60 : memref<10112x128xf32, #tpu.memory_space<vmem_shared>>) offsets(%dma_start3A_57 : memref<128xi32, #tpu.memory_space<vmem>>) semaphore(%arg12 : memref<!tpu.dma_semaphore, #tpu.memory_space<semaphore_mem>>) {add = true}
        %ge3A = arith.constant 1 : i32
        %ge3A_61 = arith.cmpi sge, %scan3A_39, %ge3A : i32
        %convert_element_type3A = arith.extui %ge3A_61 : i1 to i32
        %cond3A = arith.constant 0 : i32
        %cond3A_62 = arith.cmpi ne, %convert_element_type3A, %cond3A : i32
        scf.if %cond3A_62 {
          %dma_wait3A_68 = arith.constant 0 : i32
          %dma_wait3A_69 = arith.constant 0 : i32
          %dma_wait3A_70 = arith.constant 0 : i32
          %dma_wait3A_71 = arith.constant 0 : i32
          %dma_wait3A_72 = tpu.memref_slice %arg9[%dma_wait3A_68, %dma_wait3A_70, %dma_wait3A_71] : memref<2x128x128xf32, #tpu.memory_space<vmem>> -> memref<1x128x128xf32, #tpu.memory_space<vmem>>
          %dma_wait3A_73 = tpu.memref_squeeze %dma_wait3A_72 : memref<1x128x128xf32, #tpu.memory_space<vmem>> -> memref<128x128xf32, #tpu.memory_space<vmem>>
          %dma_wait3A_74 = arith.constant 0 : i32
          %dma_wait3A_75 = tpu.memref_slice %arg8[%dma_wait3A_69, %dma_wait3A_74] : memref<32x128xi32, #tpu.memory_space<vmem>> -> memref<1x128xi32, #tpu.memory_space<vmem>>
          %dma_wait3A_76 = tpu.memref_squeeze %dma_wait3A_75 : memref<1x128xi32, #tpu.memory_space<vmem>> -> memref<128xi32, #tpu.memory_space<vmem>>
          %dma_wait3A_77 = arith.constant 0 : i32
          %dma_wait3A_78 = arith.constant 0 : i32
          %dma_wait3A_79 = tpu.memref_slice %arg10[%dma_wait3A_77, %dma_wait3A_78] : memref<10112x128xf32, #tpu.memory_space<vmem_shared>> -> memref<10112x128xf32, #tpu.memory_space<vmem_shared>>
          tpu.wait_indirect_dma semaphore(%arg12 : memref<!tpu.dma_semaphore, #tpu.memory_space<semaphore_mem>>) src(%dma_wait3A_73 : memref<128x128xf32, #tpu.memory_space<vmem>>) dst(%dma_wait3A_79 : memref<10112x128xf32, #tpu.memory_space<vmem_shared>>)
        } else {
        }
        %add3A = arith.constant 1 : i32
        %add3A_63 = arith.addi %scan3A_39, %add3A : i32
        %lt3A = arith.constant 32 : i32
        %lt3A_64 = arith.cmpi slt, %add3A_63, %lt3A : i32
        %convert_element_type3A_65 = arith.extui %lt3A_64 : i1 to i32
        %cond3A_66 = arith.constant 0 : i32
        %cond3A_67 = arith.cmpi ne, %convert_element_type3A_65, %cond3A_66 : i32
        scf.if %cond3A_67 {
          %add3A_68 = arith.constant 1 : i32
          %add3A_69 = arith.addi %scan3A_39, %add3A_68 : i32
          %rem3A_70 = arith.constant 2 : i32
          %rem3A_71 = arith.remsi %add3A_69, %rem3A_70 : i32
          %add3A_72 = arith.constant 1 : i32
          %add3A_73 = arith.addi %scan3A_39, %add3A_72 : i32
          %dma_start3A_74 = arith.constant 0 : i32
          %dma_start3A_75 = arith.constant 0 : i32
          %dma_start3A_76 = tpu.memref_slice %arg9[%rem3A_71, %dma_start3A_74, %dma_start3A_75] : memref<2x128x128xf32, #tpu.memory_space<vmem>> -> memref<1x128x128xf32, #tpu.memory_space<vmem>>
          %dma_start3A_77 = tpu.memref_squeeze %dma_start3A_76 : memref<1x128x128xf32, #tpu.memory_space<vmem>> -> memref<128x128xf32, #tpu.memory_space<vmem>>
          %dma_start3A_78 = arith.constant 0 : i32
          %dma_start3A_79 = tpu.memref_slice %arg7[%add3A_73, %dma_start3A_78] : memref<32x128xi32, #tpu.memory_space<vmem>> -> memref<1x128xi32, #tpu.memory_space<vmem>>
          %dma_start3A_80 = tpu.memref_squeeze %dma_start3A_79 : memref<1x128xi32, #tpu.memory_space<vmem>> -> memref<128xi32, #tpu.memory_space<vmem>>
          %dma_start3A_81 = arith.constant 0 : i32
          %dma_start3A_82 = arith.constant 0 : i32
          %dma_start3A_83 = tpu.memref_slice %arg2[%dma_start3A_81, %dma_start3A_82] : memref<20000x128xf32, #tpu.memory_space<hbm>> -> memref<20000x128xf32, #tpu.memory_space<hbm>>
          tpu.enqueue_indirect_dma source(%dma_start3A_83 : memref<20000x128xf32, #tpu.memory_space<hbm>>) target(%dma_start3A_77 : memref<128x128xf32, #tpu.memory_space<vmem>>) offsets(%dma_start3A_80 : memref<128xi32, #tpu.memory_space<vmem>>) semaphore(%arg11 : memref<!tpu.dma_semaphore, #tpu.memory_space<semaphore_mem>>)
        } else {
        }
      }
      %scan3A_27 = arith.constant 32 : i32
      %dma_wait3A = arith.constant 0 : i32
      %dma_wait3A_28 = arith.constant 0 : i32
      %dma_wait3A_29 = arith.constant 0 : i32
      %dma_wait3A_30 = arith.constant 0 : i32
      %dma_wait3A_31 = tpu.memref_slice %arg9[%dma_wait3A, %dma_wait3A_29, %dma_wait3A_30] : memref<2x128x128xf32, #tpu.memory_space<vmem>> -> memref<1x128x128xf32, #tpu.memory_space<vmem>>
      %dma_wait3A_32 = tpu.memref_squeeze %dma_wait3A_31 : memref<1x128x128xf32, #tpu.memory_space<vmem>> -> memref<128x128xf32, #tpu.memory_space<vmem>>
      %dma_wait3A_33 = arith.constant 0 : i32
      %dma_wait3A_34 = tpu.memref_slice %arg8[%dma_wait3A_28, %dma_wait3A_33] : memref<32x128xi32, #tpu.memory_space<vmem>> -> memref<1x128xi32, #tpu.memory_space<vmem>>
      %dma_wait3A_35 = tpu.memref_squeeze %dma_wait3A_34 : memref<1x128xi32, #tpu.memory_space<vmem>> -> memref<128xi32, #tpu.memory_space<vmem>>
      %dma_wait3A_36 = arith.constant 0 : i32
      %dma_wait3A_37 = arith.constant 0 : i32
      %dma_wait3A_38 = tpu.memref_slice %arg10[%dma_wait3A_36, %dma_wait3A_37] : memref<10112x128xf32, #tpu.memory_space<vmem_shared>> -> memref<10112x128xf32, #tpu.memory_space<vmem_shared>>
      tpu.wait_indirect_dma semaphore(%arg12 : memref<!tpu.dma_semaphore, #tpu.memory_space<semaphore_mem>>) src(%dma_wait3A_32 : memref<128x128xf32, #tpu.memory_space<vmem>>) dst(%dma_wait3A_38 : memref<10112x128xf32, #tpu.memory_space<vmem_shared>>)
    }
    %scan3A_5 = arith.constant 5 : i32
    %barrier3A_6 = arith.constant 0 : index
    tpu.barrier barrier_id(%barrier3A_6)
    "tpu.region"() ({
      %run_scoped3A = tpu.sem_alloc : memref<!tpu.dma_semaphore, #tpu.memory_space<semaphore_mem>>
      %dma_start3A = arith.constant 0 : i32
      %dma_start3A_7 = tpu.memref_slice %arg6[%arg0, %mul3A_0, %dma_start3A] : memref<2x10112x128xf32, #tpu.memory_space<hbm>> -> memref<1x632x128xf32, #tpu.memory_space<hbm>>
      %dma_start3A_8 = tpu.memref_squeeze %dma_start3A_7 : memref<1x632x128xf32, #tpu.memory_space<hbm>> -> memref<632x128xf32, #tpu.memory_space<hbm>>
      %dma_start3A_9 = arith.constant 0 : i32
      %dma_start3A_10 = tpu.memref_slice %arg10[%mul3A_0, %dma_start3A_9] : memref<10112x128xf32, #tpu.memory_space<vmem_shared>> -> memref<632x128xf32, #tpu.memory_space<vmem_shared>>
      tpu.enqueue_dma source(%dma_start3A_10 : memref<632x128xf32, #tpu.memory_space<vmem_shared>>) target(%dma_start3A_8 : memref<632x128xf32, #tpu.memory_space<hbm>>) target_semaphore(%run_scoped3A : memref<!tpu.dma_semaphore, #tpu.memory_space<semaphore_mem>>)
      %dma_wait3A = arith.constant 0 : i32
      %dma_wait3A_11 = tpu.memref_slice %arg6[%arg0, %mul3A_0, %dma_wait3A] : memref<2x10112x128xf32, #tpu.memory_space<hbm>> -> memref<1x632x128xf32, #tpu.memory_space<hbm>>
      %dma_wait3A_12 = tpu.memref_squeeze %dma_wait3A_11 : memref<1x632x128xf32, #tpu.memory_space<hbm>> -> memref<632x128xf32, #tpu.memory_space<hbm>>
      %dma_wait3A_13 = arith.constant 0 : i32
      %dma_wait3A_14 = tpu.memref_slice %arg10[%mul3A_0, %dma_wait3A_13] : memref<10112x128xf32, #tpu.memory_space<vmem_shared>> -> memref<632x128xf32, #tpu.memory_space<vmem_shared>>
      tpu.wait_dma2 semaphore(%run_scoped3A : memref<!tpu.dma_semaphore, #tpu.memory_space<semaphore_mem>>) src(%dma_wait3A_14 : memref<632x128xf32, #tpu.memory_space<vmem_shared>>) dst(%dma_wait3A_12 : memref<632x128xf32, #tpu.memory_space<hbm>>)
      tpu.yield
    }) : () -> ()
    return
  }
}

#map = affine_map<(d0, d1) -> (0, 0)>
#map1 = affine_map<(d0, d1) -> (0, 0, 0, 0)>
#map2 = affine_map<(d0, d1) -> (0, 0, 0)>
module attributes {stable_mosaic.version = 14 : i64} {
  func.func @_prop_kernel(%arg0: i32, %arg1: i32, %arg2: memref<20000x128xf32, #tpu.memory_space<hbm>>, %arg3: memref<2x16x160x128xi32, #tpu.memory_space<hbm>>, %arg4: memref<16x160x128xi32, #tpu.memory_space<hbm>>, %arg5: memref<10112x128xf32, #tpu.memory_space<hbm>>, %arg6: memref<2x10112x128xf32, #tpu.memory_space<hbm>>, %arg7: memref<32x128xi32, #tpu.memory_space<vmem>>, %arg8: memref<32x128xi32, #tpu.memory_space<vmem>>, %arg9: memref<2x128x128xf32, #tpu.memory_space<vmem>>, %arg10: memref<10112x128xf32, #tpu.memory_space<vmem_shared>>, %arg11: memref<!tpu.dma_semaphore, #tpu.memory_space<semaphore_mem>>, %arg12: memref<!tpu.dma_semaphore, #tpu.memory_space<semaphore_mem>>) attributes {dimension_semantics = [#tpu.dimension_semantics<core_parallel>, #tpu.dimension_semantics<subcore_parallel>], iteration_bounds = array<i64: 2, 16>, scalar_prefetch = 0 : i64, scratch_operands = 6 : i64, tpu.core_type = #tpu.core_type<sc_vector_subcore>, window_params = [{transform_indices = #map}, {transform_indices = #map1}, {transform_indices = #map2}, {transform_indices = #map}, {transform_indices = #map2}]} {
    %mul3A = arith.constant 632 : i32
    %mul3A_0 = arith.muli %arg1, %mul3A : i32
    "tpu.region"() ({
      %run_scoped3A = tpu.sem_alloc : memref<!tpu.dma_semaphore, #tpu.memory_space<semaphore_mem>>
      %dma_start3A = arith.constant 0 : i32
      %dma_start3A_7 = tpu.memref_slice %arg10[%mul3A_0, %dma_start3A] : memref<10112x128xf32, #tpu.memory_space<vmem_shared>> -> memref<632x128xf32, #tpu.memory_space<vmem_shared>>
      %dma_start3A_8 = arith.constant 0 : i32
      %dma_start3A_9 = tpu.memref_slice %arg5[%mul3A_0, %dma_start3A_8] : memref<10112x128xf32, #tpu.memory_space<hbm>> -> memref<632x128xf32, #tpu.memory_space<hbm>>
      tpu.enqueue_dma source(%dma_start3A_9 : memref<632x128xf32, #tpu.memory_space<hbm>>) target(%dma_start3A_7 : memref<632x128xf32, #tpu.memory_space<vmem_shared>>) target_semaphore(%run_scoped3A : memref<!tpu.dma_semaphore, #tpu.memory_space<semaphore_mem>>)
      %dma_wait3A = arith.constant 0 : i32
      %dma_wait3A_10 = tpu.memref_slice %arg10[%mul3A_0, %dma_wait3A] : memref<10112x128xf32, #tpu.memory_space<vmem_shared>> -> memref<632x128xf32, #tpu.memory_space<vmem_shared>>
      %dma_wait3A_11 = arith.constant 0 : i32
      %dma_wait3A_12 = tpu.memref_slice %arg5[%mul3A_0, %dma_wait3A_11] : memref<10112x128xf32, #tpu.memory_space<hbm>> -> memref<632x128xf32, #tpu.memory_space<hbm>>
      tpu.wait_dma2 semaphore(%run_scoped3A : memref<!tpu.dma_semaphore, #tpu.memory_space<semaphore_mem>>) src(%dma_wait3A_12 : memref<632x128xf32, #tpu.memory_space<hbm>>) dst(%dma_wait3A_10 : memref<632x128xf32, #tpu.memory_space<vmem_shared>>)
      tpu.yield
    }) : () -> ()
    %barrier3A = arith.constant 0 : index
    tpu.barrier barrier_id(%barrier3A)
    %scan3A = arith.constant 0 : i32
    %scan3A_1 = arith.constant 0 : i32
    %scan3A_2 = arith.constant 5 : i32
    %scan3A_3 = arith.addi %scan3A_1, %scan3A_2 : i32
    %scan3A_4 = arith.constant 1 : i32
    scf.for %scan3A_7 = %scan3A_1 to %scan3A_3 step %scan3A_4  : i32 {
      %mul3A_8 = arith.constant 32 : i32
      %mul3A_9 = arith.muli %scan3A_7, %mul3A_8 : i32
      "tpu.region"() ({
        %run_scoped3A = tpu.sem_alloc : memref<!tpu.dma_semaphore, #tpu.memory_space<semaphore_mem>>
        %dma_start3A_39 = arith.constant 0 : i32
        %dma_start3A_40 = tpu.memref_slice %arg3[%arg0, %arg1, %mul3A_9, %dma_start3A_39] : memref<2x16x160x128xi32, #tpu.memory_space<hbm>> -> memref<1x1x32x128xi32, #tpu.memory_space<hbm>>
        %dma_start3A_41 = tpu.memref_squeeze %dma_start3A_40 : memref<1x1x32x128xi32, #tpu.memory_space<hbm>> -> memref<32x128xi32, #tpu.memory_space<hbm>>
        %dma_start3A_42 = arith.constant 0 : i32
        %dma_start3A_43 = tpu.memref_slice %arg3[%arg0, %arg1, %mul3A_9, %dma_start3A_42] : memref<2x16x160x128xi32, #tpu.memory_space<hbm>> -> memref<1x1x32x128xi32, #tpu.memory_space<hbm>>
        %dma_start3A_44 = tpu.memref_squeeze %dma_start3A_43 : memref<1x1x32x128xi32, #tpu.memory_space<hbm>> -> memref<32x128xi32, #tpu.memory_space<hbm>>
        tpu.enqueue_dma source(%dma_start3A_44 : memref<32x128xi32, #tpu.memory_space<hbm>>) target(%arg7 : memref<32x128xi32, #tpu.memory_space<vmem>>) target_semaphore(%run_scoped3A : memref<!tpu.dma_semaphore, #tpu.memory_space<semaphore_mem>>)
        %dma_wait3A_45 = arith.constant 0 : i32
        %dma_wait3A_46 = tpu.memref_slice %arg3[%arg0, %arg1, %mul3A_9, %dma_wait3A_45] : memref<2x16x160x128xi32, #tpu.memory_space<hbm>> -> memref<1x1x32x128xi32, #tpu.memory_space<hbm>>
        %dma_wait3A_47 = tpu.memref_squeeze %dma_wait3A_46 : memref<1x1x32x128xi32, #tpu.memory_space<hbm>> -> memref<32x128xi32, #tpu.memory_space<hbm>>
        %dma_wait3A_48 = arith.constant 0 : i32
        %dma_wait3A_49 = tpu.memref_slice %arg3[%arg0, %arg1, %mul3A_9, %dma_wait3A_48] : memref<2x16x160x128xi32, #tpu.memory_space<hbm>> -> memref<1x1x32x128xi32, #tpu.memory_space<hbm>>
        %dma_wait3A_50 = tpu.memref_squeeze %dma_wait3A_49 : memref<1x1x32x128xi32, #tpu.memory_space<hbm>> -> memref<32x128xi32, #tpu.memory_space<hbm>>
        tpu.wait_dma2 semaphore(%run_scoped3A : memref<!tpu.dma_semaphore, #tpu.memory_space<semaphore_mem>>) src(%dma_wait3A_50 : memref<32x128xi32, #tpu.memory_space<hbm>>) dst(%arg7 : memref<32x128xi32, #tpu.memory_space<vmem>>)
        tpu.yield
      }) : () -> ()
      %mul3A_10 = arith.constant 32 : i32
      %mul3A_11 = arith.muli %scan3A_7, %mul3A_10 : i32
      "tpu.region"() ({
        %run_scoped3A = tpu.sem_alloc : memref<!tpu.dma_semaphore, #tpu.memory_space<semaphore_mem>>
        %dma_start3A_39 = arith.constant 0 : i32
        %dma_start3A_40 = tpu.memref_slice %arg4[%arg1, %mul3A_11, %dma_start3A_39] : memref<16x160x128xi32, #tpu.memory_space<hbm>> -> memref<1x32x128xi32, #tpu.memory_space<hbm>>
        %dma_start3A_41 = tpu.memref_squeeze %dma_start3A_40 : memref<1x32x128xi32, #tpu.memory_space<hbm>> -> memref<32x128xi32, #tpu.memory_space<hbm>>
        %dma_start3A_42 = arith.constant 0 : i32
        %dma_start3A_43 = tpu.memref_slice %arg4[%arg1, %mul3A_11, %dma_start3A_42] : memref<16x160x128xi32, #tpu.memory_space<hbm>> -> memref<1x32x128xi32, #tpu.memory_space<hbm>>
        %dma_start3A_44 = tpu.memref_squeeze %dma_start3A_43 : memref<1x32x128xi32, #tpu.memory_space<hbm>> -> memref<32x128xi32, #tpu.memory_space<hbm>>
        tpu.enqueue_dma source(%dma_start3A_44 : memref<32x128xi32, #tpu.memory_space<hbm>>) target(%arg8 : memref<32x128xi32, #tpu.memory_space<vmem>>) target_semaphore(%run_scoped3A : memref<!tpu.dma_semaphore, #tpu.memory_space<semaphore_mem>>)
        %dma_wait3A_45 = arith.constant 0 : i32
        %dma_wait3A_46 = tpu.memref_slice %arg4[%arg1, %mul3A_11, %dma_wait3A_45] : memref<16x160x128xi32, #tpu.memory_space<hbm>> -> memref<1x32x128xi32, #tpu.memory_space<hbm>>
        %dma_wait3A_47 = tpu.memref_squeeze %dma_wait3A_46 : memref<1x32x128xi32, #tpu.memory_space<hbm>> -> memref<32x128xi32, #tpu.memory_space<hbm>>
        %dma_wait3A_48 = arith.constant 0 : i32
        %dma_wait3A_49 = tpu.memref_slice %arg4[%arg1, %mul3A_11, %dma_wait3A_48] : memref<16x160x128xi32, #tpu.memory_space<hbm>> -> memref<1x32x128xi32, #tpu.memory_space<hbm>>
        %dma_wait3A_50 = tpu.memref_squeeze %dma_wait3A_49 : memref<1x32x128xi32, #tpu.memory_space<hbm>> -> memref<32x128xi32, #tpu.memory_space<hbm>>
        tpu.wait_dma2 semaphore(%run_scoped3A : memref<!tpu.dma_semaphore, #tpu.memory_space<semaphore_mem>>) src(%dma_wait3A_50 : memref<32x128xi32, #tpu.memory_space<hbm>>) dst(%arg8 : memref<32x128xi32, #tpu.memory_space<vmem>>)
        tpu.yield
      }) : () -> ()
      %dma_start3A = arith.constant 0 : i32
      %dma_start3A_12 = arith.constant 0 : i32
      %dma_start3A_13 = arith.constant 0 : i32
      %dma_start3A_14 = arith.constant 0 : i32
      %dma_start3A_15 = tpu.memref_slice %arg9[%dma_start3A_12, %dma_start3A_13, %dma_start3A_14] : memref<2x128x128xf32, #tpu.memory_space<vmem>> -> memref<1x128x128xf32, #tpu.memory_space<vmem>>
      %dma_start3A_16 = tpu.memref_squeeze %dma_start3A_15 : memref<1x128x128xf32, #tpu.memory_space<vmem>> -> memref<128x128xf32, #tpu.memory_space<vmem>>
      %dma_start3A_17 = arith.constant 0 : i32
      %dma_start3A_18 = tpu.memref_slice %arg7[%dma_start3A, %dma_start3A_17] : memref<32x128xi32, #tpu.memory_space<vmem>> -> memref<1x128xi32, #tpu.memory_space<vmem>>
      %dma_start3A_19 = tpu.memref_squeeze %dma_start3A_18 : memref<1x128xi32, #tpu.memory_space<vmem>> -> memref<128xi32, #tpu.memory_space<vmem>>
      %dma_start3A_20 = arith.constant 0 : i32
      %dma_start3A_21 = arith.constant 0 : i32
      %dma_start3A_22 = tpu.memref_slice %arg2[%dma_start3A_20, %dma_start3A_21] : memref<20000x128xf32, #tpu.memory_space<hbm>> -> memref<20000x128xf32, #tpu.memory_space<hbm>>
      tpu.enqueue_indirect_dma source(%dma_start3A_22 : memref<20000x128xf32, #tpu.memory_space<hbm>>) target(%dma_start3A_16 : memref<128x128xf32, #tpu.memory_space<vmem>>) offsets(%dma_start3A_19 : memref<128xi32, #tpu.memory_space<vmem>>) semaphore(%arg11 : memref<!tpu.dma_semaphore, #tpu.memory_space<semaphore_mem>>)
      %scan3A_23 = arith.constant 0 : i32
      %scan3A_24 = arith.constant 32 : i32
      %scan3A_25 = arith.addi %scan3A_23, %scan3A_24 : i32
      %scan3A_26 = arith.constant 1 : i32
      scf.for %scan3A_39 = %scan3A_23 to %scan3A_25 step %scan3A_26  : i32 {
        %rem3A = arith.constant 2 : i32
        %rem3A_40 = arith.remsi %scan3A_39, %rem3A : i32
        %dma_wait3A_41 = arith.constant 0 : i32
        %dma_wait3A_42 = arith.constant 0 : i32
        %dma_wait3A_43 = tpu.memref_slice %arg9[%rem3A_40, %dma_wait3A_41, %dma_wait3A_42] : memref<2x128x128xf32, #tpu.memory_space<vmem>> -> memref<1x128x128xf32, #tpu.memory_space<vmem>>
        %dma_wait3A_44 = tpu.memref_squeeze %dma_wait3A_43 : memref<1x128x128xf32, #tpu.memory_space<vmem>> -> memref<128x128xf32, #tpu.memory_space<vmem>>
        %dma_wait3A_45 = arith.constant 0 : i32
        %dma_wait3A_46 = tpu.memref_slice %arg7[%scan3A_39, %dma_wait3A_45] : memref<32x128xi32, #tpu.memory_space<vmem>> -> memref<1x128xi32, #tpu.memory_space<vmem>>
        %dma_wait3A_47 = tpu.memref_squeeze %dma_wait3A_46 : memref<1x128xi32, #tpu.memory_space<vmem>> -> memref<128xi32, #tpu.memory_space<vmem>>
        %dma_wait3A_48 = arith.constant 0 : i32
        %dma_wait3A_49 = arith.constant 0 : i32
        %dma_wait3A_50 = tpu.memref_slice %arg2[%dma_wait3A_48, %dma_wait3A_49] : memref<20000x128xf32, #tpu.memory_space<hbm>> -> memref<20000x128xf32, #tpu.memory_space<hbm>>
        tpu.wait_indirect_dma semaphore(%arg11 : memref<!tpu.dma_semaphore, #tpu.memory_space<semaphore_mem>>) src(%dma_wait3A_50 : memref<20000x128xf32, #tpu.memory_space<hbm>>) dst(%dma_wait3A_44 : memref<128x128xf32, #tpu.memory_space<vmem>>)
        %dma_start3A_51 = arith.constant 0 : i32
        %dma_start3A_52 = arith.constant 0 : i32
        %dma_start3A_53 = tpu.memref_slice %arg9[%rem3A_40, %dma_start3A_51, %dma_start3A_52] : memref<2x128x128xf32, #tpu.memory_space<vmem>> -> memref<1x128x128xf32, #tpu.memory_space<vmem>>
        %dma_start3A_54 = tpu.memref_squeeze %dma_start3A_53 : memref<1x128x128xf32, #tpu.memory_space<vmem>> -> memref<128x128xf32, #tpu.memory_space<vmem>>
        %dma_start3A_55 = arith.constant 0 : i32
        %dma_start3A_56 = tpu.memref_slice %arg8[%scan3A_39, %dma_start3A_55] : memref<32x128xi32, #tpu.memory_space<vmem>> -> memref<1x128xi32, #tpu.memory_space<vmem>>
        %dma_start3A_57 = tpu.memref_squeeze %dma_start3A_56 : memref<1x128xi32, #tpu.memory_space<vmem>> -> memref<128xi32, #tpu.memory_space<vmem>>
        %dma_start3A_58 = arith.constant 0 : i32
        %dma_start3A_59 = arith.constant 0 : i32
        %dma_start3A_60 = tpu.memref_slice %arg10[%dma_start3A_58, %dma_start3A_59] : memref<10112x128xf32, #tpu.memory_space<vmem_shared>> -> memref<10112x128xf32, #tpu.memory_space<vmem_shared>>
        tpu.enqueue_indirect_dma source(%dma_start3A_54 : memref<128x128xf32, #tpu.memory_space<vmem>>) target(%dma_start3A_60 : memref<10112x128xf32, #tpu.memory_space<vmem_shared>>) offsets(%dma_start3A_57 : memref<128xi32, #tpu.memory_space<vmem>>) semaphore(%arg12 : memref<!tpu.dma_semaphore, #tpu.memory_space<semaphore_mem>>) {add = true}
        %ge3A = arith.constant 1 : i32
        %ge3A_61 = arith.cmpi sge, %scan3A_39, %ge3A : i32
        %convert_element_type3A = arith.extui %ge3A_61 : i1 to i32
        %cond3A = arith.constant 0 : i32
        %cond3A_62 = arith.cmpi ne, %convert_element_type3A, %cond3A : i32
        scf.if %cond3A_62 {
          %dma_wait3A_68 = arith.constant 0 : i32
          %dma_wait3A_69 = arith.constant 0 : i32
          %dma_wait3A_70 = arith.constant 0 : i32
          %dma_wait3A_71 = arith.constant 0 : i32
          %dma_wait3A_72 = tpu.memref_slice %arg9[%dma_wait3A_68, %dma_wait3A_70, %dma_wait3A_71] : memref<2x128x128xf32, #tpu.memory_space<vmem>> -> memref<1x128x128xf32, #tpu.memory_space<vmem>>
          %dma_wait3A_73 = tpu.memref_squeeze %dma_wait3A_72 : memref<1x128x128xf32, #tpu.memory_space<vmem>> -> memref<128x128xf32, #tpu.memory_space<vmem>>
          %dma_wait3A_74 = arith.constant 0 : i32
          %dma_wait3A_75 = tpu.memref_slice %arg8[%dma_wait3A_69, %dma_wait3A_74] : memref<32x128xi32, #tpu.memory_space<vmem>> -> memref<1x128xi32, #tpu.memory_space<vmem>>
          %dma_wait3A_76 = tpu.memref_squeeze %dma_wait3A_75 : memref<1x128xi32, #tpu.memory_space<vmem>> -> memref<128xi32, #tpu.memory_space<vmem>>
          %dma_wait3A_77 = arith.constant 0 : i32
          %dma_wait3A_78 = arith.constant 0 : i32
          %dma_wait3A_79 = tpu.memref_slice %arg10[%dma_wait3A_77, %dma_wait3A_78] : memref<10112x128xf32, #tpu.memory_space<vmem_shared>> -> memref<10112x128xf32, #tpu.memory_space<vmem_shared>>
          tpu.wait_indirect_dma semaphore(%arg12 : memref<!tpu.dma_semaphore, #tpu.memory_space<semaphore_mem>>) src(%dma_wait3A_73 : memref<128x128xf32, #tpu.memory_space<vmem>>) dst(%dma_wait3A_79 : memref<10112x128xf32, #tpu.memory_space<vmem_shared>>)
        } else {
        }
        %add3A = arith.constant 1 : i32
        %add3A_63 = arith.addi %scan3A_39, %add3A : i32
        %lt3A = arith.constant 32 : i32
        %lt3A_64 = arith.cmpi slt, %add3A_63, %lt3A : i32
        %convert_element_type3A_65 = arith.extui %lt3A_64 : i1 to i32
        %cond3A_66 = arith.constant 0 : i32
        %cond3A_67 = arith.cmpi ne, %convert_element_type3A_65, %cond3A_66 : i32
        scf.if %cond3A_67 {
          %add3A_68 = arith.constant 1 : i32
          %add3A_69 = arith.addi %scan3A_39, %add3A_68 : i32
          %rem3A_70 = arith.constant 2 : i32
          %rem3A_71 = arith.remsi %add3A_69, %rem3A_70 : i32
          %add3A_72 = arith.constant 1 : i32
          %add3A_73 = arith.addi %scan3A_39, %add3A_72 : i32
          %dma_start3A_74 = arith.constant 0 : i32
          %dma_start3A_75 = arith.constant 0 : i32
          %dma_start3A_76 = tpu.memref_slice %arg9[%rem3A_71, %dma_start3A_74, %dma_start3A_75] : memref<2x128x128xf32, #tpu.memory_space<vmem>> -> memref<1x128x128xf32, #tpu.memory_space<vmem>>
          %dma_start3A_77 = tpu.memref_squeeze %dma_start3A_76 : memref<1x128x128xf32, #tpu.memory_space<vmem>> -> memref<128x128xf32, #tpu.memory_space<vmem>>
          %dma_start3A_78 = arith.constant 0 : i32
          %dma_start3A_79 = tpu.memref_slice %arg7[%add3A_73, %dma_start3A_78] : memref<32x128xi32, #tpu.memory_space<vmem>> -> memref<1x128xi32, #tpu.memory_space<vmem>>
          %dma_start3A_80 = tpu.memref_squeeze %dma_start3A_79 : memref<1x128xi32, #tpu.memory_space<vmem>> -> memref<128xi32, #tpu.memory_space<vmem>>
          %dma_start3A_81 = arith.constant 0 : i32
          %dma_start3A_82 = arith.constant 0 : i32
          %dma_start3A_83 = tpu.memref_slice %arg2[%dma_start3A_81, %dma_start3A_82] : memref<20000x128xf32, #tpu.memory_space<hbm>> -> memref<20000x128xf32, #tpu.memory_space<hbm>>
          tpu.enqueue_indirect_dma source(%dma_start3A_83 : memref<20000x128xf32, #tpu.memory_space<hbm>>) target(%dma_start3A_77 : memref<128x128xf32, #tpu.memory_space<vmem>>) offsets(%dma_start3A_80 : memref<128xi32, #tpu.memory_space<vmem>>) semaphore(%arg11 : memref<!tpu.dma_semaphore, #tpu.memory_space<semaphore_mem>>)
        } else {
        }
      }
      %scan3A_27 = arith.constant 32 : i32
      %dma_wait3A = arith.constant 0 : i32
      %dma_wait3A_28 = arith.constant 0 : i32
      %dma_wait3A_29 = arith.constant 0 : i32
      %dma_wait3A_30 = arith.constant 0 : i32
      %dma_wait3A_31 = tpu.memref_slice %arg9[%dma_wait3A, %dma_wait3A_29, %dma_wait3A_30] : memref<2x128x128xf32, #tpu.memory_space<vmem>> -> memref<1x128x128xf32, #tpu.memory_space<vmem>>
      %dma_wait3A_32 = tpu.memref_squeeze %dma_wait3A_31 : memref<1x128x128xf32, #tpu.memory_space<vmem>> -> memref<128x128xf32, #tpu.memory_space<vmem>>
      %dma_wait3A_33 = arith.constant 0 : i32
      %dma_wait3A_34 = tpu.memref_slice %arg8[%dma_wait3A_28, %dma_wait3A_33] : memref<32x128xi32, #tpu.memory_space<vmem>> -> memref<1x128xi32, #tpu.memory_space<vmem>>
      %dma_wait3A_35 = tpu.memref_squeeze %dma_wait3A_34 : memref<1x128xi32, #tpu.memory_space<vmem>> -> memref<128xi32, #tpu.memory_space<vmem>>
      %dma_wait3A_36 = arith.constant 0 : i32
      %dma_wait3A_37 = arith.constant 0 : i32
      %dma_wait3A_38 = tpu.memref_slice %arg10[%dma_wait3A_36, %dma_wait3A_37] : memref<10112x128xf32, #tpu.memory_space<vmem_shared>> -> memref<10112x128xf32, #tpu.memory_space<vmem_shared>>
      tpu.wait_indirect_dma semaphore(%arg12 : memref<!tpu.dma_semaphore, #tpu.memory_space<semaphore_mem>>) src(%dma_wait3A_32 : memref<128x128xf32, #tpu.memory_space<vmem>>) dst(%dma_wait3A_38 : memref<10112x128xf32, #tpu.memory_space<vmem_shared>>)
    }
    %scan3A_5 = arith.constant 5 : i32
    %barrier3A_6 = arith.constant 0 : index
    tpu.barrier barrier_id(%barrier3A_6)
    "tpu.region"() ({
      %run_scoped3A = tpu.sem_alloc : memref<!tpu.dma_semaphore, #tpu.memory_space<semaphore_mem>>
      %dma_start3A = arith.constant 0 : i32
      %dma_start3A_7 = tpu.memref_slice %arg6[%arg0, %mul3A_0, %dma_start3A] : memref<2x10112x128xf32, #tpu.memory_space<hbm>> -> memref<1x632x128xf32, #tpu.memory_space<hbm>>
      %dma_start3A_8 = tpu.memref_squeeze %dma_start3A_7 : memref<1x632x128xf32, #tpu.memory_space<hbm>> -> memref<632x128xf32, #tpu.memory_space<hbm>>
      %dma_start3A_9 = arith.constant 0 : i32
      %dma_start3A_10 = tpu.memref_slice %arg10[%mul3A_0, %dma_start3A_9] : memref<10112x128xf32, #tpu.memory_space<vmem_shared>> -> memref<632x128xf32, #tpu.memory_space<vmem_shared>>
      tpu.enqueue_dma source(%dma_start3A_10 : memref<632x128xf32, #tpu.memory_space<vmem_shared>>) target(%dma_start3A_8 : memref<632x128xf32, #tpu.memory_space<hbm>>) target_semaphore(%run_scoped3A : memref<!tpu.dma_semaphore, #tpu.memory_space<semaphore_mem>>)
      %dma_wait3A = arith.constant 0 : i32
      %dma_wait3A_11 = tpu.memref_slice %arg6[%arg0, %mul3A_0, %dma_wait3A] : memref<2x10112x128xf32, #tpu.memory_space<hbm>> -> memref<1x632x128xf32, #tpu.memory_space<hbm>>
      %dma_wait3A_12 = tpu.memref_squeeze %dma_wait3A_11 : memref<1x632x128xf32, #tpu.memory_space<hbm>> -> memref<632x128xf32, #tpu.memory_space<hbm>>
      %dma_wait3A_13 = arith.constant 0 : i32
      %dma_wait3A_14 = tpu.memref_slice %arg10[%mul3A_0, %dma_wait3A_13] : memref<10112x128xf32, #tpu.memory_space<vmem_shared>> -> memref<632x128xf32, #tpu.memory_space<vmem_shared>>
      tpu.wait_dma2 semaphore(%run_scoped3A : memref<!tpu.dma_semaphore, #tpu.memory_space<semaphore_mem>>) src(%dma_wait3A_14 : memref<632x128xf32, #tpu.memory_space<vmem_shared>>) dst(%dma_wait3A_12 : memref<632x128xf32, #tpu.memory_space<hbm>>)
      tpu.yield
    }) : () -> ()
    return
  }
}

#map = affine_map<(d0, d1) -> (0, 0)>
#map1 = affine_map<(d0, d1) -> (0, 0, 0, 0)>
#map2 = affine_map<(d0, d1) -> (0, 0, 0)>
module attributes {stable_mosaic.version = 14 : i64} {
  func.func @_prop_kernel(%arg0: i32, %arg1: i32, %arg2: memref<20000x128xf32, #tpu.memory_space<hbm>>, %arg3: memref<2x16x160x128xi32, #tpu.memory_space<hbm>>, %arg4: memref<16x160x128xi32, #tpu.memory_space<hbm>>, %arg5: memref<10112x128xf32, #tpu.memory_space<hbm>>, %arg6: memref<2x10112x128xf32, #tpu.memory_space<hbm>>, %arg7: memref<32x128xi32, #tpu.memory_space<vmem>>, %arg8: memref<32x128xi32, #tpu.memory_space<vmem>>, %arg9: memref<2x128x128xf32, #tpu.memory_space<vmem>>, %arg10: memref<10112x128xf32, #tpu.memory_space<vmem_shared>>, %arg11: memref<!tpu.dma_semaphore, #tpu.memory_space<semaphore_mem>>, %arg12: memref<!tpu.dma_semaphore, #tpu.memory_space<semaphore_mem>>) attributes {dimension_semantics = [#tpu.dimension_semantics<core_parallel>, #tpu.dimension_semantics<subcore_parallel>], iteration_bounds = array<i64: 2, 16>, scalar_prefetch = 0 : i64, scratch_operands = 6 : i64, tpu.core_type = #tpu.core_type<sc_vector_subcore>, window_params = [{transform_indices = #map}, {transform_indices = #map1}, {transform_indices = #map2}, {transform_indices = #map}, {transform_indices = #map2}]} {
    %mul3A = arith.constant 632 : i32
    %mul3A_0 = arith.muli %arg1, %mul3A : i32
    "tpu.region"() ({
      %run_scoped3A = tpu.sem_alloc : memref<!tpu.dma_semaphore, #tpu.memory_space<semaphore_mem>>
      %dma_start3A = arith.constant 0 : i32
      %dma_start3A_7 = tpu.memref_slice %arg10[%mul3A_0, %dma_start3A] : memref<10112x128xf32, #tpu.memory_space<vmem_shared>> -> memref<632x128xf32, #tpu.memory_space<vmem_shared>>
      %dma_start3A_8 = arith.constant 0 : i32
      %dma_start3A_9 = tpu.memref_slice %arg5[%mul3A_0, %dma_start3A_8] : memref<10112x128xf32, #tpu.memory_space<hbm>> -> memref<632x128xf32, #tpu.memory_space<hbm>>
      tpu.enqueue_dma source(%dma_start3A_9 : memref<632x128xf32, #tpu.memory_space<hbm>>) target(%dma_start3A_7 : memref<632x128xf32, #tpu.memory_space<vmem_shared>>) target_semaphore(%run_scoped3A : memref<!tpu.dma_semaphore, #tpu.memory_space<semaphore_mem>>)
      %dma_wait3A = arith.constant 0 : i32
      %dma_wait3A_10 = tpu.memref_slice %arg10[%mul3A_0, %dma_wait3A] : memref<10112x128xf32, #tpu.memory_space<vmem_shared>> -> memref<632x128xf32, #tpu.memory_space<vmem_shared>>
      %dma_wait3A_11 = arith.constant 0 : i32
      %dma_wait3A_12 = tpu.memref_slice %arg5[%mul3A_0, %dma_wait3A_11] : memref<10112x128xf32, #tpu.memory_space<hbm>> -> memref<632x128xf32, #tpu.memory_space<hbm>>
      tpu.wait_dma2 semaphore(%run_scoped3A : memref<!tpu.dma_semaphore, #tpu.memory_space<semaphore_mem>>) src(%dma_wait3A_12 : memref<632x128xf32, #tpu.memory_space<hbm>>) dst(%dma_wait3A_10 : memref<632x128xf32, #tpu.memory_space<vmem_shared>>)
      tpu.yield
    }) : () -> ()
    %barrier3A = arith.constant 0 : index
    tpu.barrier barrier_id(%barrier3A)
    %scan3A = arith.constant 0 : i32
    %scan3A_1 = arith.constant 0 : i32
    %scan3A_2 = arith.constant 5 : i32
    %scan3A_3 = arith.addi %scan3A_1, %scan3A_2 : i32
    %scan3A_4 = arith.constant 1 : i32
    scf.for %scan3A_7 = %scan3A_1 to %scan3A_3 step %scan3A_4  : i32 {
      %mul3A_8 = arith.constant 32 : i32
      %mul3A_9 = arith.muli %scan3A_7, %mul3A_8 : i32
      "tpu.region"() ({
        %run_scoped3A = tpu.sem_alloc : memref<!tpu.dma_semaphore, #tpu.memory_space<semaphore_mem>>
        %dma_start3A_39 = arith.constant 0 : i32
        %dma_start3A_40 = tpu.memref_slice %arg3[%arg0, %arg1, %mul3A_9, %dma_start3A_39] : memref<2x16x160x128xi32, #tpu.memory_space<hbm>> -> memref<1x1x32x128xi32, #tpu.memory_space<hbm>>
        %dma_start3A_41 = tpu.memref_squeeze %dma_start3A_40 : memref<1x1x32x128xi32, #tpu.memory_space<hbm>> -> memref<32x128xi32, #tpu.memory_space<hbm>>
        %dma_start3A_42 = arith.constant 0 : i32
        %dma_start3A_43 = tpu.memref_slice %arg3[%arg0, %arg1, %mul3A_9, %dma_start3A_42] : memref<2x16x160x128xi32, #tpu.memory_space<hbm>> -> memref<1x1x32x128xi32, #tpu.memory_space<hbm>>
        %dma_start3A_44 = tpu.memref_squeeze %dma_start3A_43 : memref<1x1x32x128xi32, #tpu.memory_space<hbm>> -> memref<32x128xi32, #tpu.memory_space<hbm>>
        tpu.enqueue_dma source(%dma_start3A_44 : memref<32x128xi32, #tpu.memory_space<hbm>>) target(%arg7 : memref<32x128xi32, #tpu.memory_space<vmem>>) target_semaphore(%run_scoped3A : memref<!tpu.dma_semaphore, #tpu.memory_space<semaphore_mem>>)
        %dma_wait3A_45 = arith.constant 0 : i32
        %dma_wait3A_46 = tpu.memref_slice %arg3[%arg0, %arg1, %mul3A_9, %dma_wait3A_45] : memref<2x16x160x128xi32, #tpu.memory_space<hbm>> -> memref<1x1x32x128xi32, #tpu.memory_space<hbm>>
        %dma_wait3A_47 = tpu.memref_squeeze %dma_wait3A_46 : memref<1x1x32x128xi32, #tpu.memory_space<hbm>> -> memref<32x128xi32, #tpu.memory_space<hbm>>
        %dma_wait3A_48 = arith.constant 0 : i32
        %dma_wait3A_49 = tpu.memref_slice %arg3[%arg0, %arg1, %mul3A_9, %dma_wait3A_48] : memref<2x16x160x128xi32, #tpu.memory_space<hbm>> -> memref<1x1x32x128xi32, #tpu.memory_space<hbm>>
        %dma_wait3A_50 = tpu.memref_squeeze %dma_wait3A_49 : memref<1x1x32x128xi32, #tpu.memory_space<hbm>> -> memref<32x128xi32, #tpu.memory_space<hbm>>
        tpu.wait_dma2 semaphore(%run_scoped3A : memref<!tpu.dma_semaphore, #tpu.memory_space<semaphore_mem>>) src(%dma_wait3A_50 : memref<32x128xi32, #tpu.memory_space<hbm>>) dst(%arg7 : memref<32x128xi32, #tpu.memory_space<vmem>>)
        tpu.yield
      }) : () -> ()
      %mul3A_10 = arith.constant 32 : i32
      %mul3A_11 = arith.muli %scan3A_7, %mul3A_10 : i32
      "tpu.region"() ({
        %run_scoped3A = tpu.sem_alloc : memref<!tpu.dma_semaphore, #tpu.memory_space<semaphore_mem>>
        %dma_start3A_39 = arith.constant 0 : i32
        %dma_start3A_40 = tpu.memref_slice %arg4[%arg1, %mul3A_11, %dma_start3A_39] : memref<16x160x128xi32, #tpu.memory_space<hbm>> -> memref<1x32x128xi32, #tpu.memory_space<hbm>>
        %dma_start3A_41 = tpu.memref_squeeze %dma_start3A_40 : memref<1x32x128xi32, #tpu.memory_space<hbm>> -> memref<32x128xi32, #tpu.memory_space<hbm>>
        %dma_start3A_42 = arith.constant 0 : i32
        %dma_start3A_43 = tpu.memref_slice %arg4[%arg1, %mul3A_11, %dma_start3A_42] : memref<16x160x128xi32, #tpu.memory_space<hbm>> -> memref<1x32x128xi32, #tpu.memory_space<hbm>>
        %dma_start3A_44 = tpu.memref_squeeze %dma_start3A_43 : memref<1x32x128xi32, #tpu.memory_space<hbm>> -> memref<32x128xi32, #tpu.memory_space<hbm>>
        tpu.enqueue_dma source(%dma_start3A_44 : memref<32x128xi32, #tpu.memory_space<hbm>>) target(%arg8 : memref<32x128xi32, #tpu.memory_space<vmem>>) target_semaphore(%run_scoped3A : memref<!tpu.dma_semaphore, #tpu.memory_space<semaphore_mem>>)
        %dma_wait3A_45 = arith.constant 0 : i32
        %dma_wait3A_46 = tpu.memref_slice %arg4[%arg1, %mul3A_11, %dma_wait3A_45] : memref<16x160x128xi32, #tpu.memory_space<hbm>> -> memref<1x32x128xi32, #tpu.memory_space<hbm>>
        %dma_wait3A_47 = tpu.memref_squeeze %dma_wait3A_46 : memref<1x32x128xi32, #tpu.memory_space<hbm>> -> memref<32x128xi32, #tpu.memory_space<hbm>>
        %dma_wait3A_48 = arith.constant 0 : i32
        %dma_wait3A_49 = tpu.memref_slice %arg4[%arg1, %mul3A_11, %dma_wait3A_48] : memref<16x160x128xi32, #tpu.memory_space<hbm>> -> memref<1x32x128xi32, #tpu.memory_space<hbm>>
        %dma_wait3A_50 = tpu.memref_squeeze %dma_wait3A_49 : memref<1x32x128xi32, #tpu.memory_space<hbm>> -> memref<32x128xi32, #tpu.memory_space<hbm>>
        tpu.wait_dma2 semaphore(%run_scoped3A : memref<!tpu.dma_semaphore, #tpu.memory_space<semaphore_mem>>) src(%dma_wait3A_50 : memref<32x128xi32, #tpu.memory_space<hbm>>) dst(%arg8 : memref<32x128xi32, #tpu.memory_space<vmem>>)
        tpu.yield
      }) : () -> ()
      %dma_start3A = arith.constant 0 : i32
      %dma_start3A_12 = arith.constant 0 : i32
      %dma_start3A_13 = arith.constant 0 : i32
      %dma_start3A_14 = arith.constant 0 : i32
      %dma_start3A_15 = tpu.memref_slice %arg9[%dma_start3A_12, %dma_start3A_13, %dma_start3A_14] : memref<2x128x128xf32, #tpu.memory_space<vmem>> -> memref<1x128x128xf32, #tpu.memory_space<vmem>>
      %dma_start3A_16 = tpu.memref_squeeze %dma_start3A_15 : memref<1x128x128xf32, #tpu.memory_space<vmem>> -> memref<128x128xf32, #tpu.memory_space<vmem>>
      %dma_start3A_17 = arith.constant 0 : i32
      %dma_start3A_18 = tpu.memref_slice %arg7[%dma_start3A, %dma_start3A_17] : memref<32x128xi32, #tpu.memory_space<vmem>> -> memref<1x128xi32, #tpu.memory_space<vmem>>
      %dma_start3A_19 = tpu.memref_squeeze %dma_start3A_18 : memref<1x128xi32, #tpu.memory_space<vmem>> -> memref<128xi32, #tpu.memory_space<vmem>>
      %dma_start3A_20 = arith.constant 0 : i32
      %dma_start3A_21 = arith.constant 0 : i32
      %dma_start3A_22 = tpu.memref_slice %arg2[%dma_start3A_20, %dma_start3A_21] : memref<20000x128xf32, #tpu.memory_space<hbm>> -> memref<20000x128xf32, #tpu.memory_space<hbm>>
      tpu.enqueue_indirect_dma source(%dma_start3A_22 : memref<20000x128xf32, #tpu.memory_space<hbm>>) target(%dma_start3A_16 : memref<128x128xf32, #tpu.memory_space<vmem>>) offsets(%dma_start3A_19 : memref<128xi32, #tpu.memory_space<vmem>>) semaphore(%arg11 : memref<!tpu.dma_semaphore, #tpu.memory_space<semaphore_mem>>)
      %scan3A_23 = arith.constant 0 : i32
      %scan3A_24 = arith.constant 32 : i32
      %scan3A_25 = arith.addi %scan3A_23, %scan3A_24 : i32
      %scan3A_26 = arith.constant 1 : i32
      scf.for %scan3A_39 = %scan3A_23 to %scan3A_25 step %scan3A_26  : i32 {
        %rem3A = arith.constant 2 : i32
        %rem3A_40 = arith.remsi %scan3A_39, %rem3A : i32
        %dma_wait3A_41 = arith.constant 0 : i32
        %dma_wait3A_42 = arith.constant 0 : i32
        %dma_wait3A_43 = tpu.memref_slice %arg9[%rem3A_40, %dma_wait3A_41, %dma_wait3A_42] : memref<2x128x128xf32, #tpu.memory_space<vmem>> -> memref<1x128x128xf32, #tpu.memory_space<vmem>>
        %dma_wait3A_44 = tpu.memref_squeeze %dma_wait3A_43 : memref<1x128x128xf32, #tpu.memory_space<vmem>> -> memref<128x128xf32, #tpu.memory_space<vmem>>
        %dma_wait3A_45 = arith.constant 0 : i32
        %dma_wait3A_46 = tpu.memref_slice %arg7[%scan3A_39, %dma_wait3A_45] : memref<32x128xi32, #tpu.memory_space<vmem>> -> memref<1x128xi32, #tpu.memory_space<vmem>>
        %dma_wait3A_47 = tpu.memref_squeeze %dma_wait3A_46 : memref<1x128xi32, #tpu.memory_space<vmem>> -> memref<128xi32, #tpu.memory_space<vmem>>
        %dma_wait3A_48 = arith.constant 0 : i32
        %dma_wait3A_49 = arith.constant 0 : i32
        %dma_wait3A_50 = tpu.memref_slice %arg2[%dma_wait3A_48, %dma_wait3A_49] : memref<20000x128xf32, #tpu.memory_space<hbm>> -> memref<20000x128xf32, #tpu.memory_space<hbm>>
        tpu.wait_indirect_dma semaphore(%arg11 : memref<!tpu.dma_semaphore, #tpu.memory_space<semaphore_mem>>) src(%dma_wait3A_50 : memref<20000x128xf32, #tpu.memory_space<hbm>>) dst(%dma_wait3A_44 : memref<128x128xf32, #tpu.memory_space<vmem>>)
        %dma_start3A_51 = arith.constant 0 : i32
        %dma_start3A_52 = arith.constant 0 : i32
        %dma_start3A_53 = tpu.memref_slice %arg9[%rem3A_40, %dma_start3A_51, %dma_start3A_52] : memref<2x128x128xf32, #tpu.memory_space<vmem>> -> memref<1x128x128xf32, #tpu.memory_space<vmem>>
        %dma_start3A_54 = tpu.memref_squeeze %dma_start3A_53 : memref<1x128x128xf32, #tpu.memory_space<vmem>> -> memref<128x128xf32, #tpu.memory_space<vmem>>
        %dma_start3A_55 = arith.constant 0 : i32
        %dma_start3A_56 = tpu.memref_slice %arg8[%scan3A_39, %dma_start3A_55] : memref<32x128xi32, #tpu.memory_space<vmem>> -> memref<1x128xi32, #tpu.memory_space<vmem>>
        %dma_start3A_57 = tpu.memref_squeeze %dma_start3A_56 : memref<1x128xi32, #tpu.memory_space<vmem>> -> memref<128xi32, #tpu.memory_space<vmem>>
        %dma_start3A_58 = arith.constant 0 : i32
        %dma_start3A_59 = arith.constant 0 : i32
        %dma_start3A_60 = tpu.memref_slice %arg10[%dma_start3A_58, %dma_start3A_59] : memref<10112x128xf32, #tpu.memory_space<vmem_shared>> -> memref<10112x128xf32, #tpu.memory_space<vmem_shared>>
        tpu.enqueue_indirect_dma source(%dma_start3A_54 : memref<128x128xf32, #tpu.memory_space<vmem>>) target(%dma_start3A_60 : memref<10112x128xf32, #tpu.memory_space<vmem_shared>>) offsets(%dma_start3A_57 : memref<128xi32, #tpu.memory_space<vmem>>) semaphore(%arg12 : memref<!tpu.dma_semaphore, #tpu.memory_space<semaphore_mem>>) {add = true}
        %ge3A = arith.constant 1 : i32
        %ge3A_61 = arith.cmpi sge, %scan3A_39, %ge3A : i32
        %convert_element_type3A = arith.extui %ge3A_61 : i1 to i32
        %cond3A = arith.constant 0 : i32
        %cond3A_62 = arith.cmpi ne, %convert_element_type3A, %cond3A : i32
        scf.if %cond3A_62 {
          %dma_wait3A_68 = arith.constant 0 : i32
          %dma_wait3A_69 = arith.constant 0 : i32
          %dma_wait3A_70 = arith.constant 0 : i32
          %dma_wait3A_71 = arith.constant 0 : i32
          %dma_wait3A_72 = tpu.memref_slice %arg9[%dma_wait3A_68, %dma_wait3A_70, %dma_wait3A_71] : memref<2x128x128xf32, #tpu.memory_space<vmem>> -> memref<1x128x128xf32, #tpu.memory_space<vmem>>
          %dma_wait3A_73 = tpu.memref_squeeze %dma_wait3A_72 : memref<1x128x128xf32, #tpu.memory_space<vmem>> -> memref<128x128xf32, #tpu.memory_space<vmem>>
          %dma_wait3A_74 = arith.constant 0 : i32
          %dma_wait3A_75 = tpu.memref_slice %arg8[%dma_wait3A_69, %dma_wait3A_74] : memref<32x128xi32, #tpu.memory_space<vmem>> -> memref<1x128xi32, #tpu.memory_space<vmem>>
          %dma_wait3A_76 = tpu.memref_squeeze %dma_wait3A_75 : memref<1x128xi32, #tpu.memory_space<vmem>> -> memref<128xi32, #tpu.memory_space<vmem>>
          %dma_wait3A_77 = arith.constant 0 : i32
          %dma_wait3A_78 = arith.constant 0 : i32
          %dma_wait3A_79 = tpu.memref_slice %arg10[%dma_wait3A_77, %dma_wait3A_78] : memref<10112x128xf32, #tpu.memory_space<vmem_shared>> -> memref<10112x128xf32, #tpu.memory_space<vmem_shared>>
          tpu.wait_indirect_dma semaphore(%arg12 : memref<!tpu.dma_semaphore, #tpu.memory_space<semaphore_mem>>) src(%dma_wait3A_73 : memref<128x128xf32, #tpu.memory_space<vmem>>) dst(%dma_wait3A_79 : memref<10112x128xf32, #tpu.memory_space<vmem_shared>>)
        } else {
        }
        %add3A = arith.constant 1 : i32
        %add3A_63 = arith.addi %scan3A_39, %add3A : i32
        %lt3A = arith.constant 32 : i32
        %lt3A_64 = arith.cmpi slt, %add3A_63, %lt3A : i32
        %convert_element_type3A_65 = arith.extui %lt3A_64 : i1 to i32
        %cond3A_66 = arith.constant 0 : i32
        %cond3A_67 = arith.cmpi ne, %convert_element_type3A_65, %cond3A_66 : i32
        scf.if %cond3A_67 {
          %add3A_68 = arith.constant 1 : i32
          %add3A_69 = arith.addi %scan3A_39, %add3A_68 : i32
          %rem3A_70 = arith.constant 2 : i32
          %rem3A_71 = arith.remsi %add3A_69, %rem3A_70 : i32
          %add3A_72 = arith.constant 1 : i32
          %add3A_73 = arith.addi %scan3A_39, %add3A_72 : i32
          %dma_start3A_74 = arith.constant 0 : i32
          %dma_start3A_75 = arith.constant 0 : i32
          %dma_start3A_76 = tpu.memref_slice %arg9[%rem3A_71, %dma_start3A_74, %dma_start3A_75] : memref<2x128x128xf32, #tpu.memory_space<vmem>> -> memref<1x128x128xf32, #tpu.memory_space<vmem>>
          %dma_start3A_77 = tpu.memref_squeeze %dma_start3A_76 : memref<1x128x128xf32, #tpu.memory_space<vmem>> -> memref<128x128xf32, #tpu.memory_space<vmem>>
          %dma_start3A_78 = arith.constant 0 : i32
          %dma_start3A_79 = tpu.memref_slice %arg7[%add3A_73, %dma_start3A_78] : memref<32x128xi32, #tpu.memory_space<vmem>> -> memref<1x128xi32, #tpu.memory_space<vmem>>
          %dma_start3A_80 = tpu.memref_squeeze %dma_start3A_79 : memref<1x128xi32, #tpu.memory_space<vmem>> -> memref<128xi32, #tpu.memory_space<vmem>>
          %dma_start3A_81 = arith.constant 0 : i32
          %dma_start3A_82 = arith.constant 0 : i32
          %dma_start3A_83 = tpu.memref_slice %arg2[%dma_start3A_81, %dma_start3A_82] : memref<20000x128xf32, #tpu.memory_space<hbm>> -> memref<20000x128xf32, #tpu.memory_space<hbm>>
          tpu.enqueue_indirect_dma source(%dma_start3A_83 : memref<20000x128xf32, #tpu.memory_space<hbm>>) target(%dma_start3A_77 : memref<128x128xf32, #tpu.memory_space<vmem>>) offsets(%dma_start3A_80 : memref<128xi32, #tpu.memory_space<vmem>>) semaphore(%arg11 : memref<!tpu.dma_semaphore, #tpu.memory_space<semaphore_mem>>)
        } else {
        }
      }
      %scan3A_27 = arith.constant 32 : i32
      %dma_wait3A = arith.constant 0 : i32
      %dma_wait3A_28 = arith.constant 0 : i32
      %dma_wait3A_29 = arith.constant 0 : i32
      %dma_wait3A_30 = arith.constant 0 : i32
      %dma_wait3A_31 = tpu.memref_slice %arg9[%dma_wait3A, %dma_wait3A_29, %dma_wait3A_30] : memref<2x128x128xf32, #tpu.memory_space<vmem>> -> memref<1x128x128xf32, #tpu.memory_space<vmem>>
      %dma_wait3A_32 = tpu.memref_squeeze %dma_wait3A_31 : memref<1x128x128xf32, #tpu.memory_space<vmem>> -> memref<128x128xf32, #tpu.memory_space<vmem>>
      %dma_wait3A_33 = arith.constant 0 : i32
      %dma_wait3A_34 = tpu.memref_slice %arg8[%dma_wait3A_28, %dma_wait3A_33] : memref<32x128xi32, #tpu.memory_space<vmem>> -> memref<1x128xi32, #tpu.memory_space<vmem>>
      %dma_wait3A_35 = tpu.memref_squeeze %dma_wait3A_34 : memref<1x128xi32, #tpu.memory_space<vmem>> -> memref<128xi32, #tpu.memory_space<vmem>>
      %dma_wait3A_36 = arith.constant 0 : i32
      %dma_wait3A_37 = arith.constant 0 : i32
      %dma_wait3A_38 = tpu.memref_slice %arg10[%dma_wait3A_36, %dma_wait3A_37] : memref<10112x128xf32, #tpu.memory_space<vmem_shared>> -> memref<10112x128xf32, #tpu.memory_space<vmem_shared>>
      tpu.wait_indirect_dma semaphore(%arg12 : memref<!tpu.dma_semaphore, #tpu.memory_space<semaphore_mem>>) src(%dma_wait3A_32 : memref<128x128xf32, #tpu.memory_space<vmem>>) dst(%dma_wait3A_38 : memref<10112x128xf32, #tpu.memory_space<vmem_shared>>)
    }
    %scan3A_5 = arith.constant 5 : i32
    %barrier3A_6 = arith.constant 0 : index
    tpu.barrier barrier_id(%barrier3A_6)
    "tpu.region"() ({
      %run_scoped3A = tpu.sem_alloc : memref<!tpu.dma_semaphore, #tpu.memory_space<semaphore_mem>>
      %dma_start3A = arith.constant 0 : i32
      %dma_start3A_7 = tpu.memref_slice %arg6[%arg0, %mul3A_0, %dma_start3A] : memref<2x10112x128xf32, #tpu.memory_space<hbm>> -> memref<1x632x128xf32, #tpu.memory_space<hbm>>
      %dma_start3A_8 = tpu.memref_squeeze %dma_start3A_7 : memref<1x632x128xf32, #tpu.memory_space<hbm>> -> memref<632x128xf32, #tpu.memory_space<hbm>>
      %dma_start3A_9 = arith.constant 0 : i32
      %dma_start3A_10 = tpu.memref_slice %arg10[%mul3A_0, %dma_start3A_9] : memref<10112x128xf32, #tpu.memory_space<vmem_shared>> -> memref<632x128xf32, #tpu.memory_space<vmem_shared>>
      tpu.enqueue_dma source(%dma_start3A_10 : memref<632x128xf32, #tpu.memory_space<vmem_shared>>) target(%dma_start3A_8 : memref<632x128xf32, #tpu.memory_space<hbm>>) target_semaphore(%run_scoped3A : memref<!tpu.dma_semaphore, #tpu.memory_space<semaphore_mem>>)
      %dma_wait3A = arith.constant 0 : i32
      %dma_wait3A_11 = tpu.memref_slice %arg6[%arg0, %mul3A_0, %dma_wait3A] : memref<2x10112x128xf32, #tpu.memory_space<hbm>> -> memref<1x632x128xf32, #tpu.memory_space<hbm>>
      %dma_wait3A_12 = tpu.memref_squeeze %dma_wait3A_11 : memref<1x632x128xf32, #tpu.memory_space<hbm>> -> memref<632x128xf32, #tpu.memory_space<hbm>>
      %dma_wait3A_13 = arith.constant 0 : i32
      %dma_wait3A_14 = tpu.memref_slice %arg10[%mul3A_0, %dma_wait3A_13] : memref<10112x128xf32, #tpu.memory_space<vmem_shared>> -> memref<632x128xf32, #tpu.memory_space<vmem_shared>>
      tpu.wait_dma2 semaphore(%run_scoped3A : memref<!tpu.dma_semaphore, #tpu.memory_space<semaphore_mem>>) src(%dma_wait3A_14 : memref<632x128xf32, #tpu.memory_space<vmem_shared>>) dst(%dma_wait3A_12 : memref<632x128xf32, #tpu.memory_space<hbm>>)
      tpu.yield
    }) : () -> ()
    return
  }
}

#map = affine_map<(d0, d1) -> (0, 0)>
#map1 = affine_map<(d0, d1) -> (0, 0, 0, 0)>
#map2 = affine_map<(d0, d1) -> (0, 0, 0)>
module attributes {stable_mosaic.version = 14 : i64} {
  func.func @_prop_kernel(%arg0: i32, %arg1: i32, %arg2: memref<20000x128xf32, #tpu.memory_space<hbm>>, %arg3: memref<2x16x160x128xi32, #tpu.memory_space<hbm>>, %arg4: memref<16x160x128xi32, #tpu.memory_space<hbm>>, %arg5: memref<10112x128xf32, #tpu.memory_space<hbm>>, %arg6: memref<2x10112x128xf32, #tpu.memory_space<hbm>>, %arg7: memref<32x128xi32, #tpu.memory_space<vmem>>, %arg8: memref<32x128xi32, #tpu.memory_space<vmem>>, %arg9: memref<2x128x128xf32, #tpu.memory_space<vmem>>, %arg10: memref<10112x128xf32, #tpu.memory_space<vmem_shared>>, %arg11: memref<!tpu.dma_semaphore, #tpu.memory_space<semaphore_mem>>, %arg12: memref<!tpu.dma_semaphore, #tpu.memory_space<semaphore_mem>>) attributes {dimension_semantics = [#tpu.dimension_semantics<core_parallel>, #tpu.dimension_semantics<subcore_parallel>], iteration_bounds = array<i64: 2, 16>, scalar_prefetch = 0 : i64, scratch_operands = 6 : i64, tpu.core_type = #tpu.core_type<sc_vector_subcore>, window_params = [{transform_indices = #map}, {transform_indices = #map1}, {transform_indices = #map2}, {transform_indices = #map}, {transform_indices = #map2}]} {
    %mul3A = arith.constant 632 : i32
    %mul3A_0 = arith.muli %arg1, %mul3A : i32
    "tpu.region"() ({
      %run_scoped3A = tpu.sem_alloc : memref<!tpu.dma_semaphore, #tpu.memory_space<semaphore_mem>>
      %dma_start3A = arith.constant 0 : i32
      %dma_start3A_7 = tpu.memref_slice %arg10[%mul3A_0, %dma_start3A] : memref<10112x128xf32, #tpu.memory_space<vmem_shared>> -> memref<632x128xf32, #tpu.memory_space<vmem_shared>>
      %dma_start3A_8 = arith.constant 0 : i32
      %dma_start3A_9 = tpu.memref_slice %arg5[%mul3A_0, %dma_start3A_8] : memref<10112x128xf32, #tpu.memory_space<hbm>> -> memref<632x128xf32, #tpu.memory_space<hbm>>
      tpu.enqueue_dma source(%dma_start3A_9 : memref<632x128xf32, #tpu.memory_space<hbm>>) target(%dma_start3A_7 : memref<632x128xf32, #tpu.memory_space<vmem_shared>>) target_semaphore(%run_scoped3A : memref<!tpu.dma_semaphore, #tpu.memory_space<semaphore_mem>>)
      %dma_wait3A = arith.constant 0 : i32
      %dma_wait3A_10 = tpu.memref_slice %arg10[%mul3A_0, %dma_wait3A] : memref<10112x128xf32, #tpu.memory_space<vmem_shared>> -> memref<632x128xf32, #tpu.memory_space<vmem_shared>>
      %dma_wait3A_11 = arith.constant 0 : i32
      %dma_wait3A_12 = tpu.memref_slice %arg5[%mul3A_0, %dma_wait3A_11] : memref<10112x128xf32, #tpu.memory_space<hbm>> -> memref<632x128xf32, #tpu.memory_space<hbm>>
      tpu.wait_dma2 semaphore(%run_scoped3A : memref<!tpu.dma_semaphore, #tpu.memory_space<semaphore_mem>>) src(%dma_wait3A_12 : memref<632x128xf32, #tpu.memory_space<hbm>>) dst(%dma_wait3A_10 : memref<632x128xf32, #tpu.memory_space<vmem_shared>>)
      tpu.yield
    }) : () -> ()
    %barrier3A = arith.constant 0 : index
    tpu.barrier barrier_id(%barrier3A)
    %scan3A = arith.constant 0 : i32
    %scan3A_1 = arith.constant 0 : i32
    %scan3A_2 = arith.constant 5 : i32
    %scan3A_3 = arith.addi %scan3A_1, %scan3A_2 : i32
    %scan3A_4 = arith.constant 1 : i32
    scf.for %scan3A_7 = %scan3A_1 to %scan3A_3 step %scan3A_4  : i32 {
      %mul3A_8 = arith.constant 32 : i32
      %mul3A_9 = arith.muli %scan3A_7, %mul3A_8 : i32
      "tpu.region"() ({
        %run_scoped3A = tpu.sem_alloc : memref<!tpu.dma_semaphore, #tpu.memory_space<semaphore_mem>>
        %dma_start3A_39 = arith.constant 0 : i32
        %dma_start3A_40 = tpu.memref_slice %arg3[%arg0, %arg1, %mul3A_9, %dma_start3A_39] : memref<2x16x160x128xi32, #tpu.memory_space<hbm>> -> memref<1x1x32x128xi32, #tpu.memory_space<hbm>>
        %dma_start3A_41 = tpu.memref_squeeze %dma_start3A_40 : memref<1x1x32x128xi32, #tpu.memory_space<hbm>> -> memref<32x128xi32, #tpu.memory_space<hbm>>
        %dma_start3A_42 = arith.constant 0 : i32
        %dma_start3A_43 = tpu.memref_slice %arg3[%arg0, %arg1, %mul3A_9, %dma_start3A_42] : memref<2x16x160x128xi32, #tpu.memory_space<hbm>> -> memref<1x1x32x128xi32, #tpu.memory_space<hbm>>
        %dma_start3A_44 = tpu.memref_squeeze %dma_start3A_43 : memref<1x1x32x128xi32, #tpu.memory_space<hbm>> -> memref<32x128xi32, #tpu.memory_space<hbm>>
        tpu.enqueue_dma source(%dma_start3A_44 : memref<32x128xi32, #tpu.memory_space<hbm>>) target(%arg7 : memref<32x128xi32, #tpu.memory_space<vmem>>) target_semaphore(%run_scoped3A : memref<!tpu.dma_semaphore, #tpu.memory_space<semaphore_mem>>)
        %dma_wait3A_45 = arith.constant 0 : i32
        %dma_wait3A_46 = tpu.memref_slice %arg3[%arg0, %arg1, %mul3A_9, %dma_wait3A_45] : memref<2x16x160x128xi32, #tpu.memory_space<hbm>> -> memref<1x1x32x128xi32, #tpu.memory_space<hbm>>
        %dma_wait3A_47 = tpu.memref_squeeze %dma_wait3A_46 : memref<1x1x32x128xi32, #tpu.memory_space<hbm>> -> memref<32x128xi32, #tpu.memory_space<hbm>>
        %dma_wait3A_48 = arith.constant 0 : i32
        %dma_wait3A_49 = tpu.memref_slice %arg3[%arg0, %arg1, %mul3A_9, %dma_wait3A_48] : memref<2x16x160x128xi32, #tpu.memory_space<hbm>> -> memref<1x1x32x128xi32, #tpu.memory_space<hbm>>
        %dma_wait3A_50 = tpu.memref_squeeze %dma_wait3A_49 : memref<1x1x32x128xi32, #tpu.memory_space<hbm>> -> memref<32x128xi32, #tpu.memory_space<hbm>>
        tpu.wait_dma2 semaphore(%run_scoped3A : memref<!tpu.dma_semaphore, #tpu.memory_space<semaphore_mem>>) src(%dma_wait3A_50 : memref<32x128xi32, #tpu.memory_space<hbm>>) dst(%arg7 : memref<32x128xi32, #tpu.memory_space<vmem>>)
        tpu.yield
      }) : () -> ()
      %mul3A_10 = arith.constant 32 : i32
      %mul3A_11 = arith.muli %scan3A_7, %mul3A_10 : i32
      "tpu.region"() ({
        %run_scoped3A = tpu.sem_alloc : memref<!tpu.dma_semaphore, #tpu.memory_space<semaphore_mem>>
        %dma_start3A_39 = arith.constant 0 : i32
        %dma_start3A_40 = tpu.memref_slice %arg4[%arg1, %mul3A_11, %dma_start3A_39] : memref<16x160x128xi32, #tpu.memory_space<hbm>> -> memref<1x32x128xi32, #tpu.memory_space<hbm>>
        %dma_start3A_41 = tpu.memref_squeeze %dma_start3A_40 : memref<1x32x128xi32, #tpu.memory_space<hbm>> -> memref<32x128xi32, #tpu.memory_space<hbm>>
        %dma_start3A_42 = arith.constant 0 : i32
        %dma_start3A_43 = tpu.memref_slice %arg4[%arg1, %mul3A_11, %dma_start3A_42] : memref<16x160x128xi32, #tpu.memory_space<hbm>> -> memref<1x32x128xi32, #tpu.memory_space<hbm>>
        %dma_start3A_44 = tpu.memref_squeeze %dma_start3A_43 : memref<1x32x128xi32, #tpu.memory_space<hbm>> -> memref<32x128xi32, #tpu.memory_space<hbm>>
        tpu.enqueue_dma source(%dma_start3A_44 : memref<32x128xi32, #tpu.memory_space<hbm>>) target(%arg8 : memref<32x128xi32, #tpu.memory_space<vmem>>) target_semaphore(%run_scoped3A : memref<!tpu.dma_semaphore, #tpu.memory_space<semaphore_mem>>)
        %dma_wait3A_45 = arith.constant 0 : i32
        %dma_wait3A_46 = tpu.memref_slice %arg4[%arg1, %mul3A_11, %dma_wait3A_45] : memref<16x160x128xi32, #tpu.memory_space<hbm>> -> memref<1x32x128xi32, #tpu.memory_space<hbm>>
        %dma_wait3A_47 = tpu.memref_squeeze %dma_wait3A_46 : memref<1x32x128xi32, #tpu.memory_space<hbm>> -> memref<32x128xi32, #tpu.memory_space<hbm>>
        %dma_wait3A_48 = arith.constant 0 : i32
        %dma_wait3A_49 = tpu.memref_slice %arg4[%arg1, %mul3A_11, %dma_wait3A_48] : memref<16x160x128xi32, #tpu.memory_space<hbm>> -> memref<1x32x128xi32, #tpu.memory_space<hbm>>
        %dma_wait3A_50 = tpu.memref_squeeze %dma_wait3A_49 : memref<1x32x128xi32, #tpu.memory_space<hbm>> -> memref<32x128xi32, #tpu.memory_space<hbm>>
        tpu.wait_dma2 semaphore(%run_scoped3A : memref<!tpu.dma_semaphore, #tpu.memory_space<semaphore_mem>>) src(%dma_wait3A_50 : memref<32x128xi32, #tpu.memory_space<hbm>>) dst(%arg8 : memref<32x128xi32, #tpu.memory_space<vmem>>)
        tpu.yield
      }) : () -> ()
      %dma_start3A = arith.constant 0 : i32
      %dma_start3A_12 = arith.constant 0 : i32
      %dma_start3A_13 = arith.constant 0 : i32
      %dma_start3A_14 = arith.constant 0 : i32
      %dma_start3A_15 = tpu.memref_slice %arg9[%dma_start3A_12, %dma_start3A_13, %dma_start3A_14] : memref<2x128x128xf32, #tpu.memory_space<vmem>> -> memref<1x128x128xf32, #tpu.memory_space<vmem>>
      %dma_start3A_16 = tpu.memref_squeeze %dma_start3A_15 : memref<1x128x128xf32, #tpu.memory_space<vmem>> -> memref<128x128xf32, #tpu.memory_space<vmem>>
      %dma_start3A_17 = arith.constant 0 : i32
      %dma_start3A_18 = tpu.memref_slice %arg7[%dma_start3A, %dma_start3A_17] : memref<32x128xi32, #tpu.memory_space<vmem>> -> memref<1x128xi32, #tpu.memory_space<vmem>>
      %dma_start3A_19 = tpu.memref_squeeze %dma_start3A_18 : memref<1x128xi32, #tpu.memory_space<vmem>> -> memref<128xi32, #tpu.memory_space<vmem>>
      %dma_start3A_20 = arith.constant 0 : i32
      %dma_start3A_21 = arith.constant 0 : i32
      %dma_start3A_22 = tpu.memref_slice %arg2[%dma_start3A_20, %dma_start3A_21] : memref<20000x128xf32, #tpu.memory_space<hbm>> -> memref<20000x128xf32, #tpu.memory_space<hbm>>
      tpu.enqueue_indirect_dma source(%dma_start3A_22 : memref<20000x128xf32, #tpu.memory_space<hbm>>) target(%dma_start3A_16 : memref<128x128xf32, #tpu.memory_space<vmem>>) offsets(%dma_start3A_19 : memref<128xi32, #tpu.memory_space<vmem>>) semaphore(%arg11 : memref<!tpu.dma_semaphore, #tpu.memory_space<semaphore_mem>>)
      %scan3A_23 = arith.constant 0 : i32
      %scan3A_24 = arith.constant 32 : i32
      %scan3A_25 = arith.addi %scan3A_23, %scan3A_24 : i32
      %scan3A_26 = arith.constant 1 : i32
      scf.for %scan3A_39 = %scan3A_23 to %scan3A_25 step %scan3A_26  : i32 {
        %rem3A = arith.constant 2 : i32
        %rem3A_40 = arith.remsi %scan3A_39, %rem3A : i32
        %dma_wait3A_41 = arith.constant 0 : i32
        %dma_wait3A_42 = arith.constant 0 : i32
        %dma_wait3A_43 = tpu.memref_slice %arg9[%rem3A_40, %dma_wait3A_41, %dma_wait3A_42] : memref<2x128x128xf32, #tpu.memory_space<vmem>> -> memref<1x128x128xf32, #tpu.memory_space<vmem>>
        %dma_wait3A_44 = tpu.memref_squeeze %dma_wait3A_43 : memref<1x128x128xf32, #tpu.memory_space<vmem>> -> memref<128x128xf32, #tpu.memory_space<vmem>>
        %dma_wait3A_45 = arith.constant 0 : i32
        %dma_wait3A_46 = tpu.memref_slice %arg7[%scan3A_39, %dma_wait3A_45] : memref<32x128xi32, #tpu.memory_space<vmem>> -> memref<1x128xi32, #tpu.memory_space<vmem>>
        %dma_wait3A_47 = tpu.memref_squeeze %dma_wait3A_46 : memref<1x128xi32, #tpu.memory_space<vmem>> -> memref<128xi32, #tpu.memory_space<vmem>>
        %dma_wait3A_48 = arith.constant 0 : i32
        %dma_wait3A_49 = arith.constant 0 : i32
        %dma_wait3A_50 = tpu.memref_slice %arg2[%dma_wait3A_48, %dma_wait3A_49] : memref<20000x128xf32, #tpu.memory_space<hbm>> -> memref<20000x128xf32, #tpu.memory_space<hbm>>
        tpu.wait_indirect_dma semaphore(%arg11 : memref<!tpu.dma_semaphore, #tpu.memory_space<semaphore_mem>>) src(%dma_wait3A_50 : memref<20000x128xf32, #tpu.memory_space<hbm>>) dst(%dma_wait3A_44 : memref<128x128xf32, #tpu.memory_space<vmem>>)
        %dma_start3A_51 = arith.constant 0 : i32
        %dma_start3A_52 = arith.constant 0 : i32
        %dma_start3A_53 = tpu.memref_slice %arg9[%rem3A_40, %dma_start3A_51, %dma_start3A_52] : memref<2x128x128xf32, #tpu.memory_space<vmem>> -> memref<1x128x128xf32, #tpu.memory_space<vmem>>
        %dma_start3A_54 = tpu.memref_squeeze %dma_start3A_53 : memref<1x128x128xf32, #tpu.memory_space<vmem>> -> memref<128x128xf32, #tpu.memory_space<vmem>>
        %dma_start3A_55 = arith.constant 0 : i32
        %dma_start3A_56 = tpu.memref_slice %arg8[%scan3A_39, %dma_start3A_55] : memref<32x128xi32, #tpu.memory_space<vmem>> -> memref<1x128xi32, #tpu.memory_space<vmem>>
        %dma_start3A_57 = tpu.memref_squeeze %dma_start3A_56 : memref<1x128xi32, #tpu.memory_space<vmem>> -> memref<128xi32, #tpu.memory_space<vmem>>
        %dma_start3A_58 = arith.constant 0 : i32
        %dma_start3A_59 = arith.constant 0 : i32
        %dma_start3A_60 = tpu.memref_slice %arg10[%dma_start3A_58, %dma_start3A_59] : memref<10112x128xf32, #tpu.memory_space<vmem_shared>> -> memref<10112x128xf32, #tpu.memory_space<vmem_shared>>
        tpu.enqueue_indirect_dma source(%dma_start3A_54 : memref<128x128xf32, #tpu.memory_space<vmem>>) target(%dma_start3A_60 : memref<10112x128xf32, #tpu.memory_space<vmem_shared>>) offsets(%dma_start3A_57 : memref<128xi32, #tpu.memory_space<vmem>>) semaphore(%arg12 : memref<!tpu.dma_semaphore, #tpu.memory_space<semaphore_mem>>) {add = true}
        %ge3A = arith.constant 1 : i32
        %ge3A_61 = arith.cmpi sge, %scan3A_39, %ge3A : i32
        %convert_element_type3A = arith.extui %ge3A_61 : i1 to i32
        %cond3A = arith.constant 0 : i32
        %cond3A_62 = arith.cmpi ne, %convert_element_type3A, %cond3A : i32
        scf.if %cond3A_62 {
          %dma_wait3A_68 = arith.constant 0 : i32
          %dma_wait3A_69 = arith.constant 0 : i32
          %dma_wait3A_70 = arith.constant 0 : i32
          %dma_wait3A_71 = arith.constant 0 : i32
          %dma_wait3A_72 = tpu.memref_slice %arg9[%dma_wait3A_68, %dma_wait3A_70, %dma_wait3A_71] : memref<2x128x128xf32, #tpu.memory_space<vmem>> -> memref<1x128x128xf32, #tpu.memory_space<vmem>>
          %dma_wait3A_73 = tpu.memref_squeeze %dma_wait3A_72 : memref<1x128x128xf32, #tpu.memory_space<vmem>> -> memref<128x128xf32, #tpu.memory_space<vmem>>
          %dma_wait3A_74 = arith.constant 0 : i32
          %dma_wait3A_75 = tpu.memref_slice %arg8[%dma_wait3A_69, %dma_wait3A_74] : memref<32x128xi32, #tpu.memory_space<vmem>> -> memref<1x128xi32, #tpu.memory_space<vmem>>
          %dma_wait3A_76 = tpu.memref_squeeze %dma_wait3A_75 : memref<1x128xi32, #tpu.memory_space<vmem>> -> memref<128xi32, #tpu.memory_space<vmem>>
          %dma_wait3A_77 = arith.constant 0 : i32
          %dma_wait3A_78 = arith.constant 0 : i32
          %dma_wait3A_79 = tpu.memref_slice %arg10[%dma_wait3A_77, %dma_wait3A_78] : memref<10112x128xf32, #tpu.memory_space<vmem_shared>> -> memref<10112x128xf32, #tpu.memory_space<vmem_shared>>
          tpu.wait_indirect_dma semaphore(%arg12 : memref<!tpu.dma_semaphore, #tpu.memory_space<semaphore_mem>>) src(%dma_wait3A_73 : memref<128x128xf32, #tpu.memory_space<vmem>>) dst(%dma_wait3A_79 : memref<10112x128xf32, #tpu.memory_space<vmem_shared>>)
        } else {
        }
        %add3A = arith.constant 1 : i32
        %add3A_63 = arith.addi %scan3A_39, %add3A : i32
        %lt3A = arith.constant 32 : i32
        %lt3A_64 = arith.cmpi slt, %add3A_63, %lt3A : i32
        %convert_element_type3A_65 = arith.extui %lt3A_64 : i1 to i32
        %cond3A_66 = arith.constant 0 : i32
        %cond3A_67 = arith.cmpi ne, %convert_element_type3A_65, %cond3A_66 : i32
        scf.if %cond3A_67 {
          %add3A_68 = arith.constant 1 : i32
          %add3A_69 = arith.addi %scan3A_39, %add3A_68 : i32
          %rem3A_70 = arith.constant 2 : i32
          %rem3A_71 = arith.remsi %add3A_69, %rem3A_70 : i32
          %add3A_72 = arith.constant 1 : i32
          %add3A_73 = arith.addi %scan3A_39, %add3A_72 : i32
          %dma_start3A_74 = arith.constant 0 : i32
          %dma_start3A_75 = arith.constant 0 : i32
          %dma_start3A_76 = tpu.memref_slice %arg9[%rem3A_71, %dma_start3A_74, %dma_start3A_75] : memref<2x128x128xf32, #tpu.memory_space<vmem>> -> memref<1x128x128xf32, #tpu.memory_space<vmem>>
          %dma_start3A_77 = tpu.memref_squeeze %dma_start3A_76 : memref<1x128x128xf32, #tpu.memory_space<vmem>> -> memref<128x128xf32, #tpu.memory_space<vmem>>
          %dma_start3A_78 = arith.constant 0 : i32
          %dma_start3A_79 = tpu.memref_slice %arg7[%add3A_73, %dma_start3A_78] : memref<32x128xi32, #tpu.memory_space<vmem>> -> memref<1x128xi32, #tpu.memory_space<vmem>>
          %dma_start3A_80 = tpu.memref_squeeze %dma_start3A_79 : memref<1x128xi32, #tpu.memory_space<vmem>> -> memref<128xi32, #tpu.memory_space<vmem>>
          %dma_start3A_81 = arith.constant 0 : i32
          %dma_start3A_82 = arith.constant 0 : i32
          %dma_start3A_83 = tpu.memref_slice %arg2[%dma_start3A_81, %dma_start3A_82] : memref<20000x128xf32, #tpu.memory_space<hbm>> -> memref<20000x128xf32, #tpu.memory_space<hbm>>
          tpu.enqueue_indirect_dma source(%dma_start3A_83 : memref<20000x128xf32, #tpu.memory_space<hbm>>) target(%dma_start3A_77 : memref<128x128xf32, #tpu.memory_space<vmem>>) offsets(%dma_start3A_80 : memref<128xi32, #tpu.memory_space<vmem>>) semaphore(%arg11 : memref<!tpu.dma_semaphore, #tpu.memory_space<semaphore_mem>>)
        } else {
        }
      }
      %scan3A_27 = arith.constant 32 : i32
      %dma_wait3A = arith.constant 0 : i32
      %dma_wait3A_28 = arith.constant 0 : i32
      %dma_wait3A_29 = arith.constant 0 : i32
      %dma_wait3A_30 = arith.constant 0 : i32
      %dma_wait3A_31 = tpu.memref_slice %arg9[%dma_wait3A, %dma_wait3A_29, %dma_wait3A_30] : memref<2x128x128xf32, #tpu.memory_space<vmem>> -> memref<1x128x128xf32, #tpu.memory_space<vmem>>
      %dma_wait3A_32 = tpu.memref_squeeze %dma_wait3A_31 : memref<1x128x128xf32, #tpu.memory_space<vmem>> -> memref<128x128xf32, #tpu.memory_space<vmem>>
      %dma_wait3A_33 = arith.constant 0 : i32
      %dma_wait3A_34 = tpu.memref_slice %arg8[%dma_wait3A_28, %dma_wait3A_33] : memref<32x128xi32, #tpu.memory_space<vmem>> -> memref<1x128xi32, #tpu.memory_space<vmem>>
      %dma_wait3A_35 = tpu.memref_squeeze %dma_wait3A_34 : memref<1x128xi32, #tpu.memory_space<vmem>> -> memref<128xi32, #tpu.memory_space<vmem>>
      %dma_wait3A_36 = arith.constant 0 : i32
      %dma_wait3A_37 = arith.constant 0 : i32
      %dma_wait3A_38 = tpu.memref_slice %arg10[%dma_wait3A_36, %dma_wait3A_37] : memref<10112x128xf32, #tpu.memory_space<vmem_shared>> -> memref<10112x128xf32, #tpu.memory_space<vmem_shared>>
      tpu.wait_indirect_dma semaphore(%arg12 : memref<!tpu.dma_semaphore, #tpu.memory_space<semaphore_mem>>) src(%dma_wait3A_32 : memref<128x128xf32, #tpu.memory_space<vmem>>) dst(%dma_wait3A_38 : memref<10112x128xf32, #tpu.memory_space<vmem_shared>>)
    }
    %scan3A_5 = arith.constant 5 : i32
    %barrier3A_6 = arith.constant 0 : index
    tpu.barrier barrier_id(%barrier3A_6)
    "tpu.region"() ({
      %run_scoped3A = tpu.sem_alloc : memref<!tpu.dma_semaphore, #tpu.memory_space<semaphore_mem>>
      %dma_start3A = arith.constant 0 : i32
      %dma_start3A_7 = tpu.memref_slice %arg6[%arg0, %mul3A_0, %dma_start3A] : memref<2x10112x128xf32, #tpu.memory_space<hbm>> -> memref<1x632x128xf32, #tpu.memory_space<hbm>>
      %dma_start3A_8 = tpu.memref_squeeze %dma_start3A_7 : memref<1x632x128xf32, #tpu.memory_space<hbm>> -> memref<632x128xf32, #tpu.memory_space<hbm>>
      %dma_start3A_9 = arith.constant 0 : i32
      %dma_start3A_10 = tpu.memref_slice %arg10[%mul3A_0, %dma_start3A_9] : memref<10112x128xf32, #tpu.memory_space<vmem_shared>> -> memref<632x128xf32, #tpu.memory_space<vmem_shared>>
      tpu.enqueue_dma source(%dma_start3A_10 : memref<632x128xf32, #tpu.memory_space<vmem_shared>>) target(%dma_start3A_8 : memref<632x128xf32, #tpu.memory_space<hbm>>) target_semaphore(%run_scoped3A : memref<!tpu.dma_semaphore, #tpu.memory_space<semaphore_mem>>)
      %dma_wait3A = arith.constant 0 : i32
      %dma_wait3A_11 = tpu.memref_slice %arg6[%arg0, %mul3A_0, %dma_wait3A] : memref<2x10112x128xf32, #tpu.memory_space<hbm>> -> memref<1x632x128xf32, #tpu.memory_space<hbm>>
      %dma_wait3A_12 = tpu.memref_squeeze %dma_wait3A_11 : memref<1x632x128xf32, #tpu.memory_space<hbm>> -> memref<632x128xf32, #tpu.memory_space<hbm>>
      %dma_wait3A_13 = arith.constant 0 : i32
      %dma_wait3A_14 = tpu.memref_slice %arg10[%mul3A_0, %dma_wait3A_13] : memref<10112x128xf32, #tpu.memory_space<vmem_shared>> -> memref<632x128xf32, #tpu.memory_space<vmem_shared>>
      tpu.wait_dma2 semaphore(%run_scoped3A : memref<!tpu.dma_semaphore, #tpu.memory_space<semaphore_mem>>) src(%dma_wait3A_14 : memref<632x128xf32, #tpu.memory_space<vmem_shared>>) dst(%dma_wait3A_12 : memref<632x128xf32, #tpu.memory_space<hbm>>)
      tpu.yield
    }) : () -> ()
    return
  }
}

#map = affine_map<(d0, d1) -> (0, 0)>
#map1 = affine_map<(d0, d1) -> (0, 0, 0, 0)>
#map2 = affine_map<(d0, d1) -> (0, 0, 0)>
module attributes {stable_mosaic.version = 14 : i64} {
  func.func @_prop_kernel(%arg0: i32, %arg1: i32, %arg2: memref<20000x128xf32, #tpu.memory_space<hbm>>, %arg3: memref<2x16x160x128xi32, #tpu.memory_space<hbm>>, %arg4: memref<16x160x128xi32, #tpu.memory_space<hbm>>, %arg5: memref<10112x128xf32, #tpu.memory_space<hbm>>, %arg6: memref<2x10112x128xf32, #tpu.memory_space<hbm>>, %arg7: memref<32x128xi32, #tpu.memory_space<vmem>>, %arg8: memref<32x128xi32, #tpu.memory_space<vmem>>, %arg9: memref<2x128x128xf32, #tpu.memory_space<vmem>>, %arg10: memref<10112x128xf32, #tpu.memory_space<vmem_shared>>, %arg11: memref<!tpu.dma_semaphore, #tpu.memory_space<semaphore_mem>>, %arg12: memref<!tpu.dma_semaphore, #tpu.memory_space<semaphore_mem>>) attributes {dimension_semantics = [#tpu.dimension_semantics<core_parallel>, #tpu.dimension_semantics<subcore_parallel>], iteration_bounds = array<i64: 2, 16>, scalar_prefetch = 0 : i64, scratch_operands = 6 : i64, tpu.core_type = #tpu.core_type<sc_vector_subcore>, window_params = [{transform_indices = #map}, {transform_indices = #map1}, {transform_indices = #map2}, {transform_indices = #map}, {transform_indices = #map2}]} {
    %mul3A = arith.constant 632 : i32
    %mul3A_0 = arith.muli %arg1, %mul3A : i32
    "tpu.region"() ({
      %run_scoped3A = tpu.sem_alloc : memref<!tpu.dma_semaphore, #tpu.memory_space<semaphore_mem>>
      %dma_start3A = arith.constant 0 : i32
      %dma_start3A_7 = tpu.memref_slice %arg10[%mul3A_0, %dma_start3A] : memref<10112x128xf32, #tpu.memory_space<vmem_shared>> -> memref<632x128xf32, #tpu.memory_space<vmem_shared>>
      %dma_start3A_8 = arith.constant 0 : i32
      %dma_start3A_9 = tpu.memref_slice %arg5[%mul3A_0, %dma_start3A_8] : memref<10112x128xf32, #tpu.memory_space<hbm>> -> memref<632x128xf32, #tpu.memory_space<hbm>>
      tpu.enqueue_dma source(%dma_start3A_9 : memref<632x128xf32, #tpu.memory_space<hbm>>) target(%dma_start3A_7 : memref<632x128xf32, #tpu.memory_space<vmem_shared>>) target_semaphore(%run_scoped3A : memref<!tpu.dma_semaphore, #tpu.memory_space<semaphore_mem>>)
      %dma_wait3A = arith.constant 0 : i32
      %dma_wait3A_10 = tpu.memref_slice %arg10[%mul3A_0, %dma_wait3A] : memref<10112x128xf32, #tpu.memory_space<vmem_shared>> -> memref<632x128xf32, #tpu.memory_space<vmem_shared>>
      %dma_wait3A_11 = arith.constant 0 : i32
      %dma_wait3A_12 = tpu.memref_slice %arg5[%mul3A_0, %dma_wait3A_11] : memref<10112x128xf32, #tpu.memory_space<hbm>> -> memref<632x128xf32, #tpu.memory_space<hbm>>
      tpu.wait_dma2 semaphore(%run_scoped3A : memref<!tpu.dma_semaphore, #tpu.memory_space<semaphore_mem>>) src(%dma_wait3A_12 : memref<632x128xf32, #tpu.memory_space<hbm>>) dst(%dma_wait3A_10 : memref<632x128xf32, #tpu.memory_space<vmem_shared>>)
      tpu.yield
    }) : () -> ()
    %barrier3A = arith.constant 0 : index
    tpu.barrier barrier_id(%barrier3A)
    %scan3A = arith.constant 0 : i32
    %scan3A_1 = arith.constant 0 : i32
    %scan3A_2 = arith.constant 5 : i32
    %scan3A_3 = arith.addi %scan3A_1, %scan3A_2 : i32
    %scan3A_4 = arith.constant 1 : i32
    scf.for %scan3A_7 = %scan3A_1 to %scan3A_3 step %scan3A_4  : i32 {
      %mul3A_8 = arith.constant 32 : i32
      %mul3A_9 = arith.muli %scan3A_7, %mul3A_8 : i32
      "tpu.region"() ({
        %run_scoped3A = tpu.sem_alloc : memref<!tpu.dma_semaphore, #tpu.memory_space<semaphore_mem>>
        %dma_start3A_39 = arith.constant 0 : i32
        %dma_start3A_40 = tpu.memref_slice %arg3[%arg0, %arg1, %mul3A_9, %dma_start3A_39] : memref<2x16x160x128xi32, #tpu.memory_space<hbm>> -> memref<1x1x32x128xi32, #tpu.memory_space<hbm>>
        %dma_start3A_41 = tpu.memref_squeeze %dma_start3A_40 : memref<1x1x32x128xi32, #tpu.memory_space<hbm>> -> memref<32x128xi32, #tpu.memory_space<hbm>>
        %dma_start3A_42 = arith.constant 0 : i32
        %dma_start3A_43 = tpu.memref_slice %arg3[%arg0, %arg1, %mul3A_9, %dma_start3A_42] : memref<2x16x160x128xi32, #tpu.memory_space<hbm>> -> memref<1x1x32x128xi32, #tpu.memory_space<hbm>>
        %dma_start3A_44 = tpu.memref_squeeze %dma_start3A_43 : memref<1x1x32x128xi32, #tpu.memory_space<hbm>> -> memref<32x128xi32, #tpu.memory_space<hbm>>
        tpu.enqueue_dma source(%dma_start3A_44 : memref<32x128xi32, #tpu.memory_space<hbm>>) target(%arg7 : memref<32x128xi32, #tpu.memory_space<vmem>>) target_semaphore(%run_scoped3A : memref<!tpu.dma_semaphore, #tpu.memory_space<semaphore_mem>>)
        %dma_wait3A_45 = arith.constant 0 : i32
        %dma_wait3A_46 = tpu.memref_slice %arg3[%arg0, %arg1, %mul3A_9, %dma_wait3A_45] : memref<2x16x160x128xi32, #tpu.memory_space<hbm>> -> memref<1x1x32x128xi32, #tpu.memory_space<hbm>>
        %dma_wait3A_47 = tpu.memref_squeeze %dma_wait3A_46 : memref<1x1x32x128xi32, #tpu.memory_space<hbm>> -> memref<32x128xi32, #tpu.memory_space<hbm>>
        %dma_wait3A_48 = arith.constant 0 : i32
        %dma_wait3A_49 = tpu.memref_slice %arg3[%arg0, %arg1, %mul3A_9, %dma_wait3A_48] : memref<2x16x160x128xi32, #tpu.memory_space<hbm>> -> memref<1x1x32x128xi32, #tpu.memory_space<hbm>>
        %dma_wait3A_50 = tpu.memref_squeeze %dma_wait3A_49 : memref<1x1x32x128xi32, #tpu.memory_space<hbm>> -> memref<32x128xi32, #tpu.memory_space<hbm>>
        tpu.wait_dma2 semaphore(%run_scoped3A : memref<!tpu.dma_semaphore, #tpu.memory_space<semaphore_mem>>) src(%dma_wait3A_50 : memref<32x128xi32, #tpu.memory_space<hbm>>) dst(%arg7 : memref<32x128xi32, #tpu.memory_space<vmem>>)
        tpu.yield
      }) : () -> ()
      %mul3A_10 = arith.constant 32 : i32
      %mul3A_11 = arith.muli %scan3A_7, %mul3A_10 : i32
      "tpu.region"() ({
        %run_scoped3A = tpu.sem_alloc : memref<!tpu.dma_semaphore, #tpu.memory_space<semaphore_mem>>
        %dma_start3A_39 = arith.constant 0 : i32
        %dma_start3A_40 = tpu.memref_slice %arg4[%arg1, %mul3A_11, %dma_start3A_39] : memref<16x160x128xi32, #tpu.memory_space<hbm>> -> memref<1x32x128xi32, #tpu.memory_space<hbm>>
        %dma_start3A_41 = tpu.memref_squeeze %dma_start3A_40 : memref<1x32x128xi32, #tpu.memory_space<hbm>> -> memref<32x128xi32, #tpu.memory_space<hbm>>
        %dma_start3A_42 = arith.constant 0 : i32
        %dma_start3A_43 = tpu.memref_slice %arg4[%arg1, %mul3A_11, %dma_start3A_42] : memref<16x160x128xi32, #tpu.memory_space<hbm>> -> memref<1x32x128xi32, #tpu.memory_space<hbm>>
        %dma_start3A_44 = tpu.memref_squeeze %dma_start3A_43 : memref<1x32x128xi32, #tpu.memory_space<hbm>> -> memref<32x128xi32, #tpu.memory_space<hbm>>
        tpu.enqueue_dma source(%dma_start3A_44 : memref<32x128xi32, #tpu.memory_space<hbm>>) target(%arg8 : memref<32x128xi32, #tpu.memory_space<vmem>>) target_semaphore(%run_scoped3A : memref<!tpu.dma_semaphore, #tpu.memory_space<semaphore_mem>>)
        %dma_wait3A_45 = arith.constant 0 : i32
        %dma_wait3A_46 = tpu.memref_slice %arg4[%arg1, %mul3A_11, %dma_wait3A_45] : memref<16x160x128xi32, #tpu.memory_space<hbm>> -> memref<1x32x128xi32, #tpu.memory_space<hbm>>
        %dma_wait3A_47 = tpu.memref_squeeze %dma_wait3A_46 : memref<1x32x128xi32, #tpu.memory_space<hbm>> -> memref<32x128xi32, #tpu.memory_space<hbm>>
        %dma_wait3A_48 = arith.constant 0 : i32
        %dma_wait3A_49 = tpu.memref_slice %arg4[%arg1, %mul3A_11, %dma_wait3A_48] : memref<16x160x128xi32, #tpu.memory_space<hbm>> -> memref<1x32x128xi32, #tpu.memory_space<hbm>>
        %dma_wait3A_50 = tpu.memref_squeeze %dma_wait3A_49 : memref<1x32x128xi32, #tpu.memory_space<hbm>> -> memref<32x128xi32, #tpu.memory_space<hbm>>
        tpu.wait_dma2 semaphore(%run_scoped3A : memref<!tpu.dma_semaphore, #tpu.memory_space<semaphore_mem>>) src(%dma_wait3A_50 : memref<32x128xi32, #tpu.memory_space<hbm>>) dst(%arg8 : memref<32x128xi32, #tpu.memory_space<vmem>>)
        tpu.yield
      }) : () -> ()
      %dma_start3A = arith.constant 0 : i32
      %dma_start3A_12 = arith.constant 0 : i32
      %dma_start3A_13 = arith.constant 0 : i32
      %dma_start3A_14 = arith.constant 0 : i32
      %dma_start3A_15 = tpu.memref_slice %arg9[%dma_start3A_12, %dma_start3A_13, %dma_start3A_14] : memref<2x128x128xf32, #tpu.memory_space<vmem>> -> memref<1x128x128xf32, #tpu.memory_space<vmem>>
      %dma_start3A_16 = tpu.memref_squeeze %dma_start3A_15 : memref<1x128x128xf32, #tpu.memory_space<vmem>> -> memref<128x128xf32, #tpu.memory_space<vmem>>
      %dma_start3A_17 = arith.constant 0 : i32
      %dma_start3A_18 = tpu.memref_slice %arg7[%dma_start3A, %dma_start3A_17] : memref<32x128xi32, #tpu.memory_space<vmem>> -> memref<1x128xi32, #tpu.memory_space<vmem>>
      %dma_start3A_19 = tpu.memref_squeeze %dma_start3A_18 : memref<1x128xi32, #tpu.memory_space<vmem>> -> memref<128xi32, #tpu.memory_space<vmem>>
      %dma_start3A_20 = arith.constant 0 : i32
      %dma_start3A_21 = arith.constant 0 : i32
      %dma_start3A_22 = tpu.memref_slice %arg2[%dma_start3A_20, %dma_start3A_21] : memref<20000x128xf32, #tpu.memory_space<hbm>> -> memref<20000x128xf32, #tpu.memory_space<hbm>>
      tpu.enqueue_indirect_dma source(%dma_start3A_22 : memref<20000x128xf32, #tpu.memory_space<hbm>>) target(%dma_start3A_16 : memref<128x128xf32, #tpu.memory_space<vmem>>) offsets(%dma_start3A_19 : memref<128xi32, #tpu.memory_space<vmem>>) semaphore(%arg11 : memref<!tpu.dma_semaphore, #tpu.memory_space<semaphore_mem>>)
      %scan3A_23 = arith.constant 0 : i32
      %scan3A_24 = arith.constant 32 : i32
      %scan3A_25 = arith.addi %scan3A_23, %scan3A_24 : i32
      %scan3A_26 = arith.constant 1 : i32
      scf.for %scan3A_39 = %scan3A_23 to %scan3A_25 step %scan3A_26  : i32 {
        %rem3A = arith.constant 2 : i32
        %rem3A_40 = arith.remsi %scan3A_39, %rem3A : i32
        %dma_wait3A_41 = arith.constant 0 : i32
        %dma_wait3A_42 = arith.constant 0 : i32
        %dma_wait3A_43 = tpu.memref_slice %arg9[%rem3A_40, %dma_wait3A_41, %dma_wait3A_42] : memref<2x128x128xf32, #tpu.memory_space<vmem>> -> memref<1x128x128xf32, #tpu.memory_space<vmem>>
        %dma_wait3A_44 = tpu.memref_squeeze %dma_wait3A_43 : memref<1x128x128xf32, #tpu.memory_space<vmem>> -> memref<128x128xf32, #tpu.memory_space<vmem>>
        %dma_wait3A_45 = arith.constant 0 : i32
        %dma_wait3A_46 = tpu.memref_slice %arg7[%scan3A_39, %dma_wait3A_45] : memref<32x128xi32, #tpu.memory_space<vmem>> -> memref<1x128xi32, #tpu.memory_space<vmem>>
        %dma_wait3A_47 = tpu.memref_squeeze %dma_wait3A_46 : memref<1x128xi32, #tpu.memory_space<vmem>> -> memref<128xi32, #tpu.memory_space<vmem>>
        %dma_wait3A_48 = arith.constant 0 : i32
        %dma_wait3A_49 = arith.constant 0 : i32
        %dma_wait3A_50 = tpu.memref_slice %arg2[%dma_wait3A_48, %dma_wait3A_49] : memref<20000x128xf32, #tpu.memory_space<hbm>> -> memref<20000x128xf32, #tpu.memory_space<hbm>>
        tpu.wait_indirect_dma semaphore(%arg11 : memref<!tpu.dma_semaphore, #tpu.memory_space<semaphore_mem>>) src(%dma_wait3A_50 : memref<20000x128xf32, #tpu.memory_space<hbm>>) dst(%dma_wait3A_44 : memref<128x128xf32, #tpu.memory_space<vmem>>)
        %dma_start3A_51 = arith.constant 0 : i32
        %dma_start3A_52 = arith.constant 0 : i32
        %dma_start3A_53 = tpu.memref_slice %arg9[%rem3A_40, %dma_start3A_51, %dma_start3A_52] : memref<2x128x128xf32, #tpu.memory_space<vmem>> -> memref<1x128x128xf32, #tpu.memory_space<vmem>>
        %dma_start3A_54 = tpu.memref_squeeze %dma_start3A_53 : memref<1x128x128xf32, #tpu.memory_space<vmem>> -> memref<128x128xf32, #tpu.memory_space<vmem>>
        %dma_start3A_55 = arith.constant 0 : i32
        %dma_start3A_56 = tpu.memref_slice %arg8[%scan3A_39, %dma_start3A_55] : memref<32x128xi32, #tpu.memory_space<vmem>> -> memref<1x128xi32, #tpu.memory_space<vmem>>
        %dma_start3A_57 = tpu.memref_squeeze %dma_start3A_56 : memref<1x128xi32, #tpu.memory_space<vmem>> -> memref<128xi32, #tpu.memory_space<vmem>>
        %dma_start3A_58 = arith.constant 0 : i32
        %dma_start3A_59 = arith.constant 0 : i32
        %dma_start3A_60 = tpu.memref_slice %arg10[%dma_start3A_58, %dma_start3A_59] : memref<10112x128xf32, #tpu.memory_space<vmem_shared>> -> memref<10112x128xf32, #tpu.memory_space<vmem_shared>>
        tpu.enqueue_indirect_dma source(%dma_start3A_54 : memref<128x128xf32, #tpu.memory_space<vmem>>) target(%dma_start3A_60 : memref<10112x128xf32, #tpu.memory_space<vmem_shared>>) offsets(%dma_start3A_57 : memref<128xi32, #tpu.memory_space<vmem>>) semaphore(%arg12 : memref<!tpu.dma_semaphore, #tpu.memory_space<semaphore_mem>>) {add = true}
        %ge3A = arith.constant 1 : i32
        %ge3A_61 = arith.cmpi sge, %scan3A_39, %ge3A : i32
        %convert_element_type3A = arith.extui %ge3A_61 : i1 to i32
        %cond3A = arith.constant 0 : i32
        %cond3A_62 = arith.cmpi ne, %convert_element_type3A, %cond3A : i32
        scf.if %cond3A_62 {
          %dma_wait3A_68 = arith.constant 0 : i32
          %dma_wait3A_69 = arith.constant 0 : i32
          %dma_wait3A_70 = arith.constant 0 : i32
          %dma_wait3A_71 = arith.constant 0 : i32
          %dma_wait3A_72 = tpu.memref_slice %arg9[%dma_wait3A_68, %dma_wait3A_70, %dma_wait3A_71] : memref<2x128x128xf32, #tpu.memory_space<vmem>> -> memref<1x128x128xf32, #tpu.memory_space<vmem>>
          %dma_wait3A_73 = tpu.memref_squeeze %dma_wait3A_72 : memref<1x128x128xf32, #tpu.memory_space<vmem>> -> memref<128x128xf32, #tpu.memory_space<vmem>>
          %dma_wait3A_74 = arith.constant 0 : i32
          %dma_wait3A_75 = tpu.memref_slice %arg8[%dma_wait3A_69, %dma_wait3A_74] : memref<32x128xi32, #tpu.memory_space<vmem>> -> memref<1x128xi32, #tpu.memory_space<vmem>>
          %dma_wait3A_76 = tpu.memref_squeeze %dma_wait3A_75 : memref<1x128xi32, #tpu.memory_space<vmem>> -> memref<128xi32, #tpu.memory_space<vmem>>
          %dma_wait3A_77 = arith.constant 0 : i32
          %dma_wait3A_78 = arith.constant 0 : i32
          %dma_wait3A_79 = tpu.memref_slice %arg10[%dma_wait3A_77, %dma_wait3A_78] : memref<10112x128xf32, #tpu.memory_space<vmem_shared>> -> memref<10112x128xf32, #tpu.memory_space<vmem_shared>>
          tpu.wait_indirect_dma semaphore(%arg12 : memref<!tpu.dma_semaphore, #tpu.memory_space<semaphore_mem>>) src(%dma_wait3A_73 : memref<128x128xf32, #tpu.memory_space<vmem>>) dst(%dma_wait3A_79 : memref<10112x128xf32, #tpu.memory_space<vmem_shared>>)
        } else {
        }
        %add3A = arith.constant 1 : i32
        %add3A_63 = arith.addi %scan3A_39, %add3A : i32
        %lt3A = arith.constant 32 : i32
        %lt3A_64 = arith.cmpi slt, %add3A_63, %lt3A : i32
        %convert_element_type3A_65 = arith.extui %lt3A_64 : i1 to i32
        %cond3A_66 = arith.constant 0 : i32
        %cond3A_67 = arith.cmpi ne, %convert_element_type3A_65, %cond3A_66 : i32
        scf.if %cond3A_67 {
          %add3A_68 = arith.constant 1 : i32
          %add3A_69 = arith.addi %scan3A_39, %add3A_68 : i32
          %rem3A_70 = arith.constant 2 : i32
          %rem3A_71 = arith.remsi %add3A_69, %rem3A_70 : i32
          %add3A_72 = arith.constant 1 : i32
          %add3A_73 = arith.addi %scan3A_39, %add3A_72 : i32
          %dma_start3A_74 = arith.constant 0 : i32
          %dma_start3A_75 = arith.constant 0 : i32
          %dma_start3A_76 = tpu.memref_slice %arg9[%rem3A_71, %dma_start3A_74, %dma_start3A_75] : memref<2x128x128xf32, #tpu.memory_space<vmem>> -> memref<1x128x128xf32, #tpu.memory_space<vmem>>
          %dma_start3A_77 = tpu.memref_squeeze %dma_start3A_76 : memref<1x128x128xf32, #tpu.memory_space<vmem>> -> memref<128x128xf32, #tpu.memory_space<vmem>>
          %dma_start3A_78 = arith.constant 0 : i32
          %dma_start3A_79 = tpu.memref_slice %arg7[%add3A_73, %dma_start3A_78] : memref<32x128xi32, #tpu.memory_space<vmem>> -> memref<1x128xi32, #tpu.memory_space<vmem>>
          %dma_start3A_80 = tpu.memref_squeeze %dma_start3A_79 : memref<1x128xi32, #tpu.memory_space<vmem>> -> memref<128xi32, #tpu.memory_space<vmem>>
          %dma_start3A_81 = arith.constant 0 : i32
          %dma_start3A_82 = arith.constant 0 : i32
          %dma_start3A_83 = tpu.memref_slice %arg2[%dma_start3A_81, %dma_start3A_82] : memref<20000x128xf32, #tpu.memory_space<hbm>> -> memref<20000x128xf32, #tpu.memory_space<hbm>>
          tpu.enqueue_indirect_dma source(%dma_start3A_83 : memref<20000x128xf32, #tpu.memory_space<hbm>>) target(%dma_start3A_77 : memref<128x128xf32, #tpu.memory_space<vmem>>) offsets(%dma_start3A_80 : memref<128xi32, #tpu.memory_space<vmem>>) semaphore(%arg11 : memref<!tpu.dma_semaphore, #tpu.memory_space<semaphore_mem>>)
        } else {
        }
      }
      %scan3A_27 = arith.constant 32 : i32
      %dma_wait3A = arith.constant 0 : i32
      %dma_wait3A_28 = arith.constant 0 : i32
      %dma_wait3A_29 = arith.constant 0 : i32
      %dma_wait3A_30 = arith.constant 0 : i32
      %dma_wait3A_31 = tpu.memref_slice %arg9[%dma_wait3A, %dma_wait3A_29, %dma_wait3A_30] : memref<2x128x128xf32, #tpu.memory_space<vmem>> -> memref<1x128x128xf32, #tpu.memory_space<vmem>>
      %dma_wait3A_32 = tpu.memref_squeeze %dma_wait3A_31 : memref<1x128x128xf32, #tpu.memory_space<vmem>> -> memref<128x128xf32, #tpu.memory_space<vmem>>
      %dma_wait3A_33 = arith.constant 0 : i32
      %dma_wait3A_34 = tpu.memref_slice %arg8[%dma_wait3A_28, %dma_wait3A_33] : memref<32x128xi32, #tpu.memory_space<vmem>> -> memref<1x128xi32, #tpu.memory_space<vmem>>
      %dma_wait3A_35 = tpu.memref_squeeze %dma_wait3A_34 : memref<1x128xi32, #tpu.memory_space<vmem>> -> memref<128xi32, #tpu.memory_space<vmem>>
      %dma_wait3A_36 = arith.constant 0 : i32
      %dma_wait3A_37 = arith.constant 0 : i32
      %dma_wait3A_38 = tpu.memref_slice %arg10[%dma_wait3A_36, %dma_wait3A_37] : memref<10112x128xf32, #tpu.memory_space<vmem_shared>> -> memref<10112x128xf32, #tpu.memory_space<vmem_shared>>
      tpu.wait_indirect_dma semaphore(%arg12 : memref<!tpu.dma_semaphore, #tpu.memory_space<semaphore_mem>>) src(%dma_wait3A_32 : memref<128x128xf32, #tpu.memory_space<vmem>>) dst(%dma_wait3A_38 : memref<10112x128xf32, #tpu.memory_space<vmem_shared>>)
    }
    %scan3A_5 = arith.constant 5 : i32
    %barrier3A_6 = arith.constant 0 : index
    tpu.barrier barrier_id(%barrier3A_6)
    "tpu.region"() ({
      %run_scoped3A = tpu.sem_alloc : memref<!tpu.dma_semaphore, #tpu.memory_space<semaphore_mem>>
      %dma_start3A = arith.constant 0 : i32
      %dma_start3A_7 = tpu.memref_slice %arg6[%arg0, %mul3A_0, %dma_start3A] : memref<2x10112x128xf32, #tpu.memory_space<hbm>> -> memref<1x632x128xf32, #tpu.memory_space<hbm>>
      %dma_start3A_8 = tpu.memref_squeeze %dma_start3A_7 : memref<1x632x128xf32, #tpu.memory_space<hbm>> -> memref<632x128xf32, #tpu.memory_space<hbm>>
      %dma_start3A_9 = arith.constant 0 : i32
      %dma_start3A_10 = tpu.memref_slice %arg10[%mul3A_0, %dma_start3A_9] : memref<10112x128xf32, #tpu.memory_space<vmem_shared>> -> memref<632x128xf32, #tpu.memory_space<vmem_shared>>
      tpu.enqueue_dma source(%dma_start3A_10 : memref<632x128xf32, #tpu.memory_space<vmem_shared>>) target(%dma_start3A_8 : memref<632x128xf32, #tpu.memory_space<hbm>>) target_semaphore(%run_scoped3A : memref<!tpu.dma_semaphore, #tpu.memory_space<semaphore_mem>>)
      %dma_wait3A = arith.constant 0 : i32
      %dma_wait3A_11 = tpu.memref_slice %arg6[%arg0, %mul3A_0, %dma_wait3A] : memref<2x10112x128xf32, #tpu.memory_space<hbm>> -> memref<1x632x128xf32, #tpu.memory_space<hbm>>
      %dma_wait3A_12 = tpu.memref_squeeze %dma_wait3A_11 : memref<1x632x128xf32, #tpu.memory_space<hbm>> -> memref<632x128xf32, #tpu.memory_space<hbm>>
      %dma_wait3A_13 = arith.constant 0 : i32
      %dma_wait3A_14 = tpu.memref_slice %arg10[%mul3A_0, %dma_wait3A_13] : memref<10112x128xf32, #tpu.memory_space<vmem_shared>> -> memref<632x128xf32, #tpu.memory_space<vmem_shared>>
      tpu.wait_dma2 semaphore(%run_scoped3A : memref<!tpu.dma_semaphore, #tpu.memory_space<semaphore_mem>>) src(%dma_wait3A_14 : memref<632x128xf32, #tpu.memory_space<vmem_shared>>) dst(%dma_wait3A_12 : memref<632x128xf32, #tpu.memory_space<hbm>>)
      tpu.yield
    }) : () -> ()
    return
  }
}

module attributes {stable_mosaic.version = 14 : i64} {
  func.func @_lift_body(%arg0: i32, %arg1: memref<1000x128xf32, #tpu.memory_space<vmem>>, %arg2: memref<128x256xf32, #tpu.memory_space<vmem>>, %arg3: memref<1x256xf32, #tpu.memory_space<vmem>>, %arg4: memref<2x1000x1xf32, #tpu.memory_space<vmem>>, %arg5: memref<2x1000x128xf32, #tpu.memory_space<vmem>>, %arg6: memref<1000x1xf32, #tpu.memory_space<vmem>>) attributes {dimension_semantics = [#tpu.dimension_semantics<arbitrary>], iteration_bounds = array<i64: 10>, scalar_prefetch = 0 : i64, scratch_operands = 0 : i64, tpu.core_type = #tpu.core_type<tc>, window_params = [{transform_indices = @transform_0, window_bounds = array<i64: 1000, 128>}, {pipeline_mode = #tpu.pipeline_mode<synchronous>, transform_indices = @transform_1, window_bounds = array<i64: 128, 256>}, {pipeline_mode = #tpu.pipeline_mode<synchronous>, transform_indices = @transform_2, window_bounds = array<i64: 1, 256>}, {transform_indices = @transform_3, window_bounds = array<i64: 2, 1000, 1>}, {transform_indices = @transform_4, window_bounds = array<i64: 2, 1000, 128>}, {transform_indices = @transform_5, window_bounds = array<i64: 1000, 1>}]} {
    %get3A = arith.constant 0 : index
    %get3A_0 = arith.constant 0 : index
    %get3A_1 = arith.constant 0 : index
    %get3A_2 = vector.load %arg4[%get3A, %get3A_0, %get3A_1] : memref<2x1000x1xf32, #tpu.memory_space<vmem>>, vector<1x1000x1xf32>
    %get3A_3 = vector.shape_cast %get3A_2 : vector<1x1000x1xf32> to vector<1000x1xf32>
    %get3A_4 = arith.constant 1 : index
    %get3A_5 = arith.constant 0 : index
    %get3A_6 = arith.constant 0 : index
    %get3A_7 = vector.load %arg4[%get3A_4, %get3A_5, %get3A_6] : memref<2x1000x1xf32, #tpu.memory_space<vmem>>, vector<1x1000x1xf32>
    %get3A_8 = vector.shape_cast %get3A_7 : vector<1x1000x1xf32> to vector<1000x1xf32>
    %add3A = arith.addf %get3A_3, %get3A_8 : vector<1000x1xf32>
    %jit3A = arith.constant 1.000000e+00 : f32
    %max3A = vector.broadcast %jit3A : f32 to vector<1000x1xf32>
    %max3A_9 = arith.maximumf %max3A, %add3A : vector<1000x1xf32>
    %rsqrt3A = math.rsqrt %max3A_9 : vector<1000x1xf32>
    %get3A_10 = arith.constant 0 : index
    %get3A_11 = arith.constant 0 : index
    %get3A_12 = vector.load %arg1[%get3A_10, %get3A_11] : memref<1000x128xf32, #tpu.memory_space<vmem>>, vector<1000x128xf32>
    %get3A_13 = arith.constant 0 : index
    %get3A_14 = arith.constant 0 : index
    %get3A_15 = vector.load %arg2[%get3A_13, %get3A_14] : memref<128x256xf32, #tpu.memory_space<vmem>>, vector<128x256xf32>
    %dot_general3A = arith.constant dense<0.000000e+00> : vector<1000x256xf32>
    %dot_general3A_16 = tpu.matmul %get3A_12, %get3A_15, %dot_general3A {dimension_numbers = #tpu.dot_dimension_numbers<[1], [0], [0], [1], [0, 0, 1, 1], [], []>, transpose_lhs_hint = false} : vector<1000x128xf32>, vector<128x256xf32>, vector<1000x256xf32> -> vector<1000x256xf32>
    %get3A_17 = arith.constant 0 : index
    %get3A_18 = arith.constant 0 : index
    %get3A_19 = vector.load %arg3[%get3A_17, %get3A_18] : memref<1x256xf32, #tpu.memory_space<vmem>>, vector<1x256xf32>
    %add3A_20 = vector.broadcast %get3A_19 : vector<1x256xf32> to vector<1000x256xf32>
    %add3A_21 = arith.addf %dot_general3A_16, %add3A_20 : vector<1000x256xf32>
    %mul3A = vector.broadcast %rsqrt3A : vector<1000x1xf32> to vector<1000x256xf32>
    %mul3A_22 = arith.mulf %mul3A, %add3A_21 : vector<1000x256xf32>
    %slice3A = vector.extract_strided_slice %mul3A_22 {offsets = [0, 0], sizes = [1000, 128], strides = [1, 1]} : vector<1000x256xf32> to vector<1000x128xf32>
    %swap3A = arith.constant 0 : index
    %swap3A_23 = arith.constant 0 : index
    %swap3A_24 = arith.constant 0 : index
    %swap3A_25 = vector.load %arg5[%swap3A, %swap3A_23, %swap3A_24] : memref<2x1000x128xf32, #tpu.memory_space<vmem>>, vector<1x1000x128xf32>
    %swap3A_26 = vector.shape_cast %swap3A_25 : vector<1x1000x128xf32> to vector<1000x128xf32>
    %swap3A_27 = vector.shape_cast %slice3A : vector<1000x128xf32> to vector<1x1000x128xf32>
    tpu.vector_store %arg5[%swap3A, %swap3A_23, %swap3A_24], %swap3A_27 {strides = array<i32>} : memref<2x1000x128xf32, #tpu.memory_space<vmem>>, vector<1x1000x128xf32>,
    %slice3A_28 = vector.extract_strided_slice %mul3A_22 {offsets = [0, 128], sizes = [1000, 128], strides = [1, 1]} : vector<1000x256xf32> to vector<1000x128xf32>
    %swap3A_29 = arith.constant 1 : index
    %swap3A_30 = arith.constant 0 : index
    %swap3A_31 = arith.constant 0 : index
    %swap3A_32 = vector.load %arg5[%swap3A_29, %swap3A_30, %swap3A_31] : memref<2x1000x128xf32, #tpu.memory_space<vmem>>, vector<1x1000x128xf32>
    %swap3A_33 = vector.shape_cast %swap3A_32 : vector<1x1000x128xf32> to vector<1000x128xf32>
    %swap3A_34 = vector.shape_cast %slice3A_28 : vector<1000x128xf32> to vector<1x1000x128xf32>
    tpu.vector_store %arg5[%swap3A_29, %swap3A_30, %swap3A_31], %swap3A_34 {strides = array<i32>} : memref<2x1000x128xf32, #tpu.memory_space<vmem>>, vector<1x1000x128xf32>,
    %swap3A_35 = arith.constant 0 : index
    %swap3A_36 = arith.constant 0 : index
    %swap3A_37 = vector.load %arg6[%swap3A_35, %swap3A_36] : memref<1000x1xf32, #tpu.memory_space<vmem>>, vector<1000x1xf32>
    tpu.vector_store %arg6[%swap3A_35, %swap3A_36], %rsqrt3A {strides = array<i32>} : memref<1000x1xf32, #tpu.memory_space<vmem>>, vector<1000x1xf32>,
    return
  }
  func.func @transform_0(%arg0: i32) -> (i32, i32) {
    %c0_i32 = arith.constant 0 : i32
    %c0_i32_0 = arith.constant 0 : i32
    return %arg0, %c0_i32 : i32, i32
  }
  func.func @transform_1(%arg0: i32) -> (i32, i32) {
    %c0_i32 = arith.constant 0 : i32
    %c0_i32_0 = arith.constant 0 : i32
    %c0_i32_1 = arith.constant 0 : i32
    return %c0_i32, %c0_i32_0 : i32, i32
  }
  func.func @transform_2(%arg0: i32) -> (i32, i32) {
    %c0_i32 = arith.constant 0 : i32
    %c0_i32_0 = arith.constant 0 : i32
    %c0_i32_1 = arith.constant 0 : i32
    return %c0_i32, %c0_i32_0 : i32, i32
  }
  func.func @transform_3(%arg0: i32) -> (i32, i32, i32) {
    %c0_i32 = arith.constant 0 : i32
    %c0_i32_0 = arith.constant 0 : i32
    %c0_i32_1 = arith.constant 0 : i32
    return %c0_i32, %arg0, %c0_i32_0 : i32, i32, i32
  }
  func.func @transform_4(%arg0: i32) -> (i32, i32, i32) {
    %c0_i32 = arith.constant 0 : i32
    %c0_i32_0 = arith.constant 0 : i32
    %c0_i32_1 = arith.constant 0 : i32
    return %c0_i32, %arg0, %c0_i32_0 : i32, i32, i32
  }
  func.func @transform_5(%arg0: i32) -> (i32, i32) {
    %c0_i32 = arith.constant 0 : i32
    %c0_i32_0 = arith.constant 0 : i32
    return %arg0, %c0_i32 : i32, i32
  }
}

module attributes {stable_mosaic.version = 14 : i64} {
  func.func @_expm_body(%arg0: i32, %arg1: memref<1x256x256xf32, #tpu.memory_space<vmem>>, %arg2: memref<1x256x256xf32, #tpu.memory_space<vmem>>, %arg3: memref<1x256x256xf32, #tpu.memory_space<vmem>>) attributes {dimension_semantics = [#tpu.dimension_semantics<arbitrary>], iteration_bounds = array<i64: 6>, scalar_prefetch = 0 : i64, scratch_operands = 0 : i64, tpu.core_type = #tpu.core_type<tc>, window_params = [{transform_indices = @transform_0, window_bounds = array<i64: 1, 256, 256>}, {transform_indices = @transform_1, window_bounds = array<i64: 1, 256, 256>}, {transform_indices = @transform_2, window_bounds = array<i64: 1, 256, 256>}]} {
    %get3A = arith.constant 0 : index
    %get3A_0 = arith.constant 0 : index
    %get3A_1 = arith.constant 0 : index
    %get3A_2 = vector.load %arg1[%get3A, %get3A_0, %get3A_1] : memref<1x256x256xf32, #tpu.memory_space<vmem>>, vector<1x256x256xf32>
    %get3A_3 = vector.shape_cast %get3A_2 : vector<1x256x256xf32> to vector<256x256xf32>
    %get3A_4 = arith.constant 0 : index
    %get3A_5 = arith.constant 0 : index
    %get3A_6 = arith.constant 0 : index
    %get3A_7 = vector.load %arg2[%get3A_4, %get3A_5, %get3A_6] : memref<1x256x256xf32, #tpu.memory_space<vmem>>, vector<1x256x256xf32>
    %get3A_8 = vector.shape_cast %get3A_7 : vector<1x256x256xf32> to vector<256x256xf32>
    %sub3A = arith.subf %get3A_3, %get3A_8 : vector<256x256xf32>
    %iota3A = tpu.iota {dimensions = array<i32: 0>} : vector<256x256xi32>
    %iota3A_9 = tpu.iota {dimensions = array<i32: 1>} : vector<256x256xi32>
    %eq3A = arith.cmpi eq, %iota3A, %iota3A_9 : vector<256x256xi32>
    %convert_element_type3A = arith.extui %eq3A : vector<256x256xi1> to vector<256x256xi32>
    %convert_element_type3A_10 = arith.sitofp %convert_element_type3A : vector<256x256xi32> to vector<256x256xf32>
    %dot_general3A = arith.constant dense<0.000000e+00> : vector<256x256xf32>
    %dot_general3A_11 = tpu.matmul %convert_element_type3A_10, %sub3A, %dot_general3A {dimension_numbers = #tpu.dot_dimension_numbers<[1], [0], [0], [1], [0, 0, 1, 1], [], []>, transpose_lhs_hint = false} : vector<256x256xf32>, vector<256x256xf32>, vector<256x256xf32> -> vector<256x256xf32>
    %div3A = arith.constant 1.000000e+00 : f32
    %div3A_12 = vector.broadcast %div3A : f32 to vector<256x256xf32>
    %div3A_13 = arith.divf %dot_general3A_11, %div3A_12 : vector<256x256xf32>
    %add3A = arith.addf %convert_element_type3A_10, %div3A_13 : vector<256x256xf32>
    %dot_general3A_14 = arith.constant dense<0.000000e+00> : vector<256x256xf32>
    %dot_general3A_15 = tpu.matmul %div3A_13, %sub3A, %dot_general3A_14 {dimension_numbers = #tpu.dot_dimension_numbers<[1], [0], [0], [1], [0, 0, 1, 1], [], []>, transpose_lhs_hint = false} : vector<256x256xf32>, vector<256x256xf32>, vector<256x256xf32> -> vector<256x256xf32>
    %div3A_16 = arith.constant 2.000000e+00 : f32
    %div3A_17 = vector.broadcast %div3A_16 : f32 to vector<256x256xf32>
    %div3A_18 = arith.divf %dot_general3A_15, %div3A_17 : vector<256x256xf32>
    %add3A_19 = arith.addf %add3A, %div3A_18 : vector<256x256xf32>
    %dot_general3A_20 = arith.constant dense<0.000000e+00> : vector<256x256xf32>
    %dot_general3A_21 = tpu.matmul %div3A_18, %sub3A, %dot_general3A_20 {dimension_numbers = #tpu.dot_dimension_numbers<[1], [0], [0], [1], [0, 0, 1, 1], [], []>, transpose_lhs_hint = false} : vector<256x256xf32>, vector<256x256xf32>, vector<256x256xf32> -> vector<256x256xf32>
    %div3A_22 = arith.constant 3.000000e+00 : f32
    %div3A_23 = vector.broadcast %div3A_22 : f32 to vector<256x256xf32>
    %div3A_24 = arith.divf %dot_general3A_21, %div3A_23 : vector<256x256xf32>
    %add3A_25 = arith.addf %add3A_19, %div3A_24 : vector<256x256xf32>
    %dot_general3A_26 = arith.constant dense<0.000000e+00> : vector<256x256xf32>
    %dot_general3A_27 = tpu.matmul %div3A_24, %sub3A, %dot_general3A_26 {dimension_numbers = #tpu.dot_dimension_numbers<[1], [0], [0], [1], [0, 0, 1, 1], [], []>, transpose_lhs_hint = false} : vector<256x256xf32>, vector<256x256xf32>, vector<256x256xf32> -> vector<256x256xf32>
    %div3A_28 = arith.constant 4.000000e+00 : f32
    %div3A_29 = vector.broadcast %div3A_28 : f32 to vector<256x256xf32>
    %div3A_30 = arith.divf %dot_general3A_27, %div3A_29 : vector<256x256xf32>
    %add3A_31 = arith.addf %add3A_25, %div3A_30 : vector<256x256xf32>
    %dot_general3A_32 = arith.constant dense<0.000000e+00> : vector<256x256xf32>
    %dot_general3A_33 = tpu.matmul %div3A_30, %sub3A, %dot_general3A_32 {dimension_numbers = #tpu.dot_dimension_numbers<[1], [0], [0], [1], [0, 0, 1, 1], [], []>, transpose_lhs_hint = false} : vector<256x256xf32>, vector<256x256xf32>, vector<256x256xf32> -> vector<256x256xf32>
    %div3A_34 = arith.constant 5.000000e+00 : f32
    %div3A_35 = vector.broadcast %div3A_34 : f32 to vector<256x256xf32>
    %div3A_36 = arith.divf %dot_general3A_33, %div3A_35 : vector<256x256xf32>
    %add3A_37 = arith.addf %add3A_31, %div3A_36 : vector<256x256xf32>
    %dot_general3A_38 = arith.constant dense<0.000000e+00> : vector<256x256xf32>
    %dot_general3A_39 = tpu.matmul %div3A_36, %sub3A, %dot_general3A_38 {dimension_numbers = #tpu.dot_dimension_numbers<[1], [0], [0], [1], [0, 0, 1, 1], [], []>, transpose_lhs_hint = false} : vector<256x256xf32>, vector<256x256xf32>, vector<256x256xf32> -> vector<256x256xf32>
    %div3A_40 = arith.constant 6.000000e+00 : f32
    %div3A_41 = vector.broadcast %div3A_40 : f32 to vector<256x256xf32>
    %div3A_42 = arith.divf %dot_general3A_39, %div3A_41 : vector<256x256xf32>
    %add3A_43 = arith.addf %add3A_37, %div3A_42 : vector<256x256xf32>
    %dot_general3A_44 = arith.constant dense<0.000000e+00> : vector<256x256xf32>
    %dot_general3A_45 = tpu.matmul %div3A_42, %sub3A, %dot_general3A_44 {dimension_numbers = #tpu.dot_dimension_numbers<[1], [0], [0], [1], [0, 0, 1, 1], [], []>, transpose_lhs_hint = false} : vector<256x256xf32>, vector<256x256xf32>, vector<256x256xf32> -> vector<256x256xf32>
    %div3A_46 = arith.constant 7.000000e+00 : f32
    %div3A_47 = vector.broadcast %div3A_46 : f32 to vector<256x256xf32>
    %div3A_48 = arith.divf %dot_general3A_45, %div3A_47 : vector<256x256xf32>
    %add3A_49 = arith.addf %add3A_43, %div3A_48 : vector<256x256xf32>
    %dot_general3A_50 = arith.constant dense<0.000000e+00> : vector<256x256xf32>
    %dot_general3A_51 = tpu.matmul %div3A_48, %sub3A, %dot_general3A_50 {dimension_numbers = #tpu.dot_dimension_numbers<[1], [0], [0], [1], [0, 0, 1, 1], [], []>, transpose_lhs_hint = false} : vector<256x256xf32>, vector<256x256xf32>, vector<256x256xf32> -> vector<256x256xf32>
    %div3A_52 = arith.constant 8.000000e+00 : f32
    %div3A_53 = vector.broadcast %div3A_52 : f32 to vector<256x256xf32>
    %div3A_54 = arith.divf %dot_general3A_51, %div3A_53 : vector<256x256xf32>
    %add3A_55 = arith.addf %add3A_49, %div3A_54 : vector<256x256xf32>
    %dot_general3A_56 = arith.constant dense<0.000000e+00> : vector<256x256xf32>
    %dot_general3A_57 = tpu.matmul %div3A_54, %sub3A, %dot_general3A_56 {dimension_numbers = #tpu.dot_dimension_numbers<[1], [0], [0], [1], [0, 0, 1, 1], [], []>, transpose_lhs_hint = false} : vector<256x256xf32>, vector<256x256xf32>, vector<256x256xf32> -> vector<256x256xf32>
    %div3A_58 = arith.constant 9.000000e+00 : f32
    %div3A_59 = vector.broadcast %div3A_58 : f32 to vector<256x256xf32>
    %div3A_60 = arith.divf %dot_general3A_57, %div3A_59 : vector<256x256xf32>
    %add3A_61 = arith.addf %add3A_55, %div3A_60 : vector<256x256xf32>
    %dot_general3A_62 = arith.constant dense<0.000000e+00> : vector<256x256xf32>
    %dot_general3A_63 = tpu.matmul %div3A_60, %sub3A, %dot_general3A_62 {dimension_numbers = #tpu.dot_dimension_numbers<[1], [0], [0], [1], [0, 0, 1, 1], [], []>, transpose_lhs_hint = false} : vector<256x256xf32>, vector<256x256xf32>, vector<256x256xf32> -> vector<256x256xf32>
    %div3A_64 = arith.constant 1.000000e+01 : f32
    %div3A_65 = vector.broadcast %div3A_64 : f32 to vector<256x256xf32>
    %div3A_66 = arith.divf %dot_general3A_63, %div3A_65 : vector<256x256xf32>
    %add3A_67 = arith.addf %add3A_61, %div3A_66 : vector<256x256xf32>
    %dot_general3A_68 = arith.constant dense<0.000000e+00> : vector<256x256xf32>
    %dot_general3A_69 = tpu.matmul %div3A_66, %sub3A, %dot_general3A_68 {dimension_numbers = #tpu.dot_dimension_numbers<[1], [0], [0], [1], [0, 0, 1, 1], [], []>, transpose_lhs_hint = false} : vector<256x256xf32>, vector<256x256xf32>, vector<256x256xf32> -> vector<256x256xf32>
    %div3A_70 = arith.constant 1.100000e+01 : f32
    %div3A_71 = vector.broadcast %div3A_70 : f32 to vector<256x256xf32>
    %div3A_72 = arith.divf %dot_general3A_69, %div3A_71 : vector<256x256xf32>
    %add3A_73 = arith.addf %add3A_67, %div3A_72 : vector<256x256xf32>
    %dot_general3A_74 = arith.constant dense<0.000000e+00> : vector<256x256xf32>
    %dot_general3A_75 = tpu.matmul %div3A_72, %sub3A, %dot_general3A_74 {dimension_numbers = #tpu.dot_dimension_numbers<[1], [0], [0], [1], [0, 0, 1, 1], [], []>, transpose_lhs_hint = false} : vector<256x256xf32>, vector<256x256xf32>, vector<256x256xf32> -> vector<256x256xf32>
    %div3A_76 = arith.constant 1.200000e+01 : f32
    %div3A_77 = vector.broadcast %div3A_76 : f32 to vector<256x256xf32>
    %div3A_78 = arith.divf %dot_general3A_75, %div3A_77 : vector<256x256xf32>
    %add3A_79 = arith.addf %add3A_73, %div3A_78 : vector<256x256xf32>
    %dot_general3A_80 = arith.constant dense<0.000000e+00> : vector<256x256xf32>
    %dot_general3A_81 = tpu.matmul %div3A_78, %sub3A, %dot_general3A_80 {dimension_numbers = #tpu.dot_dimension_numbers<[1], [0], [0], [1], [0, 0, 1, 1], [], []>, transpose_lhs_hint = false} : vector<256x256xf32>, vector<256x256xf32>, vector<256x256xf32> -> vector<256x256xf32>
    %div3A_82 = arith.constant 1.300000e+01 : f32
    %div3A_83 = vector.broadcast %div3A_82 : f32 to vector<256x256xf32>
    %div3A_84 = arith.divf %dot_general3A_81, %div3A_83 : vector<256x256xf32>
    %add3A_85 = arith.addf %add3A_79, %div3A_84 : vector<256x256xf32>
    %dot_general3A_86 = arith.constant dense<0.000000e+00> : vector<256x256xf32>
    %dot_general3A_87 = tpu.matmul %div3A_84, %sub3A, %dot_general3A_86 {dimension_numbers = #tpu.dot_dimension_numbers<[1], [0], [0], [1], [0, 0, 1, 1], [], []>, transpose_lhs_hint = false} : vector<256x256xf32>, vector<256x256xf32>, vector<256x256xf32> -> vector<256x256xf32>
    %div3A_88 = arith.constant 1.400000e+01 : f32
    %div3A_89 = vector.broadcast %div3A_88 : f32 to vector<256x256xf32>
    %div3A_90 = arith.divf %dot_general3A_87, %div3A_89 : vector<256x256xf32>
    %add3A_91 = arith.addf %add3A_85, %div3A_90 : vector<256x256xf32>
    %dot_general3A_92 = arith.constant dense<0.000000e+00> : vector<256x256xf32>
    %dot_general3A_93 = tpu.matmul %div3A_90, %sub3A, %dot_general3A_92 {dimension_numbers = #tpu.dot_dimension_numbers<[1], [0], [0], [1], [0, 0, 1, 1], [], []>, transpose_lhs_hint = false} : vector<256x256xf32>, vector<256x256xf32>, vector<256x256xf32> -> vector<256x256xf32>
    %div3A_94 = arith.constant 1.500000e+01 : f32
    %div3A_95 = vector.broadcast %div3A_94 : f32 to vector<256x256xf32>
    %div3A_96 = arith.divf %dot_general3A_93, %div3A_95 : vector<256x256xf32>
    %add3A_97 = arith.addf %add3A_91, %div3A_96 : vector<256x256xf32>
    %dot_general3A_98 = arith.constant dense<0.000000e+00> : vector<256x256xf32>
    %dot_general3A_99 = tpu.matmul %div3A_96, %sub3A, %dot_general3A_98 {dimension_numbers = #tpu.dot_dimension_numbers<[1], [0], [0], [1], [0, 0, 1, 1], [], []>, transpose_lhs_hint = false} : vector<256x256xf32>, vector<256x256xf32>, vector<256x256xf32> -> vector<256x256xf32>
    %div3A_100 = arith.constant 1.600000e+01 : f32
    %div3A_101 = vector.broadcast %div3A_100 : f32 to vector<256x256xf32>
    %div3A_102 = arith.divf %dot_general3A_99, %div3A_101 : vector<256x256xf32>
    %add3A_103 = arith.addf %add3A_97, %div3A_102 : vector<256x256xf32>
    %dot_general3A_104 = arith.constant dense<0.000000e+00> : vector<256x256xf32>
    %dot_general3A_105 = tpu.matmul %div3A_102, %sub3A, %dot_general3A_104 {dimension_numbers = #tpu.dot_dimension_numbers<[1], [0], [0], [1], [0, 0, 1, 1], [], []>, transpose_lhs_hint = false} : vector<256x256xf32>, vector<256x256xf32>, vector<256x256xf32> -> vector<256x256xf32>
    %div3A_106 = arith.constant 1.700000e+01 : f32
    %div3A_107 = vector.broadcast %div3A_106 : f32 to vector<256x256xf32>
    %div3A_108 = arith.divf %dot_general3A_105, %div3A_107 : vector<256x256xf32>
    %add3A_109 = arith.addf %add3A_103, %div3A_108 : vector<256x256xf32>
    %dot_general3A_110 = arith.constant dense<0.000000e+00> : vector<256x256xf32>
    %dot_general3A_111 = tpu.matmul %div3A_108, %sub3A, %dot_general3A_110 {dimension_numbers = #tpu.dot_dimension_numbers<[1], [0], [0], [1], [0, 0, 1, 1], [], []>, transpose_lhs_hint = false} : vector<256x256xf32>, vector<256x256xf32>, vector<256x256xf32> -> vector<256x256xf32>
    %div3A_112 = arith.constant 1.800000e+01 : f32
    %div3A_113 = vector.broadcast %div3A_112 : f32 to vector<256x256xf32>
    %div3A_114 = arith.divf %dot_general3A_111, %div3A_113 : vector<256x256xf32>
    %add3A_115 = arith.addf %add3A_109, %div3A_114 : vector<256x256xf32>
    %dot_general3A_116 = arith.constant dense<0.000000e+00> : vector<256x256xf32>
    %dot_general3A_117 = tpu.matmul %div3A_114, %sub3A, %dot_general3A_116 {dimension_numbers = #tpu.dot_dimension_numbers<[1], [0], [0], [1], [0, 0, 1, 1], [], []>, transpose_lhs_hint = false} : vector<256x256xf32>, vector<256x256xf32>, vector<256x256xf32> -> vector<256x256xf32>
    %div3A_118 = arith.constant 1.900000e+01 : f32
    %div3A_119 = vector.broadcast %div3A_118 : f32 to vector<256x256xf32>
    %div3A_120 = arith.divf %dot_general3A_117, %div3A_119 : vector<256x256xf32>
    %add3A_121 = arith.addf %add3A_115, %div3A_120 : vector<256x256xf32>
    %dot_general3A_122 = arith.constant dense<0.000000e+00> : vector<256x256xf32>
    %dot_general3A_123 = tpu.matmul %div3A_120, %sub3A, %dot_general3A_122 {dimension_numbers = #tpu.dot_dimension_numbers<[1], [0], [0], [1], [0, 0, 1, 1], [], []>, transpose_lhs_hint = false} : vector<256x256xf32>, vector<256x256xf32>, vector<256x256xf32> -> vector<256x256xf32>
    %div3A_124 = arith.constant 2.000000e+01 : f32
    %div3A_125 = vector.broadcast %div3A_124 : f32 to vector<256x256xf32>
    %div3A_126 = arith.divf %dot_general3A_123, %div3A_125 : vector<256x256xf32>
    %add3A_127 = arith.addf %add3A_121, %div3A_126 : vector<256x256xf32>
    %swap3A = arith.constant 0 : index
    %swap3A_128 = arith.constant 0 : index
    %swap3A_129 = arith.constant 0 : index
    %swap3A_130 = vector.load %arg3[%swap3A, %swap3A_128, %swap3A_129] : memref<1x256x256xf32, #tpu.memory_space<vmem>>, vector<1x256x256xf32>
    %swap3A_131 = vector.shape_cast %swap3A_130 : vector<1x256x256xf32> to vector<256x256xf32>
    %swap3A_132 = vector.shape_cast %add3A_127 : vector<256x256xf32> to vector<1x256x256xf32>
    tpu.vector_store %arg3[%swap3A, %swap3A_128, %swap3A_129], %swap3A_132 {strides = array<i32>} : memref<1x256x256xf32, #tpu.memory_space<vmem>>, vector<1x256x256xf32>,
    return
  }
  func.func @transform_0(%arg0: i32) -> (i32, i32, i32) {
    %c0_i32 = arith.constant 0 : i32
    %c0_i32_0 = arith.constant 0 : i32
    %c0_i32_1 = arith.constant 0 : i32
    return %arg0, %c0_i32, %c0_i32_0 : i32, i32, i32
  }
  func.func @transform_1(%arg0: i32) -> (i32, i32, i32) {
    %c0_i32 = arith.constant 0 : i32
    %c0_i32_0 = arith.constant 0 : i32
    %c0_i32_1 = arith.constant 0 : i32
    return %arg0, %c0_i32, %c0_i32_0 : i32, i32, i32
  }
  func.func @transform_2(%arg0: i32) -> (i32, i32, i32) {
    %c0_i32 = arith.constant 0 : i32
    %c0_i32_0 = arith.constant 0 : i32
    %c0_i32_1 = arith.constant 0 : i32
    return %arg0, %c0_i32, %c0_i32_0 : i32, i32, i32
  }
}

module attributes {stable_mosaic.version = 14 : i64} {
  func.func @_layer_body(%arg0: i32, %arg1: memref<2x1000x128xf32, #tpu.memory_space<vmem>>, %arg2: memref<1000x1xf32, #tpu.memory_space<vmem>>, %arg3: memref<256x256xf32, #tpu.memory_space<vmem>>, %arg4: memref<2x1000x128xf32, #tpu.memory_space<vmem>>) attributes {dimension_semantics = [#tpu.dimension_semantics<arbitrary>], iteration_bounds = array<i64: 10>, scalar_prefetch = 0 : i64, scratch_operands = 0 : i64, tpu.core_type = #tpu.core_type<tc>, window_params = [{transform_indices = @transform_0, window_bounds = array<i64: 2, 1000, 128>}, {transform_indices = @transform_1, window_bounds = array<i64: 1000, 1>}, {pipeline_mode = #tpu.pipeline_mode<synchronous>, transform_indices = @transform_2, window_bounds = array<i64: 256, 256>}, {transform_indices = @transform_3, window_bounds = array<i64: 2, 1000, 128>}]} {
    %get3A = arith.constant 0 : index
    %get3A_0 = arith.constant 0 : index
    %get3A_1 = vector.load %arg2[%get3A, %get3A_0] : memref<1000x1xf32, #tpu.memory_space<vmem>>, vector<1000x1xf32>
    %get3A_2 = arith.constant 0 : index
    %get3A_3 = arith.constant 0 : index
    %get3A_4 = arith.constant 0 : index
    %get3A_5 = vector.load %arg1[%get3A_2, %get3A_3, %get3A_4] : memref<2x1000x128xf32, #tpu.memory_space<vmem>>, vector<1x1000x128xf32>
    %get3A_6 = vector.shape_cast %get3A_5 : vector<1x1000x128xf32> to vector<1000x128xf32>
    %get3A_7 = arith.constant 1 : index
    %get3A_8 = arith.constant 0 : index
    %get3A_9 = arith.constant 0 : index
    %get3A_10 = vector.load %arg1[%get3A_7, %get3A_8, %get3A_9] : memref<2x1000x128xf32, #tpu.memory_space<vmem>>, vector<1x1000x128xf32>
    %get3A_11 = vector.shape_cast %get3A_10 : vector<1x1000x128xf32> to vector<1000x128xf32>
    %concatenate3A = tpu.concatenate %get3A_6, %get3A_11 in 1 : vector<1000x128xf32>, vector<1000x128xf32> -> vector<1000x256xf32>
    %mul3A = vector.broadcast %get3A_1 : vector<1000x1xf32> to vector<1000x256xf32>
    %mul3A_12 = arith.mulf %mul3A, %concatenate3A : vector<1000x256xf32>
    %max3A = arith.constant 0.000000e+00 : f32
    %max3A_13 = vector.broadcast %max3A : f32 to vector<1000x256xf32>
    %max3A_14 = arith.maximumf %mul3A_12, %max3A_13 : vector<1000x256xf32>
    %get3A_15 = arith.constant 0 : index
    %get3A_16 = arith.constant 0 : index
    %get3A_17 = vector.load %arg3[%get3A_15, %get3A_16] : memref<256x256xf32, #tpu.memory_space<vmem>>, vector<256x256xf32>
    %dot_general3A = arith.constant dense<0.000000e+00> : vector<1000x256xf32>
    %dot_general3A_18 = tpu.matmul %max3A_14, %get3A_17, %dot_general3A {dimension_numbers = #tpu.dot_dimension_numbers<[1], [0], [0], [1], [0, 0, 1, 1], [], []>, transpose_lhs_hint = false} : vector<1000x256xf32>, vector<256x256xf32>, vector<1000x256xf32> -> vector<1000x256xf32>
    %mul3A_19 = vector.broadcast %get3A_1 : vector<1000x1xf32> to vector<1000x256xf32>
    %mul3A_20 = arith.mulf %mul3A_19, %dot_general3A_18 : vector<1000x256xf32>
    %slice3A = vector.extract_strided_slice %mul3A_20 {offsets = [0, 0], sizes = [1000, 128], strides = [1, 1]} : vector<1000x256xf32> to vector<1000x128xf32>
    %swap3A = arith.constant 0 : index
    %swap3A_21 = arith.constant 0 : index
    %swap3A_22 = arith.constant 0 : index
    %swap3A_23 = vector.load %arg4[%swap3A, %swap3A_21, %swap3A_22] : memref<2x1000x128xf32, #tpu.memory_space<vmem>>, vector<1x1000x128xf32>
    %swap3A_24 = vector.shape_cast %swap3A_23 : vector<1x1000x128xf32> to vector<1000x128xf32>
    %swap3A_25 = vector.shape_cast %slice3A : vector<1000x128xf32> to vector<1x1000x128xf32>
    tpu.vector_store %arg4[%swap3A, %swap3A_21, %swap3A_22], %swap3A_25 {strides = array<i32>} : memref<2x1000x128xf32, #tpu.memory_space<vmem>>, vector<1x1000x128xf32>,
    %slice3A_26 = vector.extract_strided_slice %mul3A_20 {offsets = [0, 128], sizes = [1000, 128], strides = [1, 1]} : vector<1000x256xf32> to vector<1000x128xf32>
    %swap3A_27 = arith.constant 1 : index
    %swap3A_28 = arith.constant 0 : index
    %swap3A_29 = arith.constant 0 : index
    %swap3A_30 = vector.load %arg4[%swap3A_27, %swap3A_28, %swap3A_29] : memref<2x1000x128xf32, #tpu.memory_space<vmem>>, vector<1x1000x128xf32>
    %swap3A_31 = vector.shape_cast %swap3A_30 : vector<1x1000x128xf32> to vector<1000x128xf32>
    %swap3A_32 = vector.shape_cast %slice3A_26 : vector<1000x128xf32> to vector<1x1000x128xf32>
    tpu.vector_store %arg4[%swap3A_27, %swap3A_28, %swap3A_29], %swap3A_32 {strides = array<i32>} : memref<2x1000x128xf32, #tpu.memory_space<vmem>>, vector<1x1000x128xf32>,
    return
  }
  func.func @transform_0(%arg0: i32) -> (i32, i32, i32) {
    %c0_i32 = arith.constant 0 : i32
    %c0_i32_0 = arith.constant 0 : i32
    %c0_i32_1 = arith.constant 0 : i32
    return %c0_i32, %arg0, %c0_i32_0 : i32, i32, i32
  }
  func.func @transform_1(%arg0: i32) -> (i32, i32) {
    %c0_i32 = arith.constant 0 : i32
    %c0_i32_0 = arith.constant 0 : i32
    return %arg0, %c0_i32 : i32, i32
  }
  func.func @transform_2(%arg0: i32) -> (i32, i32) {
    %c0_i32 = arith.constant 0 : i32
    %c0_i32_0 = arith.constant 0 : i32
    %c0_i32_1 = arith.constant 0 : i32
    return %c0_i32, %c0_i32_0 : i32, i32
  }
  func.func @transform_3(%arg0: i32) -> (i32, i32, i32) {
    %c0_i32 = arith.constant 0 : i32
    %c0_i32_0 = arith.constant 0 : i32
    %c0_i32_1 = arith.constant 0 : i32
    return %c0_i32, %arg0, %c0_i32_0 : i32, i32, i32
  }
}

module attributes {stable_mosaic.version = 14 : i64} {
  func.func @_pool_body(%arg0: i32, %arg1: memref<2x1000x128xf32, #tpu.memory_space<vmem>>, %arg2: memref<1000x1xf32, #tpu.memory_space<vmem>>, %arg3: memref<1000x1xi32, #tpu.memory_space<vmem>>, %arg4: memref<64x256xf32, #tpu.memory_space<vmem>>, %arg5: memref<64x1xf32, #tpu.memory_space<vmem>>) attributes {dimension_semantics = [#tpu.dimension_semantics<arbitrary>], iteration_bounds = array<i64: 10>, scalar_prefetch = 0 : i64, scratch_operands = 0 : i64, tpu.core_type = #tpu.core_type<tc>, window_params = [{transform_indices = @transform_0, window_bounds = array<i64: 2, 1000, 128>}, {transform_indices = @transform_1, window_bounds = array<i64: 1000, 1>}, {transform_indices = @transform_2, window_bounds = array<i64: 1000, 1>}, {pipeline_mode = #tpu.pipeline_mode<synchronous>, transform_indices = @transform_3, window_bounds = array<i64: 64, 256>}, {pipeline_mode = #tpu.pipeline_mode<synchronous>, transform_indices = @transform_4, window_bounds = array<i64: 64, 1>}]} {
    %eq3A = arith.constant 0 : i32
    %eq3A_0 = arith.cmpi eq, %arg0, %eq3A : i32
    %convert_element_type3A = arith.extui %eq3A_0 : i1 to i32
    %cond3A = arith.constant 0 : i32
    %cond3A_1 = arith.cmpi ne, %convert_element_type3A, %cond3A : i32
    scf.if %cond3A_1 {
      %broadcast_in_dim3A_41 = arith.constant 0.000000e+00 : f32
      %broadcast_in_dim3A_42 = vector.broadcast %broadcast_in_dim3A_41 : f32 to vector<64x256xf32>
      %swap3A_43 = arith.constant 0 : index
      %swap3A_44 = arith.constant 0 : index
      %swap3A_45 = vector.load %arg4[%swap3A_43, %swap3A_44] : memref<64x256xf32, #tpu.memory_space<vmem>>, vector<64x256xf32>
      tpu.vector_store %arg4[%swap3A_43, %swap3A_44], %broadcast_in_dim3A_42 {strides = array<i32>} : memref<64x256xf32, #tpu.memory_space<vmem>>, vector<64x256xf32>,
      %broadcast_in_dim3A_46 = arith.constant 0.000000e+00 : f32
      %broadcast_in_dim3A_47 = vector.broadcast %broadcast_in_dim3A_46 : f32 to vector<64x1xf32>
      %swap3A_48 = arith.constant 0 : index
      %swap3A_49 = arith.constant 0 : index
      %swap3A_50 = vector.load %arg5[%swap3A_48, %swap3A_49] : memref<64x1xf32, #tpu.memory_space<vmem>>, vector<64x1xf32>
      tpu.vector_store %arg5[%swap3A_48, %swap3A_49], %broadcast_in_dim3A_47 {strides = array<i32>} : memref<64x1xf32, #tpu.memory_space<vmem>>, vector<64x1xf32>,
    } else {
    }
    %get3A = arith.constant 0 : index
    %get3A_2 = arith.constant 0 : index
    %get3A_3 = arith.constant 0 : index
    %get3A_4 = vector.load %arg1[%get3A, %get3A_2, %get3A_3] : memref<2x1000x128xf32, #tpu.memory_space<vmem>>, vector<1x1000x128xf32>
    %get3A_5 = vector.shape_cast %get3A_4 : vector<1x1000x128xf32> to vector<1000x128xf32>
    %get3A_6 = arith.constant 1 : index
    %get3A_7 = arith.constant 0 : index
    %get3A_8 = arith.constant 0 : index
    %get3A_9 = vector.load %arg1[%get3A_6, %get3A_7, %get3A_8] : memref<2x1000x128xf32, #tpu.memory_space<vmem>>, vector<1x1000x128xf32>
    %get3A_10 = vector.shape_cast %get3A_9 : vector<1x1000x128xf32> to vector<1000x128xf32>
    %concatenate3A = tpu.concatenate %get3A_5, %get3A_10 in 1 : vector<1000x128xf32>, vector<1000x128xf32> -> vector<1000x256xf32>
    %get3A_11 = arith.constant 0 : index
    %get3A_12 = arith.constant 0 : index
    %get3A_13 = vector.load %arg2[%get3A_11, %get3A_12] : memref<1000x1xf32, #tpu.memory_space<vmem>>, vector<1000x1xf32>
    %mul3A = vector.broadcast %get3A_13 : vector<1000x1xf32> to vector<1000x256xf32>
    %mul3A_14 = arith.mulf %mul3A, %concatenate3A : vector<1000x256xf32>
    %max3A = arith.constant 0.000000e+00 : f32
    %max3A_15 = vector.broadcast %max3A : f32 to vector<1000x256xf32>
    %max3A_16 = arith.maximumf %mul3A_14, %max3A_15 : vector<1000x256xf32>
    %iota3A = tpu.iota {dimensions = array<i32: 1>} : vector<1x64xi32>
    %get3A_17 = arith.constant 0 : index
    %get3A_18 = arith.constant 0 : index
    %get3A_19 = vector.load %arg3[%get3A_17, %get3A_18] : memref<1000x1xi32, #tpu.memory_space<vmem>>, vector<1000x1xi32>
    %eq3A_20 = vector.broadcast %get3A_19 : vector<1000x1xi32> to vector<1000x64xi32>
    %eq3A_21 = vector.broadcast %iota3A : vector<1x64xi32> to vector<1000x64xi32>
    %eq3A_22 = arith.cmpi eq, %eq3A_20, %eq3A_21 : vector<1000x64xi32>
    %convert_element_type3A_23 = arith.extui %eq3A_22 : vector<1000x64xi1> to vector<1000x64xi32>
    %convert_element_type3A_24 = arith.sitofp %convert_element_type3A_23 : vector<1000x64xi32> to vector<1000x64xf32>
    %get3A_25 = arith.constant 0 : index
    %get3A_26 = arith.constant 0 : index
    %get3A_27 = vector.load %arg4[%get3A_25, %get3A_26] : memref<64x256xf32, #tpu.memory_space<vmem>>, vector<64x256xf32>
    %dot_general3A = arith.constant dense<0.000000e+00> : vector<64x256xf32>
    %dot_general3A_28 = tpu.matmul %convert_element_type3A_24, %max3A_16, %dot_general3A {dimension_numbers = #tpu.dot_dimension_numbers<[0], [0], [1], [1], [0, 1, 1, 1], [], []>, transpose_lhs_hint = false} : vector<1000x64xf32>, vector<1000x256xf32>, vector<64x256xf32> -> vector<64x256xf32>
    %add3A = arith.addf %get3A_27, %dot_general3A_28 : vector<64x256xf32>
    %swap3A = arith.constant 0 : index
    %swap3A_29 = arith.constant 0 : index
    %swap3A_30 = vector.load %arg4[%swap3A, %swap3A_29] : memref<64x256xf32, #tpu.memory_space<vmem>>, vector<64x256xf32>
    tpu.vector_store %arg4[%swap3A, %swap3A_29], %add3A {strides = array<i32>} : memref<64x256xf32, #tpu.memory_space<vmem>>, vector<64x256xf32>,
    %broadcast_in_dim3A = arith.constant 1.000000e+00 : f32
    %broadcast_in_dim3A_31 = vector.broadcast %broadcast_in_dim3A : f32 to vector<1000x1xf32>
    %get3A_32 = arith.constant 0 : index
    %get3A_33 = arith.constant 0 : index
    %get3A_34 = vector.load %arg5[%get3A_32, %get3A_33] : memref<64x1xf32, #tpu.memory_space<vmem>>, vector<64x1xf32>
    %dot_general3A_35 = arith.constant dense<0.000000e+00> : vector<64x1xf32>
    %dot_general3A_36 = tpu.matmul %convert_element_type3A_24, %broadcast_in_dim3A_31, %dot_general3A_35 {dimension_numbers = #tpu.dot_dimension_numbers<[0], [0], [1], [1], [0, 1, 1, 1], [], []>, transpose_lhs_hint = false} : vector<1000x64xf32>, vector<1000x1xf32>, vector<64x1xf32> -> vector<64x1xf32>
    %add3A_37 = arith.addf %get3A_34, %dot_general3A_36 : vector<64x1xf32>
    %swap3A_38 = arith.constant 0 : index
    %swap3A_39 = arith.constant 0 : index
    %swap3A_40 = vector.load %arg5[%swap3A_38, %swap3A_39] : memref<64x1xf32, #tpu.memory_space<vmem>>, vector<64x1xf32>
    tpu.vector_store %arg5[%swap3A_38, %swap3A_39], %add3A_37 {strides = array<i32>} : memref<64x1xf32, #tpu.memory_space<vmem>>, vector<64x1xf32>,
    return
  }
  func.func @transform_0(%arg0: i32) -> (i32, i32, i32) {
    %c0_i32 = arith.constant 0 : i32
    %c0_i32_0 = arith.constant 0 : i32
    %c0_i32_1 = arith.constant 0 : i32
    return %c0_i32, %arg0, %c0_i32_0 : i32, i32, i32
  }
  func.func @transform_1(%arg0: i32) -> (i32, i32) {
    %c0_i32 = arith.constant 0 : i32
    %c0_i32_0 = arith.constant 0 : i32
    return %arg0, %c0_i32 : i32, i32
  }
  func.func @transform_2(%arg0: i32) -> (i32, i32) {
    %c0_i32 = arith.constant 0 : i32
    %c0_i32_0 = arith.constant 0 : i32
    return %arg0, %c0_i32 : i32, i32
  }
  func.func @transform_3(%arg0: i32) -> (i32, i32) {
    %c0_i32 = arith.constant 0 : i32
    %c0_i32_0 = arith.constant 0 : i32
    %c0_i32_1 = arith.constant 0 : i32
    return %c0_i32, %c0_i32_0 : i32, i32
  }
  func.func @transform_4(%arg0: i32) -> (i32, i32) {
    %c0_i32 = arith.constant 0 : i32
    %c0_i32_0 = arith.constant 0 : i32
    %c0_i32_1 = arith.constant 0 : i32
    return %c0_i32, %c0_i32_0 : i32, i32
  }
}

module attributes {stable_mosaic.version = 14 : i64} {
  func.func @_head_body(%arg0: memref<64x256xf32, #tpu.memory_space<vmem>>, %arg1: memref<64x1xf32, #tpu.memory_space<vmem>>, %arg2: memref<256x256xf32, #tpu.memory_space<vmem>>, %arg3: memref<1x256xf32, #tpu.memory_space<vmem>>, %arg4: memref<256x16xf32, #tpu.memory_space<vmem>>, %arg5: memref<1x16xf32, #tpu.memory_space<vmem>>, %arg6: memref<64x16xf32, #tpu.memory_space<vmem>>) attributes {dimension_semantics = [], scalar_prefetch = 0 : i64, scratch_operands = 0 : i64, tpu.core_type = #tpu.core_type<tc>} {
    %get3A = arith.constant 0 : index
    %get3A_0 = arith.constant 0 : index
    %get3A_1 = vector.load %arg0[%get3A, %get3A_0] : memref<64x256xf32, #tpu.memory_space<vmem>>, vector<64x256xf32>
    %get3A_2 = arith.constant 0 : index
    %get3A_3 = arith.constant 0 : index
    %get3A_4 = vector.load %arg1[%get3A_2, %get3A_3] : memref<64x1xf32, #tpu.memory_space<vmem>>, vector<64x1xf32>
    %jit3A = arith.constant 1.000000e+00 : f32
    %max3A = vector.broadcast %jit3A : f32 to vector<64x1xf32>
    %max3A_5 = arith.maximumf %max3A, %get3A_4 : vector<64x1xf32>
    %div3A = vector.broadcast %max3A_5 : vector<64x1xf32> to vector<64x256xf32>
    %div3A_6 = arith.divf %get3A_1, %div3A : vector<64x256xf32>
    %get3A_7 = arith.constant 0 : index
    %get3A_8 = arith.constant 0 : index
    %get3A_9 = vector.load %arg2[%get3A_7, %get3A_8] : memref<256x256xf32, #tpu.memory_space<vmem>>, vector<256x256xf32>
    %dot_general3A = arith.constant dense<0.000000e+00> : vector<64x256xf32>
    %dot_general3A_10 = tpu.matmul %div3A_6, %get3A_9, %dot_general3A {dimension_numbers = #tpu.dot_dimension_numbers<[1], [0], [0], [1], [0, 0, 1, 1], [], []>, transpose_lhs_hint = false} : vector<64x256xf32>, vector<256x256xf32>, vector<64x256xf32> -> vector<64x256xf32>
    %get3A_11 = arith.constant 0 : index
    %get3A_12 = arith.constant 0 : index
    %get3A_13 = vector.load %arg3[%get3A_11, %get3A_12] : memref<1x256xf32, #tpu.memory_space<vmem>>, vector<1x256xf32>
    %add3A = vector.broadcast %get3A_13 : vector<1x256xf32> to vector<64x256xf32>
    %add3A_14 = arith.addf %dot_general3A_10, %add3A : vector<64x256xf32>
    %max3A_15 = arith.constant 0.000000e+00 : f32
    %max3A_16 = vector.broadcast %max3A_15 : f32 to vector<64x256xf32>
    %max3A_17 = arith.maximumf %add3A_14, %max3A_16 : vector<64x256xf32>
    %get3A_18 = arith.constant 0 : index
    %get3A_19 = arith.constant 0 : index
    %get3A_20 = vector.load %arg4[%get3A_18, %get3A_19] : memref<256x16xf32, #tpu.memory_space<vmem>>, vector<256x16xf32>
    %dot_general3A_21 = arith.constant dense<0.000000e+00> : vector<64x16xf32>
    %dot_general3A_22 = tpu.matmul %max3A_17, %get3A_20, %dot_general3A_21 {dimension_numbers = #tpu.dot_dimension_numbers<[1], [0], [0], [1], [0, 0, 1, 1], [], []>, transpose_lhs_hint = false} : vector<64x256xf32>, vector<256x16xf32>, vector<64x16xf32> -> vector<64x16xf32>
    %get3A_23 = arith.constant 0 : index
    %get3A_24 = arith.constant 0 : index
    %get3A_25 = vector.load %arg5[%get3A_23, %get3A_24] : memref<1x16xf32, #tpu.memory_space<vmem>>, vector<1x16xf32>
    %add3A_26 = vector.broadcast %get3A_25 : vector<1x16xf32> to vector<64x16xf32>
    %add3A_27 = arith.addf %dot_general3A_22, %add3A_26 : vector<64x16xf32>
    %swap3A = arith.constant 0 : index
    %swap3A_28 = arith.constant 0 : index
    %swap3A_29 = vector.load %arg6[%swap3A, %swap3A_28] : memref<64x16xf32, #tpu.memory_space<vmem>>, vector<64x16xf32>
    tpu.vector_store %arg6[%swap3A, %swap3A_28], %add3A_27 {strides = array<i32>} : memref<64x16xf32, #tpu.memory_space<vmem>>, vector<64x16xf32>,
    return
  }
}

</mosaic_0001>

<sc_bundles>
// kernel: kernel.20.cloned.1.call-start
scs
__scs_entry_jumppad:
0x0: {  	(pc) =	sbr.rel $0x88, $3  }
0x1: {  	(tag) =	ssettag $0x0;
	lr =	simm.s32 $0x1  }
0x2: {  	[smem:$0x3F97] =	sst lr;
	_ =	strace $0xD0000000  }
0x3: {  	_ = 	snop  }
0x4: {  	_ = 	snop  }
0x5: {  	_ = 	snop  }
0x6: {  	_ = 	snop  }
0x7: {  	_ = 	snop  }
__scs_overlays_trampoline_lowered:
0x8: {  	[smem:$0x3FA6] =	sst s0  }
0x9: {  	[smem:$0x3FA7] =	sst s1  }
0xa: {  	[smem:$0x3FA8] =	sst s2  }
0xb: {  	[smem:$0x3FA9] =	sst s3  }
0xc: {  	[smem:$0x3FAA] =	sst s4  }
0xd: {  	[smem:$0x3FAB] =	sst s5  }
0xe: {  	[smem:$0x3FAC] =	sst s6  }
0xf: {  	[smem:$0x3FAD] =	sst s7  }
0x10: {  	[smem:$0x3FAE] =	sst s8  }
0x11: {  	[smem:$0x3FAF] =	sst s9;
	s0 =	simm.s32 @!p0 $0x0  }
0x12: {  	s1 =	sld [smem:$0x3F95];
	s0 =	simm.s32 @p0 $0x1  }
0x13: {  	[smem:$0x3FB0] =	sst s0;
	s0 =	simm.s32 @!p1 $0x0  }
0x14: {  	s2 =	sld [smem:$0x3F94];
	s0 =	simm.s32 @p1 $0x1  }
0x15: {  	[smem:$0x3FB1] =	sst s0;
	s0 =	simm.s32 @!p2 $0x0  }
0x16: {  	s3 =	sld [smem:$0x3FDB];
	s0 =	simm.s32 @p2 $0x1  }
0x17: {  	s4 =	simm.s32 $0x1BF5;
	[smem:$0x3FB3] =	sst s0  }
0x18: {  	s0 =	sld [smem:$0x3F96];
	_ =	swait.ge [sflag:s4], $0x0  }
0x19: {  	s7 =	sld [smem:$0x3F97]  }
0x1a: {  	s8 =	sadd.s32 $0xFFFFE003, lr  }
0x1b: {  	s9 =	sadd.s32 $0xFFFFFEF7, lr;
	s5 =	simm.s32 $0xFFFFFFFF;
	p2 =	slt.u32 s8, $0xFFFFF086  }
0x1c: {  	p1 =	slt.u32 s9, $0xF7A;
	s5 =	simm.s32 @!p2 $0x0  }
0x1d: {  	s5 =	simm.s32 @p1 $0x1;
	p0 =	seq.s32 s7, s2  }
0x1e: {  	s7 =	smul.u32 @!p0 $0xF7A, s2;
	p2 =	seq.s32 @!p0 s5, $0x0  }
0x1f: {  	s9 =	smul.u32 $0xF7A, s1;
	s8 =	simm.s32 @!p0 $0x1BF5;
	p2 =	por !p2, p0  }
0x20: {  	[sflag:s8] =	ssyncset.s32 @!p0 $0xFFFFF086;
	s6 =	sadd.s32 @!p0 s3, s7;
	s7 =	simm.s32 @!p0 $0x108  }
0x21: {  	s3 =	sadd.s32 s3, s9;
	s6 =	sadd.s32 @!p0 $0x88, s6;
	s7 =	simm.s32 @p2 $0x1082  }
0x22: {  	[simem:s7], [sflag:s8] =	dma.local @!p0 [hbm:s6], $0xF7A  }
0x23: {  	s9 =	sor.u32 $0xD0000000, s2;
	s6 =	simm.s32 $0x108;
	_ =	swait.ge @!p0 [sflag:s8], $0x0  }
0x24: {  	s3 =	sadd.s32 $0x88, s3;
	s6 =	simm.s32 @!p1 $0x1082;
	[sflag:s4] =	ssyncset.s32 $0xFFFFF086  }
0x25: {  	[simem:s6], [sflag:s4] =	dma.local [hbm:s3], $0xF7A  }
0x26: {  	[smem:$0x3F97] =	sst s1;
	(tag) =	ssettag s2;
	_ =	strace s9  }
0x27: {  	s1 =	sld [smem:$0x3FA7]  }
0x28: {  	s2 =	sld [smem:$0x3FA8]  }
0x29: {  	s4 =	sld [smem:$0x3FAA]  }
0x2a: {  	p0 =	seq.s32 s5, $0x0;
	s5 =	sld [smem:$0x3FAB]  }
0x2b: {  	s6 =	sld [smem:$0x3FAC]  }
0x2c: {  	s7 =	sld [smem:$0x3FAD]  }
0x2d: {  	s3 =	simm.s32 $0x108;
	s8 =	sld [smem:$0x3FAE]  }
0x2e: {  	s3 =	simm.s32 @!p0 $0x1082;
	s9 =	sld [smem:$0x3FAF]  }
0x2f: {  	lr =	sadd.s32 s0, s3;
	s0 =	sld [smem:$0x3FA6]  }
0x30: {  	s3 =	sld [smem:$0x3FA9]  }
0x31: {  	[smem:$0x3FB2] =	sst s10  }
0x32: {  	s10 =	sld [smem:$0x3FB0];
	_ =	sdelay $0x3  }
0x33: {  	p0 =	seq.s32 s10, $0x1;
	s10 =	sld [smem:$0x3FB2];
	_ =	sdelay $0x3  }
0x34: {  	[smem:$0x3FB2] =	sst s10  }
0x35: {  	s10 =	sld [smem:$0x3FB1];
	_ =	sdelay $0x3  }
0x36: {  	p1 =	seq.s32 s10, $0x1;
	s10 =	sld [smem:$0x3FB2];
	_ =	sdelay $0x3  }
0x37: {  	[smem:$0x3FB2] =	sst s10  }
0x38: {  	s10 =	sld [smem:$0x3FB3]  }
0x39: {  	_ = 	snop;
	(pc) =	sbr.ind lr, $3  }
0x3a: {  	_ = 	snop  }
0x3b: {  	_ = 	snop  }
0x3c: {  	p2 =	seq.s32 s10, $0x1;
	s10 =	sld [smem:$0x3FB2]  }
0x3d: {  	_ =	shalt  }
0x3e: {  	_ =	shalt  }
0x3f: {  	_ =	shalt  }
0x40: {  	_ =	shalt  }
0x41: {  	_ =	shalt  }
0x42: {  	_ =	shalt  }
0x43: {  	_ =	shalt  }
0x44: {  	_ =	shalt  }
0x45: {  	_ =	shalt  }
0x46: {  	_ =	shalt  }
0x47: {  	_ =	shalt  }
0x48: {  	_ =	shalt  }
0x49: {  	_ =	shalt  }
0x4a: {  	_ =	shalt  }
0x4b: {  	_ =	shalt  }
0x4c: {  	_ =	shalt  }
0x4d: {  	_ =	shalt  }
0x4e: {  	_ =	shalt  }
0x4f: {  	_ =	shalt  }
0x50: {  	_ =	shalt  }
0x51: {  	_ =	shalt  }
0x52: {  	_ =	shalt  }
0x53: {  	_ =	shalt  }
0x54: {  	_ =	shalt  }
0x55: {  	_ =	shalt  }
0x56: {  	_ =	shalt  }
0x57: {  	_ =	shalt  }
0x58: {  	_ =	shalt  }
0x59: {  	_ =	shalt  }
0x5a: {  	_ =	shalt  }
0x5b: {  	_ =	shalt  }
0x5c: {  	_ =	shalt  }
0x5d: {  	_ =	shalt  }
0x5e: {  	_ =	shalt  }
0x5f: {  	_ =	shalt  }
0x60: {  	_ =	shalt  }
0x61: {  	_ =	shalt  }
0x62: {  	_ =	shalt  }
0x63: {  	_ =	shalt  }
0x64: {  	_ =	shalt  }
0x65: {  	_ =	shalt  }
0x66: {  	_ =	shalt  }
0x67: {  	_ =	shalt  }
0x68: {  	_ =	shalt  }
0x69: {  	_ =	shalt  }
0x6a: {  	_ =	shalt  }
0x6b: {  	_ =	shalt  }
0x6c: {  	_ =	shalt  }
0x6d: {  	_ =	shalt  }
0x6e: {  	_ =	shalt  }
0x6f: {  	_ =	shalt  }
0x70: {  	_ =	shalt  }
0x71: {  	_ =	shalt  }
0x72: {  	_ =	shalt  }
0x73: {  	_ =	shalt  }
0x74: {  	_ =	shalt  }
0x75: {  	_ =	shalt  }
0x76: {  	_ =	shalt  }
0x77: {  	_ =	shalt  }
0x78: {  	_ =	shalt  }
0x79: {  	_ =	shalt  }
0x7a: {  	_ =	shalt  }
0x7b: {  	_ =	shalt  }
0x7c: {  	_ =	shalt  }
0x7d: {  	_ =	shalt  }
0x7e: {  	_ =	shalt  }
0x7f: {  	_ =	shalt  }
0x80: {  	_ =	shalt  }
0x81: {  	_ =	shalt  }
0x82: {  	_ =	shalt  }
0x83: {  	_ =	shalt  }
0x84: {  	_ =	shalt  }
0x85: {  	_ =	shalt  }
0x86: {  	_ =	shalt  }
0x87: {  	_ =	shalt  }
.Lfunc_end0:
.L_simem_size_0:
called_computation_lowered:
.L_overlay_start_0:
0x88: {  	s2 =	sld [smem:$0x3FD9]  }
0x89: {  	s3 =	sld [smem:$0x3FFE];
	_ =	sdelay $0x1  }
0x8a: {  	s1 =	srdreg.scid  }
0x8b: {  	s0 =	sand.u32 $0x1, s1  }
0x8c: {  	s16 =	sshll.u32 s0, $0xA;
	s2 =	sadd.s32 s3, s2  }
0x8d: {  	s2 =	sadd.s32 s2, s16  }
0x8e: {  	[smem:$0x3FBE] =	sst s2  }
0x8f: {  	_ = 	snop  }
0x90: {  	(tm) =	ssettm $0x1  }
0x91: {  	s17 =	sld [smem:$0x3FFB];
	_ =	sdelay $0x3  }
0x92: {  	_ =	strace s17  }
0x93: {  	s2 =	sld [smem:$0x3FFC];
	_ =	sdelay $0x3  }
0x94: {  	_ =	strace s2  }
0x95: {  	s2 =	sld [smem:$0x3FFD];
	_ =	sdelay $0x3  }
0x96: {  	_ =	strace s2  }
0x97: {  	_ =	strace $0x8FFFFFFF  }
0x98: {  	s18 =	sld [smem:$0x3FDB];
	_ =	sdelay $0x1  }
0x99: {  	s19 =	simm.s32 $_scs_section_size  }
0x9a: {  	s4 =	simm.s32 $_size__tile_overlayer_lowered;
	s5 =	simm.s32 $_tile_overlayer_lowered  }
0x9b: {  	s22 =	simm.s32 $0x1BFF;
	s21 =	sshll.u32 s5, $0x1;
	s2 =	sadd.s32 s19, s18  }
0x9c: {  	s6 =	simm.s32 $0x0;
	s20 =	sshll.u32 s4, $0x1;
	s4 =	sadd.s32 s21, s2  }
0x9d: {  	[timem:s6], [sflag:s22] =	dma.local [hbm:s4], s20  }
0x9e: {  	_ =	swait.ge [sflag:s22], s20  }
0x9f: {  	s3 =	ssub.s32 $0x0, s20;
	[sflag:s22] =	ssyncset.done $0x0  }
0xa0: {  	[sflag:s22] =	ssyncadd.s32 s3;
	_ =	sdelay $0x1  }
0xa1: {  	s23 =	simm.s32 $0x1B8B  }
0xa2: {  	_ =	swait.ge [sflag:s23], $0x1  }
0xa3: {  	[sflag:s23] =	ssyncset.done $0x0  }
0xa4: {  	s25 =	simm.s32 $0x1B8E;
	s24 =	sld [smem:$0x3FFE];
	[sflag:s23] =	ssyncadd.s32 $0xFFFFFFFF  }
0xa5: {  	s26 =	simm.s32 $execute0_lowered;
	[smem:$0x3FD2] =	sst s25  }
0xa6: {  	s4 =	sshll.u32 s26, $0x1;
	_ =	strace $0x80000046;
	[dreg:$0x1] =	wrdreg $0xFFFFFFFF  }
0xa7: {  	s28 =	simm.s32 $_size_execute0_lowered;
	s2 =	sadd.s32 s2, s4;
	[dreg:$0x0] =	wrdreg $0x0  }
0xa8: {  	s4 =	sshll.u32 s28, $0x1;
	[dreg:$0x2] =	wrdreg s2  }
0xa9: {  	[dreg:$0x3] =	wrdreg s4  }
0xaa: {  	[dreg:$0x4] =	wrdreg $0xC0  }
0xab: {  	_ =	task [dreg:s6], $0x5FFFF  }
0xac: {  	[dreg:$0x1] =	wrdreg $0xFFFFFFFF  }
0xad: {  	[dreg:$0x0] =	wrdreg $0x60  }
0xae: {  	[dreg:$0x2] =	wrdreg s24  }
0xaf: {  	[dreg:$0x3] =	wrdreg $0x50000  }
0xb0: {  	[dreg:$0x4] =	wrdreg $0x9  }
0xb1: {  	_ =	task.clear_ibuf [dreg:s6], $0x5FFFF;
	_ =	strace $0x90000046  }
0xb2: {  	s29 =	simm.s32 $0x9;
	_ =	strace $0x80000048  }
0xb3: {  	_ =	swait.ge [sflag:s29], $0x1  }
0xb4: {  	[sflag:s29] =	ssyncadd.s32 $0xFFFFFFFF  }
0xb5: {  	_ =	strace $0x90000048  }
0xb6: {  	_ =	sfence  }
0xb7: {  	s30 =	sld [smem:$0x0];
	_ =	sdelay $0x2  }
0xb8: {  	s31 =	sshll.u32 s1, $0xD;
	s1 =	sshrl.u32 s1, $0x2  }
0xb9: {  	s3 =	sand.u32 $0x4000, s31;
	s1 =	sadd.s32 s1, s30  }
0xba: {  	s0 =	sor.u32 s3, s0;
	s1 =	sshll.u32 s1, $0x11  }
0xbb: {  	s0 =	sor.u32 s1, s0  }
0xbc: {  	s0 =	sadd.s32 $0x8F2B, s0  }
0xbd: {  	[sflag:s0] =	ssyncadd.remote.s32 $0x1  }
0xbe: {  	_ =	sfence.sel $0xFFFF  }
0xbf: {  	[dreg:$0x0] =	wrdreg $0xFFFFFFFF;
	(pc) =	sbr.abs _section_cstart, $3  }
0xc0: {  	[dreg:$0x1] =	wrdreg $0xFFFFFFFF  }
0xc1: {  	_ =	task.clear_ibuf [dreg:s6], $0x2FFFF;
	_ =	strace $0x9FFFFFFF  }
0xc2: {  	(tm) =	ssettm $0x7FFFFFFF  }
0xc3: {  	_ =	shalt  }
tec
execute0_lowered:
.L_overlay_start_1:
0x0: {  	(tag) =	ssettag $0x1  }
0x1: {  	s0 =	rddreg [dreg:$0x0]  }
0x2: {  	s2 =	rddreg [dreg:$0x1]  }
0x3: {  	s9 =	stileid.u32;
	s4 =	srdreg.scid  }
0x4: {  	s3 =	simm.s32 $0x0;
	s28 =	simm.s32 $0x2;
	s29 =	simm.s32 $0x1000  }
0x5: {  	s30 =	simm.s32 $0x80;
	s31 =	simm.s32 $0x1;
	s1 =	smul.u32 $0xA00, s9  }
0x6: {  	s5 =	smul.u32 $0x13C00, s9;
	s4 =	sand.u32 $0x1, s4;
	[smem:$0x7FF] =	sst s3  }
0x7: {  	s8 =	smul.u32 $0x4F000, s9;
	s10 =	sadd.s32 $0x36200, s0;
	s25 =	sshll.u32 s9, $0x6  }
0x8: {  	s6 =	smul.u32 $0x13C000, s4;
	_ =	strace $0x80000047;
	s22 =	ssub.s32 $0x2, s4  }
0x9: {  	[dreg:$0x3] =	wrdreg s10;
	s10 =	sshll.u32 s4, $0xB;
	s7 =	sshrl.u32 s5, $0x3  }
0xa: {  	s1 =	sadd.s32 s1, s0;
	s23 =	sshrl.u32 s22, $0x1;
	s24 =	sshrl.u32 s8, $0x2  }
0xb: {  	s11 =	sor.u32 $0x80, s10;
	s12 =	sor.u32 $0x100, s10;
	s13 =	sor.u32 $0x180, s10  }
0xc: {  	s14 =	sor.u32 $0x200, s10;
	s15 =	sor.u32 $0x280, s10;
	s16 =	sor.u32 $0x300, s10  }
0xd: {  	s17 =	sor.u32 $0x380, s10;
	s18 =	sor.u32 $0x400, s10;
	s19 =	sor.u32 $0x480, s10  }
0xe: {  	s20 =	sor.u32 $0x500, s10;
	s21 =	sor.u32 $0x580, s10;
	s7 =	sadd.s32 s7, s0  }
0xf: {  	s5 =	sadd.s32 s5, s6;
	s6 =	sadd.s32 s24, s2;
	s24 =	sor.u32 $0x700, s10  }
0x10: {  	s5 =	sshrl.u32 s5, $0x3;
	[dreg:$0x4] =	wrdreg s6;
	s26 =	sadd.s32 $0xEA00, s7  }
0x11: {  	s7 =	sor.u32 $0x1C02, s25;
	s25 =	sadd.s32 $0x4A00, s1;
	s0 =	sadd.s32 s5, s0  }
0x12: {  	s5 =	ssub.s32 s22, s23;
	[dreg:$0x5] =	wrdreg s26;
	s22 =	sor.u32 $0x600, s10  }
0x13: {  	s23 =	sor.u32 $0x680, s10;
	s26 =	sor.u32 $0x780, s10;
	s0 =	sadd.s32 $0x36A00, s0  }
0x14: {  	s9 =	smax.u32 s5, $0x1;
	[dreg:$0x6] =	wrdreg s0;
	s0 =	simm.s32 $0x0  }
.LBB2_1:
0x15: {  	s1 =	rddreg [dreg:$0x4]  }
0x16: {  	s4 =	rddreg [dreg:$0x5];
	s1 =	sshrl.u32 s1, $0x3  }
0x17: {  	[spmem:s1], [sflag:s7] =	dma.local [hbm:s4], $0x2780  }
0x18: {  	_ =	swait.ge [sflag:s28], $0x2780  }
0x19: {  	[sflag:s28] =	ssyncset.done $0x0  }
0x1a: {  	s6 =	rddreg [dreg:$0x3];
	[sflag:s28] =	ssyncadd.s32 $0xFFFFD880  }
0x1b: {  	[tilespmem:s29], [sflag:$0x2] =	stream.linear.gather [hbm4b:s6+s3], $0x4000, $0x38;
	[tilespmem:$0x18C00] =	vst v63  }
0x1c: {  	_ =	swait.ge [sflag:s28], $0x4000  }
0x1d: {  	[sflag:s28] =	ssyncset.done $0x0  }
0x1e: {  	[sflag:s28] =	ssyncadd.s32 $0xFFFFC000  }
0x1f: {  	s8 =	sadd.s32 $0x0, s25;
	[bflag:$0x0] =	sbarrier.arrive $0xFFFF  }
0x20: {  	[tilespmem:s3], [sflag:$0x2] =	stream.linear.gather [hbm4b:s8+s3], $0x1000, $0x38;
	[tilespmem:$0x18C00] =	vst v63  }
0x21: {  	_ =	swait.ge [sflag:s28], $0x1000  }
0x22: {  	[sflag:s28] =	ssyncset.done $0x0  }
0x23: {  	[sflag:s28] =	ssyncadd.s32 $0xFFFFF000  }
0x24: {  	[spmem:s2] =	stream.indirect.scatter.add.f32 [tilespmem:s29], [sflag:$0x1], $0x80, s10, s30, $0xb8;
	[tilespmem:$0x18C00] =	vst v63  }
0x25: {  	_ = 	snop  }
0x26: {  	[spmem:s2] =	stream.indirect.scatter.add.f32 [tilespmem:s29], [sflag:$0x1], $0x80, s11, s30, $0xb8;
	[tilespmem:$0x18C00] =	vst v63  }
0x27: {  	_ = 	snop  }
0x28: {  	[spmem:s2] =	stream.indirect.scatter.add.f32 [tilespmem:s29], [sflag:$0x1], $0x80, s12, s30, $0xb8;
	[tilespmem:$0x18C00] =	vst v63  }
0x29: {  	_ = 	snop  }
0x2a: {  	[spmem:s2] =	stream.indirect.scatter.add.f32 [tilespmem:s29], [sflag:$0x1], $0x80, s13, s30, $0xb8;
	[tilespmem:$0x18C00] =	vst v63  }
0x2b: {  	_ = 	snop  }
0x2c: {  	[spmem:s2] =	stream.indirect.scatter.add.f32 [tilespmem:s29], [sflag:$0x1], $0x80, s14, s30, $0xb8;
	[tilespmem:$0x18C00] =	vst v63  }
0x2d: {  	_ = 	snop  }
0x2e: {  	[spmem:s2] =	stream.indirect.scatter.add.f32 [tilespmem:s29], [sflag:$0x1], $0x80, s15, s30, $0xb8;
	[tilespmem:$0x18C00] =	vst v63  }
0x2f: {  	_ = 	snop  }
0x30: {  	[spmem:s2] =	stream.indirect.scatter.add.f32 [tilespmem:s29], [sflag:$0x1], $0x80, s16, s30, $0xb8;
	[tilespmem:$0x18C00] =	vst v63  }
0x31: {  	_ = 	snop  }
0x32: {  	[spmem:s2] =	stream.indirect.scatter.add.f32 [tilespmem:s29], [sflag:$0x1], $0x80, s17, s30, $0xb8;
	[tilespmem:$0x18C00] =	vst v63  }
0x33: {  	_ = 	snop  }
0x34: {  	[spmem:s2] =	stream.indirect.scatter.add.f32 [tilespmem:s29], [sflag:$0x1], $0x80, s18, s30, $0xb8;
	[tilespmem:$0x18C00] =	vst v63  }
0x35: {  	_ = 	snop  }
0x36: {  	[spmem:s2] =	stream.indirect.scatter.add.f32 [tilespmem:s29], [sflag:$0x1], $0x80, s19, s30, $0xb8;
	[tilespmem:$0x18C00] =	vst v63  }
0x37: {  	_ = 	snop  }
0x38: {  	[spmem:s2] =	stream.indirect.scatter.add.f32 [tilespmem:s29], [sflag:$0x1], $0x80, s20, s30, $0xb8;
	[tilespmem:$0x18C00] =	vst v63  }
0x39: {  	_ = 	snop  }
0x3a: {  	[spmem:s2] =	stream.indirect.scatter.add.f32 [tilespmem:s29], [sflag:$0x1], $0x80, s21, s30, $0xb8;
	[tilespmem:$0x18C00] =	vst v63  }
0x3b: {  	_ = 	snop  }
0x3c: {  	[spmem:s2] =	stream.indirect.scatter.add.f32 [tilespmem:s29], [sflag:$0x1], $0x80, s22, s30, $0xb8;
	[tilespmem:$0x18C00] =	vst v63  }
0x3d: {  	_ = 	snop  }
0x3e: {  	[spmem:s2] =	stream.indirect.scatter.add.f32 [tilespmem:s29], [sflag:$0x1], $0x80, s23, s30, $0xb8;
	[tilespmem:$0x18C00] =	vst v63  }
0x3f: {  	_ = 	snop  }
0x40: {  	[spmem:s2] =	stream.indirect.scatter.add.f32 [tilespmem:s29], [sflag:$0x1], $0x80, s24, s30, $0xb8;
	[tilespmem:$0x18C00] =	vst v63  }
0x41: {  	_ = 	snop  }
0x42: {  	[spmem:s2] =	stream.indirect.scatter.add.f32 [tilespmem:s29], [sflag:$0x1], $0x80, s26, s30, $0xb8;
	[tilespmem:$0x18C00] =	vst v63  }
0x43: {  	_ =	swait.ge [sflag:s31], $0x4000  }
0x44: {  	[sflag:s31] =	ssyncset.done $0x0  }
0x45: {  	[sflag:s31] =	ssyncadd.s32 $0xFFFFC000  }
0x46: {  	_ =	swait.ge [sflag:s31], $0x4000  }
0x47: {  	[sflag:s31] =	ssyncset.done $0x0  }
0x48: {  	[sflag:s31] =	ssyncadd.s32 $0xFFFFC000  }
0x49: {  	_ =	swait.ge [sflag:s31], $0x4000  }
0x4a: {  	[sflag:s31] =	ssyncset.done $0x0  }
0x4b: {  	[sflag:s31] =	ssyncadd.s32 $0xFFFFC000  }
0x4c: {  	_ =	swait.ge [sflag:s31], $0x4000  }
0x4d: {  	[sflag:s31] =	ssyncset.done $0x0  }
0x4e: {  	[sflag:s31] =	ssyncadd.s32 $0xFFFFC000  }
0x4f: {  	_ =	swait.ge [sflag:s31], $0x4000  }
0x50: {  	[sflag:s31] =	ssyncset.done $0x0  }
0x51: {  	[sflag:s31] =	ssyncadd.s32 $0xFFFFC000  }
0x52: {  	_ =	swait.ge [sflag:s31], $0x4000  }
0x53: {  	[sflag:s31] =	ssyncset.done $0x0  }
0x54: {  	[sflag:s31] =	ssyncadd.s32 $0xFFFFC000  }
0x55: {  	_ =	swait.ge [sflag:s31], $0x4000  }
0x56: {  	[sflag:s31] =	ssyncset.done $0x0  }
0x57: {  	[sflag:s31] =	ssyncadd.s32 $0xFFFFC000  }
0x58: {  	_ =	swait.ge [sflag:s31], $0x4000  }
0x59: {  	[sflag:s31] =	ssyncset.done $0x0  }
0x5a: {  	[sflag:s31] =	ssyncadd.s32 $0xFFFFC000  }
0x5b: {  	_ =	swait.ge [sflag:s31], $0x4000  }
0x5c: {  	[sflag:s31] =	ssyncset.done $0x0  }
0x5d: {  	[sflag:s31] =	ssyncadd.s32 $0xFFFFC000  }
0x5e: {  	_ =	swait.ge [sflag:s31], $0x4000  }
0x5f: {  	[sflag:s31] =	ssyncset.done $0x0  }
0x60: {  	[sflag:s31] =	ssyncadd.s32 $0xFFFFC000  }
0x61: {  	_ =	swait.ge [sflag:s31], $0x4000  }
0x62: {  	[sflag:s31] =	ssyncset.done $0x0  }
0x63: {  	[sflag:s31] =	ssyncadd.s32 $0xFFFFC000  }
0x64: {  	_ =	swait.ge [sflag:s31], $0x4000  }
0x65: {  	[sflag:s31] =	ssyncset.done $0x0  }
0x66: {  	[sflag:s31] =	ssyncadd.s32 $0xFFFFC000  }
0x67: {  	_ =	swait.ge [sflag:s31], $0x4000  }
0x68: {  	[sflag:s31] =	ssyncset.done $0x0  }
0x69: {  	[sflag:s31] =	ssyncadd.s32 $0xFFFFC000  }
0x6a: {  	_ =	swait.ge [sflag:s31], $0x4000  }
0x6b: {  	[sflag:s31] =	ssyncset.done $0x0  }
0x6c: {  	[sflag:s31] =	ssyncadd.s32 $0xFFFFC000  }
0x6d: {  	_ =	swait.ge [sflag:s31], $0x4000  }
0x6e: {  	[sflag:s31] =	ssyncset.done $0x0  }
0x6f: {  	[sflag:s31] =	ssyncadd.s32 $0xFFFFC000  }
0x70: {  	_ =	swait.ge [sflag:s31], $0x4000  }
0x71: {  	s5 =	simm.s32 $0x400;
	s4 =	simm.s32 $0x200;
	[sflag:s31] =	ssyncset.done $0x0  }
.LBB2_2:
0x72: {  	s8 =	sadd.s32 s4, s25  }
0x73: {  	[sflag:s31] =	ssyncadd.s32 $0xFFFFC000;
	s4 =	smov.u32 s5;
	s6 =	sadd.s32 $0x200, s5  }
0x74: {  	[tilespmem:s3], [sflag:$0x2] =	stream.linear.gather [hbm4b:s8+s3], $0x1000, $0x38;
	[tilespmem:$0x18C00] =	vst v63  }
0x75: {  	p0 =	sne.s32 s5, $0x800;
	_ =	swait.ge [sflag:s28], $0x1000  }
0x76: {  	[sflag:s28] =	ssyncset.done $0x0  }
0x77: {  	[sflag:s28] =	ssyncadd.s32 $0xFFFFF000  }
0x78: {  	[spmem:s2] =	stream.indirect.scatter.add.f32 [tilespmem:s29], [sflag:$0x1], $0x80, s10, s30, $0xb8;
	[tilespmem:$0x18C00] =	vst v63  }
0x79: {  	_ = 	snop  }
0x7a: {  	[spmem:s2] =	stream.indirect.scatter.add.f32 [tilespmem:s29], [sflag:$0x1], $0x80, s11, s30, $0xb8;
	[tilespmem:$0x18C00] =	vst v63  }
0x7b: {  	_ = 	snop  }
0x7c: {  	[spmem:s2] =	stream.indirect.scatter.add.f32 [tilespmem:s29], [sflag:$0x1], $0x80, s12, s30, $0xb8;
	[tilespmem:$0x18C00] =	vst v63  }
0x7d: {  	_ = 	snop  }
0x7e: {  	[spmem:s2] =	stream.indirect.scatter.add.f32 [tilespmem:s29], [sflag:$0x1], $0x80, s13, s30, $0xb8;
	[tilespmem:$0x18C00] =	vst v63  }
0x7f: {  	_ = 	snop  }
0x80: {  	[spmem:s2] =	stream.indirect.scatter.add.f32 [tilespmem:s29], [sflag:$0x1], $0x80, s14, s30, $0xb8;
	[tilespmem:$0x18C00] =	vst v63  }
0x81: {  	_ = 	snop  }
0x82: {  	[spmem:s2] =	stream.indirect.scatter.add.f32 [tilespmem:s29], [sflag:$0x1], $0x80, s15, s30, $0xb8;
	[tilespmem:$0x18C00] =	vst v63  }
0x83: {  	_ = 	snop  }
0x84: {  	[spmem:s2] =	stream.indirect.scatter.add.f32 [tilespmem:s29], [sflag:$0x1], $0x80, s16, s30, $0xb8;
	[tilespmem:$0x18C00] =	vst v63  }
0x85: {  	_ = 	snop  }
0x86: {  	[spmem:s2] =	stream.indirect.scatter.add.f32 [tilespmem:s29], [sflag:$0x1], $0x80, s17, s30, $0xb8;
	[tilespmem:$0x18C00] =	vst v63  }
0x87: {  	_ = 	snop  }
0x88: {  	[spmem:s2] =	stream.indirect.scatter.add.f32 [tilespmem:s29], [sflag:$0x1], $0x80, s18, s30, $0xb8;
	[tilespmem:$0x18C00] =	vst v63  }
0x89: {  	_ = 	snop  }
0x8a: {  	[spmem:s2] =	stream.indirect.scatter.add.f32 [tilespmem:s29], [sflag:$0x1], $0x80, s19, s30, $0xb8;
	[tilespmem:$0x18C00] =	vst v63  }
0x8b: {  	_ = 	snop  }
0x8c: {  	[spmem:s2] =	stream.indirect.scatter.add.f32 [tilespmem:s29], [sflag:$0x1], $0x80, s20, s30, $0xb8;
	[tilespmem:$0x18C00] =	vst v63  }
0x8d: {  	_ = 	snop  }
0x8e: {  	[spmem:s2] =	stream.indirect.scatter.add.f32 [tilespmem:s29], [sflag:$0x1], $0x80, s21, s30, $0xb8;
	[tilespmem:$0x18C00] =	vst v63  }
0x8f: {  	_ = 	snop  }
0x90: {  	[spmem:s2] =	stream.indirect.scatter.add.f32 [tilespmem:s29], [sflag:$0x1], $0x80, s22, s30, $0xb8;
	[tilespmem:$0x18C00] =	vst v63  }
0x91: {  	_ = 	snop  }
0x92: {  	[spmem:s2] =	stream.indirect.scatter.add.f32 [tilespmem:s29], [sflag:$0x1], $0x80, s23, s30, $0xb8;
	[tilespmem:$0x18C00] =	vst v63  }
0x93: {  	_ = 	snop  }
0x94: {  	[spmem:s2] =	stream.indirect.scatter.add.f32 [tilespmem:s29], [sflag:$0x1], $0x80, s24, s30, $0xb8;
	[tilespmem:$0x18C00] =	vst v63  }
0x95: {  	_ = 	snop  }
0x96: {  	[spmem:s2] =	stream.indirect.scatter.add.f32 [tilespmem:s29], [sflag:$0x1], $0x80, s26, s30, $0xb8;
	[tilespmem:$0x18C00] =	vst v63  }
0x97: {  	_ =	swait.ge [sflag:s31], $0x4000  }
0x98: {  	[sflag:s31] =	ssyncset.done $0x0  }
0x99: {  	[sflag:s31] =	ssyncadd.s32 $0xFFFFC000  }
0x9a: {  	_ =	swait.ge [sflag:s31], $0x4000  }
0x9b: {  	[sflag:s31] =	ssyncset.done $0x0  }
0x9c: {  	[sflag:s31] =	ssyncadd.s32 $0xFFFFC000  }
0x9d: {  	_ =	swait.ge [sflag:s31], $0x4000  }
0x9e: {  	[sflag:s31] =	ssyncset.done $0x0  }
0x9f: {  	[sflag:s31] =	ssyncadd.s32 $0xFFFFC000  }
0xa0: {  	_ =	swait.ge [sflag:s31], $0x4000  }
0xa1: {  	[sflag:s31] =	ssyncset.done $0x0  }
0xa2: {  	[sflag:s31] =	ssyncadd.s32 $0xFFFFC000  }
0xa3: {  	_ =	swait.ge [sflag:s31], $0x4000  }
0xa4: {  	[sflag:s31] =	ssyncset.done $0x0  }
0xa5: {  	[sflag:s31] =	ssyncadd.s32 $0xFFFFC000  }
0xa6: {  	_ =	swait.ge [sflag:s31], $0x4000  }
0xa7: {  	[sflag:s31] =	ssyncset.done $0x0  }
0xa8: {  	[sflag:s31] =	ssyncadd.s32 $0xFFFFC000  }
0xa9: {  	_ =	swait.ge [sflag:s31], $0x4000  }
0xaa: {  	[sflag:s31] =	ssyncset.done $0x0  }
0xab: {  	[sflag:s31] =	ssyncadd.s32 $0xFFFFC000  }
0xac: {  	_ =	swait.ge [sflag:s31], $0x4000  }
0xad: {  	[sflag:s31] =	ssyncset.done $0x0  }
0xae: {  	[sflag:s31] =	ssyncadd.s32 $0xFFFFC000  }
0xaf: {  	_ =	swait.ge [sflag:s31], $0x4000  }
0xb0: {  	[sflag:s31] =	ssyncset.done $0x0  }
0xb1: {  	[sflag:s31] =	ssyncadd.s32 $0xFFFFC000  }
0xb2: {  	_ =	swait.ge [sflag:s31], $0x4000  }
0xb3: {  	[sflag:s31] =	ssyncset.done $0x0  }
0xb4: {  	[sflag:s31] =	ssyncadd.s32 $0xFFFFC000  }
0xb5: {  	_ =	swait.ge [sflag:s31], $0x4000  }
0xb6: {  	[sflag:s31] =	ssyncset.done $0x0  }
0xb7: {  	[sflag:s31] =	ssyncadd.s32 $0xFFFFC000  }
0xb8: {  	_ =	swait.ge [sflag:s31], $0x4000  }
0xb9: {  	[sflag:s31] =	ssyncset.done $0x0  }
0xba: {  	[sflag:s31] =	ssyncadd.s32 $0xFFFFC000  }
0xbb: {  	_ =	swait.ge [sflag:s31], $0x4000  }
0xbc: {  	[sflag:s31] =	ssyncset.done $0x0  }
0xbd: {  	[sflag:s31] =	ssyncadd.s32 $0xFFFFC000  }
0xbe: {  	_ =	swait.ge [sflag:s31], $0x4000  }
0xbf: {  	[sflag:s31] =	ssyncset.done $0x0  }
0xc0: {  	[sflag:s31] =	ssyncadd.s32 $0xFFFFC000  }
.Ltmp0:
0xc1: {  	_ =	swait.ge [sflag:s31], $0x4000;
	(pc) =	sbr.rel @p0 .LBB2_2-.Ltmp0, $4  }
0xc2: {  	[sflag:s31] =	ssyncset.done $0x0  }
0xc3: {  	[sflag:s31] =	ssyncadd.s32 $0xFFFFC000  }
0xc4: {  	_ =	swait.ge [sflag:s31], $0x4000  }
0xc5: {  	s5 =	smov.u32 s6;
	[sflag:s31] =	ssyncset.done $0x0  }
0xc6: {  	s4 =	sadd.s32 s4, s25;
	[sflag:s31] =	ssyncadd.s32 $0xFFFFC000  }
0xc7: {  	[tilespmem:s3], [sflag:$0x2] =	stream.linear.gather [hbm4b:s4+s3], $0x1000, $0x38;
	[tilespmem:$0x18C00] =	vst v63  }
0xc8: {  	_ =	swait.ge [sflag:s28], $0x1000  }
0xc9: {  	[sflag:s28] =	ssyncset.done $0x0  }
0xca: {  	[sflag:s28] =	ssyncadd.s32 $0xFFFFF000  }
0xcb: {  	[spmem:s2] =	stream.indirect.scatter.add.f32 [tilespmem:s29], [sflag:$0x1], $0x80, s10, s30, $0xb8;
	[tilespmem:$0x18C00] =	vst v63  }
0xcc: {  	_ = 	snop  }
0xcd: {  	[spmem:s2] =	stream.indirect.scatter.add.f32 [tilespmem:s29], [sflag:$0x1], $0x80, s11, s30, $0xb8;
	[tilespmem:$0x18C00] =	vst v63  }
0xce: {  	_ = 	snop  }
0xcf: {  	[spmem:s2] =	stream.indirect.scatter.add.f32 [tilespmem:s29], [sflag:$0x1], $0x80, s12, s30, $0xb8;
	[tilespmem:$0x18C00] =	vst v63  }
0xd0: {  	_ = 	snop  }
0xd1: {  	[spmem:s2] =	stream.indirect.scatter.add.f32 [tilespmem:s29], [sflag:$0x1], $0x80, s13, s30, $0xb8;
	[tilespmem:$0x18C00] =	vst v63  }
0xd2: {  	_ = 	snop  }
0xd3: {  	[spmem:s2] =	stream.indirect.scatter.add.f32 [tilespmem:s29], [sflag:$0x1], $0x80, s14, s30, $0xb8;
	[tilespmem:$0x18C00] =	vst v63  }
0xd4: {  	_ = 	snop  }
0xd5: {  	[spmem:s2] =	stream.indirect.scatter.add.f32 [tilespmem:s29], [sflag:$0x1], $0x80, s15, s30, $0xb8;
	[tilespmem:$0x18C00] =	vst v63  }
0xd6: {  	_ = 	snop  }
0xd7: {  	[spmem:s2] =	stream.indirect.scatter.add.f32 [tilespmem:s29], [sflag:$0x1], $0x80, s16, s30, $0xb8;
	[tilespmem:$0x18C00] =	vst v63  }
0xd8: {  	_ = 	snop  }
0xd9: {  	[spmem:s2] =	stream.indirect.scatter.add.f32 [tilespmem:s29], [sflag:$0x1], $0x80, s17, s30, $0xb8;
	[tilespmem:$0x18C00] =	vst v63  }
0xda: {  	_ = 	snop  }
0xdb: {  	[spmem:s2] =	stream.indirect.scatter.add.f32 [tilespmem:s29], [sflag:$0x1], $0x80, s18, s30, $0xb8;
	[tilespmem:$0x18C00] =	vst v63  }
0xdc: {  	_ = 	snop  }
0xdd: {  	[spmem:s2] =	stream.indirect.scatter.add.f32 [tilespmem:s29], [sflag:$0x1], $0x80, s19, s30, $0xb8;
	[tilespmem:$0x18C00] =	vst v63  }
0xde: {  	_ = 	snop  }
0xdf: {  	[spmem:s2] =	stream.indirect.scatter.add.f32 [tilespmem:s29], [sflag:$0x1], $0x80, s20, s30, $0xb8;
	[tilespmem:$0x18C00] =	vst v63  }
0xe0: {  	_ = 	snop  }
0xe1: {  	[spmem:s2] =	stream.indirect.scatter.add.f32 [tilespmem:s29], [sflag:$0x1], $0x80, s21, s30, $0xb8;
	[tilespmem:$0x18C00] =	vst v63  }
0xe2: {  	_ = 	snop  }
0xe3: {  	[spmem:s2] =	stream.indirect.scatter.add.f32 [tilespmem:s29], [sflag:$0x1], $0x80, s22, s30, $0xb8;
	[tilespmem:$0x18C00] =	vst v63  }
0xe4: {  	_ = 	snop  }
0xe5: {  	[spmem:s2] =	stream.indirect.scatter.add.f32 [tilespmem:s29], [sflag:$0x1], $0x80, s23, s30, $0xb8;
	[tilespmem:$0x18C00] =	vst v63  }
0xe6: {  	_ = 	snop  }
0xe7: {  	[spmem:s2] =	stream.indirect.scatter.add.f32 [tilespmem:s29], [sflag:$0x1], $0x80, s24, s30, $0xb8;
	[tilespmem:$0x18C00] =	vst v63  }
0xe8: {  	_ = 	snop  }
0xe9: {  	[spmem:s2] =	stream.indirect.scatter.add.f32 [tilespmem:s29], [sflag:$0x1], $0x80, s26, s30, $0xb8;
	[tilespmem:$0x18C00] =	vst v63  }
0xea: {  	_ =	swait.ge [sflag:s31], $0x4000  }
0xeb: {  	[sflag:s31] =	ssyncset.done $0x0  }
0xec: {  	[sflag:s31] =	ssyncadd.s32 $0xFFFFC000  }
0xed: {  	_ =	swait.ge [sflag:s31], $0x4000  }
0xee: {  	[sflag:s31] =	ssyncset.done $0x0  }
0xef: {  	[sflag:s31] =	ssyncadd.s32 $0xFFFFC000  }
0xf0: {  	_ =	swait.ge [sflag:s31], $0x4000  }
0xf1: {  	[sflag:s31] =	ssyncset.done $0x0  }
0xf2: {  	[sflag:s31] =	ssyncadd.s32 $0xFFFFC000  }
0xf3: {  	_ =	swait.ge [sflag:s31], $0x4000  }
0xf4: {  	[sflag:s31] =	ssyncset.done $0x0  }
0xf5: {  	[sflag:s31] =	ssyncadd.s32 $0xFFFFC000  }
0xf6: {  	_ =	swait.ge [sflag:s31], $0x4000  }
0xf7: {  	[sflag:s31] =	ssyncset.done $0x0  }
0xf8: {  	[sflag:s31] =	ssyncadd.s32 $0xFFFFC000  }
0xf9: {  	_ =	swait.ge [sflag:s31], $0x4000  }
0xfa: {  	[sflag:s31] =	ssyncset.done $0x0  }
0xfb: {  	[sflag:s31] =	ssyncadd.s32 $0xFFFFC000  }
0xfc: {  	_ =	swait.ge [sflag:s31], $0x4000  }
0xfd: {  	[sflag:s31] =	ssyncset.done $0x0  }
0xfe: {  	[sflag:s31] =	ssyncadd.s32 $0xFFFFC000  }
0xff: {  	_ =	swait.ge [sflag:s31], $0x4000  }
0x100: {  	[sflag:s31] =	ssyncset.done $0x0  }
0x101: {  	[sflag:s31] =	ssyncadd.s32 $0xFFFFC000  }
0x102: {  	_ =	swait.ge [sflag:s31], $0x4000  }
0x103: {  	[sflag:s31] =	ssyncset.done $0x0  }
0x104: {  	[sflag:s31] =	ssyncadd.s32 $0xFFFFC000  }
0x105: {  	_ =	swait.ge [sflag:s31], $0x4000  }
0x106: {  	[sflag:s31] =	ssyncset.done $0x0  }
0x107: {  	[sflag:s31] =	ssyncadd.s32 $0xFFFFC000  }
0x108: {  	_ =	swait.ge [sflag:s31], $0x4000  }
0x109: {  	[sflag:s31] =	ssyncset.done $0x0  }
0x10a: {  	[sflag:s31] =	ssyncadd.s32 $0xFFFFC000  }
0x10b: {  	_ =	swait.ge [sflag:s31], $0x4000  }
0x10c: {  	[sflag:s31] =	ssyncset.done $0x0  }
0x10d: {  	[sflag:s31] =	ssyncadd.s32 $0xFFFFC000  }
0x10e: {  	_ =	swait.ge [sflag:s31], $0x4000  }
0x10f: {  	[sflag:s31] =	ssyncset.done $0x0  }
0x110: {  	[sflag:s31] =	ssyncadd.s32 $0xFFFFC000  }
0x111: {  	_ =	swait.ge [sflag:s31], $0x4000  }
0x112: {  	[sflag:s31] =	ssyncset.done $0x0  }
0x113: {  	[sflag:s31] =	ssyncadd.s32 $0xFFFFC000  }
0x114: {  	_ =	swait.ge [sflag:s31], $0x4000  }
0x115: {  	[sflag:s31] =	ssyncset.done $0x0  }
0x116: {  	[sflag:s31] =	ssyncadd.s32 $0xFFFFC000  }
0x117: {  	_ =	swait.ge [sflag:s31], $0x4000  }
0x118: {  	[sflag:s31] =	ssyncset.done $0x0  }
0x119: {  	s0 =	sadd.s32 $0x1, s0;
	[sflag:s31] =	ssyncadd.s32 $0xFFFFC000  }
0x11a: {  	p0 =	sne.s32 s0, s9;
	[bflag:$0x0] =	sbarrier.arrive $0xFFFF  }
.Ltmp1:
0x11b: {  	s8 =	rddreg [dreg:$0x6];
	(pc) =	sbr.rel @p0 .LBB2_1-.Ltmp1, $4  }
0x11c: {  	[hbm:s8], [sflag:s7] =	dma.local [spmem:s1], $0x2780  }
0x11d: {  	_ =	swait.ge [sflag:s28], $0x2780  }
0x11e: {  	[sflag:s28] =	ssyncset.done $0x0  }
0x11f: {  	[sflag:s28] =	ssyncadd.s32 $0xFFFFD880  }
0x120: {  	_ =	sfence.sel $0x180000  }
0x121: {  	[bflag:$0x0] =	sbarrier.arrive $0xFFFF  }
0x122: {  	_ =	strace $0x90000047  }
0x123: {  	s0 =	stileid.u32;
	[bflag:$0x2] =	sbarrier.arrive $0xFFFF  }
0x124: {  	p0 =	sne.s32 s0, $0x0;
	s0 =	rddreg [dreg:$0x2]  }
0x125: {  	s0 =	sadd.s32 @!p0 $0x100000, s0  }
0x126: {  	[sflag:s0] =	ssyncadd.tile.s32 @!p0 $0x1;
	_ =	shalt  }
.Lfunc_end2:
_tile_overlayer_lowered:
.L_overlay_start_2:
0x127: {  	(tag) =	ssettag $0x2  }
0x128: {  	s0 =	rddreg [dreg:$0x0];
	s2 =	stileid.u32  }
0x129: {  	s1 =	rddreg [dreg:$0x1];
	p0 =	sne.s32 s2, $0x0  }
0x12a: {  	s3 =	rddreg [dreg:$0x2];
	[bflag:$0x3] =	sbarrier.arrive $0xFFFF;
	s2 =	simm.s32 @!p0 $0x1C02  }
0x12b: {  	[timem:s3], [sflag:s2] =	dma.local @!p0 [hbm:s0], s1  }
0x12c: {  	s0 =	simm.s32 @!p0 $0x2  }
0x12d: {  	_ =	swait.ge @!p0 [sflag:s0], s1  }
0x12e: {  	s1 =	ssub.s32 @!p0 $0x0, s1;
	[sflag:s0] =	ssyncset.done @!p0 $0x0  }
0x12f: {  	[sflag:s0] =	ssyncadd.s32 @!p0 s1  }
0x130: {  	[bflag:$0x3] =	sbarrier.arrive $0xFFFF  }
0x131: {  	_ =	shalt  }

// kernel: kernel.23.cloned.1.call-start
scs
__scs_entry_jumppad:
0x0: {  	(pc) =	sbr.rel $0x88, $3  }
0x1: {  	(tag) =	ssettag $0x0;
	lr =	simm.s32 $0x1  }
0x2: {  	[smem:$0x3F97] =	sst lr;
	_ =	strace $0xD0000000  }
0x3: {  	_ = 	snop  }
0x4: {  	_ = 	snop  }
0x5: {  	_ = 	snop  }
0x6: {  	_ = 	snop  }
0x7: {  	_ = 	snop  }
__scs_overlays_trampoline_lowered:
0x8: {  	[smem:$0x3FA6] =	sst s0  }
0x9: {  	[smem:$0x3FA7] =	sst s1  }
0xa: {  	[smem:$0x3FA8] =	sst s2  }
0xb: {  	[smem:$0x3FA9] =	sst s3  }
0xc: {  	[smem:$0x3FAA] =	sst s4  }
0xd: {  	[smem:$0x3FAB] =	sst s5  }
0xe: {  	[smem:$0x3FAC] =	sst s6  }
0xf: {  	[smem:$0x3FAD] =	sst s7  }
0x10: {  	[smem:$0x3FAE] =	sst s8  }
0x11: {  	[smem:$0x3FAF] =	sst s9;
	s0 =	simm.s32 @!p0 $0x0  }
0x12: {  	s1 =	sld [smem:$0x3F95];
	s0 =	simm.s32 @p0 $0x1  }
0x13: {  	[smem:$0x3FB0] =	sst s0;
	s0 =	simm.s32 @!p1 $0x0  }
0x14: {  	s2 =	sld [smem:$0x3F94];
	s0 =	simm.s32 @p1 $0x1  }
0x15: {  	[smem:$0x3FB1] =	sst s0;
	s0 =	simm.s32 @!p2 $0x0  }
0x16: {  	s3 =	sld [smem:$0x3FDB];
	s0 =	simm.s32 @p2 $0x1  }
0x17: {  	s4 =	simm.s32 $0x1BF5;
	[smem:$0x3FB3] =	sst s0  }
0x18: {  	s0 =	sld [smem:$0x3F96];
	_ =	swait.ge [sflag:s4], $0x0  }
0x19: {  	s7 =	sld [smem:$0x3F97]  }
0x1a: {  	s8 =	sadd.s32 $0xFFFFE003, lr  }
0x1b: {  	s9 =	sadd.s32 $0xFFFFFEF7, lr;
	s5 =	simm.s32 $0xFFFFFFFF;
	p2 =	slt.u32 s8, $0xFFFFF086  }
0x1c: {  	p1 =	slt.u32 s9, $0xF7A;
	s5 =	simm.s32 @!p2 $0x0  }
0x1d: {  	s5 =	simm.s32 @p1 $0x1;
	p0 =	seq.s32 s7, s2  }
0x1e: {  	s7 =	smul.u32 @!p0 $0xF7A, s2;
	p2 =	seq.s32 @!p0 s5, $0x0  }
0x1f: {  	s9 =	smul.u32 $0xF7A, s1;
	s8 =	simm.s32 @!p0 $0x1BF5;
	p2 =	por !p2, p0  }
0x20: {  	[sflag:s8] =	ssyncset.s32 @!p0 $0xFFFFF086;
	s6 =	sadd.s32 @!p0 s3, s7;
	s7 =	simm.s32 @!p0 $0x108  }
0x21: {  	s3 =	sadd.s32 s3, s9;
	s6 =	sadd.s32 @!p0 $0x88, s6;
	s7 =	simm.s32 @p2 $0x1082  }
0x22: {  	[simem:s7], [sflag:s8] =	dma.local @!p0 [hbm:s6], $0xF7A  }
0x23: {  	s9 =	sor.u32 $0xD0000000, s2;
	s6 =	simm.s32 $0x108;
	_ =	swait.ge @!p0 [sflag:s8], $0x0  }
0x24: {  	s3 =	sadd.s32 $0x88, s3;
	s6 =	simm.s32 @!p1 $0x1082;
	[sflag:s4] =	ssyncset.s32 $0xFFFFF086  }
0x25: {  	[simem:s6], [sflag:s4] =	dma.local [hbm:s3], $0xF7A  }
0x26: {  	[smem:$0x3F97] =	sst s1;
	(tag) =	ssettag s2;
	_ =	strace s9  }
0x27: {  	s1 =	sld [smem:$0x3FA7]  }
0x28: {  	s2 =	sld [smem:$0x3FA8]  }
0x29: {  	s4 =	sld [smem:$0x3FAA]  }
0x2a: {  	p0 =	seq.s32 s5, $0x0;
	s5 =	sld [smem:$0x3FAB]  }
0x2b: {  	s6 =	sld [smem:$0x3FAC]  }
0x2c: {  	s7 =	sld [smem:$0x3FAD]  }
0x2d: {  	s3 =	simm.s32 $0x108;
	s8 =	sld [smem:$0x3FAE]  }
0x2e: {  	s3 =	simm.s32 @!p0 $0x1082;
	s9 =	sld [smem:$0x3FAF]  }
0x2f: {  	lr =	sadd.s32 s0, s3;
	s0 =	sld [smem:$0x3FA6]  }
0x30: {  	s3 =	sld [smem:$0x3FA9]  }
0x31: {  	[smem:$0x3FB2] =	sst s10  }
0x32: {  	s10 =	sld [smem:$0x3FB0];
	_ =	sdelay $0x3  }
0x33: {  	p0 =	seq.s32 s10, $0x1;
	s10 =	sld [smem:$0x3FB2];
	_ =	sdelay $0x3  }
0x34: {  	[smem:$0x3FB2] =	sst s10  }
0x35: {  	s10 =	sld [smem:$0x3FB1];
	_ =	sdelay $0x3  }
0x36: {  	p1 =	seq.s32 s10, $0x1;
	s10 =	sld [smem:$0x3FB2];
	_ =	sdelay $0x3  }
0x37: {  	[smem:$0x3FB2] =	sst s10  }
0x38: {  	s10 =	sld [smem:$0x3FB3]  }
0x39: {  	_ = 	snop;
	(pc) =	sbr.ind lr, $3  }
0x3a: {  	_ = 	snop  }
0x3b: {  	_ = 	snop  }
0x3c: {  	p2 =	seq.s32 s10, $0x1;
	s10 =	sld [smem:$0x3FB2]  }
0x3d: {  	_ =	shalt  }
0x3e: {  	_ =	shalt  }
0x3f: {  	_ =	shalt  }
0x40: {  	_ =	shalt  }
0x41: {  	_ =	shalt  }
0x42: {  	_ =	shalt  }
0x43: {  	_ =	shalt  }
0x44: {  	_ =	shalt  }
0x45: {  	_ =	shalt  }
0x46: {  	_ =	shalt  }
0x47: {  	_ =	shalt  }
0x48: {  	_ =	shalt  }
0x49: {  	_ =	shalt  }
0x4a: {  	_ =	shalt  }
0x4b: {  	_ =	shalt  }
0x4c: {  	_ =	shalt  }
0x4d: {  	_ =	shalt  }
0x4e: {  	_ =	shalt  }
0x4f: {  	_ =	shalt  }
0x50: {  	_ =	shalt  }
0x51: {  	_ =	shalt  }
0x52: {  	_ =	shalt  }
0x53: {  	_ =	shalt  }
0x54: {  	_ =	shalt  }
0x55: {  	_ =	shalt  }
0x56: {  	_ =	shalt  }
0x57: {  	_ =	shalt  }
0x58: {  	_ =	shalt  }
0x59: {  	_ =	shalt  }
0x5a: {  	_ =	shalt  }
0x5b: {  	_ =	shalt  }
0x5c: {  	_ =	shalt  }
0x5d: {  	_ =	shalt  }
0x5e: {  	_ =	shalt  }
0x5f: {  	_ =	shalt  }
0x60: {  	_ =	shalt  }
0x61: {  	_ =	shalt  }
0x62: {  	_ =	shalt  }
0x63: {  	_ =	shalt  }
0x64: {  	_ =	shalt  }
0x65: {  	_ =	shalt  }
0x66: {  	_ =	shalt  }
0x67: {  	_ =	shalt  }
0x68: {  	_ =	shalt  }
0x69: {  	_ =	shalt  }
0x6a: {  	_ =	shalt  }
0x6b: {  	_ =	shalt  }
0x6c: {  	_ =	shalt  }
0x6d: {  	_ =	shalt  }
0x6e: {  	_ =	shalt  }
0x6f: {  	_ =	shalt  }
0x70: {  	_ =	shalt  }
0x71: {  	_ =	shalt  }
0x72: {  	_ =	shalt  }
0x73: {  	_ =	shalt  }
0x74: {  	_ =	shalt  }
0x75: {  	_ =	shalt  }
0x76: {  	_ =	shalt  }
0x77: {  	_ =	shalt  }
0x78: {  	_ =	shalt  }
0x79: {  	_ =	shalt  }
0x7a: {  	_ =	shalt  }
0x7b: {  	_ =	shalt  }
0x7c: {  	_ =	shalt  }
0x7d: {  	_ =	shalt  }
0x7e: {  	_ =	shalt  }
0x7f: {  	_ =	shalt  }
0x80: {  	_ =	shalt  }
0x81: {  	_ =	shalt  }
0x82: {  	_ =	shalt  }
0x83: {  	_ =	shalt  }
0x84: {  	_ =	shalt  }
0x85: {  	_ =	shalt  }
0x86: {  	_ =	shalt  }
0x87: {  	_ =	shalt  }
.Lfunc_end0:
.L_simem_size_0:
called_computation.1_lowered:
.L_overlay_start_0:
0x88: {  	s2 =	sld [smem:$0x3FD9]  }
0x89: {  	s3 =	sld [smem:$0x3FFE];
	_ =	sdelay $0x1  }
0x8a: {  	s1 =	srdreg.scid  }
0x8b: {  	s0 =	sand.u32 $0x1, s1  }
0x8c: {  	s16 =	sshll.u32 s0, $0xA;
	s2 =	sadd.s32 s3, s2  }
0x8d: {  	s2 =	sadd.s32 s2, s16  }
0x8e: {  	[smem:$0x3FBE] =	sst s2  }
0x8f: {  	_ = 	snop  }
0x90: {  	(tm) =	ssettm $0x1  }
0x91: {  	s17 =	sld [smem:$0x3FFB];
	_ =	sdelay $0x3  }
0x92: {  	_ =	strace s17  }
0x93: {  	s2 =	sld [smem:$0x3FFC];
	_ =	sdelay $0x3  }
0x94: {  	_ =	strace s2  }
0x95: {  	s2 =	sld [smem:$0x3FFD];
	_ =	sdelay $0x3  }
0x96: {  	_ =	strace s2  }
0x97: {  	_ =	strace $0x8FFFFFFF  }
0x98: {  	s18 =	sld [smem:$0x3FDB];
	_ =	sdelay $0x1  }
0x99: {  	s19 =	simm.s32 $_scs_section_size  }
0x9a: {  	s4 =	simm.s32 $_size__tile_overlayer_lowered;
	s5 =	simm.s32 $_tile_overlayer_lowered  }
0x9b: {  	s22 =	simm.s32 $0x1BFF;
	s21 =	sshll.u32 s5, $0x1;
	s2 =	sadd.s32 s19, s18  }
0x9c: {  	s6 =	simm.s32 $0x0;
	s20 =	sshll.u32 s4, $0x1;
	s4 =	sadd.s32 s21, s2  }
0x9d: {  	[timem:s6], [sflag:s22] =	dma.local [hbm:s4], s20  }
0x9e: {  	_ =	swait.ge [sflag:s22], s20  }
0x9f: {  	s3 =	ssub.s32 $0x0, s20;
	[sflag:s22] =	ssyncset.done $0x0  }
0xa0: {  	[sflag:s22] =	ssyncadd.s32 s3;
	_ =	sdelay $0x1  }
0xa1: {  	s23 =	simm.s32 $0x1B8B  }
0xa2: {  	_ =	swait.ge [sflag:s23], $0x1  }
0xa3: {  	[sflag:s23] =	ssyncset.done $0x0  }
0xa4: {  	s25 =	simm.s32 $0x1B8E;
	s24 =	sld [smem:$0x3FFE];
	[sflag:s23] =	ssyncadd.s32 $0xFFFFFFFF  }
0xa5: {  	s26 =	simm.s32 $execute0_lowered;
	[smem:$0x3FD2] =	sst s25  }
0xa6: {  	s4 =	sshll.u32 s26, $0x1;
	_ =	strace $0x80000049;
	[dreg:$0x1] =	wrdreg $0xFFFFFFFF  }
0xa7: {  	s28 =	simm.s32 $_size_execute0_lowered;
	s2 =	sadd.s32 s2, s4;
	[dreg:$0x0] =	wrdreg $0x0  }
0xa8: {  	s4 =	sshll.u32 s28, $0x1;
	[dreg:$0x2] =	wrdreg s2  }
0xa9: {  	[dreg:$0x3] =	wrdreg s4  }
0xaa: {  	[dreg:$0x4] =	wrdreg $0xC0  }
0xab: {  	_ =	task [dreg:s6], $0x5FFFF  }
0xac: {  	[dreg:$0x1] =	wrdreg $0xFFFFFFFF  }
0xad: {  	[dreg:$0x0] =	wrdreg $0x60  }
0xae: {  	[dreg:$0x2] =	wrdreg s24  }
0xaf: {  	[dreg:$0x3] =	wrdreg $0xA0000  }
0xb0: {  	[dreg:$0x4] =	wrdreg $0x9  }
0xb1: {  	_ =	task.clear_ibuf [dreg:s6], $0x5FFFF;
	_ =	strace $0x90000049  }
0xb2: {  	s29 =	simm.s32 $0x9;
	_ =	strace $0x8000004B  }
0xb3: {  	_ =	swait.ge [sflag:s29], $0x1  }
0xb4: {  	[sflag:s29] =	ssyncadd.s32 $0xFFFFFFFF  }
0xb5: {  	_ =	strace $0x9000004B  }
0xb6: {  	_ =	sfence  }
0xb7: {  	s30 =	sld [smem:$0x0];
	_ =	sdelay $0x2  }
0xb8: {  	s31 =	sshll.u32 s1, $0xD;
	s1 =	sshrl.u32 s1, $0x2  }
0xb9: {  	s3 =	sand.u32 $0x4000, s31;
	s1 =	sadd.s32 s1, s30  }
0xba: {  	s0 =	sor.u32 s3, s0;
	s1 =	sshll.u32 s1, $0x11  }
0xbb: {  	s0 =	sor.u32 s1, s0  }
0xbc: {  	s0 =	sadd.s32 $0x8F2B, s0  }
0xbd: {  	[sflag:s0] =	ssyncadd.remote.s32 $0x1  }
0xbe: {  	_ =	sfence.sel $0xFFFF  }
0xbf: {  	[dreg:$0x0] =	wrdreg $0xFFFFFFFF;
	(pc) =	sbr.abs _section_cstart, $3  }
0xc0: {  	[dreg:$0x1] =	wrdreg $0xFFFFFFFF  }
0xc1: {  	_ =	task.clear_ibuf [dreg:s6], $0x2FFFF;
	_ =	strace $0x9FFFFFFF  }
0xc2: {  	(tm) =	ssettm $0x7FFFFFFF  }
0xc3: {  	_ =	shalt  }
tec
execute0_lowered:
.L_overlay_start_1:
0x0: {  	(tag) =	ssettag $0x1  }
0x1: {  	s7 =	rddreg [dreg:$0x0]  }
0x2: {  	s2 =	rddreg [dreg:$0x1]  }
0x3: {  	s0 =	rddreg [dreg:$0x2]  }
0x4: {  	s1 =	stileid.u32;
	s4 =	srdreg.scid  }
0x5: {  	s3 =	simm.s32 $0x0;
	s16 =	simm.s32 $0x1;
	s17 =	simm.s32 $0x80  }
0x6: {  	s18 =	simm.s32 $0x2;
	s19 =	simm.s32 $0x0;
	s8 =	smul.u32 $0x13C00, s1  }
0x7: {  	s9 =	sand.u32 $0x1, s4;
	[smem:$0x7FF] =	sst s3;
	s4 =	sadd.s32 $0x36200, s7  }
0x8: {  	s5 =	sadd.s32 $0x85A00, s7;
	s6 =	sadd.s32 $0x4A00, s7;
	s28 =	smul.u32 $0x4F000, s1  }
0x9: {  	s31 =	sshll.u32 s1, $0x6;
	s10 =	smul.u32 $0x13C000, s9;
	_ =	strace $0x8000004A  }
0xa: {  	s29 =	ssub.s32 $0x2, s9;
	s13 =	smul.u32 $0x50000, s9;
	s9 =	sor.u32 $0x1C03, s31  }
0xb: {  	s11 =	sshrl.u32 s8, $0x3;
	s30 =	sshrl.u32 s29, $0x1;
	s8 =	sadd.s32 s8, s10  }
.Ltmp0:
0xc: {  	s26 =	sadd.s32 s11, s7;
	s11 =	sshrl.u32 s28, $0x2;
	(pc) =	sbr.rel .LBB2_1-.Ltmp0, $4  }
0xd: {  	s14 =	ssub.s32 s29, s30;
	s8 =	sshrl.u32 s8, $0x3;
	s15 =	sadd.s32 s11, s2  }
0xe: {  	s12 =	sadd.s32 s8, s7;
	s7 =	smul.u32 $0x5000, s1;
	s8 =	sadd.s32 $0xEA00, s26  }
0xf: {  	s11 =	sadd.s32 $0x99A00, s12;
	s12 =	smax.u32 s14, $0x1;
	s14 =	simm.s32 $0x3  }
0x10: {  	s10 =	sadd.s32 s13, s7;
	s13 =	sshrl.u32 s15, $0x3;
	s15 =	simm.s32 $0x2000  }
.LBB2_6:
0x11: {  	s19 =	sadd.s32 $0x1, s19  }
0x12: {  	p0 =	sne.s32 s19, s12  }
.Ltmp1:
0x13: {  	[bflag:$0x0] =	sbarrier.arrive $0xFFFF;
	(pc) =	sbr.rel @!p0 .LBB2_7-.Ltmp1, $4  }
0x14: {  	[hbm:s11], [sflag:s9] =	dma.local [spmem:s13], $0x2780  }
0x15: {  	_ =	swait.ge [sflag:s14], $0x2780  }
0x16: {  	[sflag:s14] =	ssyncset.done $0x0  }
0x17: {  	[sflag:s14] =	ssyncadd.s32 $0xFFFFD880  }
.LBB2_1:
0x18: {  	[spmem:s13], [sflag:s9] =	dma.local [hbm:s8], $0x2780  }
.Ltmp2:
0x19: {  	_ =	swait.ge [sflag:s14], $0x2780;
	(pc) =	sbr.rel .LBB2_2-.Ltmp2, $4  }
0x1a: {  	[sflag:s14] =	ssyncset.done $0x0  }
0x1b: {  	[sflag:s14] =	ssyncadd.s32 $0xFFFFD880  }
0x1c: {  	[bflag:$0x0] =	sbarrier.arrive $0xFFFF  }
0x1d: {  	s20 =	simm.s32 $0x0  }
.LBB2_5:
0x1e: {  	s20 =	sadd.s32 $0x1, s20  }
0x1f: {  	p0 =	sne.s32 s20, $0x5  }
.Ltmp3:
0x20: {  	_ = 	snop;
	(pc) =	sbr.rel @!p0 .LBB2_6-.Ltmp3, $4  }
0x21: {  	_ = 	snop  }
0x22: {  	_ =	swait.ge [sflag:s18], $0x4000  }
0x23: {  	[sflag:s18] =	ssyncset.done $0x0  }
0x24: {  	[sflag:s18] =	ssyncadd.s32 $0xFFFFC000  }
.LBB2_2:
0x25: {  	s21 =	sshll.u32 s20, $0xC  }
0x26: {  	s22 =	sadd.s32 s10, s21  }
0x27: {  	s22 =	sshrl.u32 s22, $0x3  }
0x28: {  	s22 =	sadd.s32 s5, s22  }
0x29: {  	[tilespmem:s3], [sflag:$0x3] =	stream.linear.gather [hbm4b:s22+s3], $0x1000, $0x38;
	[tilespmem:$0x1DC00] =	vst v63  }
0x2a: {  	s21 =	sadd.s32 s7, s21;
	_ =	swait.ge [sflag:s14], $0x1000  }
0x2b: {  	s21 =	sshrl.u32 s21, $0x3;
	[sflag:s14] =	ssyncset.done $0x0  }
0x2c: {  	s31 =	sadd.s32 s6, s21;
	s21 =	simm.s32 $0x1000;
	[sflag:s14] =	ssyncadd.s32 $0xFFFFF000  }
0x2d: {  	[tilespmem:s21], [sflag:$0x3] =	stream.linear.gather [hbm4b:s31+s3], $0x1000, $0x38;
	[tilespmem:$0x1DC00] =	vst v63  }
0x2e: {  	_ =	swait.ge [sflag:s14], $0x1000  }
0x2f: {  	s23 =	simm.s32 $0x10000;
	[sflag:s14] =	ssyncset.done $0x0  }
0x30: {  	s24 =	simm.s32 $0x1F;
	s22 =	simm.s32 $0x80;
	[sflag:s14] =	ssyncadd.s32 $0xFFFFF000  }
0x31: {  	[tilespmem:s15], [sflag:$0x1] =	stream.indirect.gather [hbm4b:s4+s22], $0x80, s3, s22, $0xb8;
	[tilespmem:$0x1DC00] =	vst v63  }
.LBB2_3:
0x32: {  	s25 =	sadd.s32 $0xFFFF0000, s23  }
0x33: {  	_ =	swait.ge [sflag:s16], $0x4000;
	p0 =	seq.s32 s24, $0x1F;
	s25 =	sand.u32 $0x10000, s25  }
0x34: {  	[sflag:s16] =	ssyncset.done $0x0;
	p1 =	seq.s32 @!p0 s24, $0x0;
	s25 =	sshrl.u32 s25, $0x2  }
0x35: {  	[sflag:s16] =	ssyncadd.s32 $0xFFFFC000;
	p1 =	por p0, !p1;
	s25 =	sor.u32 $0x2000, s25  }
0x36: {  	[spmem:s2] =	stream.indirect.scatter.add.f32 [tilespmem:s25], [sflag:$0x2], $0x80, s21, s17, $0xb8;
	[tilespmem:$0x1DC00] =	vst v63  }
.Ltmp4:
0x37: {  	_ = 	snop;
	(pc) =	sbr.rel @!p1 .LBB2_5-.Ltmp4, $4  }
0x38: {  	s25 =	simm.s32 @!p0 $0x2  }
0x39: {  	_ =	swait.ge @!p0 [sflag:s25], $0x4000  }
0x3a: {  	[sflag:s25] =	ssyncset.done @!p0 $0x0  }
0x3b: {  	[sflag:s25] =	ssyncadd.s32 @!p0 $0xFFFFC000  }
.Ltmp5:
0x3c: {  	s25 =	sand.u32 $0x10000, s23;
	(pc) =	sbr.rel .LBB2_3-.Ltmp5, $4  }
0x3d: {  	s25 =	sshrl.u32 s25, $0x2  }
0x3e: {  	s23 =	sadd.s32 $0x10000, s23;
	s25 =	sor.u32 $0x2000, s25  }
0x3f: {  	[tilespmem:s25], [sflag:$0x1] =	stream.indirect.gather [hbm4b:s4+s17], $0x80, s22, s17, $0xb8;
	[tilespmem:$0x1DC00] =	vst v63  }
0x40: {  	s24 =	sadd.s32 $0xFFFFFFFF, s24;
	s21 =	sadd.s32 $0x80, s21;
	s22 =	sadd.s32 $0x80, s22  }
.LBB2_7:
0x41: {  	_ =	sfence.sel $0x180000  }
0x42: {  	[bflag:$0x0] =	sbarrier.arrive $0xFFFF  }
0x43: {  	p0 =	sne.s32 s1, $0x0;
	_ =	strace $0x9000004A  }
0x44: {  	s0 =	sadd.s32 @!p0 $0x100000, s0;
	[bflag:$0x2] =	sbarrier.arrive $0xFFFF  }
0x45: {  	[sflag:s0] =	ssyncadd.tile.s32 @!p0 $0x1;
	_ =	shalt  }
.Lfunc_end2:
_tile_overlayer_lowered:
.L_overlay_start_2:
0x46: {  	(tag) =	ssettag $0x2  }
0x47: {  	s0 =	rddreg [dreg:$0x0];
	s2 =	stileid.u32  }
0x48: {  	s1 =	rddreg [dreg:$0x1];
	p0 =	sne.s32 s2, $0x0  }
0x49: {  	s3 =	rddreg [dreg:$0x2];
	[bflag:$0x3] =	sbarrier.arrive $0xFFFF;
	s2 =	simm.s32 @!p0 $0x1C03  }
0x4a: {  	[timem:s3], [sflag:s2] =	dma.local @!p0 [hbm:s0], s1  }
0x4b: {  	s0 =	simm.s32 @!p0 $0x3  }
0x4c: {  	_ =	swait.ge @!p0 [sflag:s0], s1  }
0x4d: {  	s1 =	ssub.s32 @!p0 $0x0, s1;
	[sflag:s0] =	ssyncset.done @!p0 $0x0  }
0x4e: {  	[sflag:s0] =	ssyncadd.s32 @!p0 s1  }
0x4f: {  	[bflag:$0x3] =	sbarrier.arrive $0xFFFF  }
0x50: {  	_ =	shalt  }

// kernel: kernel.26.cloned.1.call-start
scs
__scs_entry_jumppad:
0x0: {  	(pc) =	sbr.rel $0x88, $3  }
0x1: {  	(tag) =	ssettag $0x0;
	lr =	simm.s32 $0x1  }
0x2: {  	[smem:$0x3F97] =	sst lr;
	_ =	strace $0xD0000000  }
0x3: {  	_ = 	snop  }
0x4: {  	_ = 	snop  }
0x5: {  	_ = 	snop  }
0x6: {  	_ = 	snop  }
0x7: {  	_ = 	snop  }
__scs_overlays_trampoline_lowered:
0x8: {  	[smem:$0x3FA6] =	sst s0  }
0x9: {  	[smem:$0x3FA7] =	sst s1  }
0xa: {  	[smem:$0x3FA8] =	sst s2  }
0xb: {  	[smem:$0x3FA9] =	sst s3  }
0xc: {  	[smem:$0x3FAA] =	sst s4  }
0xd: {  	[smem:$0x3FAB] =	sst s5  }
0xe: {  	[smem:$0x3FAC] =	sst s6  }
0xf: {  	[smem:$0x3FAD] =	sst s7  }
0x10: {  	[smem:$0x3FAE] =	sst s8  }
0x11: {  	[smem:$0x3FAF] =	sst s9;
	s0 =	simm.s32 @!p0 $0x0  }
0x12: {  	s1 =	sld [smem:$0x3F95];
	s0 =	simm.s32 @p0 $0x1  }
0x13: {  	[smem:$0x3FB0] =	sst s0;
	s0 =	simm.s32 @!p1 $0x0  }
0x14: {  	s2 =	sld [smem:$0x3F94];
	s0 =	simm.s32 @p1 $0x1  }
0x15: {  	[smem:$0x3FB1] =	sst s0;
	s0 =	simm.s32 @!p2 $0x0  }
0x16: {  	s3 =	sld [smem:$0x3FDB];
	s0 =	simm.s32 @p2 $0x1  }
0x17: {  	s4 =	simm.s32 $0x1BF5;
	[smem:$0x3FB3] =	sst s0  }
0x18: {  	s0 =	sld [smem:$0x3F96];
	_ =	swait.ge [sflag:s4], $0x0  }
0x19: {  	s7 =	sld [smem:$0x3F97]  }
0x1a: {  	s8 =	sadd.s32 $0xFFFFE003, lr  }
0x1b: {  	s9 =	sadd.s32 $0xFFFFFEF7, lr;
	s5 =	simm.s32 $0xFFFFFFFF;
	p2 =	slt.u32 s8, $0xFFFFF086  }
0x1c: {  	p1 =	slt.u32 s9, $0xF7A;
	s5 =	simm.s32 @!p2 $0x0  }
0x1d: {  	s5 =	simm.s32 @p1 $0x1;
	p0 =	seq.s32 s7, s2  }
0x1e: {  	s7 =	smul.u32 @!p0 $0xF7A, s2;
	p2 =	seq.s32 @!p0 s5, $0x0  }
0x1f: {  	s9 =	smul.u32 $0xF7A, s1;
	s8 =	simm.s32 @!p0 $0x1BF5;
	p2 =	por !p2, p0  }
0x20: {  	[sflag:s8] =	ssyncset.s32 @!p0 $0xFFFFF086;
	s6 =	sadd.s32 @!p0 s3, s7;
	s7 =	simm.s32 @!p0 $0x108  }
0x21: {  	s3 =	sadd.s32 s3, s9;
	s6 =	sadd.s32 @!p0 $0x88, s6;
	s7 =	simm.s32 @p2 $0x1082  }
0x22: {  	[simem:s7], [sflag:s8] =	dma.local @!p0 [hbm:s6], $0xF7A  }
0x23: {  	s9 =	sor.u32 $0xD0000000, s2;
	s6 =	simm.s32 $0x108;
	_ =	swait.ge @!p0 [sflag:s8], $0x0  }
0x24: {  	s3 =	sadd.s32 $0x88, s3;
	s6 =	simm.s32 @!p1 $0x1082;
	[sflag:s4] =	ssyncset.s32 $0xFFFFF086  }
0x25: {  	[simem:s6], [sflag:s4] =	dma.local [hbm:s3], $0xF7A  }
0x26: {  	[smem:$0x3F97] =	sst s1;
	(tag) =	ssettag s2;
	_ =	strace s9  }
0x27: {  	s1 =	sld [smem:$0x3FA7]  }
0x28: {  	s2 =	sld [smem:$0x3FA8]  }
0x29: {  	s4 =	sld [smem:$0x3FAA]  }
0x2a: {  	p0 =	seq.s32 s5, $0x0;
	s5 =	sld [smem:$0x3FAB]  }
0x2b: {  	s6 =	sld [smem:$0x3FAC]  }
0x2c: {  	s7 =	sld [smem:$0x3FAD]  }
0x2d: {  	s3 =	simm.s32 $0x108;
	s8 =	sld [smem:$0x3FAE]  }
0x2e: {  	s3 =	simm.s32 @!p0 $0x1082;
	s9 =	sld [smem:$0x3FAF]  }
0x2f: {  	lr =	sadd.s32 s0, s3;
	s0 =	sld [smem:$0x3FA6]  }
0x30: {  	s3 =	sld [smem:$0x3FA9]  }
0x31: {  	[smem:$0x3FB2] =	sst s10  }
0x32: {  	s10 =	sld [smem:$0x3FB0];
	_ =	sdelay $0x3  }
0x33: {  	p0 =	seq.s32 s10, $0x1;
	s10 =	sld [smem:$0x3FB2];
	_ =	sdelay $0x3  }
0x34: {  	[smem:$0x3FB2] =	sst s10  }
0x35: {  	s10 =	sld [smem:$0x3FB1];
	_ =	sdelay $0x3  }
0x36: {  	p1 =	seq.s32 s10, $0x1;
	s10 =	sld [smem:$0x3FB2];
	_ =	sdelay $0x3  }
0x37: {  	[smem:$0x3FB2] =	sst s10  }
0x38: {  	s10 =	sld [smem:$0x3FB3]  }
0x39: {  	_ = 	snop;
	(pc) =	sbr.ind lr, $3  }
0x3a: {  	_ = 	snop  }
0x3b: {  	_ = 	snop  }
0x3c: {  	p2 =	seq.s32 s10, $0x1;
	s10 =	sld [smem:$0x3FB2]  }
0x3d: {  	_ =	shalt  }
0x3e: {  	_ =	shalt  }
0x3f: {  	_ =	shalt  }
0x40: {  	_ =	shalt  }
0x41: {  	_ =	shalt  }
0x42: {  	_ =	shalt  }
0x43: {  	_ =	shalt  }
0x44: {  	_ =	shalt  }
0x45: {  	_ =	shalt  }
0x46: {  	_ =	shalt  }
0x47: {  	_ =	shalt  }
0x48: {  	_ =	shalt  }
0x49: {  	_ =	shalt  }
0x4a: {  	_ =	shalt  }
0x4b: {  	_ =	shalt  }
0x4c: {  	_ =	shalt  }
0x4d: {  	_ =	shalt  }
0x4e: {  	_ =	shalt  }
0x4f: {  	_ =	shalt  }
0x50: {  	_ =	shalt  }
0x51: {  	_ =	shalt  }
0x52: {  	_ =	shalt  }
0x53: {  	_ =	shalt  }
0x54: {  	_ =	shalt  }
0x55: {  	_ =	shalt  }
0x56: {  	_ =	shalt  }
0x57: {  	_ =	shalt  }
0x58: {  	_ =	shalt  }
0x59: {  	_ =	shalt  }
0x5a: {  	_ =	shalt  }
0x5b: {  	_ =	shalt  }
0x5c: {  	_ =	shalt  }
0x5d: {  	_ =	shalt  }
0x5e: {  	_ =	shalt  }
0x5f: {  	_ =	shalt  }
0x60: {  	_ =	shalt  }
0x61: {  	_ =	shalt  }
0x62: {  	_ =	shalt  }
0x63: {  	_ =	shalt  }
0x64: {  	_ =	shalt  }
0x65: {  	_ =	shalt  }
0x66: {  	_ =	shalt  }
0x67: {  	_ =	shalt  }
0x68: {  	_ =	shalt  }
0x69: {  	_ =	shalt  }
0x6a: {  	_ =	shalt  }
0x6b: {  	_ =	shalt  }
0x6c: {  	_ =	shalt  }
0x6d: {  	_ =	shalt  }
0x6e: {  	_ =	shalt  }
0x6f: {  	_ =	shalt  }
0x70: {  	_ =	shalt  }
0x71: {  	_ =	shalt  }
0x72: {  	_ =	shalt  }
0x73: {  	_ =	shalt  }
0x74: {  	_ =	shalt  }
0x75: {  	_ =	shalt  }
0x76: {  	_ =	shalt  }
0x77: {  	_ =	shalt  }
0x78: {  	_ =	shalt  }
0x79: {  	_ =	shalt  }
0x7a: {  	_ =	shalt  }
0x7b: {  	_ =	shalt  }
0x7c: {  	_ =	shalt  }
0x7d: {  	_ =	shalt  }
0x7e: {  	_ =	shalt  }
0x7f: {  	_ =	shalt  }
0x80: {  	_ =	shalt  }
0x81: {  	_ =	shalt  }
0x82: {  	_ =	shalt  }
0x83: {  	_ =	shalt  }
0x84: {  	_ =	shalt  }
0x85: {  	_ =	shalt  }
0x86: {  	_ =	shalt  }
0x87: {  	_ =	shalt  }
.Lfunc_end0:
.L_simem_size_0:
called_computation.2_lowered:
.L_overlay_start_0:
0x88: {  	s2 =	sld [smem:$0x3FD9]  }
0x89: {  	s3 =	sld [smem:$0x3FFE];
	_ =	sdelay $0x1  }
0x8a: {  	s1 =	srdreg.scid  }
0x8b: {  	s0 =	sand.u32 $0x1, s1  }
0x8c: {  	s16 =	sshll.u32 s0, $0xA;
	s2 =	sadd.s32 s3, s2  }
0x8d: {  	s2 =	sadd.s32 s2, s16  }
0x8e: {  	[smem:$0x3FBE] =	sst s2  }
0x8f: {  	_ = 	snop  }
0x90: {  	(tm) =	ssettm $0x1  }
0x91: {  	s17 =	sld [smem:$0x3FFB];
	_ =	sdelay $0x3  }
0x92: {  	_ =	strace s17  }
0x93: {  	s2 =	sld [smem:$0x3FFC];
	_ =	sdelay $0x3  }
0x94: {  	_ =	strace s2  }
0x95: {  	s2 =	sld [smem:$0x3FFD];
	_ =	sdelay $0x3  }
0x96: {  	_ =	strace s2  }
0x97: {  	_ =	strace $0x8FFFFFFF  }
0x98: {  	s18 =	sld [smem:$0x3FDB];
	_ =	sdelay $0x1  }
0x99: {  	s19 =	simm.s32 $_scs_section_size  }
0x9a: {  	s4 =	simm.s32 $_size__tile_overlayer_lowered;
	s5 =	simm.s32 $_tile_overlayer_lowered  }
0x9b: {  	s22 =	simm.s32 $0x1BFF;
	s21 =	sshll.u32 s5, $0x1;
	s2 =	sadd.s32 s19, s18  }
0x9c: {  	s6 =	simm.s32 $0x0;
	s20 =	sshll.u32 s4, $0x1;
	s4 =	sadd.s32 s21, s2  }
0x9d: {  	[timem:s6], [sflag:s22] =	dma.local [hbm:s4], s20  }
0x9e: {  	_ =	swait.ge [sflag:s22], s20  }
0x9f: {  	s3 =	ssub.s32 $0x0, s20;
	[sflag:s22] =	ssyncset.done $0x0  }
0xa0: {  	[sflag:s22] =	ssyncadd.s32 s3;
	_ =	sdelay $0x1  }
0xa1: {  	s23 =	simm.s32 $0x1B8B  }
0xa2: {  	_ =	swait.ge [sflag:s23], $0x1  }
0xa3: {  	[sflag:s23] =	ssyncset.done $0x0  }
0xa4: {  	s25 =	simm.s32 $0x1B8E;
	s24 =	sld [smem:$0x3FFE];
	[sflag:s23] =	ssyncadd.s32 $0xFFFFFFFF  }
0xa5: {  	s26 =	simm.s32 $execute0_lowered;
	[smem:$0x3FD2] =	sst s25  }
0xa6: {  	s4 =	sshll.u32 s26, $0x1;
	_ =	strace $0x8000004C;
	[dreg:$0x1] =	wrdreg $0xFFFFFFFF  }
0xa7: {  	s28 =	simm.s32 $_size_execute0_lowered;
	s2 =	sadd.s32 s2, s4;
	[dreg:$0x0] =	wrdreg $0x0  }
0xa8: {  	s4 =	sshll.u32 s28, $0x1;
	[dreg:$0x2] =	wrdreg s2  }
0xa9: {  	[dreg:$0x3] =	wrdreg s4  }
0xaa: {  	[dreg:$0x4] =	wrdreg $0xC0  }
0xab: {  	_ =	task [dreg:s6], $0x5FFFF  }
0xac: {  	[dreg:$0x1] =	wrdreg $0xFFFFFFFF  }
0xad: {  	[dreg:$0x0] =	wrdreg $0x60  }
0xae: {  	[dreg:$0x2] =	wrdreg s24  }
0xaf: {  	[dreg:$0x3] =	wrdreg $0xA0000  }
0xb0: {  	[dreg:$0x4] =	wrdreg $0x9  }
0xb1: {  	_ =	task.clear_ibuf [dreg:s6], $0x5FFFF;
	_ =	strace $0x9000004C  }
0xb2: {  	s29 =	simm.s32 $0x9;
	_ =	strace $0x8000004E  }
0xb3: {  	_ =	swait.ge [sflag:s29], $0x1  }
0xb4: {  	[sflag:s29] =	ssyncadd.s32 $0xFFFFFFFF  }
0xb5: {  	_ =	strace $0x9000004E  }
0xb6: {  	_ =	sfence  }
0xb7: {  	s30 =	sld [smem:$0x0];
	_ =	sdelay $0x2  }
0xb8: {  	s31 =	sshll.u32 s1, $0xD;
	s1 =	sshrl.u32 s1, $0x2  }
0xb9: {  	s3 =	sand.u32 $0x4000, s31;
	s1 =	sadd.s32 s1, s30  }
0xba: {  	s0 =	sor.u32 s3, s0;
	s1 =	sshll.u32 s1, $0x11  }
0xbb: {  	s0 =	sor.u32 s1, s0  }
0xbc: {  	s0 =	sadd.s32 $0x8F2B, s0  }
0xbd: {  	[sflag:s0] =	ssyncadd.remote.s32 $0x1  }
0xbe: {  	_ =	sfence.sel $0xFFFF  }
0xbf: {  	[dreg:$0x0] =	wrdreg $0xFFFFFFFF;
	(pc) =	sbr.abs _section_cstart, $3  }
0xc0: {  	[dreg:$0x1] =	wrdreg $0xFFFFFFFF  }
0xc1: {  	_ =	task.clear_ibuf [dreg:s6], $0x2FFFF;
	_ =	strace $0x9FFFFFFF  }
0xc2: {  	(tm) =	ssettm $0x7FFFFFFF  }
0xc3: {  	_ =	shalt  }
tec
execute0_lowered:
.L_overlay_start_1:
0x0: {  	(tag) =	ssettag $0x1  }
0x1: {  	s7 =	rddreg [dreg:$0x0]  }
0x2: {  	s2 =	rddreg [dreg:$0x1]  }
0x3: {  	s0 =	rddreg [dreg:$0x2]  }
0x4: {  	s1 =	stileid.u32;
	s4 =	srdreg.scid  }
0x5: {  	s3 =	simm.s32 $0x0;
	s16 =	simm.s32 $0x1;
	s17 =	simm.s32 $0x80  }
0x6: {  	s18 =	simm.s32 $0x2;
	s19 =	simm.s32 $0x0;
	s8 =	smul.u32 $0x13C00, s1  }
0x7: {  	s9 =	sand.u32 $0x1, s4;
	[smem:$0x7FF] =	sst s3;
	s4 =	sadd.s32 $0x99A00, s7  }
0x8: {  	s5 =	sadd.s32 $0x85A00, s7;
	s6 =	sadd.s32 $0x4A00, s7;
	s28 =	smul.u32 $0x4F000, s1  }
0x9: {  	s31 =	sshll.u32 s1, $0x6;
	s10 =	smul.u32 $0x13C000, s9;
	_ =	strace $0x8000004D  }
0xa: {  	s29 =	ssub.s32 $0x2, s9;
	s13 =	smul.u32 $0x50000, s9;
	s9 =	sor.u32 $0x1C03, s31  }
0xb: {  	s11 =	sshrl.u32 s8, $0x3;
	s30 =	sshrl.u32 s29, $0x1;
	s8 =	sadd.s32 s8, s10  }
.Ltmp0:
0xc: {  	s26 =	sadd.s32 s11, s7;
	s11 =	sshrl.u32 s28, $0x2;
	(pc) =	sbr.rel .LBB2_1-.Ltmp0, $4  }
0xd: {  	s14 =	ssub.s32 s29, s30;
	s8 =	sshrl.u32 s8, $0x3;
	s15 =	sadd.s32 s11, s2  }
0xe: {  	s12 =	sadd.s32 s8, s7;
	s7 =	smul.u32 $0x5000, s1;
	s8 =	sadd.s32 $0xEA00, s26  }
0xf: {  	s11 =	sadd.s32 $0x36200, s12;
	s12 =	smax.u32 s14, $0x1;
	s14 =	simm.s32 $0x3  }
0x10: {  	s10 =	sadd.s32 s13, s7;
	s13 =	sshrl.u32 s15, $0x3;
	s15 =	simm.s32 $0x2000  }
.LBB2_6:
0x11: {  	s19 =	sadd.s32 $0x1, s19  }
0x12: {  	p0 =	sne.s32 s19, s12  }
.Ltmp1:
0x13: {  	[bflag:$0x0] =	sbarrier.arrive $0xFFFF;
	(pc) =	sbr.rel @!p0 .LBB2_7-.Ltmp1, $4  }
0x14: {  	[hbm:s11], [sflag:s9] =	dma.local [spmem:s13], $0x2780  }
0x15: {  	_ =	swait.ge [sflag:s14], $0x2780  }
0x16: {  	[sflag:s14] =	ssyncset.done $0x0  }
0x17: {  	[sflag:s14] =	ssyncadd.s32 $0xFFFFD880  }
.LBB2_1:
0x18: {  	[spmem:s13], [sflag:s9] =	dma.local [hbm:s8], $0x2780  }
.Ltmp2:
0x19: {  	_ =	swait.ge [sflag:s14], $0x2780;
	(pc) =	sbr.rel .LBB2_2-.Ltmp2, $4  }
0x1a: {  	[sflag:s14] =	ssyncset.done $0x0  }
0x1b: {  	[sflag:s14] =	ssyncadd.s32 $0xFFFFD880  }
0x1c: {  	[bflag:$0x0] =	sbarrier.arrive $0xFFFF  }
0x1d: {  	s20 =	simm.s32 $0x0  }
.LBB2_5:
0x1e: {  	s20 =	sadd.s32 $0x1, s20  }
0x1f: {  	p0 =	sne.s32 s20, $0x5  }
.Ltmp3:
0x20: {  	_ = 	snop;
	(pc) =	sbr.rel @!p0 .LBB2_6-.Ltmp3, $4  }
0x21: {  	_ = 	snop  }
0x22: {  	_ =	swait.ge [sflag:s18], $0x4000  }
0x23: {  	[sflag:s18] =	ssyncset.done $0x0  }
0x24: {  	[sflag:s18] =	ssyncadd.s32 $0xFFFFC000  }
.LBB2_2:
0x25: {  	s21 =	sshll.u32 s20, $0xC  }
0x26: {  	s22 =	sadd.s32 s10, s21  }
0x27: {  	s22 =	sshrl.u32 s22, $0x3  }
0x28: {  	s22 =	sadd.s32 s5, s22  }
0x29: {  	[tilespmem:s3], [sflag:$0x3] =	stream.linear.gather [hbm4b:s22+s3], $0x1000, $0x38;
	[tilespmem:$0x1DC00] =	vst v63  }
0x2a: {  	s21 =	sadd.s32 s7, s21;
	_ =	swait.ge [sflag:s14], $0x1000  }
0x2b: {  	s21 =	sshrl.u32 s21, $0x3;
	[sflag:s14] =	ssyncset.done $0x0  }
0x2c: {  	s31 =	sadd.s32 s6, s21;
	s21 =	simm.s32 $0x1000;
	[sflag:s14] =	ssyncadd.s32 $0xFFFFF000  }
0x2d: {  	[tilespmem:s21], [sflag:$0x3] =	stream.linear.gather [hbm4b:s31+s3], $0x1000, $0x38;
	[tilespmem:$0x1DC00] =	vst v63  }
0x2e: {  	_ =	swait.ge [sflag:s14], $0x1000  }
0x2f: {  	s23 =	simm.s32 $0x10000;
	[sflag:s14] =	ssyncset.done $0x0  }
0x30: {  	s24 =	simm.s32 $0x1F;
	s22 =	simm.s32 $0x80;
	[sflag:s14] =	ssyncadd.s32 $0xFFFFF000  }
0x31: {  	[tilespmem:s15], [sflag:$0x1] =	stream.indirect.gather [hbm4b:s4+s22], $0x80, s3, s22, $0xb8;
	[tilespmem:$0x1DC00] =	vst v63  }
.LBB2_3:
0x32: {  	s25 =	sadd.s32 $0xFFFF0000, s23  }
0x33: {  	_ =	swait.ge [sflag:s16], $0x4000;
	p0 =	seq.s32 s24, $0x1F;
	s25 =	sand.u32 $0x10000, s25  }
0x34: {  	[sflag:s16] =	ssyncset.done $0x0;
	p1 =	seq.s32 @!p0 s24, $0x0;
	s25 =	sshrl.u32 s25, $0x2  }
0x35: {  	[sflag:s16] =	ssyncadd.s32 $0xFFFFC000;
	p1 =	por p0, !p1;
	s25 =	sor.u32 $0x2000, s25  }
0x36: {  	[spmem:s2] =	stream.indirect.scatter.add.f32 [tilespmem:s25], [sflag:$0x2], $0x80, s21, s17, $0xb8;
	[tilespmem:$0x1DC00] =	vst v63  }
.Ltmp4:
0x37: {  	_ = 	snop;
	(pc) =	sbr.rel @!p1 .LBB2_5-.Ltmp4, $4  }
0x38: {  	s25 =	simm.s32 @!p0 $0x2  }
0x39: {  	_ =	swait.ge @!p0 [sflag:s25], $0x4000  }
0x3a: {  	[sflag:s25] =	ssyncset.done @!p0 $0x0  }
0x3b: {  	[sflag:s25] =	ssyncadd.s32 @!p0 $0xFFFFC000  }
.Ltmp5:
0x3c: {  	s25 =	sand.u32 $0x10000, s23;
	(pc) =	sbr.rel .LBB2_3-.Ltmp5, $4  }
0x3d: {  	s25 =	sshrl.u32 s25, $0x2  }
0x3e: {  	s23 =	sadd.s32 $0x10000, s23;
	s25 =	sor.u32 $0x2000, s25  }
0x3f: {  	[tilespmem:s25], [sflag:$0x1] =	stream.indirect.gather [hbm4b:s4+s17], $0x80, s22, s17, $0xb8;
	[tilespmem:$0x1DC00] =	vst v63  }
0x40: {  	s24 =	sadd.s32 $0xFFFFFFFF, s24;
	s21 =	sadd.s32 $0x80, s21;
	s22 =	sadd.s32 $0x80, s22  }
.LBB2_7:
0x41: {  	_ =	sfence.sel $0x180000  }
0x42: {  	[bflag:$0x0] =	sbarrier.arrive $0xFFFF  }
0x43: {  	p0 =	sne.s32 s1, $0x0;
	_ =	strace $0x9000004D  }
0x44: {  	s0 =	sadd.s32 @!p0 $0x100000, s0;
	[bflag:$0x2] =	sbarrier.arrive $0xFFFF  }
0x45: {  	[sflag:s0] =	ssyncadd.tile.s32 @!p0 $0x1;
	_ =	shalt  }
.Lfunc_end2:
_tile_overlayer_lowered:
.L_overlay_start_2:
0x46: {  	(tag) =	ssettag $0x2  }
0x47: {  	s0 =	rddreg [dreg:$0x0];
	s2 =	stileid.u32  }
0x48: {  	s1 =	rddreg [dreg:$0x1];
	p0 =	sne.s32 s2, $0x0  }
0x49: {  	s3 =	rddreg [dreg:$0x2];
	[bflag:$0x3] =	sbarrier.arrive $0xFFFF;
	s2 =	simm.s32 @!p0 $0x1C03  }
0x4a: {  	[timem:s3], [sflag:s2] =	dma.local @!p0 [hbm:s0], s1  }
0x4b: {  	s0 =	simm.s32 @!p0 $0x3  }
0x4c: {  	_ =	swait.ge @!p0 [sflag:s0], s1  }
0x4d: {  	s1 =	ssub.s32 @!p0 $0x0, s1;
	[sflag:s0] =	ssyncset.done @!p0 $0x0  }
0x4e: {  	[sflag:s0] =	ssyncadd.s32 @!p0 s1  }
0x4f: {  	[bflag:$0x3] =	sbarrier.arrive $0xFFFF  }
0x50: {  	_ =	shalt  }

// kernel: kernel.29.cloned.1.call-start
scs
__scs_entry_jumppad:
0x0: {  	(pc) =	sbr.rel $0x88, $3  }
0x1: {  	(tag) =	ssettag $0x0;
	lr =	simm.s32 $0x1  }
0x2: {  	[smem:$0x3F97] =	sst lr;
	_ =	strace $0xD0000000  }
0x3: {  	_ = 	snop  }
0x4: {  	_ = 	snop  }
0x5: {  	_ = 	snop  }
0x6: {  	_ = 	snop  }
0x7: {  	_ = 	snop  }
__scs_overlays_trampoline_lowered:
0x8: {  	[smem:$0x3FA6] =	sst s0  }
0x9: {  	[smem:$0x3FA7] =	sst s1  }
0xa: {  	[smem:$0x3FA8] =	sst s2  }
0xb: {  	[smem:$0x3FA9] =	sst s3  }
0xc: {  	[smem:$0x3FAA] =	sst s4  }
0xd: {  	[smem:$0x3FAB] =	sst s5  }
0xe: {  	[smem:$0x3FAC] =	sst s6  }
0xf: {  	[smem:$0x3FAD] =	sst s7  }
0x10: {  	[smem:$0x3FAE] =	sst s8  }
0x11: {  	[smem:$0x3FAF] =	sst s9;
	s0 =	simm.s32 @!p0 $0x0  }
0x12: {  	s1 =	sld [smem:$0x3F95];
	s0 =	simm.s32 @p0 $0x1  }
0x13: {  	[smem:$0x3FB0] =	sst s0;
	s0 =	simm.s32 @!p1 $0x0  }
0x14: {  	s2 =	sld [smem:$0x3F94];
	s0 =	simm.s32 @p1 $0x1  }
0x15: {  	[smem:$0x3FB1] =	sst s0;
	s0 =	simm.s32 @!p2 $0x0  }
0x16: {  	s3 =	sld [smem:$0x3FDB];
	s0 =	simm.s32 @p2 $0x1  }
0x17: {  	s4 =	simm.s32 $0x1BF5;
	[smem:$0x3FB3] =	sst s0  }
0x18: {  	s0 =	sld [smem:$0x3F96];
	_ =	swait.ge [sflag:s4], $0x0  }
0x19: {  	s7 =	sld [smem:$0x3F97]  }
0x1a: {  	s8 =	sadd.s32 $0xFFFFE003, lr  }
0x1b: {  	s9 =	sadd.s32 $0xFFFFFEF7, lr;
	s5 =	simm.s32 $0xFFFFFFFF;
	p2 =	slt.u32 s8, $0xFFFFF086  }
0x1c: {  	p1 =	slt.u32 s9, $0xF7A;
	s5 =	simm.s32 @!p2 $0x0  }
0x1d: {  	s5 =	simm.s32 @p1 $0x1;
	p0 =	seq.s32 s7, s2  }
0x1e: {  	s7 =	smul.u32 @!p0 $0xF7A, s2;
	p2 =	seq.s32 @!p0 s5, $0x0  }
0x1f: {  	s9 =	smul.u32 $0xF7A, s1;
	s8 =	simm.s32 @!p0 $0x1BF5;
	p2 =	por !p2, p0  }
0x20: {  	[sflag:s8] =	ssyncset.s32 @!p0 $0xFFFFF086;
	s6 =	sadd.s32 @!p0 s3, s7;
	s7 =	simm.s32 @!p0 $0x108  }
0x21: {  	s3 =	sadd.s32 s3, s9;
	s6 =	sadd.s32 @!p0 $0x88, s6;
	s7 =	simm.s32 @p2 $0x1082  }
0x22: {  	[simem:s7], [sflag:s8] =	dma.local @!p0 [hbm:s6], $0xF7A  }
0x23: {  	s9 =	sor.u32 $0xD0000000, s2;
	s6 =	simm.s32 $0x108;
	_ =	swait.ge @!p0 [sflag:s8], $0x0  }
0x24: {  	s3 =	sadd.s32 $0x88, s3;
	s6 =	simm.s32 @!p1 $0x1082;
	[sflag:s4] =	ssyncset.s32 $0xFFFFF086  }
0x25: {  	[simem:s6], [sflag:s4] =	dma.local [hbm:s3], $0xF7A  }
0x26: {  	[smem:$0x3F97] =	sst s1;
	(tag) =	ssettag s2;
	_ =	strace s9  }
0x27: {  	s1 =	sld [smem:$0x3FA7]  }
0x28: {  	s2 =	sld [smem:$0x3FA8]  }
0x29: {  	s4 =	sld [smem:$0x3FAA]  }
0x2a: {  	p0 =	seq.s32 s5, $0x0;
	s5 =	sld [smem:$0x3FAB]  }
0x2b: {  	s6 =	sld [smem:$0x3FAC]  }
0x2c: {  	s7 =	sld [smem:$0x3FAD]  }
0x2d: {  	s3 =	simm.s32 $0x108;
	s8 =	sld [smem:$0x3FAE]  }
0x2e: {  	s3 =	simm.s32 @!p0 $0x1082;
	s9 =	sld [smem:$0x3FAF]  }
0x2f: {  	lr =	sadd.s32 s0, s3;
	s0 =	sld [smem:$0x3FA6]  }
0x30: {  	s3 =	sld [smem:$0x3FA9]  }
0x31: {  	[smem:$0x3FB2] =	sst s10  }
0x32: {  	s10 =	sld [smem:$0x3FB0];
	_ =	sdelay $0x3  }
0x33: {  	p0 =	seq.s32 s10, $0x1;
	s10 =	sld [smem:$0x3FB2];
	_ =	sdelay $0x3  }
0x34: {  	[smem:$0x3FB2] =	sst s10  }
0x35: {  	s10 =	sld [smem:$0x3FB1];
	_ =	sdelay $0x3  }
0x36: {  	p1 =	seq.s32 s10, $0x1;
	s10 =	sld [smem:$0x3FB2];
	_ =	sdelay $0x3  }
0x37: {  	[smem:$0x3FB2] =	sst s10  }
0x38: {  	s10 =	sld [smem:$0x3FB3]  }
0x39: {  	_ = 	snop;
	(pc) =	sbr.ind lr, $3  }
0x3a: {  	_ = 	snop  }
0x3b: {  	_ = 	snop  }
0x3c: {  	p2 =	seq.s32 s10, $0x1;
	s10 =	sld [smem:$0x3FB2]  }
0x3d: {  	_ =	shalt  }
0x3e: {  	_ =	shalt  }
0x3f: {  	_ =	shalt  }
0x40: {  	_ =	shalt  }
0x41: {  	_ =	shalt  }
0x42: {  	_ =	shalt  }
0x43: {  	_ =	shalt  }
0x44: {  	_ =	shalt  }
0x45: {  	_ =	shalt  }
0x46: {  	_ =	shalt  }
0x47: {  	_ =	shalt  }
0x48: {  	_ =	shalt  }
0x49: {  	_ =	shalt  }
0x4a: {  	_ =	shalt  }
0x4b: {  	_ =	shalt  }
0x4c: {  	_ =	shalt  }
0x4d: {  	_ =	shalt  }
0x4e: {  	_ =	shalt  }
0x4f: {  	_ =	shalt  }
0x50: {  	_ =	shalt  }
0x51: {  	_ =	shalt  }
0x52: {  	_ =	shalt  }
0x53: {  	_ =	shalt  }
0x54: {  	_ =	shalt  }
0x55: {  	_ =	shalt  }
0x56: {  	_ =	shalt  }
0x57: {  	_ =	shalt  }
0x58: {  	_ =	shalt  }
0x59: {  	_ =	shalt  }
0x5a: {  	_ =	shalt  }
0x5b: {  	_ =	shalt  }
0x5c: {  	_ =	shalt  }
0x5d: {  	_ =	shalt  }
0x5e: {  	_ =	shalt  }
0x5f: {  	_ =	shalt  }
0x60: {  	_ =	shalt  }
0x61: {  	_ =	shalt  }
0x62: {  	_ =	shalt  }
0x63: {  	_ =	shalt  }
0x64: {  	_ =	shalt  }
0x65: {  	_ =	shalt  }
0x66: {  	_ =	shalt  }
0x67: {  	_ =	shalt  }
0x68: {  	_ =	shalt  }
0x69: {  	_ =	shalt  }
0x6a: {  	_ =	shalt  }
0x6b: {  	_ =	shalt  }
0x6c: {  	_ =	shalt  }
0x6d: {  	_ =	shalt  }
0x6e: {  	_ =	shalt  }
0x6f: {  	_ =	shalt  }
0x70: {  	_ =	shalt  }
0x71: {  	_ =	shalt  }
0x72: {  	_ =	shalt  }
0x73: {  	_ =	shalt  }
0x74: {  	_ =	shalt  }
0x75: {  	_ =	shalt  }
0x76: {  	_ =	shalt  }
0x77: {  	_ =	shalt  }
0x78: {  	_ =	shalt  }
0x79: {  	_ =	shalt  }
0x7a: {  	_ =	shalt  }
0x7b: {  	_ =	shalt  }
0x7c: {  	_ =	shalt  }
0x7d: {  	_ =	shalt  }
0x7e: {  	_ =	shalt  }
0x7f: {  	_ =	shalt  }
0x80: {  	_ =	shalt  }
0x81: {  	_ =	shalt  }
0x82: {  	_ =	shalt  }
0x83: {  	_ =	shalt  }
0x84: {  	_ =	shalt  }
0x85: {  	_ =	shalt  }
0x86: {  	_ =	shalt  }
0x87: {  	_ =	shalt  }
.Lfunc_end0:
.L_simem_size_0:
called_computation.3_lowered:
.L_overlay_start_0:
0x88: {  	s2 =	sld [smem:$0x3FD9]  }
0x89: {  	s3 =	sld [smem:$0x3FFE];
	_ =	sdelay $0x1  }
0x8a: {  	s1 =	srdreg.scid  }
0x8b: {  	s0 =	sand.u32 $0x1, s1  }
0x8c: {  	s16 =	sshll.u32 s0, $0xA;
	s2 =	sadd.s32 s3, s2  }
0x8d: {  	s2 =	sadd.s32 s2, s16  }
0x8e: {  	[smem:$0x3FBE] =	sst s2  }
0x8f: {  	_ = 	snop  }
0x90: {  	(tm) =	ssettm $0x1  }
0x91: {  	s17 =	sld [smem:$0x3FFB];
	_ =	sdelay $0x3  }
0x92: {  	_ =	strace s17  }
0x93: {  	s2 =	sld [smem:$0x3FFC];
	_ =	sdelay $0x3  }
0x94: {  	_ =	strace s2  }
0x95: {  	s2 =	sld [smem:$0x3FFD];
	_ =	sdelay $0x3  }
0x96: {  	_ =	strace s2  }
0x97: {  	_ =	strace $0x8FFFFFFF  }
0x98: {  	s18 =	sld [smem:$0x3FDB];
	_ =	sdelay $0x1  }
0x99: {  	s19 =	simm.s32 $_scs_section_size  }
0x9a: {  	s4 =	simm.s32 $_size__tile_overlayer_lowered;
	s5 =	simm.s32 $_tile_overlayer_lowered  }
0x9b: {  	s22 =	simm.s32 $0x1BFF;
	s21 =	sshll.u32 s5, $0x1;
	s2 =	sadd.s32 s19, s18  }
0x9c: {  	s6 =	simm.s32 $0x0;
	s20 =	sshll.u32 s4, $0x1;
	s4 =	sadd.s32 s21, s2  }
0x9d: {  	[timem:s6], [sflag:s22] =	dma.local [hbm:s4], s20  }
0x9e: {  	_ =	swait.ge [sflag:s22], s20  }
0x9f: {  	s3 =	ssub.s32 $0x0, s20;
	[sflag:s22] =	ssyncset.done $0x0  }
0xa0: {  	[sflag:s22] =	ssyncadd.s32 s3;
	_ =	sdelay $0x1  }
0xa1: {  	s23 =	simm.s32 $0x1B8B  }
0xa2: {  	_ =	swait.ge [sflag:s23], $0x1  }
0xa3: {  	[sflag:s23] =	ssyncset.done $0x0  }
0xa4: {  	s25 =	simm.s32 $0x1B8E;
	s24 =	sld [smem:$0x3FFE];
	[sflag:s23] =	ssyncadd.s32 $0xFFFFFFFF  }
0xa5: {  	s26 =	simm.s32 $execute0_lowered;
	[smem:$0x3FD2] =	sst s25  }
0xa6: {  	s4 =	sshll.u32 s26, $0x1;
	_ =	strace $0x8000004F;
	[dreg:$0x1] =	wrdreg $0xFFFFFFFF  }
0xa7: {  	s28 =	simm.s32 $_size_execute0_lowered;
	s2 =	sadd.s32 s2, s4;
	[dreg:$0x0] =	wrdreg $0x0  }
0xa8: {  	s4 =	sshll.u32 s28, $0x1;
	[dreg:$0x2] =	wrdreg s2  }
0xa9: {  	[dreg:$0x3] =	wrdreg s4  }
0xaa: {  	[dreg:$0x4] =	wrdreg $0xC0  }
0xab: {  	_ =	task [dreg:s6], $0x5FFFF  }
0xac: {  	[dreg:$0x1] =	wrdreg $0xFFFFFFFF  }
0xad: {  	[dreg:$0x0] =	wrdreg $0x60  }
0xae: {  	[dreg:$0x2] =	wrdreg s24  }
0xaf: {  	[dreg:$0x3] =	wrdreg $0xA0000  }
0xb0: {  	[dreg:$0x4] =	wrdreg $0x9  }
0xb1: {  	_ =	task.clear_ibuf [dreg:s6], $0x5FFFF;
	_ =	strace $0x9000004F  }
0xb2: {  	s29 =	simm.s32 $0x9;
	_ =	strace $0x80000051  }
0xb3: {  	_ =	swait.ge [sflag:s29], $0x1  }
0xb4: {  	[sflag:s29] =	ssyncadd.s32 $0xFFFFFFFF  }
0xb5: {  	_ =	strace $0x90000051  }
0xb6: {  	_ =	sfence  }
0xb7: {  	s30 =	sld [smem:$0x0];
	_ =	sdelay $0x2  }
0xb8: {  	s31 =	sshll.u32 s1, $0xD;
	s1 =	sshrl.u32 s1, $0x2  }
0xb9: {  	s3 =	sand.u32 $0x4000, s31;
	s1 =	sadd.s32 s1, s30  }
0xba: {  	s0 =	sor.u32 s3, s0;
	s1 =	sshll.u32 s1, $0x11  }
0xbb: {  	s0 =	sor.u32 s1, s0  }
0xbc: {  	s0 =	sadd.s32 $0x8F2B, s0  }
0xbd: {  	[sflag:s0] =	ssyncadd.remote.s32 $0x1  }
0xbe: {  	_ =	sfence.sel $0xFFFF  }
0xbf: {  	[dreg:$0x0] =	wrdreg $0xFFFFFFFF;
	(pc) =	sbr.abs _section_cstart, $3  }
0xc0: {  	[dreg:$0x1] =	wrdreg $0xFFFFFFFF  }
0xc1: {  	_ =	task.clear_ibuf [dreg:s6], $0x2FFFF;
	_ =	strace $0x9FFFFFFF  }
0xc2: {  	(tm) =	ssettm $0x7FFFFFFF  }
0xc3: {  	_ =	shalt  }
tec
execute0_lowered:
.L_overlay_start_1:
0x0: {  	(tag) =	ssettag $0x1  }
0x1: {  	s7 =	rddreg [dreg:$0x0]  }
0x2: {  	s2 =	rddreg [dreg:$0x1]  }
0x3: {  	s0 =	rddreg [dreg:$0x2]  }
0x4: {  	s1 =	stileid.u32;
	s4 =	srdreg.scid  }
0x5: {  	s3 =	simm.s32 $0x0;
	s16 =	simm.s32 $0x1;
	s17 =	simm.s32 $0x80  }
0x6: {  	s18 =	simm.s32 $0x2;
	s19 =	simm.s32 $0x0;
	s8 =	smul.u32 $0x13C00, s1  }
0x7: {  	s9 =	sand.u32 $0x1, s4;
	[smem:$0x7FF] =	sst s3;
	s4 =	sadd.s32 $0x99A00, s7  }
0x8: {  	s5 =	sadd.s32 $0x85A00, s7;
	s6 =	sadd.s32 $0x4A00, s7;
	s28 =	smul.u32 $0x4F000, s1  }
0x9: {  	s31 =	sshll.u32 s1, $0x6;
	s10 =	smul.u32 $0x13C000, s9;
	_ =	strace $0x80000050  }
0xa: {  	s29 =	ssub.s32 $0x2, s9;
	s13 =	smul.u32 $0x50000, s9;
	s9 =	sor.u32 $0x1C03, s31  }
0xb: {  	s11 =	sshrl.u32 s8, $0x3;
	s30 =	sshrl.u32 s29, $0x1;
	s8 =	sadd.s32 s8, s10  }
.Ltmp0:
0xc: {  	s26 =	sadd.s32 s11, s7;
	s11 =	sshrl.u32 s28, $0x2;
	(pc) =	sbr.rel .LBB2_1-.Ltmp0, $4  }
0xd: {  	s14 =	ssub.s32 s29, s30;
	s8 =	sshrl.u32 s8, $0x3;
	s15 =	sadd.s32 s11, s2  }
0xe: {  	s12 =	sadd.s32 s8, s7;
	s7 =	smul.u32 $0x5000, s1;
	s8 =	sadd.s32 $0xEA00, s26  }
0xf: {  	s11 =	sadd.s32 $0x36200, s12;
	s12 =	smax.u32 s14, $0x1;
	s14 =	simm.s32 $0x3  }
0x10: {  	s10 =	sadd.s32 s13, s7;
	s13 =	sshrl.u32 s15, $0x3;
	s15 =	simm.s32 $0x2000  }
.LBB2_6:
0x11: {  	s19 =	sadd.s32 $0x1, s19  }
0x12: {  	p0 =	sne.s32 s19, s12  }
.Ltmp1:
0x13: {  	[bflag:$0x0] =	sbarrier.arrive $0xFFFF;
	(pc) =	sbr.rel @!p0 .LBB2_7-.Ltmp1, $4  }
0x14: {  	[hbm:s11], [sflag:s9] =	dma.local [spmem:s13], $0x2780  }
0x15: {  	_ =	swait.ge [sflag:s14], $0x2780  }
0x16: {  	[sflag:s14] =	ssyncset.done $0x0  }
0x17: {  	[sflag:s14] =	ssyncadd.s32 $0xFFFFD880  }
.LBB2_1:
0x18: {  	[spmem:s13], [sflag:s9] =	dma.local [hbm:s8], $0x2780  }
.Ltmp2:
0x19: {  	_ =	swait.ge [sflag:s14], $0x2780;
	(pc) =	sbr.rel .LBB2_2-.Ltmp2, $4  }
0x1a: {  	[sflag:s14] =	ssyncset.done $0x0  }
0x1b: {  	[sflag:s14] =	ssyncadd.s32 $0xFFFFD880  }
0x1c: {  	[bflag:$0x0] =	sbarrier.arrive $0xFFFF  }
0x1d: {  	s20 =	simm.s32 $0x0  }
.LBB2_5:
0x1e: {  	s20 =	sadd.s32 $0x1, s20  }
0x1f: {  	p0 =	sne.s32 s20, $0x5  }
.Ltmp3:
0x20: {  	_ = 	snop;
	(pc) =	sbr.rel @!p0 .LBB2_6-.Ltmp3, $4  }
0x21: {  	_ = 	snop  }
0x22: {  	_ =	swait.ge [sflag:s18], $0x4000  }
0x23: {  	[sflag:s18] =	ssyncset.done $0x0  }
0x24: {  	[sflag:s18] =	ssyncadd.s32 $0xFFFFC000  }
.LBB2_2:
0x25: {  	s21 =	sshll.u32 s20, $0xC  }
0x26: {  	s22 =	sadd.s32 s10, s21  }
0x27: {  	s22 =	sshrl.u32 s22, $0x3  }
0x28: {  	s22 =	sadd.s32 s5, s22  }
0x29: {  	[tilespmem:s3], [sflag:$0x3] =	stream.linear.gather [hbm4b:s22+s3], $0x1000, $0x38;
	[tilespmem:$0x1DC00] =	vst v63  }
0x2a: {  	s21 =	sadd.s32 s7, s21;
	_ =	swait.ge [sflag:s14], $0x1000  }
0x2b: {  	s21 =	sshrl.u32 s21, $0x3;
	[sflag:s14] =	ssyncset.done $0x0  }
0x2c: {  	s31 =	sadd.s32 s6, s21;
	s21 =	simm.s32 $0x1000;
	[sflag:s14] =	ssyncadd.s32 $0xFFFFF000  }
0x2d: {  	[tilespmem:s21], [sflag:$0x3] =	stream.linear.gather [hbm4b:s31+s3], $0x1000, $0x38;
	[tilespmem:$0x1DC00] =	vst v63  }
0x2e: {  	_ =	swait.ge [sflag:s14], $0x1000  }
0x2f: {  	s23 =	simm.s32 $0x10000;
	[sflag:s14] =	ssyncset.done $0x0  }
0x30: {  	s24 =	simm.s32 $0x1F;
	s22 =	simm.s32 $0x80;
	[sflag:s14] =	ssyncadd.s32 $0xFFFFF000  }
0x31: {  	[tilespmem:s15], [sflag:$0x1] =	stream.indirect.gather [hbm4b:s4+s22], $0x80, s3, s22, $0xb8;
	[tilespmem:$0x1DC00] =	vst v63  }
.LBB2_3:
0x32: {  	s25 =	sadd.s32 $0xFFFF0000, s23  }
0x33: {  	_ =	swait.ge [sflag:s16], $0x4000;
	p0 =	seq.s32 s24, $0x1F;
	s25 =	sand.u32 $0x10000, s25  }
0x34: {  	[sflag:s16] =	ssyncset.done $0x0;
	p1 =	seq.s32 @!p0 s24, $0x0;
	s25 =	sshrl.u32 s25, $0x2  }
0x35: {  	[sflag:s16] =	ssyncadd.s32 $0xFFFFC000;
	p1 =	por p0, !p1;
	s25 =	sor.u32 $0x2000, s25  }
0x36: {  	[spmem:s2] =	stream.indirect.scatter.add.f32 [tilespmem:s25], [sflag:$0x2], $0x80, s21, s17, $0xb8;
	[tilespmem:$0x1DC00] =	vst v63  }
.Ltmp4:
0x37: {  	_ = 	snop;
	(pc) =	sbr.rel @!p1 .LBB2_5-.Ltmp4, $4  }
0x38: {  	s25 =	simm.s32 @!p0 $0x2  }
0x39: {  	_ =	swait.ge @!p0 [sflag:s25], $0x4000  }
0x3a: {  	[sflag:s25] =	ssyncset.done @!p0 $0x0  }
0x3b: {  	[sflag:s25] =	ssyncadd.s32 @!p0 $0xFFFFC000  }
.Ltmp5:
0x3c: {  	s25 =	sand.u32 $0x10000, s23;
	(pc) =	sbr.rel .LBB2_3-.Ltmp5, $4  }
0x3d: {  	s25 =	sshrl.u32 s25, $0x2  }
0x3e: {  	s23 =	sadd.s32 $0x10000, s23;
	s25 =	sor.u32 $0x2000, s25  }
0x3f: {  	[tilespmem:s25], [sflag:$0x1] =	stream.indirect.gather [hbm4b:s4+s17], $0x80, s22, s17, $0xb8;
	[tilespmem:$0x1DC00] =	vst v63  }
0x40: {  	s24 =	sadd.s32 $0xFFFFFFFF, s24;
	s21 =	sadd.s32 $0x80, s21;
	s22 =	sadd.s32 $0x80, s22  }
.LBB2_7:
0x41: {  	_ =	sfence.sel $0x180000  }
0x42: {  	[bflag:$0x0] =	sbarrier.arrive $0xFFFF  }
0x43: {  	p0 =	sne.s32 s1, $0x0;
	_ =	strace $0x90000050  }
0x44: {  	s0 =	sadd.s32 @!p0 $0x100000, s0;
	[bflag:$0x2] =	sbarrier.arrive $0xFFFF  }
0x45: {  	[sflag:s0] =	ssyncadd.tile.s32 @!p0 $0x1;
	_ =	shalt  }
.Lfunc_end2:
_tile_overlayer_lowered:
.L_overlay_start_2:
0x46: {  	(tag) =	ssettag $0x2  }
0x47: {  	s0 =	rddreg [dreg:$0x0];
	s2 =	stileid.u32  }
0x48: {  	s1 =	rddreg [dreg:$0x1];
	p0 =	sne.s32 s2, $0x0  }
0x49: {  	s3 =	rddreg [dreg:$0x2];
	[bflag:$0x3] =	sbarrier.arrive $0xFFFF;
	s2 =	simm.s32 @!p0 $0x1C03  }
0x4a: {  	[timem:s3], [sflag:s2] =	dma.local @!p0 [hbm:s0], s1  }
0x4b: {  	s0 =	simm.s32 @!p0 $0x3  }
0x4c: {  	_ =	swait.ge @!p0 [sflag:s0], s1  }
0x4d: {  	s1 =	ssub.s32 @!p0 $0x0, s1;
	[sflag:s0] =	ssyncset.done @!p0 $0x0  }
0x4e: {  	[sflag:s0] =	ssyncadd.s32 @!p0 s1  }
0x4f: {  	[bflag:$0x3] =	sbarrier.arrive $0xFFFF  }
0x50: {  	_ =	shalt  }

// kernel: kernel.32.cloned.1.call-start
scs
__scs_entry_jumppad:
0x0: {  	(pc) =	sbr.rel $0x88, $3  }
0x1: {  	(tag) =	ssettag $0x0;
	lr =	simm.s32 $0x1  }
0x2: {  	[smem:$0x3F97] =	sst lr;
	_ =	strace $0xD0000000  }
0x3: {  	_ = 	snop  }
0x4: {  	_ = 	snop  }
0x5: {  	_ = 	snop  }
0x6: {  	_ = 	snop  }
0x7: {  	_ = 	snop  }
__scs_overlays_trampoline_lowered:
0x8: {  	[smem:$0x3FA6] =	sst s0  }
0x9: {  	[smem:$0x3FA7] =	sst s1  }
0xa: {  	[smem:$0x3FA8] =	sst s2  }
0xb: {  	[smem:$0x3FA9] =	sst s3  }
0xc: {  	[smem:$0x3FAA] =	sst s4  }
0xd: {  	[smem:$0x3FAB] =	sst s5  }
0xe: {  	[smem:$0x3FAC] =	sst s6  }
0xf: {  	[smem:$0x3FAD] =	sst s7  }
0x10: {  	[smem:$0x3FAE] =	sst s8  }
0x11: {  	[smem:$0x3FAF] =	sst s9;
	s0 =	simm.s32 @!p0 $0x0  }
0x12: {  	s1 =	sld [smem:$0x3F95];
	s0 =	simm.s32 @p0 $0x1  }
0x13: {  	[smem:$0x3FB0] =	sst s0;
	s0 =	simm.s32 @!p1 $0x0  }
0x14: {  	s2 =	sld [smem:$0x3F94];
	s0 =	simm.s32 @p1 $0x1  }
0x15: {  	[smem:$0x3FB1] =	sst s0;
	s0 =	simm.s32 @!p2 $0x0  }
0x16: {  	s3 =	sld [smem:$0x3FDB];
	s0 =	simm.s32 @p2 $0x1  }
0x17: {  	s4 =	simm.s32 $0x1BF5;
	[smem:$0x3FB3] =	sst s0  }
0x18: {  	s0 =	sld [smem:$0x3F96];
	_ =	swait.ge [sflag:s4], $0x0  }
0x19: {  	s7 =	sld [smem:$0x3F97]  }
0x1a: {  	s8 =	sadd.s32 $0xFFFFE003, lr  }
0x1b: {  	s9 =	sadd.s32 $0xFFFFFEF7, lr;
	s5 =	simm.s32 $0xFFFFFFFF;
	p2 =	slt.u32 s8, $0xFFFFF086  }
0x1c: {  	p1 =	slt.u32 s9, $0xF7A;
	s5 =	simm.s32 @!p2 $0x0  }
0x1d: {  	s5 =	simm.s32 @p1 $0x1;
	p0 =	seq.s32 s7, s2  }
0x1e: {  	s7 =	smul.u32 @!p0 $0xF7A, s2;
	p2 =	seq.s32 @!p0 s5, $0x0  }
0x1f: {  	s9 =	smul.u32 $0xF7A, s1;
	s8 =	simm.s32 @!p0 $0x1BF5;
	p2 =	por !p2, p0  }
0x20: {  	[sflag:s8] =	ssyncset.s32 @!p0 $0xFFFFF086;
	s6 =	sadd.s32 @!p0 s3, s7;
	s7 =	simm.s32 @!p0 $0x108  }
0x21: {  	s3 =	sadd.s32 s3, s9;
	s6 =	sadd.s32 @!p0 $0x88, s6;
	s7 =	simm.s32 @p2 $0x1082  }
0x22: {  	[simem:s7], [sflag:s8] =	dma.local @!p0 [hbm:s6], $0xF7A  }
0x23: {  	s9 =	sor.u32 $0xD0000000, s2;
	s6 =	simm.s32 $0x108;
	_ =	swait.ge @!p0 [sflag:s8], $0x0  }
0x24: {  	s3 =	sadd.s32 $0x88, s3;
	s6 =	simm.s32 @!p1 $0x1082;
	[sflag:s4] =	ssyncset.s32 $0xFFFFF086  }
0x25: {  	[simem:s6], [sflag:s4] =	dma.local [hbm:s3], $0xF7A  }
0x26: {  	[smem:$0x3F97] =	sst s1;
	(tag) =	ssettag s2;
	_ =	strace s9  }
0x27: {  	s1 =	sld [smem:$0x3FA7]  }
0x28: {  	s2 =	sld [smem:$0x3FA8]  }
0x29: {  	s4 =	sld [smem:$0x3FAA]  }
0x2a: {  	p0 =	seq.s32 s5, $0x0;
	s5 =	sld [smem:$0x3FAB]  }
0x2b: {  	s6 =	sld [smem:$0x3FAC]  }
0x2c: {  	s7 =	sld [smem:$0x3FAD]  }
0x2d: {  	s3 =	simm.s32 $0x108;
	s8 =	sld [smem:$0x3FAE]  }
0x2e: {  	s3 =	simm.s32 @!p0 $0x1082;
	s9 =	sld [smem:$0x3FAF]  }
0x2f: {  	lr =	sadd.s32 s0, s3;
	s0 =	sld [smem:$0x3FA6]  }
0x30: {  	s3 =	sld [smem:$0x3FA9]  }
0x31: {  	[smem:$0x3FB2] =	sst s10  }
0x32: {  	s10 =	sld [smem:$0x3FB0];
	_ =	sdelay $0x3  }
0x33: {  	p0 =	seq.s32 s10, $0x1;
	s10 =	sld [smem:$0x3FB2];
	_ =	sdelay $0x3  }
0x34: {  	[smem:$0x3FB2] =	sst s10  }
0x35: {  	s10 =	sld [smem:$0x3FB1];
	_ =	sdelay $0x3  }
0x36: {  	p1 =	seq.s32 s10, $0x1;
	s10 =	sld [smem:$0x3FB2];
	_ =	sdelay $0x3  }
0x37: {  	[smem:$0x3FB2] =	sst s10  }
0x38: {  	s10 =	sld [smem:$0x3FB3]  }
0x39: {  	_ = 	snop;
	(pc) =	sbr.ind lr, $3  }
0x3a: {  	_ = 	snop  }
0x3b: {  	_ = 	snop  }
0x3c: {  	p2 =	seq.s32 s10, $0x1;
	s10 =	sld [smem:$0x3FB2]  }
0x3d: {  	_ =	shalt  }
0x3e: {  	_ =	shalt  }
0x3f: {  	_ =	shalt  }
0x40: {  	_ =	shalt  }
0x41: {  	_ =	shalt  }
0x42: {  	_ =	shalt  }
0x43: {  	_ =	shalt  }
0x44: {  	_ =	shalt  }
0x45: {  	_ =	shalt  }
0x46: {  	_ =	shalt  }
0x47: {  	_ =	shalt  }
0x48: {  	_ =	shalt  }
0x49: {  	_ =	shalt  }
0x4a: {  	_ =	shalt  }
0x4b: {  	_ =	shalt  }
0x4c: {  	_ =	shalt  }
0x4d: {  	_ =	shalt  }
0x4e: {  	_ =	shalt  }
0x4f: {  	_ =	shalt  }
0x50: {  	_ =	shalt  }
0x51: {  	_ =	shalt  }
0x52: {  	_ =	shalt  }
0x53: {  	_ =	shalt  }
0x54: {  	_ =	shalt  }
0x55: {  	_ =	shalt  }
0x56: {  	_ =	shalt  }
0x57: {  	_ =	shalt  }
0x58: {  	_ =	shalt  }
0x59: {  	_ =	shalt  }
0x5a: {  	_ =	shalt  }
0x5b: {  	_ =	shalt  }
0x5c: {  	_ =	shalt  }
0x5d: {  	_ =	shalt  }
0x5e: {  	_ =	shalt  }
0x5f: {  	_ =	shalt  }
0x60: {  	_ =	shalt  }
0x61: {  	_ =	shalt  }
0x62: {  	_ =	shalt  }
0x63: {  	_ =	shalt  }
0x64: {  	_ =	shalt  }
0x65: {  	_ =	shalt  }
0x66: {  	_ =	shalt  }
0x67: {  	_ =	shalt  }
0x68: {  	_ =	shalt  }
0x69: {  	_ =	shalt  }
0x6a: {  	_ =	shalt  }
0x6b: {  	_ =	shalt  }
0x6c: {  	_ =	shalt  }
0x6d: {  	_ =	shalt  }
0x6e: {  	_ =	shalt  }
0x6f: {  	_ =	shalt  }
0x70: {  	_ =	shalt  }
0x71: {  	_ =	shalt  }
0x72: {  	_ =	shalt  }
0x73: {  	_ =	shalt  }
0x74: {  	_ =	shalt  }
0x75: {  	_ =	shalt  }
0x76: {  	_ =	shalt  }
0x77: {  	_ =	shalt  }
0x78: {  	_ =	shalt  }
0x79: {  	_ =	shalt  }
0x7a: {  	_ =	shalt  }
0x7b: {  	_ =	shalt  }
0x7c: {  	_ =	shalt  }
0x7d: {  	_ =	shalt  }
0x7e: {  	_ =	shalt  }
0x7f: {  	_ =	shalt  }
0x80: {  	_ =	shalt  }
0x81: {  	_ =	shalt  }
0x82: {  	_ =	shalt  }
0x83: {  	_ =	shalt  }
0x84: {  	_ =	shalt  }
0x85: {  	_ =	shalt  }
0x86: {  	_ =	shalt  }
0x87: {  	_ =	shalt  }
.Lfunc_end0:
.L_simem_size_0:
called_computation.4_lowered:
.L_overlay_start_0:
0x88: {  	s2 =	sld [smem:$0x3FD9]  }
0x89: {  	s3 =	sld [smem:$0x3FFE];
	_ =	sdelay $0x1  }
0x8a: {  	s1 =	srdreg.scid  }
0x8b: {  	s0 =	sand.u32 $0x1, s1  }
0x8c: {  	s16 =	sshll.u32 s0, $0xA;
	s2 =	sadd.s32 s3, s2  }
0x8d: {  	s2 =	sadd.s32 s2, s16  }
0x8e: {  	[smem:$0x3FBE] =	sst s2  }
0x8f: {  	_ = 	snop  }
0x90: {  	(tm) =	ssettm $0x1  }
0x91: {  	s17 =	sld [smem:$0x3FFB];
	_ =	sdelay $0x3  }
0x92: {  	_ =	strace s17  }
0x93: {  	s2 =	sld [smem:$0x3FFC];
	_ =	sdelay $0x3  }
0x94: {  	_ =	strace s2  }
0x95: {  	s2 =	sld [smem:$0x3FFD];
	_ =	sdelay $0x3  }
0x96: {  	_ =	strace s2  }
0x97: {  	_ =	strace $0x8FFFFFFF  }
0x98: {  	s18 =	sld [smem:$0x3FDB];
	_ =	sdelay $0x1  }
0x99: {  	s19 =	simm.s32 $_scs_section_size  }
0x9a: {  	s4 =	simm.s32 $_size__tile_overlayer_lowered;
	s5 =	simm.s32 $_tile_overlayer_lowered  }
0x9b: {  	s22 =	simm.s32 $0x1BFF;
	s21 =	sshll.u32 s5, $0x1;
	s2 =	sadd.s32 s19, s18  }
0x9c: {  	s6 =	simm.s32 $0x0;
	s20 =	sshll.u32 s4, $0x1;
	s4 =	sadd.s32 s21, s2  }
0x9d: {  	[timem:s6], [sflag:s22] =	dma.local [hbm:s4], s20  }
0x9e: {  	_ =	swait.ge [sflag:s22], s20  }
0x9f: {  	s3 =	ssub.s32 $0x0, s20;
	[sflag:s22] =	ssyncset.done $0x0  }
0xa0: {  	[sflag:s22] =	ssyncadd.s32 s3;
	_ =	sdelay $0x1  }
0xa1: {  	s23 =	simm.s32 $0x1B8B  }
0xa2: {  	_ =	swait.ge [sflag:s23], $0x1  }
0xa3: {  	[sflag:s23] =	ssyncset.done $0x0  }
0xa4: {  	s25 =	simm.s32 $0x1B8E;
	s24 =	sld [smem:$0x3FFE];
	[sflag:s23] =	ssyncadd.s32 $0xFFFFFFFF  }
0xa5: {  	s26 =	simm.s32 $execute0_lowered;
	[smem:$0x3FD2] =	sst s25  }
0xa6: {  	s4 =	sshll.u32 s26, $0x1;
	_ =	strace $0x80000052;
	[dreg:$0x1] =	wrdreg $0xFFFFFFFF  }
0xa7: {  	s28 =	simm.s32 $_size_execute0_lowered;
	s2 =	sadd.s32 s2, s4;
	[dreg:$0x0] =	wrdreg $0x0  }
0xa8: {  	s4 =	sshll.u32 s28, $0x1;
	[dreg:$0x2] =	wrdreg s2  }
0xa9: {  	[dreg:$0x3] =	wrdreg s4  }
0xaa: {  	[dreg:$0x4] =	wrdreg $0xC0  }
0xab: {  	_ =	task [dreg:s6], $0x5FFFF  }
0xac: {  	[dreg:$0x1] =	wrdreg $0xFFFFFFFF  }
0xad: {  	[dreg:$0x0] =	wrdreg $0x60  }
0xae: {  	[dreg:$0x2] =	wrdreg s24  }
0xaf: {  	[dreg:$0x3] =	wrdreg $0xA0000  }
0xb0: {  	[dreg:$0x4] =	wrdreg $0x9  }
0xb1: {  	_ =	task.clear_ibuf [dreg:s6], $0x5FFFF;
	_ =	strace $0x90000052  }
0xb2: {  	s29 =	simm.s32 $0x9;
	_ =	strace $0x80000054  }
0xb3: {  	_ =	swait.ge [sflag:s29], $0x1  }
0xb4: {  	[sflag:s29] =	ssyncadd.s32 $0xFFFFFFFF  }
0xb5: {  	_ =	strace $0x90000054  }
0xb6: {  	_ =	sfence  }
0xb7: {  	s30 =	sld [smem:$0x0];
	_ =	sdelay $0x2  }
0xb8: {  	s31 =	sshll.u32 s1, $0xD;
	s1 =	sshrl.u32 s1, $0x2  }
0xb9: {  	s3 =	sand.u32 $0x4000, s31;
	s1 =	sadd.s32 s1, s30  }
0xba: {  	s0 =	sor.u32 s3, s0;
	s1 =	sshll.u32 s1, $0x11  }
0xbb: {  	s0 =	sor.u32 s1, s0  }
0xbc: {  	s0 =	sadd.s32 $0x8F2B, s0  }
0xbd: {  	[sflag:s0] =	ssyncadd.remote.s32 $0x1  }
0xbe: {  	_ =	sfence.sel $0xFFFF  }
0xbf: {  	[dreg:$0x0] =	wrdreg $0xFFFFFFFF;
	(pc) =	sbr.abs _section_cstart, $3  }
0xc0: {  	[dreg:$0x1] =	wrdreg $0xFFFFFFFF  }
0xc1: {  	_ =	task.clear_ibuf [dreg:s6], $0x2FFFF;
	_ =	strace $0x9FFFFFFF  }
0xc2: {  	(tm) =	ssettm $0x7FFFFFFF  }
0xc3: {  	_ =	shalt  }
tec
execute0_lowered:
.L_overlay_start_1:
0x0: {  	(tag) =	ssettag $0x1  }
0x1: {  	s7 =	rddreg [dreg:$0x0]  }
0x2: {  	s2 =	rddreg [dreg:$0x1]  }
0x3: {  	s0 =	rddreg [dreg:$0x2]  }
0x4: {  	s1 =	stileid.u32;
	s4 =	srdreg.scid  }
0x5: {  	s3 =	simm.s32 $0x0;
	s16 =	simm.s32 $0x1;
	s17 =	simm.s32 $0x80  }
0x6: {  	s18 =	simm.s32 $0x2;
	s19 =	simm.s32 $0x0;
	s8 =	smul.u32 $0x13C00, s1  }
0x7: {  	s9 =	sand.u32 $0x1, s4;
	[smem:$0x7FF] =	sst s3;
	s4 =	sadd.s32 $0x99A00, s7  }
0x8: {  	s5 =	sadd.s32 $0x85A00, s7;
	s6 =	sadd.s32 $0x4A00, s7;
	s28 =	smul.u32 $0x4F000, s1  }
0x9: {  	s31 =	sshll.u32 s1, $0x6;
	s10 =	smul.u32 $0x13C000, s9;
	_ =	strace $0x80000053  }
0xa: {  	s29 =	ssub.s32 $0x2, s9;
	s13 =	smul.u32 $0x50000, s9;
	s9 =	sor.u32 $0x1C03, s31  }
0xb: {  	s11 =	sshrl.u32 s8, $0x3;
	s30 =	sshrl.u32 s29, $0x1;
	s8 =	sadd.s32 s8, s10  }
.Ltmp0:
0xc: {  	s26 =	sadd.s32 s11, s7;
	s11 =	sshrl.u32 s28, $0x2;
	(pc) =	sbr.rel .LBB2_1-.Ltmp0, $4  }
0xd: {  	s14 =	ssub.s32 s29, s30;
	s8 =	sshrl.u32 s8, $0x3;
	s15 =	sadd.s32 s11, s2  }
0xe: {  	s12 =	sadd.s32 s8, s7;
	s7 =	smul.u32 $0x5000, s1;
	s8 =	sadd.s32 $0xEA00, s26  }
0xf: {  	s11 =	sadd.s32 $0x36200, s12;
	s12 =	smax.u32 s14, $0x1;
	s14 =	simm.s32 $0x3  }
0x10: {  	s10 =	sadd.s32 s13, s7;
	s13 =	sshrl.u32 s15, $0x3;
	s15 =	simm.s32 $0x2000  }
.LBB2_6:
0x11: {  	s19 =	sadd.s32 $0x1, s19  }
0x12: {  	p0 =	sne.s32 s19, s12  }
.Ltmp1:
0x13: {  	[bflag:$0x0] =	sbarrier.arrive $0xFFFF;
	(pc) =	sbr.rel @!p0 .LBB2_7-.Ltmp1, $4  }
0x14: {  	[hbm:s11], [sflag:s9] =	dma.local [spmem:s13], $0x2780  }
0x15: {  	_ =	swait.ge [sflag:s14], $0x2780  }
0x16: {  	[sflag:s14] =	ssyncset.done $0x0  }
0x17: {  	[sflag:s14] =	ssyncadd.s32 $0xFFFFD880  }
.LBB2_1:
0x18: {  	[spmem:s13], [sflag:s9] =	dma.local [hbm:s8], $0x2780  }
.Ltmp2:
0x19: {  	_ =	swait.ge [sflag:s14], $0x2780;
	(pc) =	sbr.rel .LBB2_2-.Ltmp2, $4  }
0x1a: {  	[sflag:s14] =	ssyncset.done $0x0  }
0x1b: {  	[sflag:s14] =	ssyncadd.s32 $0xFFFFD880  }
0x1c: {  	[bflag:$0x0] =	sbarrier.arrive $0xFFFF  }
0x1d: {  	s20 =	simm.s32 $0x0  }
.LBB2_5:
0x1e: {  	s20 =	sadd.s32 $0x1, s20  }
0x1f: {  	p0 =	sne.s32 s20, $0x5  }
.Ltmp3:
0x20: {  	_ = 	snop;
	(pc) =	sbr.rel @!p0 .LBB2_6-.Ltmp3, $4  }
0x21: {  	_ = 	snop  }
0x22: {  	_ =	swait.ge [sflag:s18], $0x4000  }
0x23: {  	[sflag:s18] =	ssyncset.done $0x0  }
0x24: {  	[sflag:s18] =	ssyncadd.s32 $0xFFFFC000  }
.LBB2_2:
0x25: {  	s21 =	sshll.u32 s20, $0xC  }
0x26: {  	s22 =	sadd.s32 s10, s21  }
0x27: {  	s22 =	sshrl.u32 s22, $0x3  }
0x28: {  	s22 =	sadd.s32 s5, s22  }
0x29: {  	[tilespmem:s3], [sflag:$0x3] =	stream.linear.gather [hbm4b:s22+s3], $0x1000, $0x38;
	[tilespmem:$0x1DC00] =	vst v63  }
0x2a: {  	s21 =	sadd.s32 s7, s21;
	_ =	swait.ge [sflag:s14], $0x1000  }
0x2b: {  	s21 =	sshrl.u32 s21, $0x3;
	[sflag:s14] =	ssyncset.done $0x0  }
0x2c: {  	s31 =	sadd.s32 s6, s21;
	s21 =	simm.s32 $0x1000;
	[sflag:s14] =	ssyncadd.s32 $0xFFFFF000  }
0x2d: {  	[tilespmem:s21], [sflag:$0x3] =	stream.linear.gather [hbm4b:s31+s3], $0x1000, $0x38;
	[tilespmem:$0x1DC00] =	vst v63  }
0x2e: {  	_ =	swait.ge [sflag:s14], $0x1000  }
0x2f: {  	s23 =	simm.s32 $0x10000;
	[sflag:s14] =	ssyncset.done $0x0  }
0x30: {  	s24 =	simm.s32 $0x1F;
	s22 =	simm.s32 $0x80;
	[sflag:s14] =	ssyncadd.s32 $0xFFFFF000  }
0x31: {  	[tilespmem:s15], [sflag:$0x1] =	stream.indirect.gather [hbm4b:s4+s22], $0x80, s3, s22, $0xb8;
	[tilespmem:$0x1DC00] =	vst v63  }
.LBB2_3:
0x32: {  	s25 =	sadd.s32 $0xFFFF0000, s23  }
0x33: {  	_ =	swait.ge [sflag:s16], $0x4000;
	p0 =	seq.s32 s24, $0x1F;
	s25 =	sand.u32 $0x10000, s25  }
0x34: {  	[sflag:s16] =	ssyncset.done $0x0;
	p1 =	seq.s32 @!p0 s24, $0x0;
	s25 =	sshrl.u32 s25, $0x2  }
0x35: {  	[sflag:s16] =	ssyncadd.s32 $0xFFFFC000;
	p1 =	por p0, !p1;
	s25 =	sor.u32 $0x2000, s25  }
0x36: {  	[spmem:s2] =	stream.indirect.scatter.add.f32 [tilespmem:s25], [sflag:$0x2], $0x80, s21, s17, $0xb8;
	[tilespmem:$0x1DC00] =	vst v63  }
.Ltmp4:
0x37: {  	_ = 	snop;
	(pc) =	sbr.rel @!p1 .LBB2_5-.Ltmp4, $4  }
0x38: {  	s25 =	simm.s32 @!p0 $0x2  }
0x39: {  	_ =	swait.ge @!p0 [sflag:s25], $0x4000  }
0x3a: {  	[sflag:s25] =	ssyncset.done @!p0 $0x0  }
0x3b: {  	[sflag:s25] =	ssyncadd.s32 @!p0 $0xFFFFC000  }
.Ltmp5:
0x3c: {  	s25 =	sand.u32 $0x10000, s23;
	(pc) =	sbr.rel .LBB2_3-.Ltmp5, $4  }
0x3d: {  	s25 =	sshrl.u32 s25, $0x2  }
0x3e: {  	s23 =	sadd.s32 $0x10000, s23;
	s25 =	sor.u32 $0x2000, s25  }
0x3f: {  	[tilespmem:s25], [sflag:$0x1] =	stream.indirect.gather [hbm4b:s4+s17], $0x80, s22, s17, $0xb8;
	[tilespmem:$0x1DC00] =	vst v63  }
0x40: {  	s24 =	sadd.s32 $0xFFFFFFFF, s24;
	s21 =	sadd.s32 $0x80, s21;
	s22 =	sadd.s32 $0x80, s22  }
.LBB2_7:
0x41: {  	_ =	sfence.sel $0x180000  }
0x42: {  	[bflag:$0x0] =	sbarrier.arrive $0xFFFF  }
0x43: {  	p0 =	sne.s32 s1, $0x0;
	_ =	strace $0x90000053  }
0x44: {  	s0 =	sadd.s32 @!p0 $0x100000, s0;
	[bflag:$0x2] =	sbarrier.arrive $0xFFFF  }
0x45: {  	[sflag:s0] =	ssyncadd.tile.s32 @!p0 $0x1;
	_ =	shalt  }
.Lfunc_end2:
_tile_overlayer_lowered:
.L_overlay_start_2:
0x46: {  	(tag) =	ssettag $0x2  }
0x47: {  	s0 =	rddreg [dreg:$0x0];
	s2 =	stileid.u32  }
0x48: {  	s1 =	rddreg [dreg:$0x1];
	p0 =	sne.s32 s2, $0x0  }
0x49: {  	s3 =	rddreg [dreg:$0x2];
	[bflag:$0x3] =	sbarrier.arrive $0xFFFF;
	s2 =	simm.s32 @!p0 $0x1C03  }
0x4a: {  	[timem:s3], [sflag:s2] =	dma.local @!p0 [hbm:s0], s1  }
0x4b: {  	s0 =	simm.s32 @!p0 $0x3  }
0x4c: {  	_ =	swait.ge @!p0 [sflag:s0], s1  }
0x4d: {  	s1 =	ssub.s32 @!p0 $0x0, s1;
	[sflag:s0] =	ssyncset.done @!p0 $0x0  }
0x4e: {  	[sflag:s0] =	ssyncadd.s32 @!p0 s1  }
0x4f: {  	[bflag:$0x3] =	sbarrier.arrive $0xFFFF  }
0x50: {  	_ =	shalt  }

// kernel: kernel.35.cloned.1.call-start
scs
__scs_entry_jumppad:
0x0: {  	(pc) =	sbr.rel $0x88, $3  }
0x1: {  	(tag) =	ssettag $0x0;
	lr =	simm.s32 $0x1  }
0x2: {  	[smem:$0x3F97] =	sst lr;
	_ =	strace $0xD0000000  }
0x3: {  	_ = 	snop  }
0x4: {  	_ = 	snop  }
0x5: {  	_ = 	snop  }
0x6: {  	_ = 	snop  }
0x7: {  	_ = 	snop  }
__scs_overlays_trampoline_lowered:
0x8: {  	[smem:$0x3FA6] =	sst s0  }
0x9: {  	[smem:$0x3FA7] =	sst s1  }
0xa: {  	[smem:$0x3FA8] =	sst s2  }
0xb: {  	[smem:$0x3FA9] =	sst s3  }
0xc: {  	[smem:$0x3FAA] =	sst s4  }
0xd: {  	[smem:$0x3FAB] =	sst s5  }
0xe: {  	[smem:$0x3FAC] =	sst s6  }
0xf: {  	[smem:$0x3FAD] =	sst s7  }
0x10: {  	[smem:$0x3FAE] =	sst s8  }
0x11: {  	[smem:$0x3FAF] =	sst s9;
	s0 =	simm.s32 @!p0 $0x0  }
0x12: {  	s1 =	sld [smem:$0x3F95];
	s0 =	simm.s32 @p0 $0x1  }
0x13: {  	[smem:$0x3FB0] =	sst s0;
	s0 =	simm.s32 @!p1 $0x0  }
0x14: {  	s2 =	sld [smem:$0x3F94];
	s0 =	simm.s32 @p1 $0x1  }
0x15: {  	[smem:$0x3FB1] =	sst s0;
	s0 =	simm.s32 @!p2 $0x0  }
0x16: {  	s3 =	sld [smem:$0x3FDB];
	s0 =	simm.s32 @p2 $0x1  }
0x17: {  	s4 =	simm.s32 $0x1BF5;
	[smem:$0x3FB3] =	sst s0  }
0x18: {  	s0 =	sld [smem:$0x3F96];
	_ =	swait.ge [sflag:s4], $0x0  }
0x19: {  	s7 =	sld [smem:$0x3F97]  }
0x1a: {  	s8 =	sadd.s32 $0xFFFFE003, lr  }
0x1b: {  	s9 =	sadd.s32 $0xFFFFFEF7, lr;
	s5 =	simm.s32 $0xFFFFFFFF;
	p2 =	slt.u32 s8, $0xFFFFF086  }
0x1c: {  	p1 =	slt.u32 s9, $0xF7A;
	s5 =	simm.s32 @!p2 $0x0  }
0x1d: {  	s5 =	simm.s32 @p1 $0x1;
	p0 =	seq.s32 s7, s2  }
0x1e: {  	s7 =	smul.u32 @!p0 $0xF7A, s2;
	p2 =	seq.s32 @!p0 s5, $0x0  }
0x1f: {  	s9 =	smul.u32 $0xF7A, s1;
	s8 =	simm.s32 @!p0 $0x1BF5;
	p2 =	por !p2, p0  }
0x20: {  	[sflag:s8] =	ssyncset.s32 @!p0 $0xFFFFF086;
	s6 =	sadd.s32 @!p0 s3, s7;
	s7 =	simm.s32 @!p0 $0x108  }
0x21: {  	s3 =	sadd.s32 s3, s9;
	s6 =	sadd.s32 @!p0 $0x88, s6;
	s7 =	simm.s32 @p2 $0x1082  }
0x22: {  	[simem:s7], [sflag:s8] =	dma.local @!p0 [hbm:s6], $0xF7A  }
0x23: {  	s9 =	sor.u32 $0xD0000000, s2;
	s6 =	simm.s32 $0x108;
	_ =	swait.ge @!p0 [sflag:s8], $0x0  }
0x24: {  	s3 =	sadd.s32 $0x88, s3;
	s6 =	simm.s32 @!p1 $0x1082;
	[sflag:s4] =	ssyncset.s32 $0xFFFFF086  }
0x25: {  	[simem:s6], [sflag:s4] =	dma.local [hbm:s3], $0xF7A  }
0x26: {  	[smem:$0x3F97] =	sst s1;
	(tag) =	ssettag s2;
	_ =	strace s9  }
0x27: {  	s1 =	sld [smem:$0x3FA7]  }
0x28: {  	s2 =	sld [smem:$0x3FA8]  }
0x29: {  	s4 =	sld [smem:$0x3FAA]  }
0x2a: {  	p0 =	seq.s32 s5, $0x0;
	s5 =	sld [smem:$0x3FAB]  }
0x2b: {  	s6 =	sld [smem:$0x3FAC]  }
0x2c: {  	s7 =	sld [smem:$0x3FAD]  }
0x2d: {  	s3 =	simm.s32 $0x108;
	s8 =	sld [smem:$0x3FAE]  }
0x2e: {  	s3 =	simm.s32 @!p0 $0x1082;
	s9 =	sld [smem:$0x3FAF]  }
0x2f: {  	lr =	sadd.s32 s0, s3;
	s0 =	sld [smem:$0x3FA6]  }
0x30: {  	s3 =	sld [smem:$0x3FA9]  }
0x31: {  	[smem:$0x3FB2] =	sst s10  }
0x32: {  	s10 =	sld [smem:$0x3FB0];
	_ =	sdelay $0x3  }
0x33: {  	p0 =	seq.s32 s10, $0x1;
	s10 =	sld [smem:$0x3FB2];
	_ =	sdelay $0x3  }
0x34: {  	[smem:$0x3FB2] =	sst s10  }
0x35: {  	s10 =	sld [smem:$0x3FB1];
	_ =	sdelay $0x3  }
0x36: {  	p1 =	seq.s32 s10, $0x1;
	s10 =	sld [smem:$0x3FB2];
	_ =	sdelay $0x3  }
0x37: {  	[smem:$0x3FB2] =	sst s10  }
0x38: {  	s10 =	sld [smem:$0x3FB3]  }
0x39: {  	_ = 	snop;
	(pc) =	sbr.ind lr, $3  }
0x3a: {  	_ = 	snop  }
0x3b: {  	_ = 	snop  }
0x3c: {  	p2 =	seq.s32 s10, $0x1;
	s10 =	sld [smem:$0x3FB2]  }
0x3d: {  	_ =	shalt  }
0x3e: {  	_ =	shalt  }
0x3f: {  	_ =	shalt  }
0x40: {  	_ =	shalt  }
0x41: {  	_ =	shalt  }
0x42: {  	_ =	shalt  }
0x43: {  	_ =	shalt  }
0x44: {  	_ =	shalt  }
0x45: {  	_ =	shalt  }
0x46: {  	_ =	shalt  }
0x47: {  	_ =	shalt  }
0x48: {  	_ =	shalt  }
0x49: {  	_ =	shalt  }
0x4a: {  	_ =	shalt  }
0x4b: {  	_ =	shalt  }
0x4c: {  	_ =	shalt  }
0x4d: {  	_ =	shalt  }
0x4e: {  	_ =	shalt  }
0x4f: {  	_ =	shalt  }
0x50: {  	_ =	shalt  }
0x51: {  	_ =	shalt  }
0x52: {  	_ =	shalt  }
0x53: {  	_ =	shalt  }
0x54: {  	_ =	shalt  }
0x55: {  	_ =	shalt  }
0x56: {  	_ =	shalt  }
0x57: {  	_ =	shalt  }
0x58: {  	_ =	shalt  }
0x59: {  	_ =	shalt  }
0x5a: {  	_ =	shalt  }
0x5b: {  	_ =	shalt  }
0x5c: {  	_ =	shalt  }
0x5d: {  	_ =	shalt  }
0x5e: {  	_ =	shalt  }
0x5f: {  	_ =	shalt  }
0x60: {  	_ =	shalt  }
0x61: {  	_ =	shalt  }
0x62: {  	_ =	shalt  }
0x63: {  	_ =	shalt  }
0x64: {  	_ =	shalt  }
0x65: {  	_ =	shalt  }
0x66: {  	_ =	shalt  }
0x67: {  	_ =	shalt  }
0x68: {  	_ =	shalt  }
0x69: {  	_ =	shalt  }
0x6a: {  	_ =	shalt  }
0x6b: {  	_ =	shalt  }
0x6c: {  	_ =	shalt  }
0x6d: {  	_ =	shalt  }
0x6e: {  	_ =	shalt  }
0x6f: {  	_ =	shalt  }
0x70: {  	_ =	shalt  }
0x71: {  	_ =	shalt  }
0x72: {  	_ =	shalt  }
0x73: {  	_ =	shalt  }
0x74: {  	_ =	shalt  }
0x75: {  	_ =	shalt  }
0x76: {  	_ =	shalt  }
0x77: {  	_ =	shalt  }
0x78: {  	_ =	shalt  }
0x79: {  	_ =	shalt  }
0x7a: {  	_ =	shalt  }
0x7b: {  	_ =	shalt  }
0x7c: {  	_ =	shalt  }
0x7d: {  	_ =	shalt  }
0x7e: {  	_ =	shalt  }
0x7f: {  	_ =	shalt  }
0x80: {  	_ =	shalt  }
0x81: {  	_ =	shalt  }
0x82: {  	_ =	shalt  }
0x83: {  	_ =	shalt  }
0x84: {  	_ =	shalt  }
0x85: {  	_ =	shalt  }
0x86: {  	_ =	shalt  }
0x87: {  	_ =	shalt  }
.Lfunc_end0:
.L_simem_size_0:
called_computation.5_lowered:
.L_overlay_start_0:
0x88: {  	s2 =	sld [smem:$0x3FD9]  }
0x89: {  	s3 =	sld [smem:$0x3FFE];
	_ =	sdelay $0x1  }
0x8a: {  	s1 =	srdreg.scid  }
0x8b: {  	s0 =	sand.u32 $0x1, s1  }
0x8c: {  	s16 =	sshll.u32 s0, $0xA;
	s2 =	sadd.s32 s3, s2  }
0x8d: {  	s2 =	sadd.s32 s2, s16  }
0x8e: {  	[smem:$0x3FBE] =	sst s2  }
0x8f: {  	_ = 	snop  }
0x90: {  	(tm) =	ssettm $0x1  }
0x91: {  	s17 =	sld [smem:$0x3FFB];
	_ =	sdelay $0x3  }
0x92: {  	_ =	strace s17  }
0x93: {  	s2 =	sld [smem:$0x3FFC];
	_ =	sdelay $0x3  }
0x94: {  	_ =	strace s2  }
0x95: {  	s2 =	sld [smem:$0x3FFD];
	_ =	sdelay $0x3  }
0x96: {  	_ =	strace s2  }
0x97: {  	_ =	strace $0x8FFFFFFF  }
0x98: {  	s18 =	sld [smem:$0x3FDB];
	_ =	sdelay $0x1  }
0x99: {  	s19 =	simm.s32 $_scs_section_size  }
0x9a: {  	s4 =	simm.s32 $_size__tile_overlayer_lowered;
	s5 =	simm.s32 $_tile_overlayer_lowered  }
0x9b: {  	s22 =	simm.s32 $0x1BFF;
	s21 =	sshll.u32 s5, $0x1;
	s2 =	sadd.s32 s19, s18  }
0x9c: {  	s6 =	simm.s32 $0x0;
	s20 =	sshll.u32 s4, $0x1;
	s4 =	sadd.s32 s21, s2  }
0x9d: {  	[timem:s6], [sflag:s22] =	dma.local [hbm:s4], s20  }
0x9e: {  	_ =	swait.ge [sflag:s22], s20  }
0x9f: {  	s3 =	ssub.s32 $0x0, s20;
	[sflag:s22] =	ssyncset.done $0x0  }
0xa0: {  	[sflag:s22] =	ssyncadd.s32 s3;
	_ =	sdelay $0x1  }
0xa1: {  	s23 =	simm.s32 $0x1B8B  }
0xa2: {  	_ =	swait.ge [sflag:s23], $0x1  }
0xa3: {  	[sflag:s23] =	ssyncset.done $0x0  }
0xa4: {  	s25 =	simm.s32 $0x1B8E;
	s24 =	sld [smem:$0x3FFE];
	[sflag:s23] =	ssyncadd.s32 $0xFFFFFFFF  }
0xa5: {  	s26 =	simm.s32 $execute0_lowered;
	[smem:$0x3FD2] =	sst s25  }
0xa6: {  	s4 =	sshll.u32 s26, $0x1;
	_ =	strace $0x80000055;
	[dreg:$0x1] =	wrdreg $0xFFFFFFFF  }
0xa7: {  	s28 =	simm.s32 $_size_execute0_lowered;
	s2 =	sadd.s32 s2, s4;
	[dreg:$0x0] =	wrdreg $0x0  }
0xa8: {  	s4 =	sshll.u32 s28, $0x1;
	[dreg:$0x2] =	wrdreg s2  }
0xa9: {  	[dreg:$0x3] =	wrdreg s4  }
0xaa: {  	[dreg:$0x4] =	wrdreg $0xC0  }
0xab: {  	_ =	task [dreg:s6], $0x5FFFF  }
0xac: {  	[dreg:$0x1] =	wrdreg $0xFFFFFFFF  }
0xad: {  	[dreg:$0x0] =	wrdreg $0x60  }
0xae: {  	[dreg:$0x2] =	wrdreg s24  }
0xaf: {  	[dreg:$0x3] =	wrdreg $0xA0000  }
0xb0: {  	[dreg:$0x4] =	wrdreg $0x9  }
0xb1: {  	_ =	task.clear_ibuf [dreg:s6], $0x5FFFF;
	_ =	strace $0x90000055  }
0xb2: {  	s29 =	simm.s32 $0x9;
	_ =	strace $0x80000057  }
0xb3: {  	_ =	swait.ge [sflag:s29], $0x1  }
0xb4: {  	[sflag:s29] =	ssyncadd.s32 $0xFFFFFFFF  }
0xb5: {  	_ =	strace $0x90000057  }
0xb6: {  	_ =	sfence  }
0xb7: {  	s30 =	sld [smem:$0x0];
	_ =	sdelay $0x2  }
0xb8: {  	s31 =	sshll.u32 s1, $0xD;
	s1 =	sshrl.u32 s1, $0x2  }
0xb9: {  	s3 =	sand.u32 $0x4000, s31;
	s1 =	sadd.s32 s1, s30  }
0xba: {  	s0 =	sor.u32 s3, s0;
	s1 =	sshll.u32 s1, $0x11  }
0xbb: {  	s0 =	sor.u32 s1, s0  }
0xbc: {  	s0 =	sadd.s32 $0x8F2B, s0  }
0xbd: {  	[sflag:s0] =	ssyncadd.remote.s32 $0x1  }
0xbe: {  	_ =	sfence.sel $0xFFFF  }
0xbf: {  	[dreg:$0x0] =	wrdreg $0xFFFFFFFF;
	(pc) =	sbr.abs _section_cstart, $3  }
0xc0: {  	[dreg:$0x1] =	wrdreg $0xFFFFFFFF  }
0xc1: {  	_ =	task.clear_ibuf [dreg:s6], $0x2FFFF;
	_ =	strace $0x9FFFFFFF  }
0xc2: {  	(tm) =	ssettm $0x7FFFFFFF  }
0xc3: {  	_ =	shalt  }
tec
execute0_lowered:
.L_overlay_start_1:
0x0: {  	(tag) =	ssettag $0x1  }
0x1: {  	s7 =	rddreg [dreg:$0x0]  }
0x2: {  	s2 =	rddreg [dreg:$0x1]  }
0x3: {  	s0 =	rddreg [dreg:$0x2]  }
0x4: {  	s1 =	stileid.u32;
	s4 =	srdreg.scid  }
0x5: {  	s3 =	simm.s32 $0x0;
	s16 =	simm.s32 $0x1;
	s17 =	simm.s32 $0x80  }
0x6: {  	s18 =	simm.s32 $0x2;
	s19 =	simm.s32 $0x0;
	s8 =	smul.u32 $0x13C00, s1  }
0x7: {  	s9 =	sand.u32 $0x1, s4;
	[smem:$0x7FF] =	sst s3;
	s4 =	sadd.s32 $0x99A00, s7  }
0x8: {  	s5 =	sadd.s32 $0x85A00, s7;
	s6 =	sadd.s32 $0x4A00, s7;
	s28 =	smul.u32 $0x4F000, s1  }
0x9: {  	s31 =	sshll.u32 s1, $0x6;
	s10 =	smul.u32 $0x13C000, s9;
	_ =	strace $0x80000056  }
0xa: {  	s29 =	ssub.s32 $0x2, s9;
	s13 =	smul.u32 $0x50000, s9;
	s9 =	sor.u32 $0x1C03, s31  }
0xb: {  	s11 =	sshrl.u32 s8, $0x3;
	s30 =	sshrl.u32 s29, $0x1;
	s8 =	sadd.s32 s8, s10  }
.Ltmp0:
0xc: {  	s26 =	sadd.s32 s11, s7;
	s11 =	sshrl.u32 s28, $0x2;
	(pc) =	sbr.rel .LBB2_1-.Ltmp0, $4  }
0xd: {  	s14 =	ssub.s32 s29, s30;
	s8 =	sshrl.u32 s8, $0x3;
	s15 =	sadd.s32 s11, s2  }
0xe: {  	s12 =	sadd.s32 s8, s7;
	s7 =	smul.u32 $0x5000, s1;
	s8 =	sadd.s32 $0xEA00, s26  }
0xf: {  	s11 =	sadd.s32 $0x36200, s12;
	s12 =	smax.u32 s14, $0x1;
	s14 =	simm.s32 $0x3  }
0x10: {  	s10 =	sadd.s32 s13, s7;
	s13 =	sshrl.u32 s15, $0x3;
	s15 =	simm.s32 $0x2000  }
.LBB2_6:
0x11: {  	s19 =	sadd.s32 $0x1, s19  }
0x12: {  	p0 =	sne.s32 s19, s12  }
.Ltmp1:
0x13: {  	[bflag:$0x0] =	sbarrier.arrive $0xFFFF;
	(pc) =	sbr.rel @!p0 .LBB2_7-.Ltmp1, $4  }
0x14: {  	[hbm:s11], [sflag:s9] =	dma.local [spmem:s13], $0x2780  }
0x15: {  	_ =	swait.ge [sflag:s14], $0x2780  }
0x16: {  	[sflag:s14] =	ssyncset.done $0x0  }
0x17: {  	[sflag:s14] =	ssyncadd.s32 $0xFFFFD880  }
.LBB2_1:
0x18: {  	[spmem:s13], [sflag:s9] =	dma.local [hbm:s8], $0x2780  }
.Ltmp2:
0x19: {  	_ =	swait.ge [sflag:s14], $0x2780;
	(pc) =	sbr.rel .LBB2_2-.Ltmp2, $4  }
0x1a: {  	[sflag:s14] =	ssyncset.done $0x0  }
0x1b: {  	[sflag:s14] =	ssyncadd.s32 $0xFFFFD880  }
0x1c: {  	[bflag:$0x0] =	sbarrier.arrive $0xFFFF  }
0x1d: {  	s20 =	simm.s32 $0x0  }
.LBB2_5:
0x1e: {  	s20 =	sadd.s32 $0x1, s20  }
0x1f: {  	p0 =	sne.s32 s20, $0x5  }
.Ltmp3:
0x20: {  	_ = 	snop;
	(pc) =	sbr.rel @!p0 .LBB2_6-.Ltmp3, $4  }
0x21: {  	_ = 	snop  }
0x22: {  	_ =	swait.ge [sflag:s18], $0x4000  }
0x23: {  	[sflag:s18] =	ssyncset.done $0x0  }
0x24: {  	[sflag:s18] =	ssyncadd.s32 $0xFFFFC000  }
.LBB2_2:
0x25: {  	s21 =	sshll.u32 s20, $0xC  }
0x26: {  	s22 =	sadd.s32 s10, s21  }
0x27: {  	s22 =	sshrl.u32 s22, $0x3  }
0x28: {  	s22 =	sadd.s32 s5, s22  }
0x29: {  	[tilespmem:s3], [sflag:$0x3] =	stream.linear.gather [hbm4b:s22+s3], $0x1000, $0x38;
	[tilespmem:$0x1DC00] =	vst v63  }
0x2a: {  	s21 =	sadd.s32 s7, s21;
	_ =	swait.ge [sflag:s14], $0x1000  }
0x2b: {  	s21 =	sshrl.u32 s21, $0x3;
	[sflag:s14] =	ssyncset.done $0x0  }
0x2c: {  	s31 =	sadd.s32 s6, s21;
	s21 =	simm.s32 $0x1000;
	[sflag:s14] =	ssyncadd.s32 $0xFFFFF000  }
0x2d: {  	[tilespmem:s21], [sflag:$0x3] =	stream.linear.gather [hbm4b:s31+s3], $0x1000, $0x38;
	[tilespmem:$0x1DC00] =	vst v63  }
0x2e: {  	_ =	swait.ge [sflag:s14], $0x1000  }
0x2f: {  	s23 =	simm.s32 $0x10000;
	[sflag:s14] =	ssyncset.done $0x0  }
0x30: {  	s24 =	simm.s32 $0x1F;
	s22 =	simm.s32 $0x80;
	[sflag:s14] =	ssyncadd.s32 $0xFFFFF000  }
0x31: {  	[tilespmem:s15], [sflag:$0x1] =	stream.indirect.gather [hbm4b:s4+s22], $0x80, s3, s22, $0xb8;
	[tilespmem:$0x1DC00] =	vst v63  }
.LBB2_3:
0x32: {  	s25 =	sadd.s32 $0xFFFF0000, s23  }
0x33: {  	_ =	swait.ge [sflag:s16], $0x4000;
	p0 =	seq.s32 s24, $0x1F;
	s25 =	sand.u32 $0x10000, s25  }
0x34: {  	[sflag:s16] =	ssyncset.done $0x0;
	p1 =	seq.s32 @!p0 s24, $0x0;
	s25 =	sshrl.u32 s25, $0x2  }
0x35: {  	[sflag:s16] =	ssyncadd.s32 $0xFFFFC000;
	p1 =	por p0, !p1;
	s25 =	sor.u32 $0x2000, s25  }
0x36: {  	[spmem:s2] =	stream.indirect.scatter.add.f32 [tilespmem:s25], [sflag:$0x2], $0x80, s21, s17, $0xb8;
	[tilespmem:$0x1DC00] =	vst v63  }
.Ltmp4:
0x37: {  	_ = 	snop;
	(pc) =	sbr.rel @!p1 .LBB2_5-.Ltmp4, $4  }
0x38: {  	s25 =	simm.s32 @!p0 $0x2  }
0x39: {  	_ =	swait.ge @!p0 [sflag:s25], $0x4000  }
0x3a: {  	[sflag:s25] =	ssyncset.done @!p0 $0x0  }
0x3b: {  	[sflag:s25] =	ssyncadd.s32 @!p0 $0xFFFFC000  }
.Ltmp5:
0x3c: {  	s25 =	sand.u32 $0x10000, s23;
	(pc) =	sbr.rel .LBB2_3-.Ltmp5, $4  }
0x3d: {  	s25 =	sshrl.u32 s25, $0x2  }
0x3e: {  	s23 =	sadd.s32 $0x10000, s23;
	s25 =	sor.u32 $0x2000, s25  }
0x3f: {  	[tilespmem:s25], [sflag:$0x1] =	stream.indirect.gather [hbm4b:s4+s17], $0x80, s22, s17, $0xb8;
	[tilespmem:$0x1DC00] =	vst v63  }
0x40: {  	s24 =	sadd.s32 $0xFFFFFFFF, s24;
	s21 =	sadd.s32 $0x80, s21;
	s22 =	sadd.s32 $0x80, s22  }
.LBB2_7:
0x41: {  	_ =	sfence.sel $0x180000  }
0x42: {  	[bflag:$0x0] =	sbarrier.arrive $0xFFFF  }
0x43: {  	p0 =	sne.s32 s1, $0x0;
	_ =	strace $0x90000056  }
0x44: {  	s0 =	sadd.s32 @!p0 $0x100000, s0;
	[bflag:$0x2] =	sbarrier.arrive $0xFFFF  }
0x45: {  	[sflag:s0] =	ssyncadd.tile.s32 @!p0 $0x1;
	_ =	shalt  }
.Lfunc_end2:
_tile_overlayer_lowered:
.L_overlay_start_2:
0x46: {  	(tag) =	ssettag $0x2  }
0x47: {  	s0 =	rddreg [dreg:$0x0];
	s2 =	stileid.u32  }
0x48: {  	s1 =	rddreg [dreg:$0x1];
	p0 =	sne.s32 s2, $0x0  }
0x49: {  	s3 =	rddreg [dreg:$0x2];
	[bflag:$0x3] =	sbarrier.arrive $0xFFFF;
	s2 =	simm.s32 @!p0 $0x1C03  }
0x4a: {  	[timem:s3], [sflag:s2] =	dma.local @!p0 [hbm:s0], s1  }
0x4b: {  	s0 =	simm.s32 @!p0 $0x3  }
0x4c: {  	_ =	swait.ge @!p0 [sflag:s0], s1  }
0x4d: {  	s1 =	ssub.s32 @!p0 $0x0, s1;
	[sflag:s0] =	ssyncset.done @!p0 $0x0  }
0x4e: {  	[sflag:s0] =	ssyncadd.s32 @!p0 s1  }
0x4f: {  	[bflag:$0x3] =	sbarrier.arrive $0xFFFF  }
0x50: {  	_ =	shalt  }

// kernel: kernel.38.cloned.1.call-start
scs
__scs_entry_jumppad:
0x0: {  	(pc) =	sbr.rel $0x88, $3  }
0x1: {  	(tag) =	ssettag $0x0;
	lr =	simm.s32 $0x1  }
0x2: {  	[smem:$0x3F97] =	sst lr;
	_ =	strace $0xD0000000  }
0x3: {  	_ = 	snop  }
0x4: {  	_ = 	snop  }
0x5: {  	_ = 	snop  }
0x6: {  	_ = 	snop  }
0x7: {  	_ = 	snop  }
__scs_overlays_trampoline_lowered:
0x8: {  	[smem:$0x3FA6] =	sst s0  }
0x9: {  	[smem:$0x3FA7] =	sst s1  }
0xa: {  	[smem:$0x3FA8] =	sst s2  }
0xb: {  	[smem:$0x3FA9] =	sst s3  }
0xc: {  	[smem:$0x3FAA] =	sst s4  }
0xd: {  	[smem:$0x3FAB] =	sst s5  }
0xe: {  	[smem:$0x3FAC] =	sst s6  }
0xf: {  	[smem:$0x3FAD] =	sst s7  }
0x10: {  	[smem:$0x3FAE] =	sst s8  }
0x11: {  	[smem:$0x3FAF] =	sst s9;
	s0 =	simm.s32 @!p0 $0x0  }
0x12: {  	s1 =	sld [smem:$0x3F95];
	s0 =	simm.s32 @p0 $0x1  }
0x13: {  	[smem:$0x3FB0] =	sst s0;
	s0 =	simm.s32 @!p1 $0x0  }
0x14: {  	s2 =	sld [smem:$0x3F94];
	s0 =	simm.s32 @p1 $0x1  }
0x15: {  	[smem:$0x3FB1] =	sst s0;
	s0 =	simm.s32 @!p2 $0x0  }
0x16: {  	s3 =	sld [smem:$0x3FDB];
	s0 =	simm.s32 @p2 $0x1  }
0x17: {  	s4 =	simm.s32 $0x1BF5;
	[smem:$0x3FB3] =	sst s0  }
0x18: {  	s0 =	sld [smem:$0x3F96];
	_ =	swait.ge [sflag:s4], $0x0  }
0x19: {  	s7 =	sld [smem:$0x3F97]  }
0x1a: {  	s8 =	sadd.s32 $0xFFFFE003, lr  }
0x1b: {  	s9 =	sadd.s32 $0xFFFFFEF7, lr;
	s5 =	simm.s32 $0xFFFFFFFF;
	p2 =	slt.u32 s8, $0xFFFFF086  }
0x1c: {  	p1 =	slt.u32 s9, $0xF7A;
	s5 =	simm.s32 @!p2 $0x0  }
0x1d: {  	s5 =	simm.s32 @p1 $0x1;
	p0 =	seq.s32 s7, s2  }
0x1e: {  	s7 =	smul.u32 @!p0 $0xF7A, s2;
	p2 =	seq.s32 @!p0 s5, $0x0  }
0x1f: {  	s9 =	smul.u32 $0xF7A, s1;
	s8 =	simm.s32 @!p0 $0x1BF5;
	p2 =	por !p2, p0  }
0x20: {  	[sflag:s8] =	ssyncset.s32 @!p0 $0xFFFFF086;
	s6 =	sadd.s32 @!p0 s3, s7;
	s7 =	simm.s32 @!p0 $0x108  }
0x21: {  	s3 =	sadd.s32 s3, s9;
	s6 =	sadd.s32 @!p0 $0x88, s6;
	s7 =	simm.s32 @p2 $0x1082  }
0x22: {  	[simem:s7], [sflag:s8] =	dma.local @!p0 [hbm:s6], $0xF7A  }
0x23: {  	s9 =	sor.u32 $0xD0000000, s2;
	s6 =	simm.s32 $0x108;
	_ =	swait.ge @!p0 [sflag:s8], $0x0  }
0x24: {  	s3 =	sadd.s32 $0x88, s3;
	s6 =	simm.s32 @!p1 $0x1082;
	[sflag:s4] =	ssyncset.s32 $0xFFFFF086  }
0x25: {  	[simem:s6], [sflag:s4] =	dma.local [hbm:s3], $0xF7A  }
0x26: {  	[smem:$0x3F97] =	sst s1;
	(tag) =	ssettag s2;
	_ =	strace s9  }
0x27: {  	s1 =	sld [smem:$0x3FA7]  }
0x28: {  	s2 =	sld [smem:$0x3FA8]  }
0x29: {  	s4 =	sld [smem:$0x3FAA]  }
0x2a: {  	p0 =	seq.s32 s5, $0x0;
	s5 =	sld [smem:$0x3FAB]  }
0x2b: {  	s6 =	sld [smem:$0x3FAC]  }
0x2c: {  	s7 =	sld [smem:$0x3FAD]  }
0x2d: {  	s3 =	simm.s32 $0x108;
	s8 =	sld [smem:$0x3FAE]  }
0x2e: {  	s3 =	simm.s32 @!p0 $0x1082;
	s9 =	sld [smem:$0x3FAF]  }
0x2f: {  	lr =	sadd.s32 s0, s3;
	s0 =	sld [smem:$0x3FA6]  }
0x30: {  	s3 =	sld [smem:$0x3FA9]  }
0x31: {  	[smem:$0x3FB2] =	sst s10  }
0x32: {  	s10 =	sld [smem:$0x3FB0];
	_ =	sdelay $0x3  }
0x33: {  	p0 =	seq.s32 s10, $0x1;
	s10 =	sld [smem:$0x3FB2];
	_ =	sdelay $0x3  }
0x34: {  	[smem:$0x3FB2] =	sst s10  }
0x35: {  	s10 =	sld [smem:$0x3FB1];
	_ =	sdelay $0x3  }
0x36: {  	p1 =	seq.s32 s10, $0x1;
	s10 =	sld [smem:$0x3FB2];
	_ =	sdelay $0x3  }
0x37: {  	[smem:$0x3FB2] =	sst s10  }
0x38: {  	s10 =	sld [smem:$0x3FB3]  }
0x39: {  	_ = 	snop;
	(pc) =	sbr.ind lr, $3  }
0x3a: {  	_ = 	snop  }
0x3b: {  	_ = 	snop  }
0x3c: {  	p2 =	seq.s32 s10, $0x1;
	s10 =	sld [smem:$0x3FB2]  }
0x3d: {  	_ =	shalt  }
0x3e: {  	_ =	shalt  }
0x3f: {  	_ =	shalt  }
0x40: {  	_ =	shalt  }
0x41: {  	_ =	shalt  }
0x42: {  	_ =	shalt  }
0x43: {  	_ =	shalt  }
0x44: {  	_ =	shalt  }
0x45: {  	_ =	shalt  }
0x46: {  	_ =	shalt  }
0x47: {  	_ =	shalt  }
0x48: {  	_ =	shalt  }
0x49: {  	_ =	shalt  }
0x4a: {  	_ =	shalt  }
0x4b: {  	_ =	shalt  }
0x4c: {  	_ =	shalt  }
0x4d: {  	_ =	shalt  }
0x4e: {  	_ =	shalt  }
0x4f: {  	_ =	shalt  }
0x50: {  	_ =	shalt  }
0x51: {  	_ =	shalt  }
0x52: {  	_ =	shalt  }
0x53: {  	_ =	shalt  }
0x54: {  	_ =	shalt  }
0x55: {  	_ =	shalt  }
0x56: {  	_ =	shalt  }
0x57: {  	_ =	shalt  }
0x58: {  	_ =	shalt  }
0x59: {  	_ =	shalt  }
0x5a: {  	_ =	shalt  }
0x5b: {  	_ =	shalt  }
0x5c: {  	_ =	shalt  }
0x5d: {  	_ =	shalt  }
0x5e: {  	_ =	shalt  }
0x5f: {  	_ =	shalt  }
0x60: {  	_ =	shalt  }
0x61: {  	_ =	shalt  }
0x62: {  	_ =	shalt  }
0x63: {  	_ =	shalt  }
0x64: {  	_ =	shalt  }
0x65: {  	_ =	shalt  }
0x66: {  	_ =	shalt  }
0x67: {  	_ =	shalt  }
0x68: {  	_ =	shalt  }
0x69: {  	_ =	shalt  }
0x6a: {  	_ =	shalt  }
0x6b: {  	_ =	shalt  }
0x6c: {  	_ =	shalt  }
0x6d: {  	_ =	shalt  }
0x6e: {  	_ =	shalt  }
0x6f: {  	_ =	shalt  }
0x70: {  	_ =	shalt  }
0x71: {  	_ =	shalt  }
0x72: {  	_ =	shalt  }
0x73: {  	_ =	shalt  }
0x74: {  	_ =	shalt  }
0x75: {  	_ =	shalt  }
0x76: {  	_ =	shalt  }
0x77: {  	_ =	shalt  }
0x78: {  	_ =	shalt  }
0x79: {  	_ =	shalt  }
0x7a: {  	_ =	shalt  }
0x7b: {  	_ =	shalt  }
0x7c: {  	_ =	shalt  }
0x7d: {  	_ =	shalt  }
0x7e: {  	_ =	shalt  }
0x7f: {  	_ =	shalt  }
0x80: {  	_ =	shalt  }
0x81: {  	_ =	shalt  }
0x82: {  	_ =	shalt  }
0x83: {  	_ =	shalt  }
0x84: {  	_ =	shalt  }
0x85: {  	_ =	shalt  }
0x86: {  	_ =	shalt  }
0x87: {  	_ =	shalt  }
.Lfunc_end0:
.L_simem_size_0:
called_computation.6_lowered:
.L_overlay_start_0:
0x88: {  	s2 =	sld [smem:$0x3FD9]  }
0x89: {  	s3 =	sld [smem:$0x3FFE];
	_ =	sdelay $0x1  }
0x8a: {  	s1 =	srdreg.scid  }
0x8b: {  	s0 =	sand.u32 $0x1, s1  }
0x8c: {  	s16 =	sshll.u32 s0, $0xA;
	s2 =	sadd.s32 s3, s2  }
0x8d: {  	s2 =	sadd.s32 s2, s16  }
0x8e: {  	[smem:$0x3FBE] =	sst s2  }
0x8f: {  	_ = 	snop  }
0x90: {  	(tm) =	ssettm $0x1  }
0x91: {  	s17 =	sld [smem:$0x3FFB];
	_ =	sdelay $0x3  }
0x92: {  	_ =	strace s17  }
0x93: {  	s2 =	sld [smem:$0x3FFC];
	_ =	sdelay $0x3  }
0x94: {  	_ =	strace s2  }
0x95: {  	s2 =	sld [smem:$0x3FFD];
	_ =	sdelay $0x3  }
0x96: {  	_ =	strace s2  }
0x97: {  	_ =	strace $0x8FFFFFFF  }
0x98: {  	s18 =	sld [smem:$0x3FDB];
	_ =	sdelay $0x1  }
0x99: {  	s19 =	simm.s32 $_scs_section_size  }
0x9a: {  	s4 =	simm.s32 $_size__tile_overlayer_lowered;
	s5 =	simm.s32 $_tile_overlayer_lowered  }
0x9b: {  	s22 =	simm.s32 $0x1BFF;
	s21 =	sshll.u32 s5, $0x1;
	s2 =	sadd.s32 s19, s18  }
0x9c: {  	s6 =	simm.s32 $0x0;
	s20 =	sshll.u32 s4, $0x1;
	s4 =	sadd.s32 s21, s2  }
0x9d: {  	[timem:s6], [sflag:s22] =	dma.local [hbm:s4], s20  }
0x9e: {  	_ =	swait.ge [sflag:s22], s20  }
0x9f: {  	s3 =	ssub.s32 $0x0, s20;
	[sflag:s22] =	ssyncset.done $0x0  }
0xa0: {  	[sflag:s22] =	ssyncadd.s32 s3;
	_ =	sdelay $0x1  }
0xa1: {  	s23 =	simm.s32 $0x1B8B  }
0xa2: {  	_ =	swait.ge [sflag:s23], $0x1  }
0xa3: {  	[sflag:s23] =	ssyncset.done $0x0  }
0xa4: {  	s25 =	simm.s32 $0x1B8E;
	s24 =	sld [smem:$0x3FFE];
	[sflag:s23] =	ssyncadd.s32 $0xFFFFFFFF  }
0xa5: {  	s26 =	simm.s32 $execute0_lowered;
	[smem:$0x3FD2] =	sst s25  }
0xa6: {  	s4 =	sshll.u32 s26, $0x1;
	_ =	strace $0x80000058;
	[dreg:$0x1] =	wrdreg $0xFFFFFFFF  }
0xa7: {  	s28 =	simm.s32 $_size_execute0_lowered;
	s2 =	sadd.s32 s2, s4;
	[dreg:$0x0] =	wrdreg $0x0  }
0xa8: {  	s4 =	sshll.u32 s28, $0x1;
	[dreg:$0x2] =	wrdreg s2  }
0xa9: {  	[dreg:$0x3] =	wrdreg s4  }
0xaa: {  	[dreg:$0x4] =	wrdreg $0xC0  }
0xab: {  	_ =	task [dreg:s6], $0x5FFFF  }
0xac: {  	[dreg:$0x1] =	wrdreg $0xFFFFFFFF  }
0xad: {  	[dreg:$0x0] =	wrdreg $0x60  }
0xae: {  	[dreg:$0x2] =	wrdreg s24  }
0xaf: {  	[dreg:$0x3] =	wrdreg $0xA0000  }
0xb0: {  	[dreg:$0x4] =	wrdreg $0x9  }
0xb1: {  	_ =	task.clear_ibuf [dreg:s6], $0x5FFFF;
	_ =	strace $0x90000058  }
0xb2: {  	s29 =	simm.s32 $0x9;
	_ =	strace $0x8000005A  }
0xb3: {  	_ =	swait.ge [sflag:s29], $0x1  }
0xb4: {  	[sflag:s29] =	ssyncadd.s32 $0xFFFFFFFF  }
0xb5: {  	_ =	strace $0x9000005A  }
0xb6: {  	_ =	sfence  }
0xb7: {  	s30 =	sld [smem:$0x0];
	_ =	sdelay $0x2  }
0xb8: {  	s31 =	sshll.u32 s1, $0xD;
	s1 =	sshrl.u32 s1, $0x2  }
0xb9: {  	s3 =	sand.u32 $0x4000, s31;
	s1 =	sadd.s32 s1, s30  }
0xba: {  	s0 =	sor.u32 s3, s0;
	s1 =	sshll.u32 s1, $0x11  }
0xbb: {  	s0 =	sor.u32 s1, s0  }
0xbc: {  	s0 =	sadd.s32 $0x8F2B, s0  }
0xbd: {  	[sflag:s0] =	ssyncadd.remote.s32 $0x1  }
0xbe: {  	_ =	sfence.sel $0xFFFF  }
0xbf: {  	[dreg:$0x0] =	wrdreg $0xFFFFFFFF;
	(pc) =	sbr.abs _section_cstart, $3  }
0xc0: {  	[dreg:$0x1] =	wrdreg $0xFFFFFFFF  }
0xc1: {  	_ =	task.clear_ibuf [dreg:s6], $0x2FFFF;
	_ =	strace $0x9FFFFFFF  }
0xc2: {  	(tm) =	ssettm $0x7FFFFFFF  }
0xc3: {  	_ =	shalt  }
tec
execute0_lowered:
.L_overlay_start_1:
0x0: {  	(tag) =	ssettag $0x1  }
0x1: {  	s7 =	rddreg [dreg:$0x0]  }
0x2: {  	s2 =	rddreg [dreg:$0x1]  }
0x3: {  	s0 =	rddreg [dreg:$0x2]  }
0x4: {  	s1 =	stileid.u32;
	s4 =	srdreg.scid  }
0x5: {  	s3 =	simm.s32 $0x0;
	s16 =	simm.s32 $0x1;
	s17 =	simm.s32 $0x80  }
0x6: {  	s18 =	simm.s32 $0x2;
	s19 =	simm.s32 $0x0;
	s8 =	smul.u32 $0x13C00, s1  }
0x7: {  	s9 =	sand.u32 $0x1, s4;
	[smem:$0x7FF] =	sst s3;
	s4 =	sadd.s32 $0x99A00, s7  }
0x8: {  	s5 =	sadd.s32 $0x85A00, s7;
	s6 =	sadd.s32 $0x4A00, s7;
	s28 =	smul.u32 $0x4F000, s1  }
0x9: {  	s31 =	sshll.u32 s1, $0x6;
	s10 =	smul.u32 $0x13C000, s9;
	_ =	strace $0x80000059  }
0xa: {  	s29 =	ssub.s32 $0x2, s9;
	s13 =	smul.u32 $0x50000, s9;
	s9 =	sor.u32 $0x1C03, s31  }
0xb: {  	s11 =	sshrl.u32 s8, $0x3;
	s30 =	sshrl.u32 s29, $0x1;
	s8 =	sadd.s32 s8, s10  }
.Ltmp0:
0xc: {  	s26 =	sadd.s32 s11, s7;
	s11 =	sshrl.u32 s28, $0x2;
	(pc) =	sbr.rel .LBB2_1-.Ltmp0, $4  }
0xd: {  	s14 =	ssub.s32 s29, s30;
	s8 =	sshrl.u32 s8, $0x3;
	s15 =	sadd.s32 s11, s2  }
0xe: {  	s12 =	sadd.s32 s8, s7;
	s7 =	smul.u32 $0x5000, s1;
	s8 =	sadd.s32 $0xEA00, s26  }
0xf: {  	s11 =	sadd.s32 $0x36200, s12;
	s12 =	smax.u32 s14, $0x1;
	s14 =	simm.s32 $0x3  }
0x10: {  	s10 =	sadd.s32 s13, s7;
	s13 =	sshrl.u32 s15, $0x3;
	s15 =	simm.s32 $0x2000  }
.LBB2_6:
0x11: {  	s19 =	sadd.s32 $0x1, s19  }
0x12: {  	p0 =	sne.s32 s19, s12  }
.Ltmp1:
0x13: {  	[bflag:$0x0] =	sbarrier.arrive $0xFFFF;
	(pc) =	sbr.rel @!p0 .LBB2_7-.Ltmp1, $4  }
0x14: {  	[hbm:s11], [sflag:s9] =	dma.local [spmem:s13], $0x2780  }
0x15: {  	_ =	swait.ge [sflag:s14], $0x2780  }
0x16: {  	[sflag:s14] =	ssyncset.done $0x0  }
0x17: {  	[sflag:s14] =	ssyncadd.s32 $0xFFFFD880  }
.LBB2_1:
0x18: {  	[spmem:s13], [sflag:s9] =	dma.local [hbm:s8], $0x2780  }
.Ltmp2:
0x19: {  	_ =	swait.ge [sflag:s14], $0x2780;
	(pc) =	sbr.rel .LBB2_2-.Ltmp2, $4  }
0x1a: {  	[sflag:s14] =	ssyncset.done $0x0  }
0x1b: {  	[sflag:s14] =	ssyncadd.s32 $0xFFFFD880  }
0x1c: {  	[bflag:$0x0] =	sbarrier.arrive $0xFFFF  }
0x1d: {  	s20 =	simm.s32 $0x0  }
.LBB2_5:
0x1e: {  	s20 =	sadd.s32 $0x1, s20  }
0x1f: {  	p0 =	sne.s32 s20, $0x5  }
.Ltmp3:
0x20: {  	_ = 	snop;
	(pc) =	sbr.rel @!p0 .LBB2_6-.Ltmp3, $4  }
0x21: {  	_ = 	snop  }
0x22: {  	_ =	swait.ge [sflag:s18], $0x4000  }
0x23: {  	[sflag:s18] =	ssyncset.done $0x0  }
0x24: {  	[sflag:s18] =	ssyncadd.s32 $0xFFFFC000  }
.LBB2_2:
0x25: {  	s21 =	sshll.u32 s20, $0xC  }
0x26: {  	s22 =	sadd.s32 s10, s21  }
0x27: {  	s22 =	sshrl.u32 s22, $0x3  }
0x28: {  	s22 =	sadd.s32 s5, s22  }
0x29: {  	[tilespmem:s3], [sflag:$0x3] =	stream.linear.gather [hbm4b:s22+s3], $0x1000, $0x38;
	[tilespmem:$0x1DC00] =	vst v63  }
0x2a: {  	s21 =	sadd.s32 s7, s21;
	_ =	swait.ge [sflag:s14], $0x1000  }
0x2b: {  	s21 =	sshrl.u32 s21, $0x3;
	[sflag:s14] =	ssyncset.done $0x0  }
0x2c: {  	s31 =	sadd.s32 s6, s21;
	s21 =	simm.s32 $0x1000;
	[sflag:s14] =	ssyncadd.s32 $0xFFFFF000  }
0x2d: {  	[tilespmem:s21], [sflag:$0x3] =	stream.linear.gather [hbm4b:s31+s3], $0x1000, $0x38;
	[tilespmem:$0x1DC00] =	vst v63  }
0x2e: {  	_ =	swait.ge [sflag:s14], $0x1000  }
0x2f: {  	s23 =	simm.s32 $0x10000;
	[sflag:s14] =	ssyncset.done $0x0  }
0x30: {  	s24 =	simm.s32 $0x1F;
	s22 =	simm.s32 $0x80;
	[sflag:s14] =	ssyncadd.s32 $0xFFFFF000  }
0x31: {  	[tilespmem:s15], [sflag:$0x1] =	stream.indirect.gather [hbm4b:s4+s22], $0x80, s3, s22, $0xb8;
	[tilespmem:$0x1DC00] =	vst v63  }
.LBB2_3:
0x32: {  	s25 =	sadd.s32 $0xFFFF0000, s23  }
0x33: {  	_ =	swait.ge [sflag:s16], $0x4000;
	p0 =	seq.s32 s24, $0x1F;
	s25 =	sand.u32 $0x10000, s25  }
0x34: {  	[sflag:s16] =	ssyncset.done $0x0;
	p1 =	seq.s32 @!p0 s24, $0x0;
	s25 =	sshrl.u32 s25, $0x2  }
0x35: {  	[sflag:s16] =	ssyncadd.s32 $0xFFFFC000;
	p1 =	por p0, !p1;
	s25 =	sor.u32 $0x2000, s25  }
0x36: {  	[spmem:s2] =	stream.indirect.scatter.add.f32 [tilespmem:s25], [sflag:$0x2], $0x80, s21, s17, $0xb8;
	[tilespmem:$0x1DC00] =	vst v63  }
.Ltmp4:
0x37: {  	_ = 	snop;
	(pc) =	sbr.rel @!p1 .LBB2_5-.Ltmp4, $4  }
0x38: {  	s25 =	simm.s32 @!p0 $0x2  }
0x39: {  	_ =	swait.ge @!p0 [sflag:s25], $0x4000  }
0x3a: {  	[sflag:s25] =	ssyncset.done @!p0 $0x0  }
0x3b: {  	[sflag:s25] =	ssyncadd.s32 @!p0 $0xFFFFC000  }
.Ltmp5:
0x3c: {  	s25 =	sand.u32 $0x10000, s23;
	(pc) =	sbr.rel .LBB2_3-.Ltmp5, $4  }
0x3d: {  	s25 =	sshrl.u32 s25, $0x2  }
0x3e: {  	s23 =	sadd.s32 $0x10000, s23;
	s25 =	sor.u32 $0x2000, s25  }
0x3f: {  	[tilespmem:s25], [sflag:$0x1] =	stream.indirect.gather [hbm4b:s4+s17], $0x80, s22, s17, $0xb8;
	[tilespmem:$0x1DC00] =	vst v63  }
0x40: {  	s24 =	sadd.s32 $0xFFFFFFFF, s24;
	s21 =	sadd.s32 $0x80, s21;
	s22 =	sadd.s32 $0x80, s22  }
.LBB2_7:
0x41: {  	_ =	sfence.sel $0x180000  }
0x42: {  	[bflag:$0x0] =	sbarrier.arrive $0xFFFF  }
0x43: {  	p0 =	sne.s32 s1, $0x0;
	_ =	strace $0x90000059  }
0x44: {  	s0 =	sadd.s32 @!p0 $0x100000, s0;
	[bflag:$0x2] =	sbarrier.arrive $0xFFFF  }
0x45: {  	[sflag:s0] =	ssyncadd.tile.s32 @!p0 $0x1;
	_ =	shalt  }
.Lfunc_end2:
_tile_overlayer_lowered:
.L_overlay_start_2:
0x46: {  	(tag) =	ssettag $0x2  }
0x47: {  	s0 =	rddreg [dreg:$0x0];
	s2 =	stileid.u32  }
0x48: {  	s1 =	rddreg [dreg:$0x1];
	p0 =	sne.s32 s2, $0x0  }
0x49: {  	s3 =	rddreg [dreg:$0x2];
	[bflag:$0x3] =	sbarrier.arrive $0xFFFF;
	s2 =	simm.s32 @!p0 $0x1C03  }
0x4a: {  	[timem:s3], [sflag:s2] =	dma.local @!p0 [hbm:s0], s1  }
0x4b: {  	s0 =	simm.s32 @!p0 $0x3  }
0x4c: {  	_ =	swait.ge @!p0 [sflag:s0], s1  }
0x4d: {  	s1 =	ssub.s32 @!p0 $0x0, s1;
	[sflag:s0] =	ssyncset.done @!p0 $0x0  }
0x4e: {  	[sflag:s0] =	ssyncadd.s32 @!p0 s1  }
0x4f: {  	[bflag:$0x3] =	sbarrier.arrive $0xFFFF  }
0x50: {  	_ =	shalt  }

// kernel: kernel.41.cloned.1.call-start
scs
__scs_entry_jumppad:
0x0: {  	(pc) =	sbr.rel $0x88, $3  }
0x1: {  	(tag) =	ssettag $0x0;
	lr =	simm.s32 $0x1  }
0x2: {  	[smem:$0x3F97] =	sst lr;
	_ =	strace $0xD0000000  }
0x3: {  	_ = 	snop  }
0x4: {  	_ = 	snop  }
0x5: {  	_ = 	snop  }
0x6: {  	_ = 	snop  }
0x7: {  	_ = 	snop  }
__scs_overlays_trampoline_lowered:
0x8: {  	[smem:$0x3FA6] =	sst s0  }
0x9: {  	[smem:$0x3FA7] =	sst s1  }
0xa: {  	[smem:$0x3FA8] =	sst s2  }
0xb: {  	[smem:$0x3FA9] =	sst s3  }
0xc: {  	[smem:$0x3FAA] =	sst s4  }
0xd: {  	[smem:$0x3FAB] =	sst s5  }
0xe: {  	[smem:$0x3FAC] =	sst s6  }
0xf: {  	[smem:$0x3FAD] =	sst s7  }
0x10: {  	[smem:$0x3FAE] =	sst s8  }
0x11: {  	[smem:$0x3FAF] =	sst s9;
	s0 =	simm.s32 @!p0 $0x0  }
0x12: {  	s1 =	sld [smem:$0x3F95];
	s0 =	simm.s32 @p0 $0x1  }
0x13: {  	[smem:$0x3FB0] =	sst s0;
	s0 =	simm.s32 @!p1 $0x0  }
0x14: {  	s2 =	sld [smem:$0x3F94];
	s0 =	simm.s32 @p1 $0x1  }
0x15: {  	[smem:$0x3FB1] =	sst s0;
	s0 =	simm.s32 @!p2 $0x0  }
0x16: {  	s3 =	sld [smem:$0x3FDB];
	s0 =	simm.s32 @p2 $0x1  }
0x17: {  	s4 =	simm.s32 $0x1BF5;
	[smem:$0x3FB3] =	sst s0  }
0x18: {  	s0 =	sld [smem:$0x3F96];
	_ =	swait.ge [sflag:s4], $0x0  }
0x19: {  	s7 =	sld [smem:$0x3F97]  }
0x1a: {  	s8 =	sadd.s32 $0xFFFFE003, lr  }
0x1b: {  	s9 =	sadd.s32 $0xFFFFFEF7, lr;
	s5 =	simm.s32 $0xFFFFFFFF;
	p2 =	slt.u32 s8, $0xFFFFF086  }
0x1c: {  	p1 =	slt.u32 s9, $0xF7A;
	s5 =	simm.s32 @!p2 $0x0  }
0x1d: {  	s5 =	simm.s32 @p1 $0x1;
	p0 =	seq.s32 s7, s2  }
0x1e: {  	s7 =	smul.u32 @!p0 $0xF7A, s2;
	p2 =	seq.s32 @!p0 s5, $0x0  }
0x1f: {  	s9 =	smul.u32 $0xF7A, s1;
	s8 =	simm.s32 @!p0 $0x1BF5;
	p2 =	por !p2, p0  }
0x20: {  	[sflag:s8] =	ssyncset.s32 @!p0 $0xFFFFF086;
	s6 =	sadd.s32 @!p0 s3, s7;
	s7 =	simm.s32 @!p0 $0x108  }
0x21: {  	s3 =	sadd.s32 s3, s9;
	s6 =	sadd.s32 @!p0 $0x88, s6;
	s7 =	simm.s32 @p2 $0x1082  }
0x22: {  	[simem:s7], [sflag:s8] =	dma.local @!p0 [hbm:s6], $0xF7A  }
0x23: {  	s9 =	sor.u32 $0xD0000000, s2;
	s6 =	simm.s32 $0x108;
	_ =	swait.ge @!p0 [sflag:s8], $0x0  }
0x24: {  	s3 =	sadd.s32 $0x88, s3;
	s6 =	simm.s32 @!p1 $0x1082;
	[sflag:s4] =	ssyncset.s32 $0xFFFFF086  }
0x25: {  	[simem:s6], [sflag:s4] =	dma.local [hbm:s3], $0xF7A  }
0x26: {  	[smem:$0x3F97] =	sst s1;
	(tag) =	ssettag s2;
	_ =	strace s9  }
0x27: {  	s1 =	sld [smem:$0x3FA7]  }
0x28: {  	s2 =	sld [smem:$0x3FA8]  }
0x29: {  	s4 =	sld [smem:$0x3FAA]  }
0x2a: {  	p0 =	seq.s32 s5, $0x0;
	s5 =	sld [smem:$0x3FAB]  }
0x2b: {  	s6 =	sld [smem:$0x3FAC]  }
0x2c: {  	s7 =	sld [smem:$0x3FAD]  }
0x2d: {  	s3 =	simm.s32 $0x108;
	s8 =	sld [smem:$0x3FAE]  }
0x2e: {  	s3 =	simm.s32 @!p0 $0x1082;
	s9 =	sld [smem:$0x3FAF]  }
0x2f: {  	lr =	sadd.s32 s0, s3;
	s0 =	sld [smem:$0x3FA6]  }
0x30: {  	s3 =	sld [smem:$0x3FA9]  }
0x31: {  	[smem:$0x3FB2] =	sst s10  }
0x32: {  	s10 =	sld [smem:$0x3FB0];
	_ =	sdelay $0x3  }
0x33: {  	p0 =	seq.s32 s10, $0x1;
	s10 =	sld [smem:$0x3FB2];
	_ =	sdelay $0x3  }
0x34: {  	[smem:$0x3FB2] =	sst s10  }
0x35: {  	s10 =	sld [smem:$0x3FB1];
	_ =	sdelay $0x3  }
0x36: {  	p1 =	seq.s32 s10, $0x1;
	s10 =	sld [smem:$0x3FB2];
	_ =	sdelay $0x3  }
0x37: {  	[smem:$0x3FB2] =	sst s10  }
0x38: {  	s10 =	sld [smem:$0x3FB3]  }
0x39: {  	_ = 	snop;
	(pc) =	sbr.ind lr, $3  }
0x3a: {  	_ = 	snop  }
0x3b: {  	_ = 	snop  }
0x3c: {  	p2 =	seq.s32 s10, $0x1;
	s10 =	sld [smem:$0x3FB2]  }
0x3d: {  	_ =	shalt  }
0x3e: {  	_ =	shalt  }
0x3f: {  	_ =	shalt  }
0x40: {  	_ =	shalt  }
0x41: {  	_ =	shalt  }
0x42: {  	_ =	shalt  }
0x43: {  	_ =	shalt  }
0x44: {  	_ =	shalt  }
0x45: {  	_ =	shalt  }
0x46: {  	_ =	shalt  }
0x47: {  	_ =	shalt  }
0x48: {  	_ =	shalt  }
0x49: {  	_ =	shalt  }
0x4a: {  	_ =	shalt  }
0x4b: {  	_ =	shalt  }
0x4c: {  	_ =	shalt  }
0x4d: {  	_ =	shalt  }
0x4e: {  	_ =	shalt  }
0x4f: {  	_ =	shalt  }
0x50: {  	_ =	shalt  }
0x51: {  	_ =	shalt  }
0x52: {  	_ =	shalt  }
0x53: {  	_ =	shalt  }
0x54: {  	_ =	shalt  }
0x55: {  	_ =	shalt  }
0x56: {  	_ =	shalt  }
0x57: {  	_ =	shalt  }
0x58: {  	_ =	shalt  }
0x59: {  	_ =	shalt  }
0x5a: {  	_ =	shalt  }
0x5b: {  	_ =	shalt  }
0x5c: {  	_ =	shalt  }
0x5d: {  	_ =	shalt  }
0x5e: {  	_ =	shalt  }
0x5f: {  	_ =	shalt  }
0x60: {  	_ =	shalt  }
0x61: {  	_ =	shalt  }
0x62: {  	_ =	shalt  }
0x63: {  	_ =	shalt  }
0x64: {  	_ =	shalt  }
0x65: {  	_ =	shalt  }
0x66: {  	_ =	shalt  }
0x67: {  	_ =	shalt  }
0x68: {  	_ =	shalt  }
0x69: {  	_ =	shalt  }
0x6a: {  	_ =	shalt  }
0x6b: {  	_ =	shalt  }
0x6c: {  	_ =	shalt  }
0x6d: {  	_ =	shalt  }
0x6e: {  	_ =	shalt  }
0x6f: {  	_ =	shalt  }
0x70: {  	_ =	shalt  }
0x71: {  	_ =	shalt  }
0x72: {  	_ =	shalt  }
0x73: {  	_ =	shalt  }
0x74: {  	_ =	shalt  }
0x75: {  	_ =	shalt  }
0x76: {  	_ =	shalt  }
0x77: {  	_ =	shalt  }
0x78: {  	_ =	shalt  }
0x79: {  	_ =	shalt  }
0x7a: {  	_ =	shalt  }
0x7b: {  	_ =	shalt  }
0x7c: {  	_ =	shalt  }
0x7d: {  	_ =	shalt  }
0x7e: {  	_ =	shalt  }
0x7f: {  	_ =	shalt  }
0x80: {  	_ =	shalt  }
0x81: {  	_ =	shalt  }
0x82: {  	_ =	shalt  }
0x83: {  	_ =	shalt  }
0x84: {  	_ =	shalt  }
0x85: {  	_ =	shalt  }
0x86: {  	_ =	shalt  }
0x87: {  	_ =	shalt  }
.Lfunc_end0:
.L_simem_size_0:
called_computation.7_lowered:
.L_overlay_start_0:
0x88: {  	s2 =	sld [smem:$0x3FD9]  }
0x89: {  	s3 =	sld [smem:$0x3FFE];
	_ =	sdelay $0x1  }
0x8a: {  	s1 =	srdreg.scid  }
0x8b: {  	s0 =	sand.u32 $0x1, s1  }
0x8c: {  	s16 =	sshll.u32 s0, $0xA;
	s2 =	sadd.s32 s3, s2  }
0x8d: {  	s2 =	sadd.s32 s2, s16  }
0x8e: {  	[smem:$0x3FBE] =	sst s2  }
0x8f: {  	_ = 	snop  }
0x90: {  	(tm) =	ssettm $0x1  }
0x91: {  	s17 =	sld [smem:$0x3FFB];
	_ =	sdelay $0x3  }
0x92: {  	_ =	strace s17  }
0x93: {  	s2 =	sld [smem:$0x3FFC];
	_ =	sdelay $0x3  }
0x94: {  	_ =	strace s2  }
0x95: {  	s2 =	sld [smem:$0x3FFD];
	_ =	sdelay $0x3  }
0x96: {  	_ =	strace s2  }
0x97: {  	_ =	strace $0x8FFFFFFF  }
0x98: {  	s18 =	sld [smem:$0x3FDB];
	_ =	sdelay $0x1  }
0x99: {  	s19 =	simm.s32 $_scs_section_size  }
0x9a: {  	s4 =	simm.s32 $_size__tile_overlayer_lowered;
	s5 =	simm.s32 $_tile_overlayer_lowered  }
0x9b: {  	s22 =	simm.s32 $0x1BFF;
	s21 =	sshll.u32 s5, $0x1;
	s2 =	sadd.s32 s19, s18  }
0x9c: {  	s6 =	simm.s32 $0x0;
	s20 =	sshll.u32 s4, $0x1;
	s4 =	sadd.s32 s21, s2  }
0x9d: {  	[timem:s6], [sflag:s22] =	dma.local [hbm:s4], s20  }
0x9e: {  	_ =	swait.ge [sflag:s22], s20  }
0x9f: {  	s3 =	ssub.s32 $0x0, s20;
	[sflag:s22] =	ssyncset.done $0x0  }
0xa0: {  	[sflag:s22] =	ssyncadd.s32 s3;
	_ =	sdelay $0x1  }
0xa1: {  	s23 =	simm.s32 $0x1B8B  }
0xa2: {  	_ =	swait.ge [sflag:s23], $0x1  }
0xa3: {  	[sflag:s23] =	ssyncset.done $0x0  }
0xa4: {  	s25 =	simm.s32 $0x1B8E;
	s24 =	sld [smem:$0x3FFE];
	[sflag:s23] =	ssyncadd.s32 $0xFFFFFFFF  }
0xa5: {  	s26 =	simm.s32 $execute0_lowered;
	[smem:$0x3FD2] =	sst s25  }
0xa6: {  	s4 =	sshll.u32 s26, $0x1;
	_ =	strace $0x8000005B;
	[dreg:$0x1] =	wrdreg $0xFFFFFFFF  }
0xa7: {  	s28 =	simm.s32 $_size_execute0_lowered;
	s2 =	sadd.s32 s2, s4;
	[dreg:$0x0] =	wrdreg $0x0  }
0xa8: {  	s4 =	sshll.u32 s28, $0x1;
	[dreg:$0x2] =	wrdreg s2  }
0xa9: {  	[dreg:$0x3] =	wrdreg s4  }
0xaa: {  	[dreg:$0x4] =	wrdreg $0xC0  }
0xab: {  	_ =	task [dreg:s6], $0x5FFFF  }
0xac: {  	[dreg:$0x1] =	wrdreg $0xFFFFFFFF  }
0xad: {  	[dreg:$0x0] =	wrdreg $0x60  }
0xae: {  	[dreg:$0x2] =	wrdreg s24  }
0xaf: {  	[dreg:$0x3] =	wrdreg $0xA0000  }
0xb0: {  	[dreg:$0x4] =	wrdreg $0x9  }
0xb1: {  	_ =	task.clear_ibuf [dreg:s6], $0x5FFFF;
	_ =	strace $0x9000005B  }
0xb2: {  	s29 =	simm.s32 $0x9;
	_ =	strace $0x8000005D  }
0xb3: {  	_ =	swait.ge [sflag:s29], $0x1  }
0xb4: {  	[sflag:s29] =	ssyncadd.s32 $0xFFFFFFFF  }
0xb5: {  	_ =	strace $0x9000005D  }
0xb6: {  	_ =	sfence  }
0xb7: {  	s30 =	sld [smem:$0x0];
	_ =	sdelay $0x2  }
0xb8: {  	s31 =	sshll.u32 s1, $0xD;
	s1 =	sshrl.u32 s1, $0x2  }
0xb9: {  	s3 =	sand.u32 $0x4000, s31;
	s1 =	sadd.s32 s1, s30  }
0xba: {  	s0 =	sor.u32 s3, s0;
	s1 =	sshll.u32 s1, $0x11  }
0xbb: {  	s0 =	sor.u32 s1, s0  }
0xbc: {  	s0 =	sadd.s32 $0x8F2B, s0  }
0xbd: {  	[sflag:s0] =	ssyncadd.remote.s32 $0x1  }
0xbe: {  	_ =	sfence.sel $0xFFFF  }
0xbf: {  	[dreg:$0x0] =	wrdreg $0xFFFFFFFF;
	(pc) =	sbr.abs _section_cstart, $3  }
0xc0: {  	[dreg:$0x1] =	wrdreg $0xFFFFFFFF  }
0xc1: {  	_ =	task.clear_ibuf [dreg:s6], $0x2FFFF;
	_ =	strace $0x9FFFFFFF  }
0xc2: {  	(tm) =	ssettm $0x7FFFFFFF  }
0xc3: {  	_ =	shalt  }
tec
execute0_lowered:
.L_overlay_start_1:
0x0: {  	(tag) =	ssettag $0x1  }
0x1: {  	s7 =	rddreg [dreg:$0x0]  }
0x2: {  	s2 =	rddreg [dreg:$0x1]  }
0x3: {  	s0 =	rddreg [dreg:$0x2]  }
0x4: {  	s1 =	stileid.u32;
	s4 =	srdreg.scid  }
0x5: {  	s3 =	simm.s32 $0x0;
	s16 =	simm.s32 $0x1;
	s17 =	simm.s32 $0x80  }
0x6: {  	s18 =	simm.s32 $0x2;
	s19 =	simm.s32 $0x0;
	s8 =	smul.u32 $0x13C00, s1  }
0x7: {  	s9 =	sand.u32 $0x1, s4;
	[smem:$0x7FF] =	sst s3;
	s4 =	sadd.s32 $0x36200, s7  }
0x8: {  	s5 =	sadd.s32 $0x85A00, s7;
	s6 =	sadd.s32 $0x4A00, s7;
	s28 =	smul.u32 $0x4F000, s1  }
0x9: {  	s31 =	sshll.u32 s1, $0x6;
	s10 =	smul.u32 $0x13C000, s9;
	_ =	strace $0x8000005C  }
0xa: {  	s29 =	ssub.s32 $0x2, s9;
	s13 =	smul.u32 $0x50000, s9;
	s9 =	sor.u32 $0x1C03, s31  }
0xb: {  	s11 =	sshrl.u32 s8, $0x3;
	s30 =	sshrl.u32 s29, $0x1;
	s8 =	sadd.s32 s8, s10  }
.Ltmp0:
0xc: {  	s26 =	sadd.s32 s11, s7;
	s11 =	sshrl.u32 s28, $0x2;
	(pc) =	sbr.rel .LBB2_1-.Ltmp0, $4  }
0xd: {  	s14 =	ssub.s32 s29, s30;
	s8 =	sshrl.u32 s8, $0x3;
	s15 =	sadd.s32 s11, s2  }
0xe: {  	s12 =	sadd.s32 s8, s7;
	s7 =	smul.u32 $0x5000, s1;
	s8 =	sadd.s32 $0xEA00, s26  }
0xf: {  	s11 =	sadd.s32 $0x99A00, s12;
	s12 =	smax.u32 s14, $0x1;
	s14 =	simm.s32 $0x3  }
0x10: {  	s10 =	sadd.s32 s13, s7;
	s13 =	sshrl.u32 s15, $0x3;
	s15 =	simm.s32 $0x2000  }
.LBB2_6:
0x11: {  	s19 =	sadd.s32 $0x1, s19  }
0x12: {  	p0 =	sne.s32 s19, s12  }
.Ltmp1:
0x13: {  	[bflag:$0x0] =	sbarrier.arrive $0xFFFF;
	(pc) =	sbr.rel @!p0 .LBB2_7-.Ltmp1, $4  }
0x14: {  	[hbm:s11], [sflag:s9] =	dma.local [spmem:s13], $0x2780  }
0x15: {  	_ =	swait.ge [sflag:s14], $0x2780  }
0x16: {  	[sflag:s14] =	ssyncset.done $0x0  }
0x17: {  	[sflag:s14] =	ssyncadd.s32 $0xFFFFD880  }
.LBB2_1:
0x18: {  	[spmem:s13], [sflag:s9] =	dma.local [hbm:s8], $0x2780  }
.Ltmp2:
0x19: {  	_ =	swait.ge [sflag:s14], $0x2780;
	(pc) =	sbr.rel .LBB2_2-.Ltmp2, $4  }
0x1a: {  	[sflag:s14] =	ssyncset.done $0x0  }
0x1b: {  	[sflag:s14] =	ssyncadd.s32 $0xFFFFD880  }
0x1c: {  	[bflag:$0x0] =	sbarrier.arrive $0xFFFF  }
0x1d: {  	s20 =	simm.s32 $0x0  }
.LBB2_5:
0x1e: {  	s20 =	sadd.s32 $0x1, s20  }
0x1f: {  	p0 =	sne.s32 s20, $0x5  }
.Ltmp3:
0x20: {  	_ = 	snop;
	(pc) =	sbr.rel @!p0 .LBB2_6-.Ltmp3, $4  }
0x21: {  	_ = 	snop  }
0x22: {  	_ =	swait.ge [sflag:s18], $0x4000  }
0x23: {  	[sflag:s18] =	ssyncset.done $0x0  }
0x24: {  	[sflag:s18] =	ssyncadd.s32 $0xFFFFC000  }
.LBB2_2:
0x25: {  	s21 =	sshll.u32 s20, $0xC  }
0x26: {  	s22 =	sadd.s32 s10, s21  }
0x27: {  	s22 =	sshrl.u32 s22, $0x3  }
0x28: {  	s22 =	sadd.s32 s5, s22  }
0x29: {  	[tilespmem:s3], [sflag:$0x3] =	stream.linear.gather [hbm4b:s22+s3], $0x1000, $0x38;
	[tilespmem:$0x1DC00] =	vst v63  }
0x2a: {  	s21 =	sadd.s32 s7, s21;
	_ =	swait.ge [sflag:s14], $0x1000  }
0x2b: {  	s21 =	sshrl.u32 s21, $0x3;
	[sflag:s14] =	ssyncset.done $0x0  }
0x2c: {  	s31 =	sadd.s32 s6, s21;
	s21 =	simm.s32 $0x1000;
	[sflag:s14] =	ssyncadd.s32 $0xFFFFF000  }
0x2d: {  	[tilespmem:s21], [sflag:$0x3] =	stream.linear.gather [hbm4b:s31+s3], $0x1000, $0x38;
	[tilespmem:$0x1DC00] =	vst v63  }
0x2e: {  	_ =	swait.ge [sflag:s14], $0x1000  }
0x2f: {  	s23 =	simm.s32 $0x10000;
	[sflag:s14] =	ssyncset.done $0x0  }
0x30: {  	s24 =	simm.s32 $0x1F;
	s22 =	simm.s32 $0x80;
	[sflag:s14] =	ssyncadd.s32 $0xFFFFF000  }
0x31: {  	[tilespmem:s15], [sflag:$0x1] =	stream.indirect.gather [hbm4b:s4+s22], $0x80, s3, s22, $0xb8;
	[tilespmem:$0x1DC00] =	vst v63  }
.LBB2_3:
0x32: {  	s25 =	sadd.s32 $0xFFFF0000, s23  }
0x33: {  	_ =	swait.ge [sflag:s16], $0x4000;
	p0 =	seq.s32 s24, $0x1F;
	s25 =	sand.u32 $0x10000, s25  }
0x34: {  	[sflag:s16] =	ssyncset.done $0x0;
	p1 =	seq.s32 @!p0 s24, $0x0;
	s25 =	sshrl.u32 s25, $0x2  }
0x35: {  	[sflag:s16] =	ssyncadd.s32 $0xFFFFC000;
	p1 =	por p0, !p1;
	s25 =	sor.u32 $0x2000, s25  }
0x36: {  	[spmem:s2] =	stream.indirect.scatter.add.f32 [tilespmem:s25], [sflag:$0x2], $0x80, s21, s17, $0xb8;
	[tilespmem:$0x1DC00] =	vst v63  }
.Ltmp4:
0x37: {  	_ = 	snop;
	(pc) =	sbr.rel @!p1 .LBB2_5-.Ltmp4, $4  }
0x38: {  	s25 =	simm.s32 @!p0 $0x2  }
0x39: {  	_ =	swait.ge @!p0 [sflag:s25], $0x4000  }
0x3a: {  	[sflag:s25] =	ssyncset.done @!p0 $0x0  }
0x3b: {  	[sflag:s25] =	ssyncadd.s32 @!p0 $0xFFFFC000  }
.Ltmp5:
0x3c: {  	s25 =	sand.u32 $0x10000, s23;
	(pc) =	sbr.rel .LBB2_3-.Ltmp5, $4  }
0x3d: {  	s25 =	sshrl.u32 s25, $0x2  }
0x3e: {  	s23 =	sadd.s32 $0x10000, s23;
	s25 =	sor.u32 $0x2000, s25  }
0x3f: {  	[tilespmem:s25], [sflag:$0x1] =	stream.indirect.gather [hbm4b:s4+s17], $0x80, s22, s17, $0xb8;
	[tilespmem:$0x1DC00] =	vst v63  }
0x40: {  	s24 =	sadd.s32 $0xFFFFFFFF, s24;
	s21 =	sadd.s32 $0x80, s21;
	s22 =	sadd.s32 $0x80, s22  }
.LBB2_7:
0x41: {  	_ =	sfence.sel $0x180000  }
0x42: {  	[bflag:$0x0] =	sbarrier.arrive $0xFFFF  }
0x43: {  	p0 =	sne.s32 s1, $0x0;
	_ =	strace $0x9000005C  }
0x44: {  	s0 =	sadd.s32 @!p0 $0x100000, s0;
	[bflag:$0x2] =	sbarrier.arrive $0xFFFF  }
0x45: {  	[sflag:s0] =	ssyncadd.tile.s32 @!p0 $0x1;
	_ =	shalt  }
.Lfunc_end2:
_tile_overlayer_lowered:
.L_overlay_start_2:
0x46: {  	(tag) =	ssettag $0x2  }
0x47: {  	s0 =	rddreg [dreg:$0x0];
	s2 =	stileid.u32  }
0x48: {  	s1 =	rddreg [dreg:$0x1];
	p0 =	sne.s32 s2, $0x0  }
0x49: {  	s3 =	rddreg [dreg:$0x2];
	[bflag:$0x3] =	sbarrier.arrive $0xFFFF;
	s2 =	simm.s32 @!p0 $0x1C03  }
0x4a: {  	[timem:s3], [sflag:s2] =	dma.local @!p0 [hbm:s0], s1  }
0x4b: {  	s0 =	simm.s32 @!p0 $0x3  }
0x4c: {  	_ =	swait.ge @!p0 [sflag:s0], s1  }
0x4d: {  	s1 =	ssub.s32 @!p0 $0x0, s1;
	[sflag:s0] =	ssyncset.done @!p0 $0x0  }
0x4e: {  	[sflag:s0] =	ssyncadd.s32 @!p0 s1  }
0x4f: {  	[bflag:$0x3] =	sbarrier.arrive $0xFFFF  }
0x50: {  	_ =	shalt  }

</sc_bundles>
